<compile_context>
chip_gen: v7x
topology: tpu7x:2x2x1
jax: 0.10.2.dev20260603
libtpu: 0.0.44.dev20260713+nightly
codegen_flags: <defaults>
</compile_context>

<pallas_src>
import functools

import jax
import jax.numpy as jnp
from jax import lax
from jax.experimental import pallas as pl
from jax.experimental.pallas import tpu as pltpu
from jax.experimental.pallas import tpu_sc as plsc

_L = 16
_NW = 32
_CH = 64
_EC = 512


def _tc_mm(x_ref, w_ref, a2_ref, wx_ref, sgd_ref):
    wx = lax.dot_general(x_ref[...], w_ref[...], (((1,), (1,)), ((), ())),
                         preferred_element_type=jnp.float32)
    wx_ref[...] = wx
    sgd_ref[...] = lax.dot_general(wx, a2_ref[...], (((1,), (1,)), ((), ())),
                                   preferred_element_type=jnp.float32)


def _occ_kernel(n, m, deps_hbm, govs_hbm, last_hbm, first_hbm, cnt_hbm,
                rank_hbm, dchunk_v, gchunk_v, lastt_v, firstt_v, cntt_v,
                rankt_v, sem, sem_a, sem_b):
    c_id = lax.axis_index("c")
    s_id = lax.axis_index("s")
    wid = s_id * 2 + c_id
    epw = m // _NW
    e0 = wid * epw

    c1 = pltpu.async_copy(deps_hbm.at[pl.ds(e0, epw)],
                          dchunk_v.at[pl.ds(0, epw)], sem)
    c2 = pltpu.async_copy(govs_hbm.at[pl.ds(e0, epw)],
                          gchunk_v.at[pl.ds(0, epw)], sem_a)

    neg1 = jnp.full((_L,), -1, jnp.int32)
    sentm = jnp.full((_L,), m, jnp.int32)
    zero = jnp.zeros((_L,), jnp.int32)

    def init_body(i, _):
        lastt_v[pl.ds(i * _L, _L)] = neg1
        firstt_v[pl.ds(i * _L, _L)] = sentm
        cntt_v[pl.ds(i * _L, _L)] = zero
        return 0

    lax.fori_loop(0, n // _L, init_body, 0)
    c1.wait()
    c2.wait()

    iota = lax.iota(jnp.int32, _L)

    def edge_body(e, _):
        dn = dchunk_v[pl.ds(e, _L)][0]
        gv = gchunk_v[pl.ds(e, _L)][0]
        db = (dn // _L) * _L
        dmsk = iota == dn - db
        dvec = lastt_v[pl.ds(db, _L)]
        lastt_v[pl.ds(db, _L)] = jnp.where(dmsk, (e0 + e) * n + gv, dvec)
        fvec = firstt_v[pl.ds(db, _L)]
        firstt_v[pl.ds(db, _L)] = jnp.where(
            dmsk, jnp.minimum(fvec, e0 + e), fvec)
        gb = (gv // _L) * _L
        gvec = cntt_v[pl.ds(gb, _L)]
        rk = jnp.max(jnp.where(iota == gv - gb, gvec, 0), axis=0)
        cntt_v[pl.ds(gb, _L)] = jnp.where(iota == gv - gb, gvec + 1, gvec)
        eb = (e // _L) * _L
        rvec = rankt_v[pl.ds(eb, _L)]
        rankt_v[pl.ds(eb, _L)] = jnp.where(iota == e - eb, rk, rvec)
        return 0

    lax.fori_loop(0, epw, edge_body, 0)

    o1 = pltpu.async_copy(lastt_v.at[pl.ds(0, n)], last_hbm.at[wid], sem)
    o2 = pltpu.async_copy(firstt_v.at[pl.ds(0, n)], first_hbm.at[wid], sem_a)
    o3 = pltpu.async_copy(cntt_v.at[pl.ds(0, n)], cnt_hbm.at[wid], sem_b)
    pltpu.sync_copy(rankt_v.at[pl.ds(0, epw)], rank_hbm.at[pl.ds(e0, epw)])
    o1.wait()
    o2.wait()
    o3.wait()


def _scat_kernel(n, m, mp2, deps_hbm, govs_hbm, offs_hbm, rank_hbm, skey_hbm,
                 dchunk_v, gchunk_v, rchunk_v, offs_v, dst_v, keys_v,
                 sem, sem_a, sem_b):
    c_id = lax.axis_index("c")
    s_id = lax.axis_index("s")
    wid = s_id * 2 + c_id
    epw = m // _NW
    e0 = wid * epw

    c1 = pltpu.async_copy(deps_hbm.at[pl.ds(e0, epw)],
                          dchunk_v.at[pl.ds(0, epw)], sem)
    c2 = pltpu.async_copy(offs_hbm.at[wid], offs_v.at[pl.ds(0, n)], sem_a)
    c3 = pltpu.async_copy(rank_hbm.at[pl.ds(e0, epw)],
                          rchunk_v.at[pl.ds(0, epw)], sem_b)
    pltpu.sync_copy(govs_hbm.at[pl.ds(e0, epw)], gchunk_v.at[pl.ds(0, epw)])
    c1.wait()
    c2.wait()
    c3.wait()

    def blk_body(i, _):
        b = i * _L
        gvec = gchunk_v[pl.ds(b, _L)]
        dvec = dchunk_v[pl.ds(b, _L)]
        rvec = rchunk_v[pl.ds(b, _L)]
        keys_v[pl.ds(b, _L)] = gvec * mp2 + dvec
        dst_v[pl.ds(b, _L)] = plsc.load_gather(offs_v, [gvec]) + rvec
        return 0

    lax.fori_loop(0, epw // _L, blk_body, 0)
    pltpu.async_copy(keys_v, skey_hbm.at[dst_v], sem).wait()


def _sc_kernel(n, m, d, rpw, mp2,
               wx_hbm, sg_hbm, sd_hbm, skey_hbm,
               rs_hbm, cnt_hbm, h0gov_hbm, outpos_hbm, out_hbm,
               skey_v, sgov_v, sdep_v, winner_v, score_v, wtab_v, sg_v, sd_v,
               rs_v, cnt_v, h0gov_v, outpos_v, gbuf, agg_v, hbuf,
               sem, sem_a, sem_b, sem_h):
    c_id = lax.axis_index("c")
    s_id = lax.axis_index("s")
    wid = s_id * 2 + c_id
    r0 = wid * rpw

    def sload(ref, i):
        return ref[pl.ds(i, _L)][0]

    pltpu.sync_copy(rs_hbm.at[pl.ds(r0, rpw)], rs_v.at[pl.ds(0, rpw)])
    pltpu.sync_copy(cnt_hbm.at[pl.ds(r0, rpw)], cnt_v.at[pl.ds(0, rpw)])
    pltpu.sync_copy(h0gov_hbm.at[pl.ds(r0, rpw)], h0gov_v)
    pltpu.sync_copy(outpos_hbm.at[pl.ds(r0, rpw)], outpos_v)
    pltpu.sync_copy(sg_hbm.at[pl.ds(r0, rpw)], sg_v.at[pl.ds(r0, rpw)])
    pltpu.sync_copy(sd_hbm, sd_v.at[pl.ds(0, n)])

    s0 = sload(rs_v, 0)
    s1 = sload(rs_v, rpw - 1) + sload(cnt_v, rpw - 1)
    b0a = (s0 // _CH) * _CH

    def edma_body(k, _):
        b = b0a + k * _EC
        pltpu.sync_copy(skey_hbm.at[pl.ds(b, _EC)], skey_v.at[pl.ds(b, _EC)])
        return 0

    lax.fori_loop(0, (s1 - b0a + _EC - 1) // _EC, edma_body, 0)

    h0_dma = pltpu.async_copy(wx_hbm.at[h0gov_v], hbuf, sem_h)

    iota = lax.iota(jnp.int32, _L)
    NEG = jnp.float32(-3.0e38)
    sh = mp2.bit_length() - 1

    nblk64 = ((s1 + _CH - 1) // _CH * _CH - b0a) // _L

    def score_body(i, _):
        b = b0a + i * _L
        kv = skey_v[pl.ds(b, _L)]
        gi = lax.shift_right_logical(kv, sh) & (mp2 - 1)
        di = kv & (mp2 - 1)
        sgov_v[pl.ds(b, _L)] = gi
        sdep_v[pl.ds(b, _L)] = di
        score_v[pl.ds(b, _L)] = (plsc.load_gather(sg_v, [gi]) +
                                 plsc.load_gather(sd_v, [di]))
        return 0

    lax.fori_loop(0, nblk64, score_body, 0)

    def row_body(r, _):
        s = sload(rs_v, r)
        c = sload(cnt_v, r)
        e_end = s + c
        b0 = (s // _L) * _L
        nch = (e_end - b0 + _L - 1) // _L

        def max_body(k, mc):
            b = b0 + k * _L
            v = score_v[pl.ds(b, _L)]
            g = b + iota
            msk = (g >= s) & (g < e_end) & (v > 0)
            return jnp.maximum(mc, jnp.max(jnp.where(msk, v, NEG), axis=0))

        def soft_iter(it, mc):
            def sum_body(k, acc):
                b = b0 + k * _L
                v = score_v[pl.ds(b, _L)]
                w = winner_v[pl.ds(b, _L)]
                g = b + iota
                msk = (g >= s) & (g < e_end) & (v > 0) & (w == g)
                return acc + jnp.sum(jnp.where(msk, jnp.exp(v - mc), 0.0),
                                     axis=0)

            den = lax.fori_loop(0, nch, sum_body, jnp.float32(0.0))

            def upd_body(k, _):
                b = b0 + k * _L
                v = score_v[pl.ds(b, _L)]
                g = b + iota
                rm = (g >= s) & (g < e_end)
                pos = rm & (v > 0)
                score_v[pl.ds(b, _L)] = jnp.where(
                    pos, jnp.exp(v - mc) / den, jnp.where(rm, 0.0, v))
                return 0

            lax.fori_loop(0, nch, upd_body, 0)
            return (jnp.full((_L,), 1.0, jnp.float32) / den)[0]

        def do_rows(_):
            m0 = lax.fori_loop(0, nch, max_body, NEG)

            def do_soft(_):
                def dict_body(p, _):
                    dn = sload(sdep_v, p)
                    db = (dn // _L) * _L
                    dvec = wtab_v[pl.ds(db, _L)]
                    wtab_v[pl.ds(db, _L)] = jnp.where(iota == dn - db, p, dvec)
                    return 0

                lax.fori_loop(s, e_end, dict_body, 0)

                def wg_body(k, _):
                    b = b0 + k * _L
                    di = sdep_v[pl.ds(b, _L)]
                    winner_v[pl.ds(b, _L)] = plsc.load_gather(wtab_v, [di])
                    return 0

                lax.fori_loop(0, nch, wg_body, 0)
                lax.fori_loop(0, c, soft_iter, m0)
                return 0

            def do_unif(_):
                u = jnp.float32(1.0 / n)

                def ub(k, _):
                    b = b0 + k * _L
                    v = score_v[pl.ds(b, _L)]
                    g = b + iota
                    rm = (g >= s) & (g < e_end)
                    score_v[pl.ds(b, _L)] = jnp.where(rm, u, v)
                    return 0

                lax.fori_loop(0, nch, ub, 0)
                return 0

            lax.cond(m0 > NEG, do_soft, do_unif, 0)
            return 0

        lax.cond(c > 0, do_rows, lambda _: 0, 0)
        return 0

    lax.fori_loop(0, rpw, row_body, 0)

    zero16 = jnp.zeros((_L,), jnp.float32)

    def z_body(i, _):
        for j in range(d // _L):
            agg_v[i, pl.ds(j * _L, _L)] = zero16
        return 0

    lax.fori_loop(0, rpw, z_body, 0)

    k0 = s0 // _CH
    k1 = (s1 + _CH - 1) // _CH

    def gdma(k, buf, s):
        return pltpu.async_copy(
            wx_hbm.at[sdep_v.at[pl.ds(k * _CH, _CH)]], buf, s)

    def issue(k, par):
        lax.cond(par == 0,
                 lambda _: (gdma(k, gbuf.at[0], sem_a), 0)[1],
                 lambda _: (gdma(k, gbuf.at[1], sem_b), 0)[1], 0)

    def acc_chunk(k, buf):
        b = k * _CH

        def e_body(e, _):
            p = b + e

            def acc(_):
                row = sload(sgov_v, p) - r0
                av = sload(score_v, p)
                for j in range(d // _L):
                    cur = agg_v[row, pl.ds(j * _L, _L)]
                    agg_v[row, pl.ds(j * _L, _L)] = (
                        cur + av * buf[e, pl.ds(j * _L, _L)])
                return 0

            lax.cond((p >= s0) & (p < s1), acc, lambda _: 0, 0)
            return 0

        lax.fori_loop(0, _CH, e_body, 0)

    lax.cond(k0 < k1, lambda _: issue(k0, 0) or 0, lambda _: 0, 0)

    def chunk_body(j, _):
        k = k0 + j
        par = j % 2
        lax.cond(k + 1 < k1, lambda _: issue(k + 1, 1 - par) or 0,
                 lambda _: 0, 0)

        def w0(_):
            pltpu.make_async_copy(
                wx_hbm.at[sdep_v.at[pl.ds(k * _CH, _CH)]],
                gbuf.at[0], sem_a).wait()
            acc_chunk(k, gbuf.at[0])
            return 0

        def w1(_):
            pltpu.make_async_copy(
                wx_hbm.at[sdep_v.at[pl.ds(k * _CH, _CH)]],
                gbuf.at[1], sem_b).wait()
            acc_chunk(k, gbuf.at[1])
            return 0

        lax.cond(par == 0, w0, w1, 0)
        return 0

    lax.fori_loop(0, k1 - k0, chunk_body, 0)

    h0_dma.wait()

    def o_body(i, _):
        for j in range(d // _L):
            t = agg_v[i, pl.ds(j * _L, _L)] + hbuf[i, pl.ds(j * _L, _L)]
            hbuf[i, pl.ds(j * _L, _L)] = jnp.where(t >= 0, t, 0.2 * t)
        return 0

    lax.fori_loop(0, rpw, o_body, 0)
    pltpu.async_copy(hbuf, out_hbm.at[outpos_v], sem).wait()


def kernel(_input, dependency_triples, W, a):
    n, d = _input.shape
    m = dependency_triples.shape[0]
    rpw = n // _NW

    deps = dependency_triples[:, 0].astype(jnp.int32)
    govs = dependency_triples[:, 2].astype(jnp.int32)

    mp2 = 1 << max(1, (n - 1).bit_length())
    mesh = plsc.VectorSubcoreMesh(core_axis_name="c", subcore_axis_name="s")
    occ = pl.kernel(
        functools.partial(_occ_kernel, n, m),
        mesh=mesh,
        compiler_params=pltpu.CompilerParams(needs_layout_passes=False),
        out_type=[jax.ShapeDtypeStruct((_NW, n), jnp.int32),
                  jax.ShapeDtypeStruct((_NW, n), jnp.int32),
                  jax.ShapeDtypeStruct((_NW, n), jnp.int32),
                  jax.ShapeDtypeStruct((m,), jnp.int32)],
        scratch_types=[
            pltpu.VMEM((m // _NW + _L,), jnp.int32),
            pltpu.VMEM((m // _NW + _L,), jnp.int32),
            pltpu.VMEM((n,), jnp.int32),
            pltpu.VMEM((n,), jnp.int32),
            pltpu.VMEM((n,), jnp.int32),
            pltpu.VMEM((m // _NW,), jnp.int32),
            pltpu.SemaphoreType.DMA,
            pltpu.SemaphoreType.DMA,
            pltpu.SemaphoreType.DMA,
        ],
    )
    last_tbl, first_tbl, cnt_tbl, rank = occ(deps, govs)
    packed = jnp.max(last_tbl, axis=0)
    h0gov = packed % n
    first_idx = jnp.min(first_tbl, axis=0)
    first_idx = first_idx.at[0].set(-1)
    keys = jnp.argsort(first_idx)
    outpos = jnp.zeros((n,), jnp.int32).at[keys].set(jnp.arange(n, dtype=jnp.int32))

    counts = jnp.sum(cnt_tbl, axis=0)
    csum = jnp.cumsum(counts).astype(jnp.int32)
    row_start = csum - counts
    offs = (row_start[None, :]
            + jnp.cumsum(cnt_tbl, axis=0).astype(jnp.int32) - cnt_tbl)

    scat = pl.kernel(
        functools.partial(_scat_kernel, n, m, mp2),
        mesh=mesh,
        compiler_params=pltpu.CompilerParams(needs_layout_passes=False),
        out_type=jax.ShapeDtypeStruct((m + _EC,), jnp.int32),
        scratch_types=[
            pltpu.VMEM((m // _NW + _L,), jnp.int32),
            pltpu.VMEM((m // _NW + _L,), jnp.int32),
            pltpu.VMEM((m // _NW + _L,), jnp.int32),
            pltpu.VMEM((n + _L,), jnp.int32),
            pltpu.VMEM((m // _NW,), jnp.int32),
            pltpu.VMEM((m // _NW,), jnp.int32),
            pltpu.SemaphoreType.DMA,
            pltpu.SemaphoreType.DMA,
            pltpu.SemaphoreType.DMA,
        ],
    )
    skey = scat(deps, govs, offs, rank)

    a2 = a.reshape(2, d)
    wx, sgd = pl.pallas_call(
        _tc_mm,
        out_shape=[jax.ShapeDtypeStruct((n, d), jnp.float32),
                   jax.ShapeDtypeStruct((n, 2), jnp.float32)],
    )(_input, W, a2)
    sg = sgd[:, 0]
    sd = sgd[:, 1]

    sc = pl.kernel(
        functools.partial(_sc_kernel, n, m, d, rpw, mp2),
        mesh=mesh,
        compiler_params=pltpu.CompilerParams(needs_layout_passes=False),
        out_type=jax.ShapeDtypeStruct((n, d), jnp.float32),
        scratch_types=[
            pltpu.VMEM((m + _EC,), jnp.int32),
            pltpu.VMEM((m + _L,), jnp.int32),
            pltpu.VMEM((m + _L,), jnp.int32),
            pltpu.VMEM((m + _L,), jnp.int32),
            pltpu.VMEM((m + _L,), jnp.float32),
            pltpu.VMEM((mp2,), jnp.int32),
            pltpu.VMEM((mp2,), jnp.float32),
            pltpu.VMEM((mp2,), jnp.float32),
            pltpu.VMEM((rpw + _L,), jnp.int32),
            pltpu.VMEM((rpw + _L,), jnp.int32),
            pltpu.VMEM((rpw,), jnp.int32),
            pltpu.VMEM((rpw,), jnp.int32),
            pltpu.VMEM((2, _CH, d), jnp.float32),
            pltpu.VMEM((rpw, d), jnp.float32),
            pltpu.VMEM((rpw, d), jnp.float32),
            pltpu.SemaphoreType.DMA,
            pltpu.SemaphoreType.DMA,
            pltpu.SemaphoreType.DMA,
            pltpu.SemaphoreType.DMA,
        ],
    )
    return sc(wx, sg, sd, skey, row_start, counts, h0gov, outpos)

# --- scband reference (transcript-rebuilt; emitter-appended) ---
"""Pipeline reference for scband-dependency-gatlayer-10075993276698 (READ-ONLY COPY).

The authoritative reference and input builder live on the scoring server;
editing this copy changes nothing except your own understanding.
"""

import jax, jax.numpy as jnp
import numpy as np

N, E, D = 2048, 16384, 128


def setup_inputs(seed: int = 0):
    key = jax.random.key(seed)
    k1, k2, k3, k4, k5, k6, k7 = jax.random.split(key, 7)
    x = jax.random.normal(k1, (N, D), dtype=jnp.float32)
    # ensure every node appears at least once as a dependent (column 0), otherwise the
    # original torch code raises KeyError on h_dict[governor] += ...
    deps = jnp.concatenate([jax.random.permutation(k2, jnp.arange(N)),
                            jax.random.randint(k3, (E - N,), 0, N)])
    govs = jax.random.randint(k4, (E,), 0, N)
    rels = jax.random.randint(k5, (E,), 0, N)
    triples = jnp.stack([deps, rels, govs], axis=1)
    W = jax.random.normal(k6, (D, D), dtype=jnp.float32) / np.sqrt(D)
    a = jax.random.normal(k7, (1, 2 * D), dtype=jnp.float32) / np.sqrt(2 * D)
    return {"_input": x, "dependency_triples": triples, "W": W, "a": a}


def reference(_input, dependency_triples, W, a):
    deps_j = dependency_triples[:, 0]
    govs_j = dependency_triples[:, 2]
    n = _input.shape[0]
    m = deps_j.shape[0]
    Wx = _input @ W.T  # self.weight(x) for all nodes

    # --- self_loop: python-dict insertion order: key 0 first, then dependents in first-occurrence order ---
    idx = jnp.arange(m)
    first_idx = jnp.full((n,), m, dtype=idx.dtype).at[deps_j].min(idx)
    first_idx = first_idx.at[0].set(-1)
    keys = jnp.argsort(first_idx)
    # h_dict[dep] = W x[gov] of the LAST triple with that dependent (later assignments overwrite)
    last_idx = jnp.full((n,), -1, dtype=idx.dtype).at[deps_j].max(idx)
    has = last_idx >= 0
    init_gov = jnp.where(has, govs_j[jnp.clip(last_idx, 0, None)], 0)
    h0 = jnp.where(has[:, None], Wx[init_gov], jnp.zeros((), _input.dtype))

    # --- self_attn_mechanism ---
    scores = (jnp.concatenate([Wx[govs_j], Wx[deps_j]], axis=1) @ a.T)[:, 0]
    e = jnp.zeros((n, n), dtype=_input.dtype).at[govs_j, deps_j].set(scores)
    # the original loops over triples and applies masked-softmax to row `governor` once per
    # triple touching it; replicate by applying it count[gov] times per row
    counts_j = jnp.bincount(govs_j, length=n)

    def _softmax_step(step, e_cur):
        masked = jnp.where(e_cur > 0, e_cur, jnp.full_like(e_cur, -1e18))
        sm = jax.nn.softmax(masked, axis=1)
        return jnp.where((counts_j > step)[:, None], sm, e_cur)

    e = jax.lax.fori_loop(0, counts_j.max(), _softmax_step, e)

    # --- aggregation: h_dict[gov] += attn[gov, dep] * W x[dep] ---
    attn = e[govs_j, deps_j]
    agg = jax.ops.segment_sum(attn[:, None] * Wx[deps_j], govs_j, num_segments=n)
    h = h0 + agg
    out = jax.nn.leaky_relu(h[keys], negative_slope=0.2)
    return out

if __name__ == "__main__":
    import jax
    _d = setup_inputs()
    print(jax.jit(kernel)(*tuple(_d.values())))

</pallas_src>

<mosaic_0001>
#map = affine_map<(d0, d1) -> (0)>
#map1 = affine_map<(d0, d1) -> (0, 0)>
module attributes {stable_mosaic.version = 14 : i64} {
  func.func @_scat_kernel(%arg0: i32, %arg1: i32, %arg2: memref<16384xi32, #tpu.memory_space<hbm>>, %arg3: memref<16384xi32, #tpu.memory_space<hbm>>, %arg4: memref<32x2048xi32, #tpu.memory_space<hbm>>, %arg5: memref<16384xi32, #tpu.memory_space<hbm>>, %arg6: memref<16896xi32, #tpu.memory_space<hbm>>, %arg7: memref<528xi32, #tpu.memory_space<vmem>>, %arg8: memref<528xi32, #tpu.memory_space<vmem>>, %arg9: memref<528xi32, #tpu.memory_space<vmem>>, %arg10: memref<2064xi32, #tpu.memory_space<vmem>>, %arg11: memref<512xi32, #tpu.memory_space<vmem>>, %arg12: memref<512xi32, #tpu.memory_space<vmem>>, %arg13: memref<!tpu.dma_semaphore, #tpu.memory_space<semaphore_mem>>, %arg14: memref<!tpu.dma_semaphore, #tpu.memory_space<semaphore_mem>>, %arg15: memref<!tpu.dma_semaphore, #tpu.memory_space<semaphore_mem>>) attributes {dimension_semantics = [#tpu.dimension_semantics<core_parallel>, #tpu.dimension_semantics<subcore_parallel>], iteration_bounds = array<i64: 2, 16>, scalar_prefetch = 0 : i64, scratch_operands = 9 : i64, tpu.core_type = #tpu.core_type<sc_vector_subcore>, window_params = [{transform_indices = #map}, {transform_indices = #map}, {transform_indices = #map1}, {transform_indices = #map}, {transform_indices = #map}]} {
    %mul3A = arith.constant 2 : i32
    %mul3A_0 = arith.muli %arg1, %mul3A : i32
    %add3A = arith.addi %mul3A_0, %arg0 : i32
    %mul3A_1 = arith.constant 512 : i32
    %mul3A_2 = arith.muli %add3A, %mul3A_1 : i32
    %dma_start3A = arith.constant 0 : i32
    %dma_start3A_3 = tpu.memref_slice %arg7[%dma_start3A] : memref<528xi32, #tpu.memory_space<vmem>> -> memref<512xi32, #tpu.memory_space<vmem>>
    %dma_start3A_4 = tpu.memref_slice %arg2[%mul3A_2] : memref<16384xi32, #tpu.memory_space<hbm>> -> memref<512xi32, #tpu.memory_space<hbm>>
    %dma_start3A_5 = arith.constant 0 : i32
    %dma_start3A_6 = tpu.memref_slice %arg7[%dma_start3A_5] : memref<528xi32, #tpu.memory_space<vmem>> -> memref<512xi32, #tpu.memory_space<vmem>>
    %dma_start3A_7 = tpu.memref_slice %arg2[%mul3A_2] : memref<16384xi32, #tpu.memory_space<hbm>> -> memref<512xi32, #tpu.memory_space<hbm>>
    tpu.enqueue_dma source(%dma_start3A_7 : memref<512xi32, #tpu.memory_space<hbm>>) target(%dma_start3A_6 : memref<512xi32, #tpu.memory_space<vmem>>) target_semaphore(%arg13 : memref<!tpu.dma_semaphore, #tpu.memory_space<semaphore_mem>>)
    %dma_start3A_8 = arith.constant 0 : i32
    %dma_start3A_9 = tpu.memref_slice %arg10[%dma_start3A_8] : memref<2064xi32, #tpu.memory_space<vmem>> -> memref<2048xi32, #tpu.memory_space<vmem>>
    %dma_start3A_10 = arith.constant 0 : i32
    %dma_start3A_11 = tpu.memref_slice %arg4[%add3A, %dma_start3A_10] : memref<32x2048xi32, #tpu.memory_space<hbm>> -> memref<1x2048xi32, #tpu.memory_space<hbm>>
    %dma_start3A_12 = tpu.memref_squeeze %dma_start3A_11 : memref<1x2048xi32, #tpu.memory_space<hbm>> -> memref<2048xi32, #tpu.memory_space<hbm>>
    %dma_start3A_13 = arith.constant 0 : i32
    %dma_start3A_14 = tpu.memref_slice %arg10[%dma_start3A_13] : memref<2064xi32, #tpu.memory_space<vmem>> -> memref<2048xi32, #tpu.memory_space<vmem>>
    %dma_start3A_15 = arith.constant 0 : i32
    %dma_start3A_16 = tpu.memref_slice %arg4[%add3A, %dma_start3A_15] : memref<32x2048xi32, #tpu.memory_space<hbm>> -> memref<1x2048xi32, #tpu.memory_space<hbm>>
    %dma_start3A_17 = tpu.memref_squeeze %dma_start3A_16 : memref<1x2048xi32, #tpu.memory_space<hbm>> -> memref<2048xi32, #tpu.memory_space<hbm>>
    tpu.enqueue_dma source(%dma_start3A_17 : memref<2048xi32, #tpu.memory_space<hbm>>) target(%dma_start3A_14 : memref<2048xi32, #tpu.memory_space<vmem>>) target_semaphore(%arg14 : memref<!tpu.dma_semaphore, #tpu.memory_space<semaphore_mem>>)
    %dma_start3A_18 = arith.constant 0 : i32
    %dma_start3A_19 = tpu.memref_slice %arg9[%dma_start3A_18] : memref<528xi32, #tpu.memory_space<vmem>> -> memref<512xi32, #tpu.memory_space<vmem>>
    %dma_start3A_20 = tpu.memref_slice %arg5[%mul3A_2] : memref<16384xi32, #tpu.memory_space<hbm>> -> memref<512xi32, #tpu.memory_space<hbm>>
    %dma_start3A_21 = arith.constant 0 : i32
    %dma_start3A_22 = tpu.memref_slice %arg9[%dma_start3A_21] : memref<528xi32, #tpu.memory_space<vmem>> -> memref<512xi32, #tpu.memory_space<vmem>>
    %dma_start3A_23 = tpu.memref_slice %arg5[%mul3A_2] : memref<16384xi32, #tpu.memory_space<hbm>> -> memref<512xi32, #tpu.memory_space<hbm>>
    tpu.enqueue_dma source(%dma_start3A_23 : memref<512xi32, #tpu.memory_space<hbm>>) target(%dma_start3A_22 : memref<512xi32, #tpu.memory_space<vmem>>) target_semaphore(%arg15 : memref<!tpu.dma_semaphore, #tpu.memory_space<semaphore_mem>>)
    "tpu.region"() ({
      %run_scoped3A = tpu.sem_alloc : memref<!tpu.dma_semaphore, #tpu.memory_space<semaphore_mem>>
      %dma_start3A_55 = arith.constant 0 : i32
      %dma_start3A_56 = tpu.memref_slice %arg8[%dma_start3A_55] : memref<528xi32, #tpu.memory_space<vmem>> -> memref<512xi32, #tpu.memory_space<vmem>>
      %dma_start3A_57 = tpu.memref_slice %arg3[%mul3A_2] : memref<16384xi32, #tpu.memory_space<hbm>> -> memref<512xi32, #tpu.memory_space<hbm>>
      %dma_start3A_58 = arith.constant 0 : i32
      %dma_start3A_59 = tpu.memref_slice %arg8[%dma_start3A_58] : memref<528xi32, #tpu.memory_space<vmem>> -> memref<512xi32, #tpu.memory_space<vmem>>
      %dma_start3A_60 = tpu.memref_slice %arg3[%mul3A_2] : memref<16384xi32, #tpu.memory_space<hbm>> -> memref<512xi32, #tpu.memory_space<hbm>>
      tpu.enqueue_dma source(%dma_start3A_60 : memref<512xi32, #tpu.memory_space<hbm>>) target(%dma_start3A_59 : memref<512xi32, #tpu.memory_space<vmem>>) target_semaphore(%run_scoped3A : memref<!tpu.dma_semaphore, #tpu.memory_space<semaphore_mem>>)
      %dma_wait3A_61 = arith.constant 0 : i32
      %dma_wait3A_62 = tpu.memref_slice %arg8[%dma_wait3A_61] : memref<528xi32, #tpu.memory_space<vmem>> -> memref<512xi32, #tpu.memory_space<vmem>>
      %dma_wait3A_63 = tpu.memref_slice %arg3[%mul3A_2] : memref<16384xi32, #tpu.memory_space<hbm>> -> memref<512xi32, #tpu.memory_space<hbm>>
      %dma_wait3A_64 = arith.constant 0 : i32
      %dma_wait3A_65 = tpu.memref_slice %arg8[%dma_wait3A_64] : memref<528xi32, #tpu.memory_space<vmem>> -> memref<512xi32, #tpu.memory_space<vmem>>
      %dma_wait3A_66 = tpu.memref_slice %arg3[%mul3A_2] : memref<16384xi32, #tpu.memory_space<hbm>> -> memref<512xi32, #tpu.memory_space<hbm>>
      tpu.wait_dma2 semaphore(%run_scoped3A : memref<!tpu.dma_semaphore, #tpu.memory_space<semaphore_mem>>) src(%dma_wait3A_66 : memref<512xi32, #tpu.memory_space<hbm>>) dst(%dma_wait3A_65 : memref<512xi32, #tpu.memory_space<vmem>>)
      tpu.yield
    }) : () -> ()
    %dma_wait3A = arith.constant 0 : i32
    %dma_wait3A_24 = tpu.memref_slice %arg7[%dma_wait3A] : memref<528xi32, #tpu.memory_space<vmem>> -> memref<512xi32, #tpu.memory_space<vmem>>
    %dma_wait3A_25 = tpu.memref_slice %arg2[%mul3A_2] : memref<16384xi32, #tpu.memory_space<hbm>> -> memref<512xi32, #tpu.memory_space<hbm>>
    %dma_wait3A_26 = arith.constant 0 : i32
    %dma_wait3A_27 = tpu.memref_slice %arg7[%dma_wait3A_26] : memref<528xi32, #tpu.memory_space<vmem>> -> memref<512xi32, #tpu.memory_space<vmem>>
    %dma_wait3A_28 = tpu.memref_slice %arg2[%mul3A_2] : memref<16384xi32, #tpu.memory_space<hbm>> -> memref<512xi32, #tpu.memory_space<hbm>>
    tpu.wait_dma2 semaphore(%arg13 : memref<!tpu.dma_semaphore, #tpu.memory_space<semaphore_mem>>) src(%dma_wait3A_28 : memref<512xi32, #tpu.memory_space<hbm>>) dst(%dma_wait3A_27 : memref<512xi32, #tpu.memory_space<vmem>>)
    %dma_wait3A_29 = arith.constant 0 : i32
    %dma_wait3A_30 = tpu.memref_slice %arg10[%dma_wait3A_29] : memref<2064xi32, #tpu.memory_space<vmem>> -> memref<2048xi32, #tpu.memory_space<vmem>>
    %dma_wait3A_31 = arith.constant 0 : i32
    %dma_wait3A_32 = tpu.memref_slice %arg4[%add3A, %dma_wait3A_31] : memref<32x2048xi32, #tpu.memory_space<hbm>> -> memref<1x2048xi32, #tpu.memory_space<hbm>>
    %dma_wait3A_33 = tpu.memref_squeeze %dma_wait3A_32 : memref<1x2048xi32, #tpu.memory_space<hbm>> -> memref<2048xi32, #tpu.memory_space<hbm>>
    %dma_wait3A_34 = arith.constant 0 : i32
    %dma_wait3A_35 = tpu.memref_slice %arg10[%dma_wait3A_34] : memref<2064xi32, #tpu.memory_space<vmem>> -> memref<2048xi32, #tpu.memory_space<vmem>>
    %dma_wait3A_36 = arith.constant 0 : i32
    %dma_wait3A_37 = tpu.memref_slice %arg4[%add3A, %dma_wait3A_36] : memref<32x2048xi32, #tpu.memory_space<hbm>> -> memref<1x2048xi32, #tpu.memory_space<hbm>>
    %dma_wait3A_38 = tpu.memref_squeeze %dma_wait3A_37 : memref<1x2048xi32, #tpu.memory_space<hbm>> -> memref<2048xi32, #tpu.memory_space<hbm>>
    tpu.wait_dma2 semaphore(%arg14 : memref<!tpu.dma_semaphore, #tpu.memory_space<semaphore_mem>>) src(%dma_wait3A_38 : memref<2048xi32, #tpu.memory_space<hbm>>) dst(%dma_wait3A_35 : memref<2048xi32, #tpu.memory_space<vmem>>)
    %dma_wait3A_39 = arith.constant 0 : i32
    %dma_wait3A_40 = tpu.memref_slice %arg9[%dma_wait3A_39] : memref<528xi32, #tpu.memory_space<vmem>> -> memref<512xi32, #tpu.memory_space<vmem>>
    %dma_wait3A_41 = tpu.memref_slice %arg5[%mul3A_2] : memref<16384xi32, #tpu.memory_space<hbm>> -> memref<512xi32, #tpu.memory_space<hbm>>
    %dma_wait3A_42 = arith.constant 0 : i32
    %dma_wait3A_43 = tpu.memref_slice %arg9[%dma_wait3A_42] : memref<528xi32, #tpu.memory_space<vmem>> -> memref<512xi32, #tpu.memory_space<vmem>>
    %dma_wait3A_44 = tpu.memref_slice %arg5[%mul3A_2] : memref<16384xi32, #tpu.memory_space<hbm>> -> memref<512xi32, #tpu.memory_space<hbm>>
    tpu.wait_dma2 semaphore(%arg15 : memref<!tpu.dma_semaphore, #tpu.memory_space<semaphore_mem>>) src(%dma_wait3A_44 : memref<512xi32, #tpu.memory_space<hbm>>) dst(%dma_wait3A_43 : memref<512xi32, #tpu.memory_space<vmem>>)
    %scan3A = arith.constant 0 : i32
    %scan3A_45 = arith.constant 0 : i32
    %scan3A_46 = arith.constant 32 : i32
    %scan3A_47 = arith.addi %scan3A_45, %scan3A_46 : i32
    %scan3A_48 = arith.constant 1 : i32
    %scan3A_49 = scf.for %scan3A_55 = %scan3A_45 to %scan3A_47 step %scan3A_48 iter_args(%scan3A_56 = %scan3A) -> (i32)  : i32 {
      %mul3A_57 = arith.constant 16 : i32
      %mul3A_58 = arith.muli %scan3A_55, %mul3A_57 : i32
      %get3A = arith.index_cast %mul3A_58 : i32 to index
      %get3A_59 = tpu.vector_load %arg8[%get3A] {strides = array<i32>} : memref<528xi32, #tpu.memory_space<vmem>>, vector<16xi32>,
      %get3A_60 = arith.index_cast %mul3A_58 : i32 to index
      %get3A_61 = tpu.vector_load %arg7[%get3A_60] {strides = array<i32>} : memref<528xi32, #tpu.memory_space<vmem>>, vector<16xi32>,
      %get3A_62 = arith.index_cast %mul3A_58 : i32 to index
      %get3A_63 = tpu.vector_load %arg9[%get3A_62] {strides = array<i32>} : memref<528xi32, #tpu.memory_space<vmem>>, vector<16xi32>,
      %mul3A_64 = arith.constant 2048 : i32
      %mul3A_65 = vector.broadcast %mul3A_64 : i32 to vector<16xi32>
      %mul3A_66 = arith.muli %get3A_59, %mul3A_65 : vector<16xi32>
      %add3A_67 = arith.addi %mul3A_66, %get3A_61 : vector<16xi32>
      %swap3A = arith.index_cast %mul3A_58 : i32 to index
      %swap3A_68 = tpu.vector_load %arg12[%swap3A] {strides = array<i32>} : memref<512xi32, #tpu.memory_space<vmem>>, vector<16xi32>,
      tpu.vector_store %arg12[%swap3A], %add3A_67 {strides = array<i32>} : memref<512xi32, #tpu.memory_space<vmem>>, vector<16xi32>,
      %gather3A = tpu.vector_load_idx %arg10[%get3A_59] : memref<2064xi32, #tpu.memory_space<vmem>>[vector<16xi32>], vector<16xi32>,
      %add3A_69 = arith.addi %gather3A, %get3A_63 : vector<16xi32>
      %swap3A_70 = arith.index_cast %mul3A_58 : i32 to index
      %swap3A_71 = tpu.vector_load %arg11[%swap3A_70] {strides = array<i32>} : memref<512xi32, #tpu.memory_space<vmem>>, vector<16xi32>,
      tpu.vector_store %arg11[%swap3A_70], %add3A_69 {strides = array<i32>} : memref<512xi32, #tpu.memory_space<vmem>>, vector<16xi32>,
      %scan3A_72 = arith.constant 0 : i32
      scf.yield %scan3A_72 : i32
    }
    %scan3A_50 = arith.constant 32 : i32
    %dma_start3A_51 = arith.constant 0 : i32
    %dma_start3A_52 = tpu.memref_slice %arg6[%dma_start3A_51] : memref<16896xi32, #tpu.memory_space<hbm>> -> memref<16896xi32, #tpu.memory_space<hbm>>
    tpu.enqueue_indirect_dma source(%arg12 : memref<512xi32, #tpu.memory_space<vmem>>) target(%dma_start3A_52 : memref<16896xi32, #tpu.memory_space<hbm>>) offsets(%arg11 : memref<512xi32, #tpu.memory_space<vmem>>) semaphore(%arg13 : memref<!tpu.dma_semaphore, #tpu.memory_space<semaphore_mem>>)
    %dma_wait3A_53 = arith.constant 0 : i32
    %dma_wait3A_54 = tpu.memref_slice %arg6[%dma_wait3A_53] : memref<16896xi32, #tpu.memory_space<hbm>> -> memref<16896xi32, #tpu.memory_space<hbm>>
    tpu.wait_indirect_dma semaphore(%arg13 : memref<!tpu.dma_semaphore, #tpu.memory_space<semaphore_mem>>) src(%arg12 : memref<512xi32, #tpu.memory_space<vmem>>) dst(%dma_wait3A_54 : memref<16896xi32, #tpu.memory_space<hbm>>)
    return
  }
}

#map = affine_map<(d0, d1) -> (0)>
#map1 = affine_map<(d0, d1) -> (0, 0)>
module attributes {stable_mosaic.version = 14 : i64} {
  func.func @_occ_kernel(%arg0: i32, %arg1: i32, %arg2: memref<16384xi32, #tpu.memory_space<hbm>>, %arg3: memref<16384xi32, #tpu.memory_space<hbm>>, %arg4: memref<32x2048xi32, #tpu.memory_space<hbm>>, %arg5: memref<32x2048xi32, #tpu.memory_space<hbm>>, %arg6: memref<32x2048xi32, #tpu.memory_space<hbm>>, %arg7: memref<16384xi32, #tpu.memory_space<hbm>>, %arg8: memref<528xi32, #tpu.memory_space<vmem>>, %arg9: memref<528xi32, #tpu.memory_space<vmem>>, %arg10: memref<2048xi32, #tpu.memory_space<vmem>>, %arg11: memref<2048xi32, #tpu.memory_space<vmem>>, %arg12: memref<2048xi32, #tpu.memory_space<vmem>>, %arg13: memref<512xi32, #tpu.memory_space<vmem>>, %arg14: memref<!tpu.dma_semaphore, #tpu.memory_space<semaphore_mem>>, %arg15: memref<!tpu.dma_semaphore, #tpu.memory_space<semaphore_mem>>, %arg16: memref<!tpu.dma_semaphore, #tpu.memory_space<semaphore_mem>>) attributes {dimension_semantics = [#tpu.dimension_semantics<core_parallel>, #tpu.dimension_semantics<subcore_parallel>], iteration_bounds = array<i64: 2, 16>, scalar_prefetch = 0 : i64, scratch_operands = 9 : i64, tpu.core_type = #tpu.core_type<sc_vector_subcore>, window_params = [{transform_indices = #map}, {transform_indices = #map}, {transform_indices = #map1}, {transform_indices = #map1}, {transform_indices = #map1}, {transform_indices = #map}]} {
    %mul3A = arith.constant 2 : i32
    %mul3A_0 = arith.muli %arg1, %mul3A : i32
    %add3A = arith.addi %mul3A_0, %arg0 : i32
    %mul3A_1 = arith.constant 512 : i32
    %mul3A_2 = arith.muli %add3A, %mul3A_1 : i32
    %dma_start3A = arith.constant 0 : i32
    %dma_start3A_3 = tpu.memref_slice %arg8[%dma_start3A] : memref<528xi32, #tpu.memory_space<vmem>> -> memref<512xi32, #tpu.memory_space<vmem>>
    %dma_start3A_4 = tpu.memref_slice %arg2[%mul3A_2] : memref<16384xi32, #tpu.memory_space<hbm>> -> memref<512xi32, #tpu.memory_space<hbm>>
    %dma_start3A_5 = arith.constant 0 : i32
    %dma_start3A_6 = tpu.memref_slice %arg8[%dma_start3A_5] : memref<528xi32, #tpu.memory_space<vmem>> -> memref<512xi32, #tpu.memory_space<vmem>>
    %dma_start3A_7 = tpu.memref_slice %arg2[%mul3A_2] : memref<16384xi32, #tpu.memory_space<hbm>> -> memref<512xi32, #tpu.memory_space<hbm>>
    tpu.enqueue_dma source(%dma_start3A_7 : memref<512xi32, #tpu.memory_space<hbm>>) target(%dma_start3A_6 : memref<512xi32, #tpu.memory_space<vmem>>) target_semaphore(%arg14 : memref<!tpu.dma_semaphore, #tpu.memory_space<semaphore_mem>>)
    %dma_start3A_8 = arith.constant 0 : i32
    %dma_start3A_9 = tpu.memref_slice %arg9[%dma_start3A_8] : memref<528xi32, #tpu.memory_space<vmem>> -> memref<512xi32, #tpu.memory_space<vmem>>
    %dma_start3A_10 = tpu.memref_slice %arg3[%mul3A_2] : memref<16384xi32, #tpu.memory_space<hbm>> -> memref<512xi32, #tpu.memory_space<hbm>>
    %dma_start3A_11 = arith.constant 0 : i32
    %dma_start3A_12 = tpu.memref_slice %arg9[%dma_start3A_11] : memref<528xi32, #tpu.memory_space<vmem>> -> memref<512xi32, #tpu.memory_space<vmem>>
    %dma_start3A_13 = tpu.memref_slice %arg3[%mul3A_2] : memref<16384xi32, #tpu.memory_space<hbm>> -> memref<512xi32, #tpu.memory_space<hbm>>
    tpu.enqueue_dma source(%dma_start3A_13 : memref<512xi32, #tpu.memory_space<hbm>>) target(%dma_start3A_12 : memref<512xi32, #tpu.memory_space<vmem>>) target_semaphore(%arg15 : memref<!tpu.dma_semaphore, #tpu.memory_space<semaphore_mem>>)
    %broadcast_in_dim3A = arith.constant -1 : i32
    %broadcast_in_dim3A_14 = vector.broadcast %broadcast_in_dim3A : i32 to vector<16xi32>
    %broadcast_in_dim3A_15 = arith.constant 16384 : i32
    %broadcast_in_dim3A_16 = vector.broadcast %broadcast_in_dim3A_15 : i32 to vector<16xi32>
    %broadcast_in_dim3A_17 = arith.constant 0 : i32
    %broadcast_in_dim3A_18 = vector.broadcast %broadcast_in_dim3A_17 : i32 to vector<16xi32>
    %scan3A = arith.constant 0 : i32
    %scan3A_19 = arith.constant 0 : i32
    %scan3A_20 = arith.constant 128 : i32
    %scan3A_21 = arith.addi %scan3A_19, %scan3A_20 : i32
    %scan3A_22 = arith.constant 1 : i32
    %scan3A_23 = scf.for %scan3A_103 = %scan3A_19 to %scan3A_21 step %scan3A_22 iter_args(%scan3A_104 = %scan3A) -> (i32)  : i32 {
      %mul3A_105 = arith.constant 16 : i32
      %mul3A_106 = arith.muli %scan3A_103, %mul3A_105 : i32
      %swap3A = arith.index_cast %mul3A_106 : i32 to index
      %swap3A_107 = tpu.vector_load %arg10[%swap3A] {strides = array<i32>} : memref<2048xi32, #tpu.memory_space<vmem>>, vector<16xi32>,
      tpu.vector_store %arg10[%swap3A], %broadcast_in_dim3A_14 {strides = array<i32>} : memref<2048xi32, #tpu.memory_space<vmem>>, vector<16xi32>,
      %mul3A_108 = arith.constant 16 : i32
      %mul3A_109 = arith.muli %scan3A_103, %mul3A_108 : i32
      %swap3A_110 = arith.index_cast %mul3A_109 : i32 to index
      %swap3A_111 = tpu.vector_load %arg11[%swap3A_110] {strides = array<i32>} : memref<2048xi32, #tpu.memory_space<vmem>>, vector<16xi32>,
      tpu.vector_store %arg11[%swap3A_110], %broadcast_in_dim3A_16 {strides = array<i32>} : memref<2048xi32, #tpu.memory_space<vmem>>, vector<16xi32>,
      %mul3A_112 = arith.constant 16 : i32
      %mul3A_113 = arith.muli %scan3A_103, %mul3A_112 : i32
      %swap3A_114 = arith.index_cast %mul3A_113 : i32 to index
      %swap3A_115 = tpu.vector_load %arg12[%swap3A_114] {strides = array<i32>} : memref<2048xi32, #tpu.memory_space<vmem>>, vector<16xi32>,
      tpu.vector_store %arg12[%swap3A_114], %broadcast_in_dim3A_18 {strides = array<i32>} : memref<2048xi32, #tpu.memory_space<vmem>>, vector<16xi32>,
      %scan3A_116 = arith.constant 0 : i32
      scf.yield %scan3A_116 : i32
    }
    %scan3A_24 = arith.constant 128 : i32
    %dma_wait3A = arith.constant 0 : i32
    %dma_wait3A_25 = tpu.memref_slice %arg8[%dma_wait3A] : memref<528xi32, #tpu.memory_space<vmem>> -> memref<512xi32, #tpu.memory_space<vmem>>
    %dma_wait3A_26 = tpu.memref_slice %arg2[%mul3A_2] : memref<16384xi32, #tpu.memory_space<hbm>> -> memref<512xi32, #tpu.memory_space<hbm>>
    %dma_wait3A_27 = arith.constant 0 : i32
    %dma_wait3A_28 = tpu.memref_slice %arg8[%dma_wait3A_27] : memref<528xi32, #tpu.memory_space<vmem>> -> memref<512xi32, #tpu.memory_space<vmem>>
    %dma_wait3A_29 = tpu.memref_slice %arg2[%mul3A_2] : memref<16384xi32, #tpu.memory_space<hbm>> -> memref<512xi32, #tpu.memory_space<hbm>>
    tpu.wait_dma2 semaphore(%arg14 : memref<!tpu.dma_semaphore, #tpu.memory_space<semaphore_mem>>) src(%dma_wait3A_29 : memref<512xi32, #tpu.memory_space<hbm>>) dst(%dma_wait3A_28 : memref<512xi32, #tpu.memory_space<vmem>>)
    %dma_wait3A_30 = arith.constant 0 : i32
    %dma_wait3A_31 = tpu.memref_slice %arg9[%dma_wait3A_30] : memref<528xi32, #tpu.memory_space<vmem>> -> memref<512xi32, #tpu.memory_space<vmem>>
    %dma_wait3A_32 = tpu.memref_slice %arg3[%mul3A_2] : memref<16384xi32, #tpu.memory_space<hbm>> -> memref<512xi32, #tpu.memory_space<hbm>>
    %dma_wait3A_33 = arith.constant 0 : i32
    %dma_wait3A_34 = tpu.memref_slice %arg9[%dma_wait3A_33] : memref<528xi32, #tpu.memory_space<vmem>> -> memref<512xi32, #tpu.memory_space<vmem>>
    %dma_wait3A_35 = tpu.memref_slice %arg3[%mul3A_2] : memref<16384xi32, #tpu.memory_space<hbm>> -> memref<512xi32, #tpu.memory_space<hbm>>
    tpu.wait_dma2 semaphore(%arg15 : memref<!tpu.dma_semaphore, #tpu.memory_space<semaphore_mem>>) src(%dma_wait3A_35 : memref<512xi32, #tpu.memory_space<hbm>>) dst(%dma_wait3A_34 : memref<512xi32, #tpu.memory_space<vmem>>)
    %iota3A = tpu.iota {dimensions = array<i32: 0>} : vector<16xi32>
    %scan3A_36 = arith.constant 0 : i32
    %scan3A_37 = arith.constant 0 : i32
    %scan3A_38 = arith.constant 512 : i32
    %scan3A_39 = arith.addi %scan3A_37, %scan3A_38 : i32
    %scan3A_40 = arith.constant 1 : i32
    %scan3A_41 = scf.for %scan3A_103 = %scan3A_37 to %scan3A_39 step %scan3A_40 iter_args(%scan3A_104 = %scan3A_36) -> (i32)  : i32 {
      %get3A = arith.index_cast %scan3A_103 : i32 to index
      %get3A_105 = tpu.vector_load %arg8[%get3A] {strides = array<i32>} : memref<528xi32, #tpu.memory_space<vmem>>, vector<16xi32>,
      %slice3A = vector.extract_strided_slice %get3A_105 {offsets = [0], sizes = [1], strides = [1]} : vector<16xi32> to vector<1xi32>
      %squeeze3A = vector.extract %slice3A[0] : i32 from vector<1xi32>
      %get3A_106 = arith.index_cast %scan3A_103 : i32 to index
      %get3A_107 = tpu.vector_load %arg9[%get3A_106] {strides = array<i32>} : memref<528xi32, #tpu.memory_space<vmem>>, vector<16xi32>,
      %slice3A_108 = vector.extract_strided_slice %get3A_107 {offsets = [0], sizes = [1], strides = [1]} : vector<16xi32> to vector<1xi32>
      %squeeze3A_109 = vector.extract %slice3A_108[0] : i32 from vector<1xi32>
      %jit3A = arith.constant 16 : i32
      %div3A = arith.divsi %squeeze3A, %jit3A : i32
      %sign3A = arith.constant 0 : i32
      %sign3A_110 = arith.cmpi sgt, %squeeze3A, %sign3A : i32
      %sign3A_111 = arith.extui %sign3A_110 : i1 to i32
      %sign3A_112 = arith.constant 0 : i32
      %sign3A_113 = arith.cmpi slt, %squeeze3A, %sign3A_112 : i32
      %sign3A_114 = arith.extui %sign3A_113 : i1 to i32
      %sign3A_115 = arith.subi %sign3A_111, %sign3A_114 : i32
      %sign3A_116 = arith.constant 0 : i32
      %sign3A_117 = arith.cmpi sgt, %jit3A, %sign3A_116 : i32
      %sign3A_118 = arith.extui %sign3A_117 : i1 to i32
      %sign3A_119 = arith.constant 0 : i32
      %sign3A_120 = arith.cmpi slt, %jit3A, %sign3A_119 : i32
      %sign3A_121 = arith.extui %sign3A_120 : i1 to i32
      %sign3A_122 = arith.subi %sign3A_118, %sign3A_121 : i32
      %ne3A = arith.cmpi ne, %sign3A_115, %sign3A_122 : i32
      %rem3A = arith.remsi %squeeze3A, %jit3A : i32
      %ne3A_123 = arith.constant 0 : i32
      %ne3A_124 = arith.cmpi ne, %rem3A, %ne3A_123 : i32
      %and3A = arith.andi %ne3A, %ne3A_124 : i1
      %sub3A = arith.constant 1 : i32
      %sub3A_125 = arith.subi %div3A, %sub3A : i32
      %select_n3A = arith.select %and3A, %sub3A_125, %div3A : i32
      %mul3A_126 = arith.constant 16 : i32
      %mul3A_127 = arith.muli %select_n3A, %mul3A_126 : i32
      %sub3A_128 = arith.subi %squeeze3A, %mul3A_127 : i32
      %eq3A = vector.broadcast %sub3A_128 : i32 to vector<16xi32>
      %eq3A_129 = arith.cmpi eq, %iota3A, %eq3A : vector<16xi32>
      %get3A_130 = arith.index_cast %mul3A_127 : i32 to index
      %get3A_131 = tpu.vector_load %arg10[%get3A_130] {strides = array<i32>} : memref<2048xi32, #tpu.memory_space<vmem>>, vector<16xi32>,
      %add3A_132 = arith.addi %mul3A_2, %scan3A_103 : i32
      %mul3A_133 = arith.constant 2048 : i32
      %mul3A_134 = arith.muli %add3A_132, %mul3A_133 : i32
      %add3A_135 = arith.addi %mul3A_134, %squeeze3A_109 : i32
      %broadcast_in_dim3A_136 = vector.broadcast %add3A_135 : i32 to vector<16xi32>
      %select_n3A_137 = arith.select %eq3A_129, %broadcast_in_dim3A_136, %get3A_131 : vector<16xi1>, vector<16xi32>
      %swap3A = arith.index_cast %mul3A_127 : i32 to index
      %swap3A_138 = tpu.vector_load %arg10[%swap3A] {strides = array<i32>} : memref<2048xi32, #tpu.memory_space<vmem>>, vector<16xi32>,
      tpu.vector_store %arg10[%swap3A], %select_n3A_137 {strides = array<i32>} : memref<2048xi32, #tpu.memory_space<vmem>>, vector<16xi32>,
      %get3A_139 = arith.index_cast %mul3A_127 : i32 to index
      %get3A_140 = tpu.vector_load %arg11[%get3A_139] {strides = array<i32>} : memref<2048xi32, #tpu.memory_space<vmem>>, vector<16xi32>,
      %add3A_141 = arith.addi %mul3A_2, %scan3A_103 : i32
      %min3A = vector.broadcast %add3A_141 : i32 to vector<16xi32>
      %min3A_142 = arith.minsi %get3A_140, %min3A : vector<16xi32>
      %select_n3A_143 = arith.select %eq3A_129, %min3A_142, %get3A_140 : vector<16xi1>, vector<16xi32>
      %swap3A_144 = arith.index_cast %mul3A_127 : i32 to index
      %swap3A_145 = tpu.vector_load %arg11[%swap3A_144] {strides = array<i32>} : memref<2048xi32, #tpu.memory_space<vmem>>, vector<16xi32>,
      tpu.vector_store %arg11[%swap3A_144], %select_n3A_143 {strides = array<i32>} : memref<2048xi32, #tpu.memory_space<vmem>>, vector<16xi32>,
      %jit3A_146 = arith.constant 16 : i32
      %div3A_147 = arith.divsi %squeeze3A_109, %jit3A_146 : i32
      %sign3A_148 = arith.constant 0 : i32
      %sign3A_149 = arith.cmpi sgt, %squeeze3A_109, %sign3A_148 : i32
      %sign3A_150 = arith.extui %sign3A_149 : i1 to i32
      %sign3A_151 = arith.constant 0 : i32
      %sign3A_152 = arith.cmpi slt, %squeeze3A_109, %sign3A_151 : i32
      %sign3A_153 = arith.extui %sign3A_152 : i1 to i32
      %sign3A_154 = arith.subi %sign3A_150, %sign3A_153 : i32
      %sign3A_155 = arith.constant 0 : i32
      %sign3A_156 = arith.cmpi sgt, %jit3A_146, %sign3A_155 : i32
      %sign3A_157 = arith.extui %sign3A_156 : i1 to i32
      %sign3A_158 = arith.constant 0 : i32
      %sign3A_159 = arith.cmpi slt, %jit3A_146, %sign3A_158 : i32
      %sign3A_160 = arith.extui %sign3A_159 : i1 to i32
      %sign3A_161 = arith.subi %sign3A_157, %sign3A_160 : i32
      %ne3A_162 = arith.cmpi ne, %sign3A_154, %sign3A_161 : i32
      %rem3A_163 = arith.remsi %squeeze3A_109, %jit3A_146 : i32
      %ne3A_164 = arith.constant 0 : i32
      %ne3A_165 = arith.cmpi ne, %rem3A_163, %ne3A_164 : i32
      %and3A_166 = arith.andi %ne3A_162, %ne3A_165 : i1
      %sub3A_167 = arith.constant 1 : i32
      %sub3A_168 = arith.subi %div3A_147, %sub3A_167 : i32
      %select_n3A_169 = arith.select %and3A_166, %sub3A_168, %div3A_147 : i32
      %mul3A_170 = arith.constant 16 : i32
      %mul3A_171 = arith.muli %select_n3A_169, %mul3A_170 : i32
      %get3A_172 = arith.index_cast %mul3A_171 : i32 to index
      %get3A_173 = tpu.vector_load %arg12[%get3A_172] {strides = array<i32>} : memref<2048xi32, #tpu.memory_space<vmem>>, vector<16xi32>,
      %sub3A_174 = arith.subi %squeeze3A_109, %mul3A_171 : i32
      %eq3A_175 = vector.broadcast %sub3A_174 : i32 to vector<16xi32>
      %eq3A_176 = arith.cmpi eq, %iota3A, %eq3A_175 : vector<16xi32>
      %jit3A_177 = arith.constant 0 : i32
      %broadcast_in_dim3A_178 = vector.broadcast %jit3A_177 : i32 to vector<16xi32>
      %select_n3A_179 = arith.select %eq3A_176, %get3A_173, %broadcast_in_dim3A_178 : vector<16xi1>, vector<16xi32>
      %reduce_max3A = arith.constant true
      %reduce_max3A_180 = vector.broadcast %reduce_max3A : i1 to vector<16xi1>
      %reduce_max3A_181 = arith.constant -2147483648 : i32
      %reduce_max3A_182 = vector.broadcast %reduce_max3A_181 : i32 to vector<16xi32>
      %reduce_max3A_183 = arith.xori %select_n3A_179, %reduce_max3A_182 : vector<16xi32>
      %reduce_max3A_184 = tpu.scan <max>, %reduce_max3A_183 masked %reduce_max3A_180 : vector<16xi32>, vector<16xi1> -> vector<16xi32>
      %reduce_max3A_185 = arith.xori %reduce_max3A_184, %reduce_max3A_182 : vector<16xi32>
      %reduce_max3A_186 = vector.extract %reduce_max3A_185[15] : i32 from vector<16xi32>
      %sub3A_187 = arith.subi %squeeze3A_109, %mul3A_171 : i32
      %eq3A_188 = vector.broadcast %sub3A_187 : i32 to vector<16xi32>
      %eq3A_189 = arith.cmpi eq, %iota3A, %eq3A_188 : vector<16xi32>
      %add3A_190 = arith.constant 1 : i32
      %add3A_191 = vector.broadcast %add3A_190 : i32 to vector<16xi32>
      %add3A_192 = arith.addi %get3A_173, %add3A_191 : vector<16xi32>
      %select_n3A_193 = arith.select %eq3A_189, %add3A_192, %get3A_173 : vector<16xi1>, vector<16xi32>
      %swap3A_194 = arith.index_cast %mul3A_171 : i32 to index
      %swap3A_195 = tpu.vector_load %arg12[%swap3A_194] {strides = array<i32>} : memref<2048xi32, #tpu.memory_space<vmem>>, vector<16xi32>,
      tpu.vector_store %arg12[%swap3A_194], %select_n3A_193 {strides = array<i32>} : memref<2048xi32, #tpu.memory_space<vmem>>, vector<16xi32>,
      %jit3A_196 = arith.constant 16 : i32
      %div3A_197 = arith.divsi %scan3A_103, %jit3A_196 : i32
      %sign3A_198 = arith.constant 0 : i32
      %sign3A_199 = arith.cmpi sgt, %scan3A_103, %sign3A_198 : i32
      %sign3A_200 = arith.extui %sign3A_199 : i1 to i32
      %sign3A_201 = arith.constant 0 : i32
      %sign3A_202 = arith.cmpi slt, %scan3A_103, %sign3A_201 : i32
      %sign3A_203 = arith.extui %sign3A_202 : i1 to i32
      %sign3A_204 = arith.subi %sign3A_200, %sign3A_203 : i32
      %sign3A_205 = arith.constant 0 : i32
      %sign3A_206 = arith.cmpi sgt, %jit3A_196, %sign3A_205 : i32
      %sign3A_207 = arith.extui %sign3A_206 : i1 to i32
      %sign3A_208 = arith.constant 0 : i32
      %sign3A_209 = arith.cmpi slt, %jit3A_196, %sign3A_208 : i32
      %sign3A_210 = arith.extui %sign3A_209 : i1 to i32
      %sign3A_211 = arith.subi %sign3A_207, %sign3A_210 : i32
      %ne3A_212 = arith.cmpi ne, %sign3A_204, %sign3A_211 : i32
      %rem3A_213 = arith.remsi %scan3A_103, %jit3A_196 : i32
      %ne3A_214 = arith.constant 0 : i32
      %ne3A_215 = arith.cmpi ne, %rem3A_213, %ne3A_214 : i32
      %and3A_216 = arith.andi %ne3A_212, %ne3A_215 : i1
      %sub3A_217 = arith.constant 1 : i32
      %sub3A_218 = arith.subi %div3A_197, %sub3A_217 : i32
      %select_n3A_219 = arith.select %and3A_216, %sub3A_218, %div3A_197 : i32
      %mul3A_220 = arith.constant 16 : i32
      %mul3A_221 = arith.muli %select_n3A_219, %mul3A_220 : i32
      %get3A_222 = arith.index_cast %mul3A_221 : i32 to index
      %get3A_223 = tpu.vector_load %arg13[%get3A_222] {strides = array<i32>} : memref<512xi32, #tpu.memory_space<vmem>>, vector<16xi32>,
      %sub3A_224 = arith.subi %scan3A_103, %mul3A_221 : i32
      %eq3A_225 = vector.broadcast %sub3A_224 : i32 to vector<16xi32>
      %eq3A_226 = arith.cmpi eq, %iota3A, %eq3A_225 : vector<16xi32>
      %broadcast_in_dim3A_227 = vector.broadcast %reduce_max3A_186 : i32 to vector<16xi32>
      %select_n3A_228 = arith.select %eq3A_226, %broadcast_in_dim3A_227, %get3A_223 : vector<16xi1>, vector<16xi32>
      %swap3A_229 = arith.index_cast %mul3A_221 : i32 to index
      %swap3A_230 = tpu.vector_load %arg13[%swap3A_229] {strides = array<i32>} : memref<512xi32, #tpu.memory_space<vmem>>, vector<16xi32>,
      tpu.vector_store %arg13[%swap3A_229], %select_n3A_228 {strides = array<i32>} : memref<512xi32, #tpu.memory_space<vmem>>, vector<16xi32>,
      %scan3A_231 = arith.constant 0 : i32
      scf.yield %scan3A_231 : i32
    }
    %scan3A_42 = arith.constant 512 : i32
    %dma_start3A_43 = arith.constant 0 : i32
    %dma_start3A_44 = tpu.memref_slice %arg10[%dma_start3A_43] : memref<2048xi32, #tpu.memory_space<vmem>> -> memref<2048xi32, #tpu.memory_space<vmem>>
    %dma_start3A_45 = arith.constant 0 : i32
    %dma_start3A_46 = tpu.memref_slice %arg4[%add3A, %dma_start3A_45] : memref<32x2048xi32, #tpu.memory_space<hbm>> -> memref<1x2048xi32, #tpu.memory_space<hbm>>
    %dma_start3A_47 = tpu.memref_squeeze %dma_start3A_46 : memref<1x2048xi32, #tpu.memory_space<hbm>> -> memref<2048xi32, #tpu.memory_space<hbm>>
    %dma_start3A_48 = arith.constant 0 : i32
    %dma_start3A_49 = tpu.memref_slice %arg4[%add3A, %dma_start3A_48] : memref<32x2048xi32, #tpu.memory_space<hbm>> -> memref<1x2048xi32, #tpu.memory_space<hbm>>
    %dma_start3A_50 = tpu.memref_squeeze %dma_start3A_49 : memref<1x2048xi32, #tpu.memory_space<hbm>> -> memref<2048xi32, #tpu.memory_space<hbm>>
    %dma_start3A_51 = arith.constant 0 : i32
    %dma_start3A_52 = tpu.memref_slice %arg10[%dma_start3A_51] : memref<2048xi32, #tpu.memory_space<vmem>> -> memref<2048xi32, #tpu.memory_space<vmem>>
    tpu.enqueue_dma source(%dma_start3A_52 : memref<2048xi32, #tpu.memory_space<vmem>>) target(%dma_start3A_50 : memref<2048xi32, #tpu.memory_space<hbm>>) target_semaphore(%arg14 : memref<!tpu.dma_semaphore, #tpu.memory_space<semaphore_mem>>)
    %dma_start3A_53 = arith.constant 0 : i32
    %dma_start3A_54 = tpu.memref_slice %arg11[%dma_start3A_53] : memref<2048xi32, #tpu.memory_space<vmem>> -> memref<2048xi32, #tpu.memory_space<vmem>>
    %dma_start3A_55 = arith.constant 0 : i32
    %dma_start3A_56 = tpu.memref_slice %arg5[%add3A, %dma_start3A_55] : memref<32x2048xi32, #tpu.memory_space<hbm>> -> memref<1x2048xi32, #tpu.memory_space<hbm>>
    %dma_start3A_57 = tpu.memref_squeeze %dma_start3A_56 : memref<1x2048xi32, #tpu.memory_space<hbm>> -> memref<2048xi32, #tpu.memory_space<hbm>>
    %dma_start3A_58 = arith.constant 0 : i32
    %dma_start3A_59 = tpu.memref_slice %arg5[%add3A, %dma_start3A_58] : memref<32x2048xi32, #tpu.memory_space<hbm>> -> memref<1x2048xi32, #tpu.memory_space<hbm>>
    %dma_start3A_60 = tpu.memref_squeeze %dma_start3A_59 : memref<1x2048xi32, #tpu.memory_space<hbm>> -> memref<2048xi32, #tpu.memory_space<hbm>>
    %dma_start3A_61 = arith.constant 0 : i32
    %dma_start3A_62 = tpu.memref_slice %arg11[%dma_start3A_61] : memref<2048xi32, #tpu.memory_space<vmem>> -> memref<2048xi32, #tpu.memory_space<vmem>>
    tpu.enqueue_dma source(%dma_start3A_62 : memref<2048xi32, #tpu.memory_space<vmem>>) target(%dma_start3A_60 : memref<2048xi32, #tpu.memory_space<hbm>>) target_semaphore(%arg15 : memref<!tpu.dma_semaphore, #tpu.memory_space<semaphore_mem>>)
    %dma_start3A_63 = arith.constant 0 : i32
    %dma_start3A_64 = tpu.memref_slice %arg12[%dma_start3A_63] : memref<2048xi32, #tpu.memory_space<vmem>> -> memref<2048xi32, #tpu.memory_space<vmem>>
    %dma_start3A_65 = arith.constant 0 : i32
    %dma_start3A_66 = tpu.memref_slice %arg6[%add3A, %dma_start3A_65] : memref<32x2048xi32, #tpu.memory_space<hbm>> -> memref<1x2048xi32, #tpu.memory_space<hbm>>
    %dma_start3A_67 = tpu.memref_squeeze %dma_start3A_66 : memref<1x2048xi32, #tpu.memory_space<hbm>> -> memref<2048xi32, #tpu.memory_space<hbm>>
    %dma_start3A_68 = arith.constant 0 : i32
    %dma_start3A_69 = tpu.memref_slice %arg6[%add3A, %dma_start3A_68] : memref<32x2048xi32, #tpu.memory_space<hbm>> -> memref<1x2048xi32, #tpu.memory_space<hbm>>
    %dma_start3A_70 = tpu.memref_squeeze %dma_start3A_69 : memref<1x2048xi32, #tpu.memory_space<hbm>> -> memref<2048xi32, #tpu.memory_space<hbm>>
    %dma_start3A_71 = arith.constant 0 : i32
    %dma_start3A_72 = tpu.memref_slice %arg12[%dma_start3A_71] : memref<2048xi32, #tpu.memory_space<vmem>> -> memref<2048xi32, #tpu.memory_space<vmem>>
    tpu.enqueue_dma source(%dma_start3A_72 : memref<2048xi32, #tpu.memory_space<vmem>>) target(%dma_start3A_70 : memref<2048xi32, #tpu.memory_space<hbm>>) target_semaphore(%arg16 : memref<!tpu.dma_semaphore, #tpu.memory_space<semaphore_mem>>)
    "tpu.region"() ({
      %run_scoped3A = tpu.sem_alloc : memref<!tpu.dma_semaphore, #tpu.memory_space<semaphore_mem>>
      %dma_start3A_103 = arith.constant 0 : i32
      %dma_start3A_104 = tpu.memref_slice %arg13[%dma_start3A_103] : memref<512xi32, #tpu.memory_space<vmem>> -> memref<512xi32, #tpu.memory_space<vmem>>
      %dma_start3A_105 = tpu.memref_slice %arg7[%mul3A_2] : memref<16384xi32, #tpu.memory_space<hbm>> -> memref<512xi32, #tpu.memory_space<hbm>>
      %dma_start3A_106 = tpu.memref_slice %arg7[%mul3A_2] : memref<16384xi32, #tpu.memory_space<hbm>> -> memref<512xi32, #tpu.memory_space<hbm>>
      %dma_start3A_107 = arith.constant 0 : i32
      %dma_start3A_108 = tpu.memref_slice %arg13[%dma_start3A_107] : memref<512xi32, #tpu.memory_space<vmem>> -> memref<512xi32, #tpu.memory_space<vmem>>
      tpu.enqueue_dma source(%dma_start3A_108 : memref<512xi32, #tpu.memory_space<vmem>>) target(%dma_start3A_106 : memref<512xi32, #tpu.memory_space<hbm>>) target_semaphore(%run_scoped3A : memref<!tpu.dma_semaphore, #tpu.memory_space<semaphore_mem>>)
      %dma_wait3A_109 = arith.constant 0 : i32
      %dma_wait3A_110 = tpu.memref_slice %arg13[%dma_wait3A_109] : memref<512xi32, #tpu.memory_space<vmem>> -> memref<512xi32, #tpu.memory_space<vmem>>
      %dma_wait3A_111 = tpu.memref_slice %arg7[%mul3A_2] : memref<16384xi32, #tpu.memory_space<hbm>> -> memref<512xi32, #tpu.memory_space<hbm>>
      %dma_wait3A_112 = tpu.memref_slice %arg7[%mul3A_2] : memref<16384xi32, #tpu.memory_space<hbm>> -> memref<512xi32, #tpu.memory_space<hbm>>
      %dma_wait3A_113 = arith.constant 0 : i32
      %dma_wait3A_114 = tpu.memref_slice %arg13[%dma_wait3A_113] : memref<512xi32, #tpu.memory_space<vmem>> -> memref<512xi32, #tpu.memory_space<vmem>>
      tpu.wait_dma2 semaphore(%run_scoped3A : memref<!tpu.dma_semaphore, #tpu.memory_space<semaphore_mem>>) src(%dma_wait3A_114 : memref<512xi32, #tpu.memory_space<vmem>>) dst(%dma_wait3A_112 : memref<512xi32, #tpu.memory_space<hbm>>)
      tpu.yield
    }) : () -> ()
    %dma_wait3A_73 = arith.constant 0 : i32
    %dma_wait3A_74 = tpu.memref_slice %arg10[%dma_wait3A_73] : memref<2048xi32, #tpu.memory_space<vmem>> -> memref<2048xi32, #tpu.memory_space<vmem>>
    %dma_wait3A_75 = arith.constant 0 : i32
    %dma_wait3A_76 = tpu.memref_slice %arg4[%add3A, %dma_wait3A_75] : memref<32x2048xi32, #tpu.memory_space<hbm>> -> memref<1x2048xi32, #tpu.memory_space<hbm>>
    %dma_wait3A_77 = tpu.memref_squeeze %dma_wait3A_76 : memref<1x2048xi32, #tpu.memory_space<hbm>> -> memref<2048xi32, #tpu.memory_space<hbm>>
    %dma_wait3A_78 = arith.constant 0 : i32
    %dma_wait3A_79 = tpu.memref_slice %arg4[%add3A, %dma_wait3A_78] : memref<32x2048xi32, #tpu.memory_space<hbm>> -> memref<1x2048xi32, #tpu.memory_space<hbm>>
    %dma_wait3A_80 = tpu.memref_squeeze %dma_wait3A_79 : memref<1x2048xi32, #tpu.memory_space<hbm>> -> memref<2048xi32, #tpu.memory_space<hbm>>
    %dma_wait3A_81 = arith.constant 0 : i32
    %dma_wait3A_82 = tpu.memref_slice %arg10[%dma_wait3A_81] : memref<2048xi32, #tpu.memory_space<vmem>> -> memref<2048xi32, #tpu.memory_space<vmem>>
    tpu.wait_dma2 semaphore(%arg14 : memref<!tpu.dma_semaphore, #tpu.memory_space<semaphore_mem>>) src(%dma_wait3A_82 : memref<2048xi32, #tpu.memory_space<vmem>>) dst(%dma_wait3A_80 : memref<2048xi32, #tpu.memory_space<hbm>>)
    %dma_wait3A_83 = arith.constant 0 : i32
    %dma_wait3A_84 = tpu.memref_slice %arg11[%dma_wait3A_83] : memref<2048xi32, #tpu.memory_space<vmem>> -> memref<2048xi32, #tpu.memory_space<vmem>>
    %dma_wait3A_85 = arith.constant 0 : i32
    %dma_wait3A_86 = tpu.memref_slice %arg5[%add3A, %dma_wait3A_85] : memref<32x2048xi32, #tpu.memory_space<hbm>> -> memref<1x2048xi32, #tpu.memory_space<hbm>>
    %dma_wait3A_87 = tpu.memref_squeeze %dma_wait3A_86 : memref<1x2048xi32, #tpu.memory_space<hbm>> -> memref<2048xi32, #tpu.memory_space<hbm>>
    %dma_wait3A_88 = arith.constant 0 : i32
    %dma_wait3A_89 = tpu.memref_slice %arg5[%add3A, %dma_wait3A_88] : memref<32x2048xi32, #tpu.memory_space<hbm>> -> memref<1x2048xi32, #tpu.memory_space<hbm>>
    %dma_wait3A_90 = tpu.memref_squeeze %dma_wait3A_89 : memref<1x2048xi32, #tpu.memory_space<hbm>> -> memref<2048xi32, #tpu.memory_space<hbm>>
    %dma_wait3A_91 = arith.constant 0 : i32
    %dma_wait3A_92 = tpu.memref_slice %arg11[%dma_wait3A_91] : memref<2048xi32, #tpu.memory_space<vmem>> -> memref<2048xi32, #tpu.memory_space<vmem>>
    tpu.wait_dma2 semaphore(%arg15 : memref<!tpu.dma_semaphore, #tpu.memory_space<semaphore_mem>>) src(%dma_wait3A_92 : memref<2048xi32, #tpu.memory_space<vmem>>) dst(%dma_wait3A_90 : memref<2048xi32, #tpu.memory_space<hbm>>)
    %dma_wait3A_93 = arith.constant 0 : i32
    %dma_wait3A_94 = tpu.memref_slice %arg12[%dma_wait3A_93] : memref<2048xi32, #tpu.memory_space<vmem>> -> memref<2048xi32, #tpu.memory_space<vmem>>
    %dma_wait3A_95 = arith.constant 0 : i32
    %dma_wait3A_96 = tpu.memref_slice %arg6[%add3A, %dma_wait3A_95] : memref<32x2048xi32, #tpu.memory_space<hbm>> -> memref<1x2048xi32, #tpu.memory_space<hbm>>
    %dma_wait3A_97 = tpu.memref_squeeze %dma_wait3A_96 : memref<1x2048xi32, #tpu.memory_space<hbm>> -> memref<2048xi32, #tpu.memory_space<hbm>>
    %dma_wait3A_98 = arith.constant 0 : i32
    %dma_wait3A_99 = tpu.memref_slice %arg6[%add3A, %dma_wait3A_98] : memref<32x2048xi32, #tpu.memory_space<hbm>> -> memref<1x2048xi32, #tpu.memory_space<hbm>>
    %dma_wait3A_100 = tpu.memref_squeeze %dma_wait3A_99 : memref<1x2048xi32, #tpu.memory_space<hbm>> -> memref<2048xi32, #tpu.memory_space<hbm>>
    %dma_wait3A_101 = arith.constant 0 : i32
    %dma_wait3A_102 = tpu.memref_slice %arg12[%dma_wait3A_101] : memref<2048xi32, #tpu.memory_space<vmem>> -> memref<2048xi32, #tpu.memory_space<vmem>>
    tpu.wait_dma2 semaphore(%arg16 : memref<!tpu.dma_semaphore, #tpu.memory_space<semaphore_mem>>) src(%dma_wait3A_102 : memref<2048xi32, #tpu.memory_space<vmem>>) dst(%dma_wait3A_100 : memref<2048xi32, #tpu.memory_space<hbm>>)
    return
  }
}

#map = affine_map<(d0, d1) -> (0, 0)>
#map1 = affine_map<(d0, d1) -> (0)>
module attributes {stable_mosaic.version = 14 : i64} {
  func.func @_sc_kernel(%arg0: i32, %arg1: i32, %arg2: memref<2048x128xf32, #tpu.memory_space<hbm>>, %arg3: memref<2048xf32, #tpu.memory_space<hbm>>, %arg4: memref<2048xf32, #tpu.memory_space<hbm>>, %arg5: memref<16896xi32, #tpu.memory_space<hbm>>, %arg6: memref<2048xi32, #tpu.memory_space<hbm>>, %arg7: memref<2048xi32, #tpu.memory_space<hbm>>, %arg8: memref<2048xi32, #tpu.memory_space<hbm>>, %arg9: memref<2048xi32, #tpu.memory_space<hbm>>, %arg10: memref<2048x128xf32, #tpu.memory_space<hbm>>, %arg11: memref<16896xi32, #tpu.memory_space<vmem>>, %arg12: memref<16400xi32, #tpu.memory_space<vmem>>, %arg13: memref<16400xi32, #tpu.memory_space<vmem>>, %arg14: memref<16400xi32, #tpu.memory_space<vmem>>, %arg15: memref<16400xf32, #tpu.memory_space<vmem>>, %arg16: memref<2048xi32, #tpu.memory_space<vmem>>, %arg17: memref<2048xf32, #tpu.memory_space<vmem>>, %arg18: memref<2048xf32, #tpu.memory_space<vmem>>, %arg19: memref<80xi32, #tpu.memory_space<vmem>>, %arg20: memref<80xi32, #tpu.memory_space<vmem>>, %arg21: memref<64xi32, #tpu.memory_space<vmem>>, %arg22: memref<64xi32, #tpu.memory_space<vmem>>, %arg23: memref<2x64x128xf32, #tpu.memory_space<vmem>>, %arg24: memref<64x128xf32, #tpu.memory_space<vmem>>, %arg25: memref<64x128xf32, #tpu.memory_space<vmem>>, %arg26: memref<!tpu.dma_semaphore, #tpu.memory_space<semaphore_mem>>, %arg27: memref<!tpu.dma_semaphore, #tpu.memory_space<semaphore_mem>>, %arg28: memref<!tpu.dma_semaphore, #tpu.memory_space<semaphore_mem>>, %arg29: memref<!tpu.dma_semaphore, #tpu.memory_space<semaphore_mem>>) attributes {dimension_semantics = [#tpu.dimension_semantics<core_parallel>, #tpu.dimension_semantics<subcore_parallel>], iteration_bounds = array<i64: 2, 16>, scalar_prefetch = 0 : i64, scratch_operands = 19 : i64, tpu.core_type = #tpu.core_type<sc_vector_subcore>, window_params = [{transform_indices = #map}, {transform_indices = #map1}, {transform_indices = #map1}, {transform_indices = #map1}, {transform_indices = #map1}, {transform_indices = #map1}, {transform_indices = #map1}, {transform_indices = #map1}, {transform_indices = #map}]} {
    %mul3A = arith.constant 2 : i32
    %mul3A_0 = arith.muli %arg1, %mul3A : i32
    %add3A = arith.addi %mul3A_0, %arg0 : i32
    %mul3A_1 = arith.constant 64 : i32
    %mul3A_2 = arith.muli %add3A, %mul3A_1 : i32
    "tpu.region"() ({
      %run_scoped3A = tpu.sem_alloc : memref<!tpu.dma_semaphore, #tpu.memory_space<semaphore_mem>>
      %dma_start3A_238 = arith.constant 0 : i32
      %dma_start3A_239 = tpu.memref_slice %arg19[%dma_start3A_238] : memref<80xi32, #tpu.memory_space<vmem>> -> memref<64xi32, #tpu.memory_space<vmem>>
      %dma_start3A_240 = tpu.memref_slice %arg6[%mul3A_2] : memref<2048xi32, #tpu.memory_space<hbm>> -> memref<64xi32, #tpu.memory_space<hbm>>
      %dma_start3A_241 = arith.constant 0 : i32
      %dma_start3A_242 = tpu.memref_slice %arg19[%dma_start3A_241] : memref<80xi32, #tpu.memory_space<vmem>> -> memref<64xi32, #tpu.memory_space<vmem>>
      %dma_start3A_243 = tpu.memref_slice %arg6[%mul3A_2] : memref<2048xi32, #tpu.memory_space<hbm>> -> memref<64xi32, #tpu.memory_space<hbm>>
      tpu.enqueue_dma source(%dma_start3A_243 : memref<64xi32, #tpu.memory_space<hbm>>) target(%dma_start3A_242 : memref<64xi32, #tpu.memory_space<vmem>>) target_semaphore(%run_scoped3A : memref<!tpu.dma_semaphore, #tpu.memory_space<semaphore_mem>>)
      %dma_wait3A_244 = arith.constant 0 : i32
      %dma_wait3A_245 = tpu.memref_slice %arg19[%dma_wait3A_244] : memref<80xi32, #tpu.memory_space<vmem>> -> memref<64xi32, #tpu.memory_space<vmem>>
      %dma_wait3A_246 = tpu.memref_slice %arg6[%mul3A_2] : memref<2048xi32, #tpu.memory_space<hbm>> -> memref<64xi32, #tpu.memory_space<hbm>>
      %dma_wait3A_247 = arith.constant 0 : i32
      %dma_wait3A_248 = tpu.memref_slice %arg19[%dma_wait3A_247] : memref<80xi32, #tpu.memory_space<vmem>> -> memref<64xi32, #tpu.memory_space<vmem>>
      %dma_wait3A_249 = tpu.memref_slice %arg6[%mul3A_2] : memref<2048xi32, #tpu.memory_space<hbm>> -> memref<64xi32, #tpu.memory_space<hbm>>
      tpu.wait_dma2 semaphore(%run_scoped3A : memref<!tpu.dma_semaphore, #tpu.memory_space<semaphore_mem>>) src(%dma_wait3A_249 : memref<64xi32, #tpu.memory_space<hbm>>) dst(%dma_wait3A_248 : memref<64xi32, #tpu.memory_space<vmem>>)
      tpu.yield
    }) : () -> ()
    "tpu.region"() ({
      %run_scoped3A = tpu.sem_alloc : memref<!tpu.dma_semaphore, #tpu.memory_space<semaphore_mem>>
      %dma_start3A_238 = arith.constant 0 : i32
      %dma_start3A_239 = tpu.memref_slice %arg20[%dma_start3A_238] : memref<80xi32, #tpu.memory_space<vmem>> -> memref<64xi32, #tpu.memory_space<vmem>>
      %dma_start3A_240 = tpu.memref_slice %arg7[%mul3A_2] : memref<2048xi32, #tpu.memory_space<hbm>> -> memref<64xi32, #tpu.memory_space<hbm>>
      %dma_start3A_241 = arith.constant 0 : i32
      %dma_start3A_242 = tpu.memref_slice %arg20[%dma_start3A_241] : memref<80xi32, #tpu.memory_space<vmem>> -> memref<64xi32, #tpu.memory_space<vmem>>
      %dma_start3A_243 = tpu.memref_slice %arg7[%mul3A_2] : memref<2048xi32, #tpu.memory_space<hbm>> -> memref<64xi32, #tpu.memory_space<hbm>>
      tpu.enqueue_dma source(%dma_start3A_243 : memref<64xi32, #tpu.memory_space<hbm>>) target(%dma_start3A_242 : memref<64xi32, #tpu.memory_space<vmem>>) target_semaphore(%run_scoped3A : memref<!tpu.dma_semaphore, #tpu.memory_space<semaphore_mem>>)
      %dma_wait3A_244 = arith.constant 0 : i32
      %dma_wait3A_245 = tpu.memref_slice %arg20[%dma_wait3A_244] : memref<80xi32, #tpu.memory_space<vmem>> -> memref<64xi32, #tpu.memory_space<vmem>>
      %dma_wait3A_246 = tpu.memref_slice %arg7[%mul3A_2] : memref<2048xi32, #tpu.memory_space<hbm>> -> memref<64xi32, #tpu.memory_space<hbm>>
      %dma_wait3A_247 = arith.constant 0 : i32
      %dma_wait3A_248 = tpu.memref_slice %arg20[%dma_wait3A_247] : memref<80xi32, #tpu.memory_space<vmem>> -> memref<64xi32, #tpu.memory_space<vmem>>
      %dma_wait3A_249 = tpu.memref_slice %arg7[%mul3A_2] : memref<2048xi32, #tpu.memory_space<hbm>> -> memref<64xi32, #tpu.memory_space<hbm>>
      tpu.wait_dma2 semaphore(%run_scoped3A : memref<!tpu.dma_semaphore, #tpu.memory_space<semaphore_mem>>) src(%dma_wait3A_249 : memref<64xi32, #tpu.memory_space<hbm>>) dst(%dma_wait3A_248 : memref<64xi32, #tpu.memory_space<vmem>>)
      tpu.yield
    }) : () -> ()
    "tpu.region"() ({
      %run_scoped3A = tpu.sem_alloc : memref<!tpu.dma_semaphore, #tpu.memory_space<semaphore_mem>>
      %dma_start3A_238 = tpu.memref_slice %arg8[%mul3A_2] : memref<2048xi32, #tpu.memory_space<hbm>> -> memref<64xi32, #tpu.memory_space<hbm>>
      %dma_start3A_239 = tpu.memref_slice %arg8[%mul3A_2] : memref<2048xi32, #tpu.memory_space<hbm>> -> memref<64xi32, #tpu.memory_space<hbm>>
      tpu.enqueue_dma source(%dma_start3A_239 : memref<64xi32, #tpu.memory_space<hbm>>) target(%arg21 : memref<64xi32, #tpu.memory_space<vmem>>) target_semaphore(%run_scoped3A : memref<!tpu.dma_semaphore, #tpu.memory_space<semaphore_mem>>)
      %dma_wait3A_240 = tpu.memref_slice %arg8[%mul3A_2] : memref<2048xi32, #tpu.memory_space<hbm>> -> memref<64xi32, #tpu.memory_space<hbm>>
      %dma_wait3A_241 = tpu.memref_slice %arg8[%mul3A_2] : memref<2048xi32, #tpu.memory_space<hbm>> -> memref<64xi32, #tpu.memory_space<hbm>>
      tpu.wait_dma2 semaphore(%run_scoped3A : memref<!tpu.dma_semaphore, #tpu.memory_space<semaphore_mem>>) src(%dma_wait3A_241 : memref<64xi32, #tpu.memory_space<hbm>>) dst(%arg21 : memref<64xi32, #tpu.memory_space<vmem>>)
      tpu.yield
    }) : () -> ()
    "tpu.region"() ({
      %run_scoped3A = tpu.sem_alloc : memref<!tpu.dma_semaphore, #tpu.memory_space<semaphore_mem>>
      %dma_start3A_238 = tpu.memref_slice %arg9[%mul3A_2] : memref<2048xi32, #tpu.memory_space<hbm>> -> memref<64xi32, #tpu.memory_space<hbm>>
      %dma_start3A_239 = tpu.memref_slice %arg9[%mul3A_2] : memref<2048xi32, #tpu.memory_space<hbm>> -> memref<64xi32, #tpu.memory_space<hbm>>
      tpu.enqueue_dma source(%dma_start3A_239 : memref<64xi32, #tpu.memory_space<hbm>>) target(%arg22 : memref<64xi32, #tpu.memory_space<vmem>>) target_semaphore(%run_scoped3A : memref<!tpu.dma_semaphore, #tpu.memory_space<semaphore_mem>>)
      %dma_wait3A_240 = tpu.memref_slice %arg9[%mul3A_2] : memref<2048xi32, #tpu.memory_space<hbm>> -> memref<64xi32, #tpu.memory_space<hbm>>
      %dma_wait3A_241 = tpu.memref_slice %arg9[%mul3A_2] : memref<2048xi32, #tpu.memory_space<hbm>> -> memref<64xi32, #tpu.memory_space<hbm>>
      tpu.wait_dma2 semaphore(%run_scoped3A : memref<!tpu.dma_semaphore, #tpu.memory_space<semaphore_mem>>) src(%dma_wait3A_241 : memref<64xi32, #tpu.memory_space<hbm>>) dst(%arg22 : memref<64xi32, #tpu.memory_space<vmem>>)
      tpu.yield
    }) : () -> ()
    "tpu.region"() ({
      %run_scoped3A = tpu.sem_alloc : memref<!tpu.dma_semaphore, #tpu.memory_space<semaphore_mem>>
      %dma_start3A_238 = tpu.memref_slice %arg17[%mul3A_2] : memref<2048xf32, #tpu.memory_space<vmem>> -> memref<64xf32, #tpu.memory_space<vmem>>
      %dma_start3A_239 = tpu.memref_slice %arg3[%mul3A_2] : memref<2048xf32, #tpu.memory_space<hbm>> -> memref<64xf32, #tpu.memory_space<hbm>>
      %dma_start3A_240 = tpu.memref_slice %arg17[%mul3A_2] : memref<2048xf32, #tpu.memory_space<vmem>> -> memref<64xf32, #tpu.memory_space<vmem>>
      %dma_start3A_241 = tpu.memref_slice %arg3[%mul3A_2] : memref<2048xf32, #tpu.memory_space<hbm>> -> memref<64xf32, #tpu.memory_space<hbm>>
      tpu.enqueue_dma source(%dma_start3A_241 : memref<64xf32, #tpu.memory_space<hbm>>) target(%dma_start3A_240 : memref<64xf32, #tpu.memory_space<vmem>>) target_semaphore(%run_scoped3A : memref<!tpu.dma_semaphore, #tpu.memory_space<semaphore_mem>>)
      %dma_wait3A_242 = tpu.memref_slice %arg17[%mul3A_2] : memref<2048xf32, #tpu.memory_space<vmem>> -> memref<64xf32, #tpu.memory_space<vmem>>
      %dma_wait3A_243 = tpu.memref_slice %arg3[%mul3A_2] : memref<2048xf32, #tpu.memory_space<hbm>> -> memref<64xf32, #tpu.memory_space<hbm>>
      %dma_wait3A_244 = tpu.memref_slice %arg17[%mul3A_2] : memref<2048xf32, #tpu.memory_space<vmem>> -> memref<64xf32, #tpu.memory_space<vmem>>
      %dma_wait3A_245 = tpu.memref_slice %arg3[%mul3A_2] : memref<2048xf32, #tpu.memory_space<hbm>> -> memref<64xf32, #tpu.memory_space<hbm>>
      tpu.wait_dma2 semaphore(%run_scoped3A : memref<!tpu.dma_semaphore, #tpu.memory_space<semaphore_mem>>) src(%dma_wait3A_245 : memref<64xf32, #tpu.memory_space<hbm>>) dst(%dma_wait3A_244 : memref<64xf32, #tpu.memory_space<vmem>>)
      tpu.yield
    }) : () -> ()
    "tpu.region"() ({
      %run_scoped3A = tpu.sem_alloc : memref<!tpu.dma_semaphore, #tpu.memory_space<semaphore_mem>>
      %dma_start3A_238 = arith.constant 0 : i32
      %dma_start3A_239 = tpu.memref_slice %arg18[%dma_start3A_238] : memref<2048xf32, #tpu.memory_space<vmem>> -> memref<2048xf32, #tpu.memory_space<vmem>>
      %dma_start3A_240 = arith.constant 0 : i32
      %dma_start3A_241 = tpu.memref_slice %arg18[%dma_start3A_240] : memref<2048xf32, #tpu.memory_space<vmem>> -> memref<2048xf32, #tpu.memory_space<vmem>>
      tpu.enqueue_dma source(%arg4 : memref<2048xf32, #tpu.memory_space<hbm>>) target(%dma_start3A_241 : memref<2048xf32, #tpu.memory_space<vmem>>) target_semaphore(%run_scoped3A : memref<!tpu.dma_semaphore, #tpu.memory_space<semaphore_mem>>)
      %dma_wait3A_242 = arith.constant 0 : i32
      %dma_wait3A_243 = tpu.memref_slice %arg18[%dma_wait3A_242] : memref<2048xf32, #tpu.memory_space<vmem>> -> memref<2048xf32, #tpu.memory_space<vmem>>
      %dma_wait3A_244 = arith.constant 0 : i32
      %dma_wait3A_245 = tpu.memref_slice %arg18[%dma_wait3A_244] : memref<2048xf32, #tpu.memory_space<vmem>> -> memref<2048xf32, #tpu.memory_space<vmem>>
      tpu.wait_dma2 semaphore(%run_scoped3A : memref<!tpu.dma_semaphore, #tpu.memory_space<semaphore_mem>>) src(%arg4 : memref<2048xf32, #tpu.memory_space<hbm>>) dst(%dma_wait3A_245 : memref<2048xf32, #tpu.memory_space<vmem>>)
      tpu.yield
    }) : () -> ()
    %get3A = arith.constant 0 : index
    %get3A_3 = tpu.vector_load %arg19[%get3A] {strides = array<i32>} : memref<80xi32, #tpu.memory_space<vmem>>, vector<16xi32>,
    %slice3A = vector.extract_strided_slice %get3A_3 {offsets = [0], sizes = [1], strides = [1]} : vector<16xi32> to vector<1xi32>
    %squeeze3A = vector.extract %slice3A[0] : i32 from vector<1xi32>
    %get3A_4 = arith.constant 63 : index
    %get3A_5 = tpu.vector_load %arg19[%get3A_4] {strides = array<i32>} : memref<80xi32, #tpu.memory_space<vmem>>, vector<16xi32>,
    %slice3A_6 = vector.extract_strided_slice %get3A_5 {offsets = [0], sizes = [1], strides = [1]} : vector<16xi32> to vector<1xi32>
    %squeeze3A_7 = vector.extract %slice3A_6[0] : i32 from vector<1xi32>
    %get3A_8 = arith.constant 63 : index
    %get3A_9 = tpu.vector_load %arg20[%get3A_8] {strides = array<i32>} : memref<80xi32, #tpu.memory_space<vmem>>, vector<16xi32>,
    %slice3A_10 = vector.extract_strided_slice %get3A_9 {offsets = [0], sizes = [1], strides = [1]} : vector<16xi32> to vector<1xi32>
    %squeeze3A_11 = vector.extract %slice3A_10[0] : i32 from vector<1xi32>
    %add3A_12 = arith.addi %squeeze3A_7, %squeeze3A_11 : i32
    %jit3A = arith.constant 64 : i32
    %div3A = arith.divsi %squeeze3A, %jit3A : i32
    %sign3A = arith.constant 0 : i32
    %sign3A_13 = arith.cmpi sgt, %squeeze3A, %sign3A : i32
    %sign3A_14 = arith.extui %sign3A_13 : i1 to i32
    %sign3A_15 = arith.constant 0 : i32
    %sign3A_16 = arith.cmpi slt, %squeeze3A, %sign3A_15 : i32
    %sign3A_17 = arith.extui %sign3A_16 : i1 to i32
    %sign3A_18 = arith.subi %sign3A_14, %sign3A_17 : i32
    %sign3A_19 = arith.constant 0 : i32
    %sign3A_20 = arith.cmpi sgt, %jit3A, %sign3A_19 : i32
    %sign3A_21 = arith.extui %sign3A_20 : i1 to i32
    %sign3A_22 = arith.constant 0 : i32
    %sign3A_23 = arith.cmpi slt, %jit3A, %sign3A_22 : i32
    %sign3A_24 = arith.extui %sign3A_23 : i1 to i32
    %sign3A_25 = arith.subi %sign3A_21, %sign3A_24 : i32
    %ne3A = arith.cmpi ne, %sign3A_18, %sign3A_25 : i32
    %rem3A = arith.remsi %squeeze3A, %jit3A : i32
    %ne3A_26 = arith.constant 0 : i32
    %ne3A_27 = arith.cmpi ne, %rem3A, %ne3A_26 : i32
    %and3A = arith.andi %ne3A, %ne3A_27 : i1
    %sub3A = arith.constant 1 : i32
    %sub3A_28 = arith.subi %div3A, %sub3A : i32
    %select_n3A = arith.select %and3A, %sub3A_28, %div3A : i32
    %mul3A_29 = arith.constant 64 : i32
    %mul3A_30 = arith.muli %select_n3A, %mul3A_29 : i32
    %sub3A_31 = arith.subi %add3A_12, %mul3A_30 : i32
    %add3A_32 = arith.constant 512 : i32
    %add3A_33 = arith.addi %sub3A_31, %add3A_32 : i32
    %sub3A_34 = arith.constant 1 : i32
    %sub3A_35 = arith.subi %add3A_33, %sub3A_34 : i32
    %jit3A_36 = arith.constant 512 : i32
    %div3A_37 = arith.divsi %sub3A_35, %jit3A_36 : i32
    %sign3A_38 = arith.constant 0 : i32
    %sign3A_39 = arith.cmpi sgt, %sub3A_35, %sign3A_38 : i32
    %sign3A_40 = arith.extui %sign3A_39 : i1 to i32
    %sign3A_41 = arith.constant 0 : i32
    %sign3A_42 = arith.cmpi slt, %sub3A_35, %sign3A_41 : i32
    %sign3A_43 = arith.extui %sign3A_42 : i1 to i32
    %sign3A_44 = arith.subi %sign3A_40, %sign3A_43 : i32
    %sign3A_45 = arith.constant 0 : i32
    %sign3A_46 = arith.cmpi sgt, %jit3A_36, %sign3A_45 : i32
    %sign3A_47 = arith.extui %sign3A_46 : i1 to i32
    %sign3A_48 = arith.constant 0 : i32
    %sign3A_49 = arith.cmpi slt, %jit3A_36, %sign3A_48 : i32
    %sign3A_50 = arith.extui %sign3A_49 : i1 to i32
    %sign3A_51 = arith.subi %sign3A_47, %sign3A_50 : i32
    %ne3A_52 = arith.cmpi ne, %sign3A_44, %sign3A_51 : i32
    %rem3A_53 = arith.remsi %sub3A_35, %jit3A_36 : i32
    %ne3A_54 = arith.constant 0 : i32
    %ne3A_55 = arith.cmpi ne, %rem3A_53, %ne3A_54 : i32
    %and3A_56 = arith.andi %ne3A_52, %ne3A_55 : i1
    %sub3A_57 = arith.constant 1 : i32
    %sub3A_58 = arith.subi %div3A_37, %sub3A_57 : i32
    %select_n3A_59 = arith.select %and3A_56, %sub3A_58, %div3A_37 : i32
    %while3A = arith.constant 0 : i32
    %while3A_60 = arith.constant 0 : i32
    %while3A_61 = arith.subi %select_n3A_59, %while3A : i32
    %while3A_62 = arith.addi %while3A, %while3A_61 : i32
    %while3A_63 = arith.constant 1 : i32
    %while3A_64 = arith.divsi %while3A_61, %while3A_63 : i32
    %while3A_65 = arith.muli %while3A_64, %while3A_63 : i32
    %while3A_66 = arith.addi %while3A, %while3A_65 : i32
    %while3A_67 = arith.constant 1 : i32
    %while3A_68 = scf.for %while3A_238 = %while3A to %while3A_66 step %while3A_67 iter_args(%while3A_239 = %while3A_60) -> (i32)  : i32 {
      %mul3A_240 = arith.constant 512 : i32
      %mul3A_241 = arith.muli %while3A_238, %mul3A_240 : i32
      %add3A_242 = arith.addi %mul3A_30, %mul3A_241 : i32
      "tpu.region"() ({
        %run_scoped3A = tpu.sem_alloc : memref<!tpu.dma_semaphore, #tpu.memory_space<semaphore_mem>>
        %dma_start3A_244 = tpu.memref_slice %arg11[%add3A_242] : memref<16896xi32, #tpu.memory_space<vmem>> -> memref<512xi32, #tpu.memory_space<vmem>>
        %dma_start3A_245 = tpu.memref_slice %arg5[%add3A_242] : memref<16896xi32, #tpu.memory_space<hbm>> -> memref<512xi32, #tpu.memory_space<hbm>>
        %dma_start3A_246 = tpu.memref_slice %arg11[%add3A_242] : memref<16896xi32, #tpu.memory_space<vmem>> -> memref<512xi32, #tpu.memory_space<vmem>>
        %dma_start3A_247 = tpu.memref_slice %arg5[%add3A_242] : memref<16896xi32, #tpu.memory_space<hbm>> -> memref<512xi32, #tpu.memory_space<hbm>>
        tpu.enqueue_dma source(%dma_start3A_247 : memref<512xi32, #tpu.memory_space<hbm>>) target(%dma_start3A_246 : memref<512xi32, #tpu.memory_space<vmem>>) target_semaphore(%run_scoped3A : memref<!tpu.dma_semaphore, #tpu.memory_space<semaphore_mem>>)
        %dma_wait3A_248 = tpu.memref_slice %arg11[%add3A_242] : memref<16896xi32, #tpu.memory_space<vmem>> -> memref<512xi32, #tpu.memory_space<vmem>>
        %dma_wait3A_249 = tpu.memref_slice %arg5[%add3A_242] : memref<16896xi32, #tpu.memory_space<hbm>> -> memref<512xi32, #tpu.memory_space<hbm>>
        %dma_wait3A_250 = tpu.memref_slice %arg11[%add3A_242] : memref<16896xi32, #tpu.memory_space<vmem>> -> memref<512xi32, #tpu.memory_space<vmem>>
        %dma_wait3A_251 = tpu.memref_slice %arg5[%add3A_242] : memref<16896xi32, #tpu.memory_space<hbm>> -> memref<512xi32, #tpu.memory_space<hbm>>
        tpu.wait_dma2 semaphore(%run_scoped3A : memref<!tpu.dma_semaphore, #tpu.memory_space<semaphore_mem>>) src(%dma_wait3A_251 : memref<512xi32, #tpu.memory_space<hbm>>) dst(%dma_wait3A_250 : memref<512xi32, #tpu.memory_space<vmem>>)
        tpu.yield
      }) : () -> ()
      %while3A_243 = arith.constant 0 : i32
      scf.yield %while3A_243 : i32
    }
    %while3A_69 = arith.constant 1 : i32
    %while3A_70 = scf.for %while3A_238 = %while3A_66 to %while3A_62 step %while3A_69 iter_args(%while3A_239 = %while3A_68) -> (i32)  : i32 {
      %mul3A_240 = arith.constant 512 : i32
      %mul3A_241 = arith.muli %while3A_238, %mul3A_240 : i32
      %add3A_242 = arith.addi %mul3A_30, %mul3A_241 : i32
      "tpu.region"() ({
        %run_scoped3A = tpu.sem_alloc : memref<!tpu.dma_semaphore, #tpu.memory_space<semaphore_mem>>
        %dma_start3A_244 = tpu.memref_slice %arg11[%add3A_242] : memref<16896xi32, #tpu.memory_space<vmem>> -> memref<512xi32, #tpu.memory_space<vmem>>
        %dma_start3A_245 = tpu.memref_slice %arg5[%add3A_242] : memref<16896xi32, #tpu.memory_space<hbm>> -> memref<512xi32, #tpu.memory_space<hbm>>
        %dma_start3A_246 = tpu.memref_slice %arg11[%add3A_242] : memref<16896xi32, #tpu.memory_space<vmem>> -> memref<512xi32, #tpu.memory_space<vmem>>
        %dma_start3A_247 = tpu.memref_slice %arg5[%add3A_242] : memref<16896xi32, #tpu.memory_space<hbm>> -> memref<512xi32, #tpu.memory_space<hbm>>
        tpu.enqueue_dma source(%dma_start3A_247 : memref<512xi32, #tpu.memory_space<hbm>>) target(%dma_start3A_246 : memref<512xi32, #tpu.memory_space<vmem>>) target_semaphore(%run_scoped3A : memref<!tpu.dma_semaphore, #tpu.memory_space<semaphore_mem>>)
        %dma_wait3A_248 = tpu.memref_slice %arg11[%add3A_242] : memref<16896xi32, #tpu.memory_space<vmem>> -> memref<512xi32, #tpu.memory_space<vmem>>
        %dma_wait3A_249 = tpu.memref_slice %arg5[%add3A_242] : memref<16896xi32, #tpu.memory_space<hbm>> -> memref<512xi32, #tpu.memory_space<hbm>>
        %dma_wait3A_250 = tpu.memref_slice %arg11[%add3A_242] : memref<16896xi32, #tpu.memory_space<vmem>> -> memref<512xi32, #tpu.memory_space<vmem>>
        %dma_wait3A_251 = tpu.memref_slice %arg5[%add3A_242] : memref<16896xi32, #tpu.memory_space<hbm>> -> memref<512xi32, #tpu.memory_space<hbm>>
        tpu.wait_dma2 semaphore(%run_scoped3A : memref<!tpu.dma_semaphore, #tpu.memory_space<semaphore_mem>>) src(%dma_wait3A_251 : memref<512xi32, #tpu.memory_space<hbm>>) dst(%dma_wait3A_250 : memref<512xi32, #tpu.memory_space<vmem>>)
        tpu.yield
      }) : () -> ()
      %while3A_243 = arith.constant 0 : i32
      scf.yield %while3A_243 : i32
    }
    %dma_start3A = arith.constant 0 : i32
    %dma_start3A_71 = arith.constant 0 : i32
    %dma_start3A_72 = tpu.memref_slice %arg2[%dma_start3A, %dma_start3A_71] : memref<2048x128xf32, #tpu.memory_space<hbm>> -> memref<2048x128xf32, #tpu.memory_space<hbm>>
    tpu.enqueue_indirect_dma source(%dma_start3A_72 : memref<2048x128xf32, #tpu.memory_space<hbm>>) target(%arg25 : memref<64x128xf32, #tpu.memory_space<vmem>>) offsets(%arg21 : memref<64xi32, #tpu.memory_space<vmem>>) semaphore(%arg29 : memref<!tpu.dma_semaphore, #tpu.memory_space<semaphore_mem>>)
    %iota3A = tpu.iota {dimensions = array<i32: 0>} : vector<16xi32>
    %add3A_73 = arith.constant 64 : i32
    %add3A_74 = arith.addi %add3A_12, %add3A_73 : i32
    %sub3A_75 = arith.constant 1 : i32
    %sub3A_76 = arith.subi %add3A_74, %sub3A_75 : i32
    %jit3A_77 = arith.constant 64 : i32
    %div3A_78 = arith.divsi %sub3A_76, %jit3A_77 : i32
    %sign3A_79 = arith.constant 0 : i32
    %sign3A_80 = arith.cmpi sgt, %sub3A_76, %sign3A_79 : i32
    %sign3A_81 = arith.extui %sign3A_80 : i1 to i32
    %sign3A_82 = arith.constant 0 : i32
    %sign3A_83 = arith.cmpi slt, %sub3A_76, %sign3A_82 : i32
    %sign3A_84 = arith.extui %sign3A_83 : i1 to i32
    %sign3A_85 = arith.subi %sign3A_81, %sign3A_84 : i32
    %sign3A_86 = arith.constant 0 : i32
    %sign3A_87 = arith.cmpi sgt, %jit3A_77, %sign3A_86 : i32
    %sign3A_88 = arith.extui %sign3A_87 : i1 to i32
    %sign3A_89 = arith.constant 0 : i32
    %sign3A_90 = arith.cmpi slt, %jit3A_77, %sign3A_89 : i32
    %sign3A_91 = arith.extui %sign3A_90 : i1 to i32
    %sign3A_92 = arith.subi %sign3A_88, %sign3A_91 : i32
    %ne3A_93 = arith.cmpi ne, %sign3A_85, %sign3A_92 : i32
    %rem3A_94 = arith.remsi %sub3A_76, %jit3A_77 : i32
    %ne3A_95 = arith.constant 0 : i32
    %ne3A_96 = arith.cmpi ne, %rem3A_94, %ne3A_95 : i32
    %and3A_97 = arith.andi %ne3A_93, %ne3A_96 : i1
    %sub3A_98 = arith.constant 1 : i32
    %sub3A_99 = arith.subi %div3A_78, %sub3A_98 : i32
    %select_n3A_100 = arith.select %and3A_97, %sub3A_99, %div3A_78 : i32
    %mul3A_101 = arith.constant 64 : i32
    %mul3A_102 = arith.muli %select_n3A_100, %mul3A_101 : i32
    %sub3A_103 = arith.subi %mul3A_102, %mul3A_30 : i32
    %jit3A_104 = arith.constant 16 : i32
    %div3A_105 = arith.divsi %sub3A_103, %jit3A_104 : i32
    %sign3A_106 = arith.constant 0 : i32
    %sign3A_107 = arith.cmpi sgt, %sub3A_103, %sign3A_106 : i32
    %sign3A_108 = arith.extui %sign3A_107 : i1 to i32
    %sign3A_109 = arith.constant 0 : i32
    %sign3A_110 = arith.cmpi slt, %sub3A_103, %sign3A_109 : i32
    %sign3A_111 = arith.extui %sign3A_110 : i1 to i32
    %sign3A_112 = arith.subi %sign3A_108, %sign3A_111 : i32
    %sign3A_113 = arith.constant 0 : i32
    %sign3A_114 = arith.cmpi sgt, %jit3A_104, %sign3A_113 : i32
    %sign3A_115 = arith.extui %sign3A_114 : i1 to i32
    %sign3A_116 = arith.constant 0 : i32
    %sign3A_117 = arith.cmpi slt, %jit3A_104, %sign3A_116 : i32
    %sign3A_118 = arith.extui %sign3A_117 : i1 to i32
    %sign3A_119 = arith.subi %sign3A_115, %sign3A_118 : i32
    %ne3A_120 = arith.cmpi ne, %sign3A_112, %sign3A_119 : i32
    %rem3A_121 = arith.remsi %sub3A_103, %jit3A_104 : i32
    %ne3A_122 = arith.constant 0 : i32
    %ne3A_123 = arith.cmpi ne, %rem3A_121, %ne3A_122 : i32
    %and3A_124 = arith.andi %ne3A_120, %ne3A_123 : i1
    %sub3A_125 = arith.constant 1 : i32
    %sub3A_126 = arith.subi %div3A_105, %sub3A_125 : i32
    %select_n3A_127 = arith.select %and3A_124, %sub3A_126, %div3A_105 : i32
    %while3A_128 = arith.constant 0 : i32
    %while3A_129 = arith.constant 0 : i32
    %while3A_130 = arith.subi %select_n3A_127, %while3A_128 : i32
    %while3A_131 = arith.addi %while3A_128, %while3A_130 : i32
    %while3A_132 = arith.constant 1 : i32
    %while3A_133 = arith.divsi %while3A_130, %while3A_132 : i32
    %while3A_134 = arith.muli %while3A_133, %while3A_132 : i32
    %while3A_135 = arith.addi %while3A_128, %while3A_134 : i32
    %while3A_136 = arith.constant 1 : i32
    %while3A_137 = scf.for %while3A_238 = %while3A_128 to %while3A_135 step %while3A_136 iter_args(%while3A_239 = %while3A_129) -> (i32)  : i32 {
      %mul3A_240 = arith.constant 16 : i32
      %mul3A_241 = arith.muli %while3A_238, %mul3A_240 : i32
      %add3A_242 = arith.addi %mul3A_30, %mul3A_241 : i32
      %get3A_243 = arith.index_cast %add3A_242 : i32 to index
      %get3A_244 = tpu.vector_load %arg11[%get3A_243] {strides = array<i32>} : memref<16896xi32, #tpu.memory_space<vmem>>, vector<16xi32>,
      %shift_right_logical3A = arith.constant 11 : i32
      %shift_right_logical3A_245 = vector.broadcast %shift_right_logical3A : i32 to vector<16xi32>
      %shift_right_logical3A_246 = arith.shrui %get3A_244, %shift_right_logical3A_245 : vector<16xi32>
      %and3A_247 = arith.constant 2047 : i32
      %and3A_248 = vector.broadcast %and3A_247 : i32 to vector<16xi32>
      %and3A_249 = arith.andi %shift_right_logical3A_246, %and3A_248 : vector<16xi32>
      %and3A_250 = arith.constant 2047 : i32
      %and3A_251 = vector.broadcast %and3A_250 : i32 to vector<16xi32>
      %and3A_252 = arith.andi %get3A_244, %and3A_251 : vector<16xi32>
      %swap3A = arith.index_cast %add3A_242 : i32 to index
      %swap3A_253 = tpu.vector_load %arg12[%swap3A] {strides = array<i32>} : memref<16400xi32, #tpu.memory_space<vmem>>, vector<16xi32>,
      tpu.vector_store %arg12[%swap3A], %and3A_249 {strides = array<i32>} : memref<16400xi32, #tpu.memory_space<vmem>>, vector<16xi32>,
      %swap3A_254 = arith.index_cast %add3A_242 : i32 to index
      %swap3A_255 = tpu.vector_load %arg13[%swap3A_254] {strides = array<i32>} : memref<16400xi32, #tpu.memory_space<vmem>>, vector<16xi32>,
      tpu.vector_store %arg13[%swap3A_254], %and3A_252 {strides = array<i32>} : memref<16400xi32, #tpu.memory_space<vmem>>, vector<16xi32>,
      %gather3A = tpu.vector_load_idx %arg17[%and3A_249] : memref<2048xf32, #tpu.memory_space<vmem>>[vector<16xi32>], vector<16xf32>,
      %gather3A_256 = tpu.vector_load_idx %arg18[%and3A_252] : memref<2048xf32, #tpu.memory_space<vmem>>[vector<16xi32>], vector<16xf32>,
      %add3A_257 = arith.addf %gather3A, %gather3A_256 : vector<16xf32>
      %swap3A_258 = arith.index_cast %add3A_242 : i32 to index
      %swap3A_259 = tpu.vector_load %arg15[%swap3A_258] {strides = array<i32>} : memref<16400xf32, #tpu.memory_space<vmem>>, vector<16xf32>,
      tpu.vector_store %arg15[%swap3A_258], %add3A_257 {strides = array<i32>} : memref<16400xf32, #tpu.memory_space<vmem>>, vector<16xf32>,
      %while3A_260 = arith.constant 0 : i32
      scf.yield %while3A_260 : i32
    }
    %while3A_138 = arith.constant 1 : i32
    %while3A_139 = scf.for %while3A_238 = %while3A_135 to %while3A_131 step %while3A_138 iter_args(%while3A_239 = %while3A_137) -> (i32)  : i32 {
      %mul3A_240 = arith.constant 16 : i32
      %mul3A_241 = arith.muli %while3A_238, %mul3A_240 : i32
      %add3A_242 = arith.addi %mul3A_30, %mul3A_241 : i32
      %get3A_243 = arith.index_cast %add3A_242 : i32 to index
      %get3A_244 = tpu.vector_load %arg11[%get3A_243] {strides = array<i32>} : memref<16896xi32, #tpu.memory_space<vmem>>, vector<16xi32>,
      %shift_right_logical3A = arith.constant 11 : i32
      %shift_right_logical3A_245 = vector.broadcast %shift_right_logical3A : i32 to vector<16xi32>
      %shift_right_logical3A_246 = arith.shrui %get3A_244, %shift_right_logical3A_245 : vector<16xi32>
      %and3A_247 = arith.constant 2047 : i32
      %and3A_248 = vector.broadcast %and3A_247 : i32 to vector<16xi32>
      %and3A_249 = arith.andi %shift_right_logical3A_246, %and3A_248 : vector<16xi32>
      %and3A_250 = arith.constant 2047 : i32
      %and3A_251 = vector.broadcast %and3A_250 : i32 to vector<16xi32>
      %and3A_252 = arith.andi %get3A_244, %and3A_251 : vector<16xi32>
      %swap3A = arith.index_cast %add3A_242 : i32 to index
      %swap3A_253 = tpu.vector_load %arg12[%swap3A] {strides = array<i32>} : memref<16400xi32, #tpu.memory_space<vmem>>, vector<16xi32>,
      tpu.vector_store %arg12[%swap3A], %and3A_249 {strides = array<i32>} : memref<16400xi32, #tpu.memory_space<vmem>>, vector<16xi32>,
      %swap3A_254 = arith.index_cast %add3A_242 : i32 to index
      %swap3A_255 = tpu.vector_load %arg13[%swap3A_254] {strides = array<i32>} : memref<16400xi32, #tpu.memory_space<vmem>>, vector<16xi32>,
      tpu.vector_store %arg13[%swap3A_254], %and3A_252 {strides = array<i32>} : memref<16400xi32, #tpu.memory_space<vmem>>, vector<16xi32>,
      %gather3A = tpu.vector_load_idx %arg17[%and3A_249] : memref<2048xf32, #tpu.memory_space<vmem>>[vector<16xi32>], vector<16xf32>,
      %gather3A_256 = tpu.vector_load_idx %arg18[%and3A_252] : memref<2048xf32, #tpu.memory_space<vmem>>[vector<16xi32>], vector<16xf32>,
      %add3A_257 = arith.addf %gather3A, %gather3A_256 : vector<16xf32>
      %swap3A_258 = arith.index_cast %add3A_242 : i32 to index
      %swap3A_259 = tpu.vector_load %arg15[%swap3A_258] {strides = array<i32>} : memref<16400xf32, #tpu.memory_space<vmem>>, vector<16xf32>,
      tpu.vector_store %arg15[%swap3A_258], %add3A_257 {strides = array<i32>} : memref<16400xf32, #tpu.memory_space<vmem>>, vector<16xf32>,
      %while3A_260 = arith.constant 0 : i32
      scf.yield %while3A_260 : i32
    }
    %scan3A = arith.constant -3.000000e+38 : f32
    %scan3A_140 = arith.constant 0 : i32
    %scan3A_141 = arith.constant 0 : i32
    %scan3A_142 = arith.constant 64 : i32
    %scan3A_143 = arith.addi %scan3A_141, %scan3A_142 : i32
    %scan3A_144 = arith.constant 1 : i32
    %scan3A_145 = scf.for %scan3A_238 = %scan3A_141 to %scan3A_143 step %scan3A_144 iter_args(%scan3A_239 = %scan3A_140) -> (i32)  : i32 {
      %get3A_240 = arith.index_cast %scan3A_238 : i32 to index
      %get3A_241 = tpu.vector_load %arg19[%get3A_240] {strides = array<i32>} : memref<80xi32, #tpu.memory_space<vmem>>, vector<16xi32>,
      %slice3A_242 = vector.extract_strided_slice %get3A_241 {offsets = [0], sizes = [1], strides = [1]} : vector<16xi32> to vector<1xi32>
      %squeeze3A_243 = vector.extract %slice3A_242[0] : i32 from vector<1xi32>
      %get3A_244 = arith.index_cast %scan3A_238 : i32 to index
      %get3A_245 = tpu.vector_load %arg20[%get3A_244] {strides = array<i32>} : memref<80xi32, #tpu.memory_space<vmem>>, vector<16xi32>,
      %slice3A_246 = vector.extract_strided_slice %get3A_245 {offsets = [0], sizes = [1], strides = [1]} : vector<16xi32> to vector<1xi32>
      %squeeze3A_247 = vector.extract %slice3A_246[0] : i32 from vector<1xi32>
      %add3A_248 = arith.addi %squeeze3A_243, %squeeze3A_247 : i32
      %jit3A_249 = arith.constant 16 : i32
      %div3A_250 = arith.divsi %squeeze3A_243, %jit3A_249 : i32
      %sign3A_251 = arith.constant 0 : i32
      %sign3A_252 = arith.cmpi sgt, %squeeze3A_243, %sign3A_251 : i32
      %sign3A_253 = arith.extui %sign3A_252 : i1 to i32
      %sign3A_254 = arith.constant 0 : i32
      %sign3A_255 = arith.cmpi slt, %squeeze3A_243, %sign3A_254 : i32
      %sign3A_256 = arith.extui %sign3A_255 : i1 to i32
      %sign3A_257 = arith.subi %sign3A_253, %sign3A_256 : i32
      %sign3A_258 = arith.constant 0 : i32
      %sign3A_259 = arith.cmpi sgt, %jit3A_249, %sign3A_258 : i32
      %sign3A_260 = arith.extui %sign3A_259 : i1 to i32
      %sign3A_261 = arith.constant 0 : i32
      %sign3A_262 = arith.cmpi slt, %jit3A_249, %sign3A_261 : i32
      %sign3A_263 = arith.extui %sign3A_262 : i1 to i32
      %sign3A_264 = arith.subi %sign3A_260, %sign3A_263 : i32
      %ne3A_265 = arith.cmpi ne, %sign3A_257, %sign3A_264 : i32
      %rem3A_266 = arith.remsi %squeeze3A_243, %jit3A_249 : i32
      %ne3A_267 = arith.constant 0 : i32
      %ne3A_268 = arith.cmpi ne, %rem3A_266, %ne3A_267 : i32
      %and3A_269 = arith.andi %ne3A_265, %ne3A_268 : i1
      %sub3A_270 = arith.constant 1 : i32
      %sub3A_271 = arith.subi %div3A_250, %sub3A_270 : i32
      %select_n3A_272 = arith.select %and3A_269, %sub3A_271, %div3A_250 : i32
      %mul3A_273 = arith.constant 16 : i32
      %mul3A_274 = arith.muli %select_n3A_272, %mul3A_273 : i32
      %sub3A_275 = arith.subi %add3A_248, %mul3A_274 : i32
      %add3A_276 = arith.constant 16 : i32
      %add3A_277 = arith.addi %sub3A_275, %add3A_276 : i32
      %sub3A_278 = arith.constant 1 : i32
      %sub3A_279 = arith.subi %add3A_277, %sub3A_278 : i32
      %jit3A_280 = arith.constant 16 : i32
      %div3A_281 = arith.divsi %sub3A_279, %jit3A_280 : i32
      %sign3A_282 = arith.constant 0 : i32
      %sign3A_283 = arith.cmpi sgt, %sub3A_279, %sign3A_282 : i32
      %sign3A_284 = arith.extui %sign3A_283 : i1 to i32
      %sign3A_285 = arith.constant 0 : i32
      %sign3A_286 = arith.cmpi slt, %sub3A_279, %sign3A_285 : i32
      %sign3A_287 = arith.extui %sign3A_286 : i1 to i32
      %sign3A_288 = arith.subi %sign3A_284, %sign3A_287 : i32
      %sign3A_289 = arith.constant 0 : i32
      %sign3A_290 = arith.cmpi sgt, %jit3A_280, %sign3A_289 : i32
      %sign3A_291 = arith.extui %sign3A_290 : i1 to i32
      %sign3A_292 = arith.constant 0 : i32
      %sign3A_293 = arith.cmpi slt, %jit3A_280, %sign3A_292 : i32
      %sign3A_294 = arith.extui %sign3A_293 : i1 to i32
      %sign3A_295 = arith.subi %sign3A_291, %sign3A_294 : i32
      %ne3A_296 = arith.cmpi ne, %sign3A_288, %sign3A_295 : i32
      %rem3A_297 = arith.remsi %sub3A_279, %jit3A_280 : i32
      %ne3A_298 = arith.constant 0 : i32
      %ne3A_299 = arith.cmpi ne, %rem3A_297, %ne3A_298 : i32
      %and3A_300 = arith.andi %ne3A_296, %ne3A_299 : i1
      %sub3A_301 = arith.constant 1 : i32
      %sub3A_302 = arith.subi %div3A_281, %sub3A_301 : i32
      %select_n3A_303 = arith.select %and3A_300, %sub3A_302, %div3A_281 : i32
      %gt3A = arith.constant 0 : i32
      %gt3A_304 = arith.cmpi sgt, %squeeze3A_247, %gt3A : i32
      %convert_element_type3A_305 = arith.extui %gt3A_304 : i1 to i32
      %cond3A_306 = arith.constant 0 : i32
      %cond3A_307 = arith.constant 0 : i32
      %cond3A_308 = arith.cmpi ne, %convert_element_type3A_305, %cond3A_307 : i32
      %cond3A_309 = scf.if %cond3A_308 -> (i32) {
        %while3A_311 = arith.constant 0 : i32
        %while3A_312 = arith.subi %select_n3A_303, %while3A_311 : i32
        %while3A_313 = arith.addi %while3A_311, %while3A_312 : i32
        %while3A_314 = arith.constant 1 : i32
        %while3A_315 = arith.divsi %while3A_312, %while3A_314 : i32
        %while3A_316 = arith.muli %while3A_315, %while3A_314 : i32
        %while3A_317 = arith.addi %while3A_311, %while3A_316 : i32
        %while3A_318 = arith.constant 1 : i32
        %while3A_319 = scf.for %while3A_329 = %while3A_311 to %while3A_317 step %while3A_318 iter_args(%while3A_330 = %scan3A) -> (f32)  : i32 {
          %mul3A_331 = arith.constant 16 : i32
          %mul3A_332 = arith.muli %while3A_329, %mul3A_331 : i32
          %add3A_333 = arith.addi %mul3A_274, %mul3A_332 : i32
          %get3A_334 = arith.index_cast %add3A_333 : i32 to index
          %get3A_335 = tpu.vector_load %arg15[%get3A_334] {strides = array<i32>} : memref<16400xf32, #tpu.memory_space<vmem>>, vector<16xf32>,
          %add3A_336 = vector.broadcast %add3A_333 : i32 to vector<16xi32>
          %add3A_337 = arith.addi %add3A_336, %iota3A : vector<16xi32>
          %ge3A = vector.broadcast %squeeze3A_243 : i32 to vector<16xi32>
          %ge3A_338 = arith.cmpi sge, %add3A_337, %ge3A : vector<16xi32>
          %lt3A_339 = vector.broadcast %add3A_248 : i32 to vector<16xi32>
          %lt3A_340 = arith.cmpi slt, %add3A_337, %lt3A_339 : vector<16xi32>
          %and3A_341 = arith.andi %ge3A_338, %lt3A_340 : vector<16xi1>
          %gt3A_342 = arith.constant 0.000000e+00 : f32
          %gt3A_343 = vector.broadcast %gt3A_342 : f32 to vector<16xf32>
          %gt3A_344 = arith.cmpf ogt, %get3A_335, %gt3A_343 : vector<16xf32>
          %and3A_345 = arith.andi %and3A_341, %gt3A_344 : vector<16xi1>
          %broadcast_in_dim3A_346 = vector.broadcast %scan3A : f32 to vector<16xf32>
          %select_n3A_347 = arith.select %and3A_345, %get3A_335, %broadcast_in_dim3A_346 : vector<16xi1>, vector<16xf32>
          %reduce_max3A = arith.constant true
          %reduce_max3A_348 = vector.broadcast %reduce_max3A : i1 to vector<16xi1>
          %reduce_max3A_349 = tpu.scan <max>, %select_n3A_347 masked %reduce_max3A_348 : vector<16xf32>, vector<16xi1> -> vector<16xf32>
          %reduce_max3A_350 = vector.extract %reduce_max3A_349[15] : f32 from vector<16xf32>
          %max3A = arith.maximumf %while3A_330, %reduce_max3A_350 : f32
          scf.yield %max3A : f32
        }
        %while3A_320 = arith.constant 1 : i32
        %while3A_321 = scf.for %while3A_329 = %while3A_317 to %while3A_313 step %while3A_320 iter_args(%while3A_330 = %while3A_319) -> (f32)  : i32 {
          %mul3A_331 = arith.constant 16 : i32
          %mul3A_332 = arith.muli %while3A_329, %mul3A_331 : i32
          %add3A_333 = arith.addi %mul3A_274, %mul3A_332 : i32
          %get3A_334 = arith.index_cast %add3A_333 : i32 to index
          %get3A_335 = tpu.vector_load %arg15[%get3A_334] {strides = array<i32>} : memref<16400xf32, #tpu.memory_space<vmem>>, vector<16xf32>,
          %add3A_336 = vector.broadcast %add3A_333 : i32 to vector<16xi32>
          %add3A_337 = arith.addi %add3A_336, %iota3A : vector<16xi32>
          %ge3A = vector.broadcast %squeeze3A_243 : i32 to vector<16xi32>
          %ge3A_338 = arith.cmpi sge, %add3A_337, %ge3A : vector<16xi32>
          %lt3A_339 = vector.broadcast %add3A_248 : i32 to vector<16xi32>
          %lt3A_340 = arith.cmpi slt, %add3A_337, %lt3A_339 : vector<16xi32>
          %and3A_341 = arith.andi %ge3A_338, %lt3A_340 : vector<16xi1>
          %gt3A_342 = arith.constant 0.000000e+00 : f32
          %gt3A_343 = vector.broadcast %gt3A_342 : f32 to vector<16xf32>
          %gt3A_344 = arith.cmpf ogt, %get3A_335, %gt3A_343 : vector<16xf32>
          %and3A_345 = arith.andi %and3A_341, %gt3A_344 : vector<16xi1>
          %broadcast_in_dim3A_346 = vector.broadcast %scan3A : f32 to vector<16xf32>
          %select_n3A_347 = arith.select %and3A_345, %get3A_335, %broadcast_in_dim3A_346 : vector<16xi1>, vector<16xf32>
          %reduce_max3A = arith.constant true
          %reduce_max3A_348 = vector.broadcast %reduce_max3A : i1 to vector<16xi1>
          %reduce_max3A_349 = tpu.scan <max>, %select_n3A_347 masked %reduce_max3A_348 : vector<16xf32>, vector<16xi1> -> vector<16xf32>
          %reduce_max3A_350 = vector.extract %reduce_max3A_349[15] : f32 from vector<16xf32>
          %max3A = arith.maximumf %while3A_330, %reduce_max3A_350 : f32
          scf.yield %max3A : f32
        }
        %gt3A_322 = arith.cmpf ogt, %while3A_321, %scan3A : f32
        %convert_element_type3A_323 = arith.extui %gt3A_322 : i1 to i32
        %cond3A_324 = arith.constant 0 : i32
        %cond3A_325 = arith.constant 0 : i32
        %cond3A_326 = arith.cmpi ne, %convert_element_type3A_323, %cond3A_325 : i32
        %cond3A_327 = scf.if %cond3A_326 -> (i32) {
          %while3A_329 = arith.constant 0 : i32
          %while3A_330 = arith.subi %add3A_248, %squeeze3A_243 : i32
          %while3A_331 = arith.addi %squeeze3A_243, %while3A_330 : i32
          %while3A_332 = arith.constant 1 : i32
          %while3A_333 = arith.divsi %while3A_330, %while3A_332 : i32
          %while3A_334 = arith.muli %while3A_333, %while3A_332 : i32
          %while3A_335 = arith.addi %squeeze3A_243, %while3A_334 : i32
          %while3A_336 = arith.constant 1 : i32
          %while3A_337 = scf.for %while3A_364 = %squeeze3A_243 to %while3A_335 step %while3A_336 iter_args(%while3A_365 = %while3A_329) -> (i32)  : i32 {
            %get3A_366 = arith.index_cast %while3A_364 : i32 to index
            %get3A_367 = tpu.vector_load %arg13[%get3A_366] {strides = array<i32>} : memref<16400xi32, #tpu.memory_space<vmem>>, vector<16xi32>,
            %slice3A_368 = vector.extract_strided_slice %get3A_367 {offsets = [0], sizes = [1], strides = [1]} : vector<16xi32> to vector<1xi32>
            %squeeze3A_369 = vector.extract %slice3A_368[0] : i32 from vector<1xi32>
            %jit3A_370 = arith.constant 16 : i32
            %div3A_371 = arith.divsi %squeeze3A_369, %jit3A_370 : i32
            %sign3A_372 = arith.constant 0 : i32
            %sign3A_373 = arith.cmpi sgt, %squeeze3A_369, %sign3A_372 : i32
            %sign3A_374 = arith.extui %sign3A_373 : i1 to i32
            %sign3A_375 = arith.constant 0 : i32
            %sign3A_376 = arith.cmpi slt, %squeeze3A_369, %sign3A_375 : i32
            %sign3A_377 = arith.extui %sign3A_376 : i1 to i32
            %sign3A_378 = arith.subi %sign3A_374, %sign3A_377 : i32
            %sign3A_379 = arith.constant 0 : i32
            %sign3A_380 = arith.cmpi sgt, %jit3A_370, %sign3A_379 : i32
            %sign3A_381 = arith.extui %sign3A_380 : i1 to i32
            %sign3A_382 = arith.constant 0 : i32
            %sign3A_383 = arith.cmpi slt, %jit3A_370, %sign3A_382 : i32
            %sign3A_384 = arith.extui %sign3A_383 : i1 to i32
            %sign3A_385 = arith.subi %sign3A_381, %sign3A_384 : i32
            %ne3A_386 = arith.cmpi ne, %sign3A_378, %sign3A_385 : i32
            %rem3A_387 = arith.remsi %squeeze3A_369, %jit3A_370 : i32
            %ne3A_388 = arith.constant 0 : i32
            %ne3A_389 = arith.cmpi ne, %rem3A_387, %ne3A_388 : i32
            %and3A_390 = arith.andi %ne3A_386, %ne3A_389 : i1
            %sub3A_391 = arith.constant 1 : i32
            %sub3A_392 = arith.subi %div3A_371, %sub3A_391 : i32
            %select_n3A_393 = arith.select %and3A_390, %sub3A_392, %div3A_371 : i32
            %mul3A_394 = arith.constant 16 : i32
            %mul3A_395 = arith.muli %select_n3A_393, %mul3A_394 : i32
            %get3A_396 = arith.index_cast %mul3A_395 : i32 to index
            %get3A_397 = tpu.vector_load %arg16[%get3A_396] {strides = array<i32>} : memref<2048xi32, #tpu.memory_space<vmem>>, vector<16xi32>,
            %sub3A_398 = arith.subi %squeeze3A_369, %mul3A_395 : i32
            %eq3A = vector.broadcast %sub3A_398 : i32 to vector<16xi32>
            %eq3A_399 = arith.cmpi eq, %iota3A, %eq3A : vector<16xi32>
            %broadcast_in_dim3A_400 = vector.broadcast %while3A_364 : i32 to vector<16xi32>
            %select_n3A_401 = arith.select %eq3A_399, %broadcast_in_dim3A_400, %get3A_397 : vector<16xi1>, vector<16xi32>
            %swap3A = arith.index_cast %mul3A_395 : i32 to index
            %swap3A_402 = tpu.vector_load %arg16[%swap3A] {strides = array<i32>} : memref<2048xi32, #tpu.memory_space<vmem>>, vector<16xi32>,
            tpu.vector_store %arg16[%swap3A], %select_n3A_401 {strides = array<i32>} : memref<2048xi32, #tpu.memory_space<vmem>>, vector<16xi32>,
            %while3A_403 = arith.constant 0 : i32
            scf.yield %while3A_403 : i32
          }
          %while3A_338 = arith.constant 1 : i32
          %while3A_339 = scf.for %while3A_364 = %while3A_335 to %while3A_331 step %while3A_338 iter_args(%while3A_365 = %while3A_337) -> (i32)  : i32 {
            %get3A_366 = arith.index_cast %while3A_364 : i32 to index
            %get3A_367 = tpu.vector_load %arg13[%get3A_366] {strides = array<i32>} : memref<16400xi32, #tpu.memory_space<vmem>>, vector<16xi32>,
            %slice3A_368 = vector.extract_strided_slice %get3A_367 {offsets = [0], sizes = [1], strides = [1]} : vector<16xi32> to vector<1xi32>
            %squeeze3A_369 = vector.extract %slice3A_368[0] : i32 from vector<1xi32>
            %jit3A_370 = arith.constant 16 : i32
            %div3A_371 = arith.divsi %squeeze3A_369, %jit3A_370 : i32
            %sign3A_372 = arith.constant 0 : i32
            %sign3A_373 = arith.cmpi sgt, %squeeze3A_369, %sign3A_372 : i32
            %sign3A_374 = arith.extui %sign3A_373 : i1 to i32
            %sign3A_375 = arith.constant 0 : i32
            %sign3A_376 = arith.cmpi slt, %squeeze3A_369, %sign3A_375 : i32
            %sign3A_377 = arith.extui %sign3A_376 : i1 to i32
            %sign3A_378 = arith.subi %sign3A_374, %sign3A_377 : i32
            %sign3A_379 = arith.constant 0 : i32
            %sign3A_380 = arith.cmpi sgt, %jit3A_370, %sign3A_379 : i32
            %sign3A_381 = arith.extui %sign3A_380 : i1 to i32
            %sign3A_382 = arith.constant 0 : i32
            %sign3A_383 = arith.cmpi slt, %jit3A_370, %sign3A_382 : i32
            %sign3A_384 = arith.extui %sign3A_383 : i1 to i32
            %sign3A_385 = arith.subi %sign3A_381, %sign3A_384 : i32
            %ne3A_386 = arith.cmpi ne, %sign3A_378, %sign3A_385 : i32
            %rem3A_387 = arith.remsi %squeeze3A_369, %jit3A_370 : i32
            %ne3A_388 = arith.constant 0 : i32
            %ne3A_389 = arith.cmpi ne, %rem3A_387, %ne3A_388 : i32
            %and3A_390 = arith.andi %ne3A_386, %ne3A_389 : i1
            %sub3A_391 = arith.constant 1 : i32
            %sub3A_392 = arith.subi %div3A_371, %sub3A_391 : i32
            %select_n3A_393 = arith.select %and3A_390, %sub3A_392, %div3A_371 : i32
            %mul3A_394 = arith.constant 16 : i32
            %mul3A_395 = arith.muli %select_n3A_393, %mul3A_394 : i32
            %get3A_396 = arith.index_cast %mul3A_395 : i32 to index
            %get3A_397 = tpu.vector_load %arg16[%get3A_396] {strides = array<i32>} : memref<2048xi32, #tpu.memory_space<vmem>>, vector<16xi32>,
            %sub3A_398 = arith.subi %squeeze3A_369, %mul3A_395 : i32
            %eq3A = vector.broadcast %sub3A_398 : i32 to vector<16xi32>
            %eq3A_399 = arith.cmpi eq, %iota3A, %eq3A : vector<16xi32>
            %broadcast_in_dim3A_400 = vector.broadcast %while3A_364 : i32 to vector<16xi32>
            %select_n3A_401 = arith.select %eq3A_399, %broadcast_in_dim3A_400, %get3A_397 : vector<16xi1>, vector<16xi32>
            %swap3A = arith.index_cast %mul3A_395 : i32 to index
            %swap3A_402 = tpu.vector_load %arg16[%swap3A] {strides = array<i32>} : memref<2048xi32, #tpu.memory_space<vmem>>, vector<16xi32>,
            tpu.vector_store %arg16[%swap3A], %select_n3A_401 {strides = array<i32>} : memref<2048xi32, #tpu.memory_space<vmem>>, vector<16xi32>,
            %while3A_403 = arith.constant 0 : i32
            scf.yield %while3A_403 : i32
          }
          %while3A_340 = arith.constant 0 : i32
          %while3A_341 = arith.constant 0 : i32
          %while3A_342 = arith.subi %select_n3A_303, %while3A_340 : i32
          %while3A_343 = arith.addi %while3A_340, %while3A_342 : i32
          %while3A_344 = arith.constant 1 : i32
          %while3A_345 = arith.divsi %while3A_342, %while3A_344 : i32
          %while3A_346 = arith.muli %while3A_345, %while3A_344 : i32
          %while3A_347 = arith.addi %while3A_340, %while3A_346 : i32
          %while3A_348 = arith.constant 1 : i32
          %while3A_349 = scf.for %while3A_364 = %while3A_340 to %while3A_347 step %while3A_348 iter_args(%while3A_365 = %while3A_341) -> (i32)  : i32 {
            %mul3A_366 = arith.constant 16 : i32
            %mul3A_367 = arith.muli %while3A_364, %mul3A_366 : i32
            %add3A_368 = arith.addi %mul3A_274, %mul3A_367 : i32
            %get3A_369 = arith.index_cast %add3A_368 : i32 to index
            %get3A_370 = tpu.vector_load %arg13[%get3A_369] {strides = array<i32>} : memref<16400xi32, #tpu.memory_space<vmem>>, vector<16xi32>,
            %gather3A = tpu.vector_load_idx %arg16[%get3A_370] : memref<2048xi32, #tpu.memory_space<vmem>>[vector<16xi32>], vector<16xi32>,
            %swap3A = arith.index_cast %add3A_368 : i32 to index
            %swap3A_371 = tpu.vector_load %arg14[%swap3A] {strides = array<i32>} : memref<16400xi32, #tpu.memory_space<vmem>>, vector<16xi32>,
            tpu.vector_store %arg14[%swap3A], %gather3A {strides = array<i32>} : memref<16400xi32, #tpu.memory_space<vmem>>, vector<16xi32>,
            %while3A_372 = arith.constant 0 : i32
            scf.yield %while3A_372 : i32
          }
          %while3A_350 = arith.constant 1 : i32
          %while3A_351 = scf.for %while3A_364 = %while3A_347 to %while3A_343 step %while3A_350 iter_args(%while3A_365 = %while3A_349) -> (i32)  : i32 {
            %mul3A_366 = arith.constant 16 : i32
            %mul3A_367 = arith.muli %while3A_364, %mul3A_366 : i32
            %add3A_368 = arith.addi %mul3A_274, %mul3A_367 : i32
            %get3A_369 = arith.index_cast %add3A_368 : i32 to index
            %get3A_370 = tpu.vector_load %arg13[%get3A_369] {strides = array<i32>} : memref<16400xi32, #tpu.memory_space<vmem>>, vector<16xi32>,
            %gather3A = tpu.vector_load_idx %arg16[%get3A_370] : memref<2048xi32, #tpu.memory_space<vmem>>[vector<16xi32>], vector<16xi32>,
            %swap3A = arith.index_cast %add3A_368 : i32 to index
            %swap3A_371 = tpu.vector_load %arg14[%swap3A] {strides = array<i32>} : memref<16400xi32, #tpu.memory_space<vmem>>, vector<16xi32>,
            tpu.vector_store %arg14[%swap3A], %gather3A {strides = array<i32>} : memref<16400xi32, #tpu.memory_space<vmem>>, vector<16xi32>,
            %while3A_372 = arith.constant 0 : i32
            scf.yield %while3A_372 : i32
          }
          %while3A_352 = arith.constant 0 : i32
          %while3A_353 = arith.subi %squeeze3A_247, %while3A_352 : i32
          %while3A_354 = arith.addi %while3A_352, %while3A_353 : i32
          %while3A_355 = arith.constant 1 : i32
          %while3A_356 = arith.divsi %while3A_353, %while3A_355 : i32
          %while3A_357 = arith.muli %while3A_356, %while3A_355 : i32
          %while3A_358 = arith.addi %while3A_352, %while3A_357 : i32
          %while3A_359 = arith.constant 1 : i32
          %while3A_360 = scf.for %while3A_364 = %while3A_352 to %while3A_358 step %while3A_359 iter_args(%while3A_365 = %while3A_321) -> (f32)  : i32 {
            %while3A_366 = arith.constant 0 : i32
            %while3A_367 = arith.constant 0.000000e+00 : f32
            %while3A_368 = arith.subi %select_n3A_303, %while3A_366 : i32
            %while3A_369 = arith.addi %while3A_366, %while3A_368 : i32
            %while3A_370 = arith.constant 1 : i32
            %while3A_371 = arith.divsi %while3A_368, %while3A_370 : i32
            %while3A_372 = arith.muli %while3A_371, %while3A_370 : i32
            %while3A_373 = arith.addi %while3A_366, %while3A_372 : i32
            %while3A_374 = arith.constant 1 : i32
            %while3A_375 = scf.for %while3A_396 = %while3A_366 to %while3A_373 step %while3A_374 iter_args(%while3A_397 = %while3A_367) -> (f32)  : i32 {
              %mul3A_398 = arith.constant 16 : i32
              %mul3A_399 = arith.muli %while3A_396, %mul3A_398 : i32
              %add3A_400 = arith.addi %mul3A_274, %mul3A_399 : i32
              %get3A_401 = arith.index_cast %add3A_400 : i32 to index
              %get3A_402 = tpu.vector_load %arg15[%get3A_401] {strides = array<i32>} : memref<16400xf32, #tpu.memory_space<vmem>>, vector<16xf32>,
              %get3A_403 = arith.index_cast %add3A_400 : i32 to index
              %get3A_404 = tpu.vector_load %arg14[%get3A_403] {strides = array<i32>} : memref<16400xi32, #tpu.memory_space<vmem>>, vector<16xi32>,
              %add3A_405 = vector.broadcast %add3A_400 : i32 to vector<16xi32>
              %add3A_406 = arith.addi %add3A_405, %iota3A : vector<16xi32>
              %ge3A = vector.broadcast %squeeze3A_243 : i32 to vector<16xi32>
              %ge3A_407 = arith.cmpi sge, %add3A_406, %ge3A : vector<16xi32>
              %lt3A_408 = vector.broadcast %add3A_248 : i32 to vector<16xi32>
              %lt3A_409 = arith.cmpi slt, %add3A_406, %lt3A_408 : vector<16xi32>
              %and3A_410 = arith.andi %ge3A_407, %lt3A_409 : vector<16xi1>
              %gt3A_411 = arith.constant 0.000000e+00 : f32
              %gt3A_412 = vector.broadcast %gt3A_411 : f32 to vector<16xf32>
              %gt3A_413 = arith.cmpf ogt, %get3A_402, %gt3A_412 : vector<16xf32>
              %and3A_414 = arith.andi %and3A_410, %gt3A_413 : vector<16xi1>
              %eq3A = arith.cmpi eq, %get3A_404, %add3A_406 : vector<16xi32>
              %and3A_415 = arith.andi %and3A_414, %eq3A : vector<16xi1>
              %sub3A_416 = vector.broadcast %while3A_365 : f32 to vector<16xf32>
              %sub3A_417 = arith.subf %get3A_402, %sub3A_416 : vector<16xf32>
              %exp3A = math.exp %sub3A_417 : vector<16xf32>
              %jit3A_418 = arith.constant 0.000000e+00 : f32
              %broadcast_in_dim3A_419 = vector.broadcast %jit3A_418 : f32 to vector<16xf32>
              %select_n3A_420 = arith.select %and3A_415, %exp3A, %broadcast_in_dim3A_419 : vector<16xi1>, vector<16xf32>
              %reduce_sum3A = arith.constant true
              %reduce_sum3A_421 = vector.broadcast %reduce_sum3A : i1 to vector<16xi1>
              %reduce_sum3A_422 = tpu.scan <sum>, %select_n3A_420 masked %reduce_sum3A_421 : vector<16xf32>, vector<16xi1> -> vector<16xf32>
              %reduce_sum3A_423 = vector.extract %reduce_sum3A_422[15] : f32 from vector<16xf32>
              %add3A_424 = arith.addf %while3A_397, %reduce_sum3A_423 : f32
              scf.yield %add3A_424 : f32
            }
            %while3A_376 = arith.constant 1 : i32
            %while3A_377 = scf.for %while3A_396 = %while3A_373 to %while3A_369 step %while3A_376 iter_args(%while3A_397 = %while3A_375) -> (f32)  : i32 {
              %mul3A_398 = arith.constant 16 : i32
              %mul3A_399 = arith.muli %while3A_396, %mul3A_398 : i32
              %add3A_400 = arith.addi %mul3A_274, %mul3A_399 : i32
              %get3A_401 = arith.index_cast %add3A_400 : i32 to index
              %get3A_402 = tpu.vector_load %arg15[%get3A_401] {strides = array<i32>} : memref<16400xf32, #tpu.memory_space<vmem>>, vector<16xf32>,
              %get3A_403 = arith.index_cast %add3A_400 : i32 to index
              %get3A_404 = tpu.vector_load %arg14[%get3A_403] {strides = array<i32>} : memref<16400xi32, #tpu.memory_space<vmem>>, vector<16xi32>,
              %add3A_405 = vector.broadcast %add3A_400 : i32 to vector<16xi32>
              %add3A_406 = arith.addi %add3A_405, %iota3A : vector<16xi32>
              %ge3A = vector.broadcast %squeeze3A_243 : i32 to vector<16xi32>
              %ge3A_407 = arith.cmpi sge, %add3A_406, %ge3A : vector<16xi32>
              %lt3A_408 = vector.broadcast %add3A_248 : i32 to vector<16xi32>
              %lt3A_409 = arith.cmpi slt, %add3A_406, %lt3A_408 : vector<16xi32>
              %and3A_410 = arith.andi %ge3A_407, %lt3A_409 : vector<16xi1>
              %gt3A_411 = arith.constant 0.000000e+00 : f32
              %gt3A_412 = vector.broadcast %gt3A_411 : f32 to vector<16xf32>
              %gt3A_413 = arith.cmpf ogt, %get3A_402, %gt3A_412 : vector<16xf32>
              %and3A_414 = arith.andi %and3A_410, %gt3A_413 : vector<16xi1>
              %eq3A = arith.cmpi eq, %get3A_404, %add3A_406 : vector<16xi32>
              %and3A_415 = arith.andi %and3A_414, %eq3A : vector<16xi1>
              %sub3A_416 = vector.broadcast %while3A_365 : f32 to vector<16xf32>
              %sub3A_417 = arith.subf %get3A_402, %sub3A_416 : vector<16xf32>
              %exp3A = math.exp %sub3A_417 : vector<16xf32>
              %jit3A_418 = arith.constant 0.000000e+00 : f32
              %broadcast_in_dim3A_419 = vector.broadcast %jit3A_418 : f32 to vector<16xf32>
              %select_n3A_420 = arith.select %and3A_415, %exp3A, %broadcast_in_dim3A_419 : vector<16xi1>, vector<16xf32>
              %reduce_sum3A = arith.constant true
              %reduce_sum3A_421 = vector.broadcast %reduce_sum3A : i1 to vector<16xi1>
              %reduce_sum3A_422 = tpu.scan <sum>, %select_n3A_420 masked %reduce_sum3A_421 : vector<16xf32>, vector<16xi1> -> vector<16xf32>
              %reduce_sum3A_423 = vector.extract %reduce_sum3A_422[15] : f32 from vector<16xf32>
              %add3A_424 = arith.addf %while3A_397, %reduce_sum3A_423 : f32
              scf.yield %add3A_424 : f32
            }
            %while3A_378 = arith.constant 0 : i32
            %while3A_379 = arith.constant 0 : i32
            %while3A_380 = arith.subi %select_n3A_303, %while3A_378 : i32
            %while3A_381 = arith.addi %while3A_378, %while3A_380 : i32
            %while3A_382 = arith.constant 1 : i32
            %while3A_383 = arith.divsi %while3A_380, %while3A_382 : i32
            %while3A_384 = arith.muli %while3A_383, %while3A_382 : i32
            %while3A_385 = arith.addi %while3A_378, %while3A_384 : i32
            %while3A_386 = arith.constant 1 : i32
            %while3A_387 = scf.for %while3A_396 = %while3A_378 to %while3A_385 step %while3A_386 iter_args(%while3A_397 = %while3A_379) -> (i32)  : i32 {
              %mul3A_398 = arith.constant 16 : i32
              %mul3A_399 = arith.muli %while3A_396, %mul3A_398 : i32
              %add3A_400 = arith.addi %mul3A_274, %mul3A_399 : i32
              %get3A_401 = arith.index_cast %add3A_400 : i32 to index
              %get3A_402 = tpu.vector_load %arg15[%get3A_401] {strides = array<i32>} : memref<16400xf32, #tpu.memory_space<vmem>>, vector<16xf32>,
              %add3A_403 = vector.broadcast %add3A_400 : i32 to vector<16xi32>
              %add3A_404 = arith.addi %add3A_403, %iota3A : vector<16xi32>
              %ge3A = vector.broadcast %squeeze3A_243 : i32 to vector<16xi32>
              %ge3A_405 = arith.cmpi sge, %add3A_404, %ge3A : vector<16xi32>
              %lt3A_406 = vector.broadcast %add3A_248 : i32 to vector<16xi32>
              %lt3A_407 = arith.cmpi slt, %add3A_404, %lt3A_406 : vector<16xi32>
              %and3A_408 = arith.andi %ge3A_405, %lt3A_407 : vector<16xi1>
              %gt3A_409 = arith.constant 0.000000e+00 : f32
              %gt3A_410 = vector.broadcast %gt3A_409 : f32 to vector<16xf32>
              %gt3A_411 = arith.cmpf ogt, %get3A_402, %gt3A_410 : vector<16xf32>
              %and3A_412 = arith.andi %and3A_408, %gt3A_411 : vector<16xi1>
              %sub3A_413 = vector.broadcast %while3A_365 : f32 to vector<16xf32>
              %sub3A_414 = arith.subf %get3A_402, %sub3A_413 : vector<16xf32>
              %exp3A = math.exp %sub3A_414 : vector<16xf32>
              %div3A_415 = vector.broadcast %while3A_377 : f32 to vector<16xf32>
              %div3A_416 = arith.divf %exp3A, %div3A_415 : vector<16xf32>
              %jit3A_417 = arith.constant 0.000000e+00 : f32
              %broadcast_in_dim3A_418 = vector.broadcast %jit3A_417 : f32 to vector<16xf32>
              %select_n3A_419 = arith.select %and3A_408, %broadcast_in_dim3A_418, %get3A_402 : vector<16xi1>, vector<16xf32>
              %select_n3A_420 = arith.select %and3A_412, %div3A_416, %select_n3A_419 : vector<16xi1>, vector<16xf32>
              %swap3A = arith.index_cast %add3A_400 : i32 to index
              %swap3A_421 = tpu.vector_load %arg15[%swap3A] {strides = array<i32>} : memref<16400xf32, #tpu.memory_space<vmem>>, vector<16xf32>,
              tpu.vector_store %arg15[%swap3A], %select_n3A_420 {strides = array<i32>} : memref<16400xf32, #tpu.memory_space<vmem>>, vector<16xf32>,
              %while3A_422 = arith.constant 0 : i32
              scf.yield %while3A_422 : i32
            }
            %while3A_388 = arith.constant 1 : i32
            %while3A_389 = scf.for %while3A_396 = %while3A_385 to %while3A_381 step %while3A_388 iter_args(%while3A_397 = %while3A_387) -> (i32)  : i32 {
              %mul3A_398 = arith.constant 16 : i32
              %mul3A_399 = arith.muli %while3A_396, %mul3A_398 : i32
              %add3A_400 = arith.addi %mul3A_274, %mul3A_399 : i32
              %get3A_401 = arith.index_cast %add3A_400 : i32 to index
              %get3A_402 = tpu.vector_load %arg15[%get3A_401] {strides = array<i32>} : memref<16400xf32, #tpu.memory_space<vmem>>, vector<16xf32>,
              %add3A_403 = vector.broadcast %add3A_400 : i32 to vector<16xi32>
              %add3A_404 = arith.addi %add3A_403, %iota3A : vector<16xi32>
              %ge3A = vector.broadcast %squeeze3A_243 : i32 to vector<16xi32>
              %ge3A_405 = arith.cmpi sge, %add3A_404, %ge3A : vector<16xi32>
              %lt3A_406 = vector.broadcast %add3A_248 : i32 to vector<16xi32>
              %lt3A_407 = arith.cmpi slt, %add3A_404, %lt3A_406 : vector<16xi32>
              %and3A_408 = arith.andi %ge3A_405, %lt3A_407 : vector<16xi1>
              %gt3A_409 = arith.constant 0.000000e+00 : f32
              %gt3A_410 = vector.broadcast %gt3A_409 : f32 to vector<16xf32>
              %gt3A_411 = arith.cmpf ogt, %get3A_402, %gt3A_410 : vector<16xf32>
              %and3A_412 = arith.andi %and3A_408, %gt3A_411 : vector<16xi1>
              %sub3A_413 = vector.broadcast %while3A_365 : f32 to vector<16xf32>
              %sub3A_414 = arith.subf %get3A_402, %sub3A_413 : vector<16xf32>
              %exp3A = math.exp %sub3A_414 : vector<16xf32>
              %div3A_415 = vector.broadcast %while3A_377 : f32 to vector<16xf32>
              %div3A_416 = arith.divf %exp3A, %div3A_415 : vector<16xf32>
              %jit3A_417 = arith.constant 0.000000e+00 : f32
              %broadcast_in_dim3A_418 = vector.broadcast %jit3A_417 : f32 to vector<16xf32>
              %select_n3A_419 = arith.select %and3A_408, %broadcast_in_dim3A_418, %get3A_402 : vector<16xi1>, vector<16xf32>
              %select_n3A_420 = arith.select %and3A_412, %div3A_416, %select_n3A_419 : vector<16xi1>, vector<16xf32>
              %swap3A = arith.index_cast %add3A_400 : i32 to index
              %swap3A_421 = tpu.vector_load %arg15[%swap3A] {strides = array<i32>} : memref<16400xf32, #tpu.memory_space<vmem>>, vector<16xf32>,
              tpu.vector_store %arg15[%swap3A], %select_n3A_420 {strides = array<i32>} : memref<16400xf32, #tpu.memory_space<vmem>>, vector<16xf32>,
              %while3A_422 = arith.constant 0 : i32
              scf.yield %while3A_422 : i32
            }
            %broadcast_in_dim3A_390 = arith.constant 1.000000e+00 : f32
            %broadcast_in_dim3A_391 = vector.broadcast %broadcast_in_dim3A_390 : f32 to vector<16xf32>
            %div3A_392 = vector.broadcast %while3A_377 : f32 to vector<16xf32>
            %div3A_393 = arith.divf %broadcast_in_dim3A_391, %div3A_392 : vector<16xf32>
            %slice3A_394 = vector.extract_strided_slice %div3A_393 {offsets = [0], sizes = [1], strides = [1]} : vector<16xf32> to vector<1xf32>
            %squeeze3A_395 = vector.extract %slice3A_394[0] : f32 from vector<1xf32>
            scf.yield %squeeze3A_395 : f32
          }
          %while3A_361 = arith.constant 1 : i32
          %while3A_362 = scf.for %while3A_364 = %while3A_358 to %while3A_354 step %while3A_361 iter_args(%while3A_365 = %while3A_360) -> (f32)  : i32 {
            %while3A_366 = arith.constant 0 : i32
            %while3A_367 = arith.constant 0.000000e+00 : f32
            %while3A_368 = arith.subi %select_n3A_303, %while3A_366 : i32
            %while3A_369 = arith.addi %while3A_366, %while3A_368 : i32
            %while3A_370 = arith.constant 1 : i32
            %while3A_371 = arith.divsi %while3A_368, %while3A_370 : i32
            %while3A_372 = arith.muli %while3A_371, %while3A_370 : i32
            %while3A_373 = arith.addi %while3A_366, %while3A_372 : i32
            %while3A_374 = arith.constant 1 : i32
            %while3A_375 = scf.for %while3A_396 = %while3A_366 to %while3A_373 step %while3A_374 iter_args(%while3A_397 = %while3A_367) -> (f32)  : i32 {
              %mul3A_398 = arith.constant 16 : i32
              %mul3A_399 = arith.muli %while3A_396, %mul3A_398 : i32
              %add3A_400 = arith.addi %mul3A_274, %mul3A_399 : i32
              %get3A_401 = arith.index_cast %add3A_400 : i32 to index
              %get3A_402 = tpu.vector_load %arg15[%get3A_401] {strides = array<i32>} : memref<16400xf32, #tpu.memory_space<vmem>>, vector<16xf32>,
              %get3A_403 = arith.index_cast %add3A_400 : i32 to index
              %get3A_404 = tpu.vector_load %arg14[%get3A_403] {strides = array<i32>} : memref<16400xi32, #tpu.memory_space<vmem>>, vector<16xi32>,
              %add3A_405 = vector.broadcast %add3A_400 : i32 to vector<16xi32>
              %add3A_406 = arith.addi %add3A_405, %iota3A : vector<16xi32>
              %ge3A = vector.broadcast %squeeze3A_243 : i32 to vector<16xi32>
              %ge3A_407 = arith.cmpi sge, %add3A_406, %ge3A : vector<16xi32>
              %lt3A_408 = vector.broadcast %add3A_248 : i32 to vector<16xi32>
              %lt3A_409 = arith.cmpi slt, %add3A_406, %lt3A_408 : vector<16xi32>
              %and3A_410 = arith.andi %ge3A_407, %lt3A_409 : vector<16xi1>
              %gt3A_411 = arith.constant 0.000000e+00 : f32
              %gt3A_412 = vector.broadcast %gt3A_411 : f32 to vector<16xf32>
              %gt3A_413 = arith.cmpf ogt, %get3A_402, %gt3A_412 : vector<16xf32>
              %and3A_414 = arith.andi %and3A_410, %gt3A_413 : vector<16xi1>
              %eq3A = arith.cmpi eq, %get3A_404, %add3A_406 : vector<16xi32>
              %and3A_415 = arith.andi %and3A_414, %eq3A : vector<16xi1>
              %sub3A_416 = vector.broadcast %while3A_365 : f32 to vector<16xf32>
              %sub3A_417 = arith.subf %get3A_402, %sub3A_416 : vector<16xf32>
              %exp3A = math.exp %sub3A_417 : vector<16xf32>
              %jit3A_418 = arith.constant 0.000000e+00 : f32
              %broadcast_in_dim3A_419 = vector.broadcast %jit3A_418 : f32 to vector<16xf32>
              %select_n3A_420 = arith.select %and3A_415, %exp3A, %broadcast_in_dim3A_419 : vector<16xi1>, vector<16xf32>
              %reduce_sum3A = arith.constant true
              %reduce_sum3A_421 = vector.broadcast %reduce_sum3A : i1 to vector<16xi1>
              %reduce_sum3A_422 = tpu.scan <sum>, %select_n3A_420 masked %reduce_sum3A_421 : vector<16xf32>, vector<16xi1> -> vector<16xf32>
              %reduce_sum3A_423 = vector.extract %reduce_sum3A_422[15] : f32 from vector<16xf32>
              %add3A_424 = arith.addf %while3A_397, %reduce_sum3A_423 : f32
              scf.yield %add3A_424 : f32
            }
            %while3A_376 = arith.constant 1 : i32
            %while3A_377 = scf.for %while3A_396 = %while3A_373 to %while3A_369 step %while3A_376 iter_args(%while3A_397 = %while3A_375) -> (f32)  : i32 {
              %mul3A_398 = arith.constant 16 : i32
              %mul3A_399 = arith.muli %while3A_396, %mul3A_398 : i32
              %add3A_400 = arith.addi %mul3A_274, %mul3A_399 : i32
              %get3A_401 = arith.index_cast %add3A_400 : i32 to index
              %get3A_402 = tpu.vector_load %arg15[%get3A_401] {strides = array<i32>} : memref<16400xf32, #tpu.memory_space<vmem>>, vector<16xf32>,
              %get3A_403 = arith.index_cast %add3A_400 : i32 to index
              %get3A_404 = tpu.vector_load %arg14[%get3A_403] {strides = array<i32>} : memref<16400xi32, #tpu.memory_space<vmem>>, vector<16xi32>,
              %add3A_405 = vector.broadcast %add3A_400 : i32 to vector<16xi32>
              %add3A_406 = arith.addi %add3A_405, %iota3A : vector<16xi32>
              %ge3A = vector.broadcast %squeeze3A_243 : i32 to vector<16xi32>
              %ge3A_407 = arith.cmpi sge, %add3A_406, %ge3A : vector<16xi32>
              %lt3A_408 = vector.broadcast %add3A_248 : i32 to vector<16xi32>
              %lt3A_409 = arith.cmpi slt, %add3A_406, %lt3A_408 : vector<16xi32>
              %and3A_410 = arith.andi %ge3A_407, %lt3A_409 : vector<16xi1>
              %gt3A_411 = arith.constant 0.000000e+00 : f32
              %gt3A_412 = vector.broadcast %gt3A_411 : f32 to vector<16xf32>
              %gt3A_413 = arith.cmpf ogt, %get3A_402, %gt3A_412 : vector<16xf32>
              %and3A_414 = arith.andi %and3A_410, %gt3A_413 : vector<16xi1>
              %eq3A = arith.cmpi eq, %get3A_404, %add3A_406 : vector<16xi32>
              %and3A_415 = arith.andi %and3A_414, %eq3A : vector<16xi1>
              %sub3A_416 = vector.broadcast %while3A_365 : f32 to vector<16xf32>
              %sub3A_417 = arith.subf %get3A_402, %sub3A_416 : vector<16xf32>
              %exp3A = math.exp %sub3A_417 : vector<16xf32>
              %jit3A_418 = arith.constant 0.000000e+00 : f32
              %broadcast_in_dim3A_419 = vector.broadcast %jit3A_418 : f32 to vector<16xf32>
              %select_n3A_420 = arith.select %and3A_415, %exp3A, %broadcast_in_dim3A_419 : vector<16xi1>, vector<16xf32>
              %reduce_sum3A = arith.constant true
              %reduce_sum3A_421 = vector.broadcast %reduce_sum3A : i1 to vector<16xi1>
              %reduce_sum3A_422 = tpu.scan <sum>, %select_n3A_420 masked %reduce_sum3A_421 : vector<16xf32>, vector<16xi1> -> vector<16xf32>
              %reduce_sum3A_423 = vector.extract %reduce_sum3A_422[15] : f32 from vector<16xf32>
              %add3A_424 = arith.addf %while3A_397, %reduce_sum3A_423 : f32
              scf.yield %add3A_424 : f32
            }
            %while3A_378 = arith.constant 0 : i32
            %while3A_379 = arith.constant 0 : i32
            %while3A_380 = arith.subi %select_n3A_303, %while3A_378 : i32
            %while3A_381 = arith.addi %while3A_378, %while3A_380 : i32
            %while3A_382 = arith.constant 1 : i32
            %while3A_383 = arith.divsi %while3A_380, %while3A_382 : i32
            %while3A_384 = arith.muli %while3A_383, %while3A_382 : i32
            %while3A_385 = arith.addi %while3A_378, %while3A_384 : i32
            %while3A_386 = arith.constant 1 : i32
            %while3A_387 = scf.for %while3A_396 = %while3A_378 to %while3A_385 step %while3A_386 iter_args(%while3A_397 = %while3A_379) -> (i32)  : i32 {
              %mul3A_398 = arith.constant 16 : i32
              %mul3A_399 = arith.muli %while3A_396, %mul3A_398 : i32
              %add3A_400 = arith.addi %mul3A_274, %mul3A_399 : i32
              %get3A_401 = arith.index_cast %add3A_400 : i32 to index
              %get3A_402 = tpu.vector_load %arg15[%get3A_401] {strides = array<i32>} : memref<16400xf32, #tpu.memory_space<vmem>>, vector<16xf32>,
              %add3A_403 = vector.broadcast %add3A_400 : i32 to vector<16xi32>
              %add3A_404 = arith.addi %add3A_403, %iota3A : vector<16xi32>
              %ge3A = vector.broadcast %squeeze3A_243 : i32 to vector<16xi32>
              %ge3A_405 = arith.cmpi sge, %add3A_404, %ge3A : vector<16xi32>
              %lt3A_406 = vector.broadcast %add3A_248 : i32 to vector<16xi32>
              %lt3A_407 = arith.cmpi slt, %add3A_404, %lt3A_406 : vector<16xi32>
              %and3A_408 = arith.andi %ge3A_405, %lt3A_407 : vector<16xi1>
              %gt3A_409 = arith.constant 0.000000e+00 : f32
              %gt3A_410 = vector.broadcast %gt3A_409 : f32 to vector<16xf32>
              %gt3A_411 = arith.cmpf ogt, %get3A_402, %gt3A_410 : vector<16xf32>
              %and3A_412 = arith.andi %and3A_408, %gt3A_411 : vector<16xi1>
              %sub3A_413 = vector.broadcast %while3A_365 : f32 to vector<16xf32>
              %sub3A_414 = arith.subf %get3A_402, %sub3A_413 : vector<16xf32>
              %exp3A = math.exp %sub3A_414 : vector<16xf32>
              %div3A_415 = vector.broadcast %while3A_377 : f32 to vector<16xf32>
              %div3A_416 = arith.divf %exp3A, %div3A_415 : vector<16xf32>
              %jit3A_417 = arith.constant 0.000000e+00 : f32
              %broadcast_in_dim3A_418 = vector.broadcast %jit3A_417 : f32 to vector<16xf32>
              %select_n3A_419 = arith.select %and3A_408, %broadcast_in_dim3A_418, %get3A_402 : vector<16xi1>, vector<16xf32>
              %select_n3A_420 = arith.select %and3A_412, %div3A_416, %select_n3A_419 : vector<16xi1>, vector<16xf32>
              %swap3A = arith.index_cast %add3A_400 : i32 to index
              %swap3A_421 = tpu.vector_load %arg15[%swap3A] {strides = array<i32>} : memref<16400xf32, #tpu.memory_space<vmem>>, vector<16xf32>,
              tpu.vector_store %arg15[%swap3A], %select_n3A_420 {strides = array<i32>} : memref<16400xf32, #tpu.memory_space<vmem>>, vector<16xf32>,
              %while3A_422 = arith.constant 0 : i32
              scf.yield %while3A_422 : i32
            }
            %while3A_388 = arith.constant 1 : i32
            %while3A_389 = scf.for %while3A_396 = %while3A_385 to %while3A_381 step %while3A_388 iter_args(%while3A_397 = %while3A_387) -> (i32)  : i32 {
              %mul3A_398 = arith.constant 16 : i32
              %mul3A_399 = arith.muli %while3A_396, %mul3A_398 : i32
              %add3A_400 = arith.addi %mul3A_274, %mul3A_399 : i32
              %get3A_401 = arith.index_cast %add3A_400 : i32 to index
              %get3A_402 = tpu.vector_load %arg15[%get3A_401] {strides = array<i32>} : memref<16400xf32, #tpu.memory_space<vmem>>, vector<16xf32>,
              %add3A_403 = vector.broadcast %add3A_400 : i32 to vector<16xi32>
              %add3A_404 = arith.addi %add3A_403, %iota3A : vector<16xi32>
              %ge3A = vector.broadcast %squeeze3A_243 : i32 to vector<16xi32>
              %ge3A_405 = arith.cmpi sge, %add3A_404, %ge3A : vector<16xi32>
              %lt3A_406 = vector.broadcast %add3A_248 : i32 to vector<16xi32>
              %lt3A_407 = arith.cmpi slt, %add3A_404, %lt3A_406 : vector<16xi32>
              %and3A_408 = arith.andi %ge3A_405, %lt3A_407 : vector<16xi1>
              %gt3A_409 = arith.constant 0.000000e+00 : f32
              %gt3A_410 = vector.broadcast %gt3A_409 : f32 to vector<16xf32>
              %gt3A_411 = arith.cmpf ogt, %get3A_402, %gt3A_410 : vector<16xf32>
              %and3A_412 = arith.andi %and3A_408, %gt3A_411 : vector<16xi1>
              %sub3A_413 = vector.broadcast %while3A_365 : f32 to vector<16xf32>
              %sub3A_414 = arith.subf %get3A_402, %sub3A_413 : vector<16xf32>
              %exp3A = math.exp %sub3A_414 : vector<16xf32>
              %div3A_415 = vector.broadcast %while3A_377 : f32 to vector<16xf32>
              %div3A_416 = arith.divf %exp3A, %div3A_415 : vector<16xf32>
              %jit3A_417 = arith.constant 0.000000e+00 : f32
              %broadcast_in_dim3A_418 = vector.broadcast %jit3A_417 : f32 to vector<16xf32>
              %select_n3A_419 = arith.select %and3A_408, %broadcast_in_dim3A_418, %get3A_402 : vector<16xi1>, vector<16xf32>
              %select_n3A_420 = arith.select %and3A_412, %div3A_416, %select_n3A_419 : vector<16xi1>, vector<16xf32>
              %swap3A = arith.index_cast %add3A_400 : i32 to index
              %swap3A_421 = tpu.vector_load %arg15[%swap3A] {strides = array<i32>} : memref<16400xf32, #tpu.memory_space<vmem>>, vector<16xf32>,
              tpu.vector_store %arg15[%swap3A], %select_n3A_420 {strides = array<i32>} : memref<16400xf32, #tpu.memory_space<vmem>>, vector<16xf32>,
              %while3A_422 = arith.constant 0 : i32
              scf.yield %while3A_422 : i32
            }
            %broadcast_in_dim3A_390 = arith.constant 1.000000e+00 : f32
            %broadcast_in_dim3A_391 = vector.broadcast %broadcast_in_dim3A_390 : f32 to vector<16xf32>
            %div3A_392 = vector.broadcast %while3A_377 : f32 to vector<16xf32>
            %div3A_393 = arith.divf %broadcast_in_dim3A_391, %div3A_392 : vector<16xf32>
            %slice3A_394 = vector.extract_strided_slice %div3A_393 {offsets = [0], sizes = [1], strides = [1]} : vector<16xf32> to vector<1xf32>
            %squeeze3A_395 = vector.extract %slice3A_394[0] : f32 from vector<1xf32>
            scf.yield %squeeze3A_395 : f32
          }
          %cond3A_363 = arith.constant 0 : i32
          scf.yield %cond3A_363 : i32
        } else {
          %while3A_329 = arith.constant 4.8828125E-4 : f32
          %while3A_330 = arith.constant 0 : i32
          %while3A_331 = arith.constant 0 : i32
          %while3A_332 = arith.subi %select_n3A_303, %while3A_330 : i32
          %while3A_333 = arith.addi %while3A_330, %while3A_332 : i32
          %while3A_334 = arith.constant 1 : i32
          %while3A_335 = arith.divsi %while3A_332, %while3A_334 : i32
          %while3A_336 = arith.muli %while3A_335, %while3A_334 : i32
          %while3A_337 = arith.addi %while3A_330, %while3A_336 : i32
          %while3A_338 = arith.constant 1 : i32
          %while3A_339 = scf.for %while3A_343 = %while3A_330 to %while3A_337 step %while3A_338 iter_args(%while3A_344 = %while3A_331) -> (i32)  : i32 {
            %mul3A_345 = arith.constant 16 : i32
            %mul3A_346 = arith.muli %while3A_343, %mul3A_345 : i32
            %add3A_347 = arith.addi %mul3A_274, %mul3A_346 : i32
            %get3A_348 = arith.index_cast %add3A_347 : i32 to index
            %get3A_349 = tpu.vector_load %arg15[%get3A_348] {strides = array<i32>} : memref<16400xf32, #tpu.memory_space<vmem>>, vector<16xf32>,
            %add3A_350 = vector.broadcast %add3A_347 : i32 to vector<16xi32>
            %add3A_351 = arith.addi %add3A_350, %iota3A : vector<16xi32>
            %ge3A = vector.broadcast %squeeze3A_243 : i32 to vector<16xi32>
            %ge3A_352 = arith.cmpi sge, %add3A_351, %ge3A : vector<16xi32>
            %lt3A_353 = vector.broadcast %add3A_248 : i32 to vector<16xi32>
            %lt3A_354 = arith.cmpi slt, %add3A_351, %lt3A_353 : vector<16xi32>
            %and3A_355 = arith.andi %ge3A_352, %lt3A_354 : vector<16xi1>
            %broadcast_in_dim3A_356 = vector.broadcast %while3A_329 : f32 to vector<16xf32>
            %select_n3A_357 = arith.select %and3A_355, %broadcast_in_dim3A_356, %get3A_349 : vector<16xi1>, vector<16xf32>
            %swap3A = arith.index_cast %add3A_347 : i32 to index
            %swap3A_358 = tpu.vector_load %arg15[%swap3A] {strides = array<i32>} : memref<16400xf32, #tpu.memory_space<vmem>>, vector<16xf32>,
            tpu.vector_store %arg15[%swap3A], %select_n3A_357 {strides = array<i32>} : memref<16400xf32, #tpu.memory_space<vmem>>, vector<16xf32>,
            %while3A_359 = arith.constant 0 : i32
            scf.yield %while3A_359 : i32
          }
          %while3A_340 = arith.constant 1 : i32
          %while3A_341 = scf.for %while3A_343 = %while3A_337 to %while3A_333 step %while3A_340 iter_args(%while3A_344 = %while3A_339) -> (i32)  : i32 {
            %mul3A_345 = arith.constant 16 : i32
            %mul3A_346 = arith.muli %while3A_343, %mul3A_345 : i32
            %add3A_347 = arith.addi %mul3A_274, %mul3A_346 : i32
            %get3A_348 = arith.index_cast %add3A_347 : i32 to index
            %get3A_349 = tpu.vector_load %arg15[%get3A_348] {strides = array<i32>} : memref<16400xf32, #tpu.memory_space<vmem>>, vector<16xf32>,
            %add3A_350 = vector.broadcast %add3A_347 : i32 to vector<16xi32>
            %add3A_351 = arith.addi %add3A_350, %iota3A : vector<16xi32>
            %ge3A = vector.broadcast %squeeze3A_243 : i32 to vector<16xi32>
            %ge3A_352 = arith.cmpi sge, %add3A_351, %ge3A : vector<16xi32>
            %lt3A_353 = vector.broadcast %add3A_248 : i32 to vector<16xi32>
            %lt3A_354 = arith.cmpi slt, %add3A_351, %lt3A_353 : vector<16xi32>
            %and3A_355 = arith.andi %ge3A_352, %lt3A_354 : vector<16xi1>
            %broadcast_in_dim3A_356 = vector.broadcast %while3A_329 : f32 to vector<16xf32>
            %select_n3A_357 = arith.select %and3A_355, %broadcast_in_dim3A_356, %get3A_349 : vector<16xi1>, vector<16xf32>
            %swap3A = arith.index_cast %add3A_347 : i32 to index
            %swap3A_358 = tpu.vector_load %arg15[%swap3A] {strides = array<i32>} : memref<16400xf32, #tpu.memory_space<vmem>>, vector<16xf32>,
            tpu.vector_store %arg15[%swap3A], %select_n3A_357 {strides = array<i32>} : memref<16400xf32, #tpu.memory_space<vmem>>, vector<16xf32>,
            %while3A_359 = arith.constant 0 : i32
            scf.yield %while3A_359 : i32
          }
          %cond3A_342 = arith.constant 0 : i32
          scf.yield %cond3A_342 : i32
        }
        %cond3A_328 = arith.constant 0 : i32
        scf.yield %cond3A_328 : i32
      } else {
        %cond3A_311 = arith.constant 0 : i32
        scf.yield %cond3A_311 : i32
      }
      %scan3A_310 = arith.constant 0 : i32
      scf.yield %scan3A_310 : i32
    }
    %scan3A_146 = arith.constant 64 : i32
    %broadcast_in_dim3A = arith.constant 0.000000e+00 : f32
    %broadcast_in_dim3A_147 = vector.broadcast %broadcast_in_dim3A : f32 to vector<16xf32>
    %scan3A_148 = arith.constant 0 : i32
    %scan3A_149 = arith.constant 0 : i32
    %scan3A_150 = arith.constant 64 : i32
    %scan3A_151 = arith.addi %scan3A_149, %scan3A_150 : i32
    %scan3A_152 = arith.constant 1 : i32
    %scan3A_153 = scf.for %scan3A_238 = %scan3A_149 to %scan3A_151 step %scan3A_152 iter_args(%scan3A_239 = %scan3A_148) -> (i32)  : i32 {
      %swap3A = arith.index_cast %scan3A_238 : i32 to index
      %swap3A_240 = arith.constant 0 : index
      %swap3A_241 = tpu.vector_load %arg24[%swap3A, %swap3A_240] {strides = array<i32>} : memref<64x128xf32, #tpu.memory_space<vmem>>, vector<16xf32>,
      tpu.vector_store %arg24[%swap3A, %swap3A_240], %broadcast_in_dim3A_147 {strides = array<i32>} : memref<64x128xf32, #tpu.memory_space<vmem>>, vector<16xf32>,
      %swap3A_242 = arith.index_cast %scan3A_238 : i32 to index
      %swap3A_243 = arith.constant 16 : index
      %swap3A_244 = tpu.vector_load %arg24[%swap3A_242, %swap3A_243] {strides = array<i32>} : memref<64x128xf32, #tpu.memory_space<vmem>>, vector<16xf32>,
      tpu.vector_store %arg24[%swap3A_242, %swap3A_243], %broadcast_in_dim3A_147 {strides = array<i32>} : memref<64x128xf32, #tpu.memory_space<vmem>>, vector<16xf32>,
      %swap3A_245 = arith.index_cast %scan3A_238 : i32 to index
      %swap3A_246 = arith.constant 32 : index
      %swap3A_247 = tpu.vector_load %arg24[%swap3A_245, %swap3A_246] {strides = array<i32>} : memref<64x128xf32, #tpu.memory_space<vmem>>, vector<16xf32>,
      tpu.vector_store %arg24[%swap3A_245, %swap3A_246], %broadcast_in_dim3A_147 {strides = array<i32>} : memref<64x128xf32, #tpu.memory_space<vmem>>, vector<16xf32>,
      %swap3A_248 = arith.index_cast %scan3A_238 : i32 to index
      %swap3A_249 = arith.constant 48 : index
      %swap3A_250 = tpu.vector_load %arg24[%swap3A_248, %swap3A_249] {strides = array<i32>} : memref<64x128xf32, #tpu.memory_space<vmem>>, vector<16xf32>,
      tpu.vector_store %arg24[%swap3A_248, %swap3A_249], %broadcast_in_dim3A_147 {strides = array<i32>} : memref<64x128xf32, #tpu.memory_space<vmem>>, vector<16xf32>,
      %swap3A_251 = arith.index_cast %scan3A_238 : i32 to index
      %swap3A_252 = arith.constant 64 : index
      %swap3A_253 = tpu.vector_load %arg24[%swap3A_251, %swap3A_252] {strides = array<i32>} : memref<64x128xf32, #tpu.memory_space<vmem>>, vector<16xf32>,
      tpu.vector_store %arg24[%swap3A_251, %swap3A_252], %broadcast_in_dim3A_147 {strides = array<i32>} : memref<64x128xf32, #tpu.memory_space<vmem>>, vector<16xf32>,
      %swap3A_254 = arith.index_cast %scan3A_238 : i32 to index
      %swap3A_255 = arith.constant 80 : index
      %swap3A_256 = tpu.vector_load %arg24[%swap3A_254, %swap3A_255] {strides = array<i32>} : memref<64x128xf32, #tpu.memory_space<vmem>>, vector<16xf32>,
      tpu.vector_store %arg24[%swap3A_254, %swap3A_255], %broadcast_in_dim3A_147 {strides = array<i32>} : memref<64x128xf32, #tpu.memory_space<vmem>>, vector<16xf32>,
      %swap3A_257 = arith.index_cast %scan3A_238 : i32 to index
      %swap3A_258 = arith.constant 96 : index
      %swap3A_259 = tpu.vector_load %arg24[%swap3A_257, %swap3A_258] {strides = array<i32>} : memref<64x128xf32, #tpu.memory_space<vmem>>, vector<16xf32>,
      tpu.vector_store %arg24[%swap3A_257, %swap3A_258], %broadcast_in_dim3A_147 {strides = array<i32>} : memref<64x128xf32, #tpu.memory_space<vmem>>, vector<16xf32>,
      %swap3A_260 = arith.index_cast %scan3A_238 : i32 to index
      %swap3A_261 = arith.constant 112 : index
      %swap3A_262 = tpu.vector_load %arg24[%swap3A_260, %swap3A_261] {strides = array<i32>} : memref<64x128xf32, #tpu.memory_space<vmem>>, vector<16xf32>,
      tpu.vector_store %arg24[%swap3A_260, %swap3A_261], %broadcast_in_dim3A_147 {strides = array<i32>} : memref<64x128xf32, #tpu.memory_space<vmem>>, vector<16xf32>,
      %scan3A_263 = arith.constant 0 : i32
      scf.yield %scan3A_263 : i32
    }
    %scan3A_154 = arith.constant 64 : i32
    %jit3A_155 = arith.constant 64 : i32
    %div3A_156 = arith.divsi %squeeze3A, %jit3A_155 : i32
    %sign3A_157 = arith.constant 0 : i32
    %sign3A_158 = arith.cmpi sgt, %squeeze3A, %sign3A_157 : i32
    %sign3A_159 = arith.extui %sign3A_158 : i1 to i32
    %sign3A_160 = arith.constant 0 : i32
    %sign3A_161 = arith.cmpi slt, %squeeze3A, %sign3A_160 : i32
    %sign3A_162 = arith.extui %sign3A_161 : i1 to i32
    %sign3A_163 = arith.subi %sign3A_159, %sign3A_162 : i32
    %sign3A_164 = arith.constant 0 : i32
    %sign3A_165 = arith.cmpi sgt, %jit3A_155, %sign3A_164 : i32
    %sign3A_166 = arith.extui %sign3A_165 : i1 to i32
    %sign3A_167 = arith.constant 0 : i32
    %sign3A_168 = arith.cmpi slt, %jit3A_155, %sign3A_167 : i32
    %sign3A_169 = arith.extui %sign3A_168 : i1 to i32
    %sign3A_170 = arith.subi %sign3A_166, %sign3A_169 : i32
    %ne3A_171 = arith.cmpi ne, %sign3A_163, %sign3A_170 : i32
    %rem3A_172 = arith.remsi %squeeze3A, %jit3A_155 : i32
    %ne3A_173 = arith.constant 0 : i32
    %ne3A_174 = arith.cmpi ne, %rem3A_172, %ne3A_173 : i32
    %and3A_175 = arith.andi %ne3A_171, %ne3A_174 : i1
    %sub3A_176 = arith.constant 1 : i32
    %sub3A_177 = arith.subi %div3A_156, %sub3A_176 : i32
    %select_n3A_178 = arith.select %and3A_175, %sub3A_177, %div3A_156 : i32
    %add3A_179 = arith.constant 64 : i32
    %add3A_180 = arith.addi %add3A_12, %add3A_179 : i32
    %sub3A_181 = arith.constant 1 : i32
    %sub3A_182 = arith.subi %add3A_180, %sub3A_181 : i32
    %jit3A_183 = arith.constant 64 : i32
    %div3A_184 = arith.divsi %sub3A_182, %jit3A_183 : i32
    %sign3A_185 = arith.constant 0 : i32
    %sign3A_186 = arith.cmpi sgt, %sub3A_182, %sign3A_185 : i32
    %sign3A_187 = arith.extui %sign3A_186 : i1 to i32
    %sign3A_188 = arith.constant 0 : i32
    %sign3A_189 = arith.cmpi slt, %sub3A_182, %sign3A_188 : i32
    %sign3A_190 = arith.extui %sign3A_189 : i1 to i32
    %sign3A_191 = arith.subi %sign3A_187, %sign3A_190 : i32
    %sign3A_192 = arith.constant 0 : i32
    %sign3A_193 = arith.cmpi sgt, %jit3A_183, %sign3A_192 : i32
    %sign3A_194 = arith.extui %sign3A_193 : i1 to i32
    %sign3A_195 = arith.constant 0 : i32
    %sign3A_196 = arith.cmpi slt, %jit3A_183, %sign3A_195 : i32
    %sign3A_197 = arith.extui %sign3A_196 : i1 to i32
    %sign3A_198 = arith.subi %sign3A_194, %sign3A_197 : i32
    %ne3A_199 = arith.cmpi ne, %sign3A_191, %sign3A_198 : i32
    %rem3A_200 = arith.remsi %sub3A_182, %jit3A_183 : i32
    %ne3A_201 = arith.constant 0 : i32
    %ne3A_202 = arith.cmpi ne, %rem3A_200, %ne3A_201 : i32
    %and3A_203 = arith.andi %ne3A_199, %ne3A_202 : i1
    %sub3A_204 = arith.constant 1 : i32
    %sub3A_205 = arith.subi %div3A_184, %sub3A_204 : i32
    %select_n3A_206 = arith.select %and3A_203, %sub3A_205, %div3A_184 : i32
    %lt3A = arith.cmpi slt, %select_n3A_178, %select_n3A_206 : i32
    %convert_element_type3A = arith.extui %lt3A : i1 to i32
    %cond3A = arith.constant 0 : i32
    %cond3A_207 = arith.constant 0 : i32
    %cond3A_208 = arith.cmpi ne, %convert_element_type3A, %cond3A_207 : i32
    %cond3A_209 = scf.if %cond3A_208 -> (i32) {
      %cond3A_238 = arith.constant 1 : i32
      %cond3A_239 = arith.constant 0 : i32
      %mul3A_240 = arith.constant 64 : i32
      %mul3A_241 = arith.muli %select_n3A_178, %mul3A_240 : i32
      %dma_start3A_242 = arith.constant 0 : i32
      %dma_start3A_243 = arith.constant 0 : i32
      %dma_start3A_244 = arith.constant 0 : i32
      %dma_start3A_245 = tpu.memref_slice %arg23[%dma_start3A_242, %dma_start3A_243, %dma_start3A_244] : memref<2x64x128xf32, #tpu.memory_space<vmem>> -> memref<1x64x128xf32, #tpu.memory_space<vmem>>
      %dma_start3A_246 = tpu.memref_squeeze %dma_start3A_245 : memref<1x64x128xf32, #tpu.memory_space<vmem>> -> memref<64x128xf32, #tpu.memory_space<vmem>>
      %dma_start3A_247 = tpu.memref_slice %arg13[%mul3A_241] : memref<16400xi32, #tpu.memory_space<vmem>> -> memref<64xi32, #tpu.memory_space<vmem>>
      %dma_start3A_248 = arith.constant 0 : i32
      %dma_start3A_249 = arith.constant 0 : i32
      %dma_start3A_250 = tpu.memref_slice %arg2[%dma_start3A_248, %dma_start3A_249] : memref<2048x128xf32, #tpu.memory_space<hbm>> -> memref<2048x128xf32, #tpu.memory_space<hbm>>
      tpu.enqueue_indirect_dma source(%dma_start3A_250 : memref<2048x128xf32, #tpu.memory_space<hbm>>) target(%dma_start3A_246 : memref<64x128xf32, #tpu.memory_space<vmem>>) offsets(%dma_start3A_247 : memref<64xi32, #tpu.memory_space<vmem>>) semaphore(%arg27 : memref<!tpu.dma_semaphore, #tpu.memory_space<semaphore_mem>>)
      %cond3A_251 = arith.constant 0 : i32
      %cond3A_252 = arith.constant 0 : i32
      scf.yield %cond3A_252 : i32
    } else {
      %cond3A_238 = arith.constant 0 : i32
      scf.yield %cond3A_238 : i32
    }
    %sub3A_210 = arith.subi %select_n3A_206, %select_n3A_178 : i32
    %while3A_211 = arith.constant 0 : i32
    %while3A_212 = arith.constant 0 : i32
    %while3A_213 = arith.subi %sub3A_210, %while3A_211 : i32
    %while3A_214 = arith.addi %while3A_211, %while3A_213 : i32
    %while3A_215 = arith.constant 1 : i32
    %while3A_216 = arith.divsi %while3A_213, %while3A_215 : i32
    %while3A_217 = arith.muli %while3A_216, %while3A_215 : i32
    %while3A_218 = arith.addi %while3A_211, %while3A_217 : i32
    %while3A_219 = arith.constant 1 : i32
    %while3A_220 = scf.for %while3A_238 = %while3A_211 to %while3A_218 step %while3A_219 iter_args(%while3A_239 = %while3A_212) -> (i32)  : i32 {
      %add3A_240 = arith.addi %select_n3A_178, %while3A_238 : i32
      %jit3A_241 = arith.constant 2 : i32
      %eq3A = arith.constant 0 : i32
      %eq3A_242 = arith.cmpi eq, %jit3A_241, %eq3A : i32
      %jit3A_243 = arith.constant 1 : i32
      %select_n3A_244 = arith.select %eq3A_242, %jit3A_243, %jit3A_241 : i32
      %rem3A_245 = arith.remsi %while3A_238, %select_n3A_244 : i32
      %ne3A_246 = arith.constant 0 : i32
      %ne3A_247 = arith.cmpi ne, %rem3A_245, %ne3A_246 : i32
      %lt3A_248 = arith.constant 0 : i32
      %lt3A_249 = arith.cmpi slt, %rem3A_245, %lt3A_248 : i32
      %lt3A_250 = arith.constant 0 : i32
      %lt3A_251 = arith.cmpi slt, %select_n3A_244, %lt3A_250 : i32
      %ne3A_252 = arith.xori %lt3A_249, %lt3A_251 : i1
      %and3A_253 = arith.andi %ne3A_252, %ne3A_247 : i1
      %add3A_254 = arith.addi %rem3A_245, %select_n3A_244 : i32
      %select_n3A_255 = arith.select %and3A_253, %add3A_254, %rem3A_245 : i32
      %add3A_256 = arith.constant 1 : i32
      %add3A_257 = arith.addi %add3A_240, %add3A_256 : i32
      %lt3A_258 = arith.cmpi slt, %add3A_257, %select_n3A_206 : i32
      %convert_element_type3A_259 = arith.extui %lt3A_258 : i1 to i32
      %cond3A_260 = arith.constant 0 : i32
      %cond3A_261 = arith.constant 0 : i32
      %cond3A_262 = arith.cmpi ne, %convert_element_type3A_259, %cond3A_261 : i32
      %cond3A_263 = scf.if %cond3A_262 -> (i32) {
        %add3A_272 = arith.constant 1 : i32
        %add3A_273 = arith.addi %add3A_240, %add3A_272 : i32
        %sub3A_274 = arith.constant 1 : i32
        %sub3A_275 = arith.subi %sub3A_274, %select_n3A_255 : i32
        %eq3A_276 = arith.constant 0 : i32
        %eq3A_277 = arith.cmpi eq, %sub3A_275, %eq3A_276 : i32
        %convert_element_type3A_278 = arith.extui %eq3A_277 : i1 to i32
        %cond3A_279 = arith.constant 0 : i32
        %cond3A_280 = arith.constant 0 : i32
        %cond3A_281 = arith.cmpi ne, %convert_element_type3A_278, %cond3A_280 : i32
        %cond3A_282 = scf.if %cond3A_281 -> (i32) {
          %mul3A_284 = arith.constant 64 : i32
          %mul3A_285 = arith.muli %add3A_273, %mul3A_284 : i32
          %dma_start3A_286 = arith.constant 0 : i32
          %dma_start3A_287 = arith.constant 0 : i32
          %dma_start3A_288 = arith.constant 0 : i32
          %dma_start3A_289 = tpu.memref_slice %arg23[%dma_start3A_286, %dma_start3A_287, %dma_start3A_288] : memref<2x64x128xf32, #tpu.memory_space<vmem>> -> memref<1x64x128xf32, #tpu.memory_space<vmem>>
          %dma_start3A_290 = tpu.memref_squeeze %dma_start3A_289 : memref<1x64x128xf32, #tpu.memory_space<vmem>> -> memref<64x128xf32, #tpu.memory_space<vmem>>
          %dma_start3A_291 = tpu.memref_slice %arg13[%mul3A_285] : memref<16400xi32, #tpu.memory_space<vmem>> -> memref<64xi32, #tpu.memory_space<vmem>>
          %dma_start3A_292 = arith.constant 0 : i32
          %dma_start3A_293 = arith.constant 0 : i32
          %dma_start3A_294 = tpu.memref_slice %arg2[%dma_start3A_292, %dma_start3A_293] : memref<2048x128xf32, #tpu.memory_space<hbm>> -> memref<2048x128xf32, #tpu.memory_space<hbm>>
          tpu.enqueue_indirect_dma source(%dma_start3A_294 : memref<2048x128xf32, #tpu.memory_space<hbm>>) target(%dma_start3A_290 : memref<64x128xf32, #tpu.memory_space<vmem>>) offsets(%dma_start3A_291 : memref<64xi32, #tpu.memory_space<vmem>>) semaphore(%arg27 : memref<!tpu.dma_semaphore, #tpu.memory_space<semaphore_mem>>)
          %cond3A_295 = arith.constant 0 : i32
          scf.yield %cond3A_295 : i32
        } else {
          %mul3A_284 = arith.constant 64 : i32
          %mul3A_285 = arith.muli %add3A_273, %mul3A_284 : i32
          %dma_start3A_286 = arith.constant 1 : i32
          %dma_start3A_287 = arith.constant 0 : i32
          %dma_start3A_288 = arith.constant 0 : i32
          %dma_start3A_289 = tpu.memref_slice %arg23[%dma_start3A_286, %dma_start3A_287, %dma_start3A_288] : memref<2x64x128xf32, #tpu.memory_space<vmem>> -> memref<1x64x128xf32, #tpu.memory_space<vmem>>
          %dma_start3A_290 = tpu.memref_squeeze %dma_start3A_289 : memref<1x64x128xf32, #tpu.memory_space<vmem>> -> memref<64x128xf32, #tpu.memory_space<vmem>>
          %dma_start3A_291 = tpu.memref_slice %arg13[%mul3A_285] : memref<16400xi32, #tpu.memory_space<vmem>> -> memref<64xi32, #tpu.memory_space<vmem>>
          %dma_start3A_292 = arith.constant 0 : i32
          %dma_start3A_293 = arith.constant 0 : i32
          %dma_start3A_294 = tpu.memref_slice %arg2[%dma_start3A_292, %dma_start3A_293] : memref<2048x128xf32, #tpu.memory_space<hbm>> -> memref<2048x128xf32, #tpu.memory_space<hbm>>
          tpu.enqueue_indirect_dma source(%dma_start3A_294 : memref<2048x128xf32, #tpu.memory_space<hbm>>) target(%dma_start3A_290 : memref<64x128xf32, #tpu.memory_space<vmem>>) offsets(%dma_start3A_291 : memref<64xi32, #tpu.memory_space<vmem>>) semaphore(%arg28 : memref<!tpu.dma_semaphore, #tpu.memory_space<semaphore_mem>>)
          %cond3A_295 = arith.constant 0 : i32
          scf.yield %cond3A_295 : i32
        }
        %cond3A_283 = arith.constant 0 : i32
        scf.yield %cond3A_283 : i32
      } else {
        %cond3A_272 = arith.constant 0 : i32
        scf.yield %cond3A_272 : i32
      }
      %eq3A_264 = arith.constant 0 : i32
      %eq3A_265 = arith.cmpi eq, %select_n3A_255, %eq3A_264 : i32
      %convert_element_type3A_266 = arith.extui %eq3A_265 : i1 to i32
      %cond3A_267 = arith.constant 0 : i32
      %cond3A_268 = arith.constant 0 : i32
      %cond3A_269 = arith.cmpi ne, %convert_element_type3A_266, %cond3A_268 : i32
      %cond3A_270 = scf.if %cond3A_269 -> (i32) {
        %mul3A_272 = arith.constant 64 : i32
        %mul3A_273 = arith.muli %add3A_240, %mul3A_272 : i32
        %dma_wait3A_274 = arith.constant 0 : i32
        %dma_wait3A_275 = arith.constant 0 : i32
        %dma_wait3A_276 = arith.constant 0 : i32
        %dma_wait3A_277 = tpu.memref_slice %arg23[%dma_wait3A_274, %dma_wait3A_275, %dma_wait3A_276] : memref<2x64x128xf32, #tpu.memory_space<vmem>> -> memref<1x64x128xf32, #tpu.memory_space<vmem>>
        %dma_wait3A_278 = tpu.memref_squeeze %dma_wait3A_277 : memref<1x64x128xf32, #tpu.memory_space<vmem>> -> memref<64x128xf32, #tpu.memory_space<vmem>>
        %dma_wait3A_279 = tpu.memref_slice %arg13[%mul3A_273] : memref<16400xi32, #tpu.memory_space<vmem>> -> memref<64xi32, #tpu.memory_space<vmem>>
        %dma_wait3A_280 = arith.constant 0 : i32
        %dma_wait3A_281 = arith.constant 0 : i32
        %dma_wait3A_282 = tpu.memref_slice %arg2[%dma_wait3A_280, %dma_wait3A_281] : memref<2048x128xf32, #tpu.memory_space<hbm>> -> memref<2048x128xf32, #tpu.memory_space<hbm>>
        tpu.wait_indirect_dma semaphore(%arg27 : memref<!tpu.dma_semaphore, #tpu.memory_space<semaphore_mem>>) src(%dma_wait3A_282 : memref<2048x128xf32, #tpu.memory_space<hbm>>) dst(%dma_wait3A_278 : memref<64x128xf32, #tpu.memory_space<vmem>>)
        %mul3A_283 = arith.constant 64 : i32
        %mul3A_284 = arith.muli %add3A_240, %mul3A_283 : i32
        %scan3A_285 = arith.constant 0 : i32
        %scan3A_286 = arith.constant 0 : i32
        %scan3A_287 = arith.constant 0 : i32
        %scan3A_288 = arith.constant 64 : i32
        %scan3A_289 = arith.addi %scan3A_287, %scan3A_288 : i32
        %scan3A_290 = arith.constant 1 : i32
        %scan3A_291 = scf.for %scan3A_294 = %scan3A_287 to %scan3A_289 step %scan3A_290 iter_args(%scan3A_295 = %scan3A_286) -> (i32)  : i32 {
          %add3A_296 = arith.addi %mul3A_284, %scan3A_294 : i32
          %ge3A = arith.cmpi sge, %add3A_296, %squeeze3A : i32
          %lt3A_297 = arith.cmpi slt, %add3A_296, %add3A_12 : i32
          %and3A_298 = arith.andi %ge3A, %lt3A_297 : i1
          %convert_element_type3A_299 = arith.extui %and3A_298 : i1 to i32
          %cond3A_300 = arith.constant 0 : i32
          %cond3A_301 = arith.constant 0 : i32
          %cond3A_302 = arith.cmpi ne, %convert_element_type3A_299, %cond3A_301 : i32
          %cond3A_303 = scf.if %cond3A_302 -> (i32) {
            %get3A_305 = arith.index_cast %add3A_296 : i32 to index
            %get3A_306 = tpu.vector_load %arg12[%get3A_305] {strides = array<i32>} : memref<16400xi32, #tpu.memory_space<vmem>>, vector<16xi32>,
            %slice3A_307 = vector.extract_strided_slice %get3A_306 {offsets = [0], sizes = [1], strides = [1]} : vector<16xi32> to vector<1xi32>
            %squeeze3A_308 = vector.extract %slice3A_307[0] : i32 from vector<1xi32>
            %sub3A_309 = arith.subi %squeeze3A_308, %mul3A_2 : i32
            %get3A_310 = arith.index_cast %add3A_296 : i32 to index
            %get3A_311 = tpu.vector_load %arg15[%get3A_310] {strides = array<i32>} : memref<16400xf32, #tpu.memory_space<vmem>>, vector<16xf32>,
            %slice3A_312 = vector.extract_strided_slice %get3A_311 {offsets = [0], sizes = [1], strides = [1]} : vector<16xf32> to vector<1xf32>
            %squeeze3A_313 = vector.extract %slice3A_312[0] : f32 from vector<1xf32>
            %get3A_314 = arith.index_cast %sub3A_309 : i32 to index
            %get3A_315 = arith.constant 0 : index
            %get3A_316 = tpu.vector_load %arg24[%get3A_314, %get3A_315] {strides = array<i32>} : memref<64x128xf32, #tpu.memory_space<vmem>>, vector<16xf32>,
            %get3A_317 = arith.constant 0 : i32
            %get3A_318 = arith.constant 0 : i32
            %get3A_319 = tpu.memref_slice %arg23[%scan3A_285, %get3A_317, %get3A_318] : memref<2x64x128xf32, #tpu.memory_space<vmem>> -> memref<1x64x128xf32, #tpu.memory_space<vmem>>
            %get3A_320 = tpu.memref_squeeze %get3A_319 : memref<1x64x128xf32, #tpu.memory_space<vmem>> -> memref<64x128xf32, #tpu.memory_space<vmem>>
            %get3A_321 = arith.index_cast %scan3A_294 : i32 to index
            %get3A_322 = arith.constant 0 : index
            %get3A_323 = tpu.vector_load %get3A_320[%get3A_321, %get3A_322] {strides = array<i32>} : memref<64x128xf32, #tpu.memory_space<vmem>>, vector<16xf32>,
            %mul3A_324 = vector.broadcast %squeeze3A_313 : f32 to vector<16xf32>
            %mul3A_325 = arith.mulf %mul3A_324, %get3A_323 : vector<16xf32>
            %add3A_326 = arith.addf %get3A_316, %mul3A_325 : vector<16xf32>
            %swap3A = arith.index_cast %sub3A_309 : i32 to index
            %swap3A_327 = arith.constant 0 : index
            %swap3A_328 = tpu.vector_load %arg24[%swap3A, %swap3A_327] {strides = array<i32>} : memref<64x128xf32, #tpu.memory_space<vmem>>, vector<16xf32>,
            tpu.vector_store %arg24[%swap3A, %swap3A_327], %add3A_326 {strides = array<i32>} : memref<64x128xf32, #tpu.memory_space<vmem>>, vector<16xf32>,
            %get3A_329 = arith.index_cast %sub3A_309 : i32 to index
            %get3A_330 = arith.constant 16 : index
            %get3A_331 = tpu.vector_load %arg24[%get3A_329, %get3A_330] {strides = array<i32>} : memref<64x128xf32, #tpu.memory_space<vmem>>, vector<16xf32>,
            %get3A_332 = arith.constant 0 : i32
            %get3A_333 = arith.constant 0 : i32
            %get3A_334 = tpu.memref_slice %arg23[%scan3A_285, %get3A_332, %get3A_333] : memref<2x64x128xf32, #tpu.memory_space<vmem>> -> memref<1x64x128xf32, #tpu.memory_space<vmem>>
            %get3A_335 = tpu.memref_squeeze %get3A_334 : memref<1x64x128xf32, #tpu.memory_space<vmem>> -> memref<64x128xf32, #tpu.memory_space<vmem>>
            %get3A_336 = arith.index_cast %scan3A_294 : i32 to index
            %get3A_337 = arith.constant 16 : index
            %get3A_338 = tpu.vector_load %get3A_335[%get3A_336, %get3A_337] {strides = array<i32>} : memref<64x128xf32, #tpu.memory_space<vmem>>, vector<16xf32>,
            %mul3A_339 = vector.broadcast %squeeze3A_313 : f32 to vector<16xf32>
            %mul3A_340 = arith.mulf %mul3A_339, %get3A_338 : vector<16xf32>
            %add3A_341 = arith.addf %get3A_331, %mul3A_340 : vector<16xf32>
            %swap3A_342 = arith.index_cast %sub3A_309 : i32 to index
            %swap3A_343 = arith.constant 16 : index
            %swap3A_344 = tpu.vector_load %arg24[%swap3A_342, %swap3A_343] {strides = array<i32>} : memref<64x128xf32, #tpu.memory_space<vmem>>, vector<16xf32>,
            tpu.vector_store %arg24[%swap3A_342, %swap3A_343], %add3A_341 {strides = array<i32>} : memref<64x128xf32, #tpu.memory_space<vmem>>, vector<16xf32>,
            %get3A_345 = arith.index_cast %sub3A_309 : i32 to index
            %get3A_346 = arith.constant 32 : index
            %get3A_347 = tpu.vector_load %arg24[%get3A_345, %get3A_346] {strides = array<i32>} : memref<64x128xf32, #tpu.memory_space<vmem>>, vector<16xf32>,
            %get3A_348 = arith.constant 0 : i32
            %get3A_349 = arith.constant 0 : i32
            %get3A_350 = tpu.memref_slice %arg23[%scan3A_285, %get3A_348, %get3A_349] : memref<2x64x128xf32, #tpu.memory_space<vmem>> -> memref<1x64x128xf32, #tpu.memory_space<vmem>>
            %get3A_351 = tpu.memref_squeeze %get3A_350 : memref<1x64x128xf32, #tpu.memory_space<vmem>> -> memref<64x128xf32, #tpu.memory_space<vmem>>
            %get3A_352 = arith.index_cast %scan3A_294 : i32 to index
            %get3A_353 = arith.constant 32 : index
            %get3A_354 = tpu.vector_load %get3A_351[%get3A_352, %get3A_353] {strides = array<i32>} : memref<64x128xf32, #tpu.memory_space<vmem>>, vector<16xf32>,
            %mul3A_355 = vector.broadcast %squeeze3A_313 : f32 to vector<16xf32>
            %mul3A_356 = arith.mulf %mul3A_355, %get3A_354 : vector<16xf32>
            %add3A_357 = arith.addf %get3A_347, %mul3A_356 : vector<16xf32>
            %swap3A_358 = arith.index_cast %sub3A_309 : i32 to index
            %swap3A_359 = arith.constant 32 : index
            %swap3A_360 = tpu.vector_load %arg24[%swap3A_358, %swap3A_359] {strides = array<i32>} : memref<64x128xf32, #tpu.memory_space<vmem>>, vector<16xf32>,
            tpu.vector_store %arg24[%swap3A_358, %swap3A_359], %add3A_357 {strides = array<i32>} : memref<64x128xf32, #tpu.memory_space<vmem>>, vector<16xf32>,
            %get3A_361 = arith.index_cast %sub3A_309 : i32 to index
            %get3A_362 = arith.constant 48 : index
            %get3A_363 = tpu.vector_load %arg24[%get3A_361, %get3A_362] {strides = array<i32>} : memref<64x128xf32, #tpu.memory_space<vmem>>, vector<16xf32>,
            %get3A_364 = arith.constant 0 : i32
            %get3A_365 = arith.constant 0 : i32
            %get3A_366 = tpu.memref_slice %arg23[%scan3A_285, %get3A_364, %get3A_365] : memref<2x64x128xf32, #tpu.memory_space<vmem>> -> memref<1x64x128xf32, #tpu.memory_space<vmem>>
            %get3A_367 = tpu.memref_squeeze %get3A_366 : memref<1x64x128xf32, #tpu.memory_space<vmem>> -> memref<64x128xf32, #tpu.memory_space<vmem>>
            %get3A_368 = arith.index_cast %scan3A_294 : i32 to index
            %get3A_369 = arith.constant 48 : index
            %get3A_370 = tpu.vector_load %get3A_367[%get3A_368, %get3A_369] {strides = array<i32>} : memref<64x128xf32, #tpu.memory_space<vmem>>, vector<16xf32>,
            %mul3A_371 = vector.broadcast %squeeze3A_313 : f32 to vector<16xf32>
            %mul3A_372 = arith.mulf %mul3A_371, %get3A_370 : vector<16xf32>
            %add3A_373 = arith.addf %get3A_363, %mul3A_372 : vector<16xf32>
            %swap3A_374 = arith.index_cast %sub3A_309 : i32 to index
            %swap3A_375 = arith.constant 48 : index
            %swap3A_376 = tpu.vector_load %arg24[%swap3A_374, %swap3A_375] {strides = array<i32>} : memref<64x128xf32, #tpu.memory_space<vmem>>, vector<16xf32>,
            tpu.vector_store %arg24[%swap3A_374, %swap3A_375], %add3A_373 {strides = array<i32>} : memref<64x128xf32, #tpu.memory_space<vmem>>, vector<16xf32>,
            %get3A_377 = arith.index_cast %sub3A_309 : i32 to index
            %get3A_378 = arith.constant 64 : index
            %get3A_379 = tpu.vector_load %arg24[%get3A_377, %get3A_378] {strides = array<i32>} : memref<64x128xf32, #tpu.memory_space<vmem>>, vector<16xf32>,
            %get3A_380 = arith.constant 0 : i32
            %get3A_381 = arith.constant 0 : i32
            %get3A_382 = tpu.memref_slice %arg23[%scan3A_285, %get3A_380, %get3A_381] : memref<2x64x128xf32, #tpu.memory_space<vmem>> -> memref<1x64x128xf32, #tpu.memory_space<vmem>>
            %get3A_383 = tpu.memref_squeeze %get3A_382 : memref<1x64x128xf32, #tpu.memory_space<vmem>> -> memref<64x128xf32, #tpu.memory_space<vmem>>
            %get3A_384 = arith.index_cast %scan3A_294 : i32 to index
            %get3A_385 = arith.constant 64 : index
            %get3A_386 = tpu.vector_load %get3A_383[%get3A_384, %get3A_385] {strides = array<i32>} : memref<64x128xf32, #tpu.memory_space<vmem>>, vector<16xf32>,
            %mul3A_387 = vector.broadcast %squeeze3A_313 : f32 to vector<16xf32>
            %mul3A_388 = arith.mulf %mul3A_387, %get3A_386 : vector<16xf32>
            %add3A_389 = arith.addf %get3A_379, %mul3A_388 : vector<16xf32>
            %swap3A_390 = arith.index_cast %sub3A_309 : i32 to index
            %swap3A_391 = arith.constant 64 : index
            %swap3A_392 = tpu.vector_load %arg24[%swap3A_390, %swap3A_391] {strides = array<i32>} : memref<64x128xf32, #tpu.memory_space<vmem>>, vector<16xf32>,
            tpu.vector_store %arg24[%swap3A_390, %swap3A_391], %add3A_389 {strides = array<i32>} : memref<64x128xf32, #tpu.memory_space<vmem>>, vector<16xf32>,
            %get3A_393 = arith.index_cast %sub3A_309 : i32 to index
            %get3A_394 = arith.constant 80 : index
            %get3A_395 = tpu.vector_load %arg24[%get3A_393, %get3A_394] {strides = array<i32>} : memref<64x128xf32, #tpu.memory_space<vmem>>, vector<16xf32>,
            %get3A_396 = arith.constant 0 : i32
            %get3A_397 = arith.constant 0 : i32
            %get3A_398 = tpu.memref_slice %arg23[%scan3A_285, %get3A_396, %get3A_397] : memref<2x64x128xf32, #tpu.memory_space<vmem>> -> memref<1x64x128xf32, #tpu.memory_space<vmem>>
            %get3A_399 = tpu.memref_squeeze %get3A_398 : memref<1x64x128xf32, #tpu.memory_space<vmem>> -> memref<64x128xf32, #tpu.memory_space<vmem>>
            %get3A_400 = arith.index_cast %scan3A_294 : i32 to index
            %get3A_401 = arith.constant 80 : index
            %get3A_402 = tpu.vector_load %get3A_399[%get3A_400, %get3A_401] {strides = array<i32>} : memref<64x128xf32, #tpu.memory_space<vmem>>, vector<16xf32>,
            %mul3A_403 = vector.broadcast %squeeze3A_313 : f32 to vector<16xf32>
            %mul3A_404 = arith.mulf %mul3A_403, %get3A_402 : vector<16xf32>
            %add3A_405 = arith.addf %get3A_395, %mul3A_404 : vector<16xf32>
            %swap3A_406 = arith.index_cast %sub3A_309 : i32 to index
            %swap3A_407 = arith.constant 80 : index
            %swap3A_408 = tpu.vector_load %arg24[%swap3A_406, %swap3A_407] {strides = array<i32>} : memref<64x128xf32, #tpu.memory_space<vmem>>, vector<16xf32>,
            tpu.vector_store %arg24[%swap3A_406, %swap3A_407], %add3A_405 {strides = array<i32>} : memref<64x128xf32, #tpu.memory_space<vmem>>, vector<16xf32>,
            %get3A_409 = arith.index_cast %sub3A_309 : i32 to index
            %get3A_410 = arith.constant 96 : index
            %get3A_411 = tpu.vector_load %arg24[%get3A_409, %get3A_410] {strides = array<i32>} : memref<64x128xf32, #tpu.memory_space<vmem>>, vector<16xf32>,
            %get3A_412 = arith.constant 0 : i32
            %get3A_413 = arith.constant 0 : i32
            %get3A_414 = tpu.memref_slice %arg23[%scan3A_285, %get3A_412, %get3A_413] : memref<2x64x128xf32, #tpu.memory_space<vmem>> -> memref<1x64x128xf32, #tpu.memory_space<vmem>>
            %get3A_415 = tpu.memref_squeeze %get3A_414 : memref<1x64x128xf32, #tpu.memory_space<vmem>> -> memref<64x128xf32, #tpu.memory_space<vmem>>
            %get3A_416 = arith.index_cast %scan3A_294 : i32 to index
            %get3A_417 = arith.constant 96 : index
            %get3A_418 = tpu.vector_load %get3A_415[%get3A_416, %get3A_417] {strides = array<i32>} : memref<64x128xf32, #tpu.memory_space<vmem>>, vector<16xf32>,
            %mul3A_419 = vector.broadcast %squeeze3A_313 : f32 to vector<16xf32>
            %mul3A_420 = arith.mulf %mul3A_419, %get3A_418 : vector<16xf32>
            %add3A_421 = arith.addf %get3A_411, %mul3A_420 : vector<16xf32>
            %swap3A_422 = arith.index_cast %sub3A_309 : i32 to index
            %swap3A_423 = arith.constant 96 : index
            %swap3A_424 = tpu.vector_load %arg24[%swap3A_422, %swap3A_423] {strides = array<i32>} : memref<64x128xf32, #tpu.memory_space<vmem>>, vector<16xf32>,
            tpu.vector_store %arg24[%swap3A_422, %swap3A_423], %add3A_421 {strides = array<i32>} : memref<64x128xf32, #tpu.memory_space<vmem>>, vector<16xf32>,
            %get3A_425 = arith.index_cast %sub3A_309 : i32 to index
            %get3A_426 = arith.constant 112 : index
            %get3A_427 = tpu.vector_load %arg24[%get3A_425, %get3A_426] {strides = array<i32>} : memref<64x128xf32, #tpu.memory_space<vmem>>, vector<16xf32>,
            %get3A_428 = arith.constant 0 : i32
            %get3A_429 = arith.constant 0 : i32
            %get3A_430 = tpu.memref_slice %arg23[%scan3A_285, %get3A_428, %get3A_429] : memref<2x64x128xf32, #tpu.memory_space<vmem>> -> memref<1x64x128xf32, #tpu.memory_space<vmem>>
            %get3A_431 = tpu.memref_squeeze %get3A_430 : memref<1x64x128xf32, #tpu.memory_space<vmem>> -> memref<64x128xf32, #tpu.memory_space<vmem>>
            %get3A_432 = arith.index_cast %scan3A_294 : i32 to index
            %get3A_433 = arith.constant 112 : index
            %get3A_434 = tpu.vector_load %get3A_431[%get3A_432, %get3A_433] {strides = array<i32>} : memref<64x128xf32, #tpu.memory_space<vmem>>, vector<16xf32>,
            %mul3A_435 = vector.broadcast %squeeze3A_313 : f32 to vector<16xf32>
            %mul3A_436 = arith.mulf %mul3A_435, %get3A_434 : vector<16xf32>
            %add3A_437 = arith.addf %get3A_427, %mul3A_436 : vector<16xf32>
            %swap3A_438 = arith.index_cast %sub3A_309 : i32 to index
            %swap3A_439 = arith.constant 112 : index
            %swap3A_440 = tpu.vector_load %arg24[%swap3A_438, %swap3A_439] {strides = array<i32>} : memref<64x128xf32, #tpu.memory_space<vmem>>, vector<16xf32>,
            tpu.vector_store %arg24[%swap3A_438, %swap3A_439], %add3A_437 {strides = array<i32>} : memref<64x128xf32, #tpu.memory_space<vmem>>, vector<16xf32>,
            %cond3A_441 = arith.constant 0 : i32
            scf.yield %cond3A_441 : i32
          } else {
            %cond3A_305 = arith.constant 0 : i32
            scf.yield %cond3A_305 : i32
          }
          %scan3A_304 = arith.constant 0 : i32
          scf.yield %scan3A_304 : i32
        }
        %scan3A_292 = arith.constant 64 : i32
        %cond3A_293 = arith.constant 0 : i32
        scf.yield %cond3A_293 : i32
      } else {
        %mul3A_272 = arith.constant 64 : i32
        %mul3A_273 = arith.muli %add3A_240, %mul3A_272 : i32
        %dma_wait3A_274 = arith.constant 1 : i32
        %dma_wait3A_275 = arith.constant 0 : i32
        %dma_wait3A_276 = arith.constant 0 : i32
        %dma_wait3A_277 = tpu.memref_slice %arg23[%dma_wait3A_274, %dma_wait3A_275, %dma_wait3A_276] : memref<2x64x128xf32, #tpu.memory_space<vmem>> -> memref<1x64x128xf32, #tpu.memory_space<vmem>>
        %dma_wait3A_278 = tpu.memref_squeeze %dma_wait3A_277 : memref<1x64x128xf32, #tpu.memory_space<vmem>> -> memref<64x128xf32, #tpu.memory_space<vmem>>
        %dma_wait3A_279 = tpu.memref_slice %arg13[%mul3A_273] : memref<16400xi32, #tpu.memory_space<vmem>> -> memref<64xi32, #tpu.memory_space<vmem>>
        %dma_wait3A_280 = arith.constant 0 : i32
        %dma_wait3A_281 = arith.constant 0 : i32
        %dma_wait3A_282 = tpu.memref_slice %arg2[%dma_wait3A_280, %dma_wait3A_281] : memref<2048x128xf32, #tpu.memory_space<hbm>> -> memref<2048x128xf32, #tpu.memory_space<hbm>>
        tpu.wait_indirect_dma semaphore(%arg28 : memref<!tpu.dma_semaphore, #tpu.memory_space<semaphore_mem>>) src(%dma_wait3A_282 : memref<2048x128xf32, #tpu.memory_space<hbm>>) dst(%dma_wait3A_278 : memref<64x128xf32, #tpu.memory_space<vmem>>)
        %mul3A_283 = arith.constant 64 : i32
        %mul3A_284 = arith.muli %add3A_240, %mul3A_283 : i32
        %scan3A_285 = arith.constant 1 : i32
        %scan3A_286 = arith.constant 0 : i32
        %scan3A_287 = arith.constant 0 : i32
        %scan3A_288 = arith.constant 64 : i32
        %scan3A_289 = arith.addi %scan3A_287, %scan3A_288 : i32
        %scan3A_290 = arith.constant 1 : i32
        %scan3A_291 = scf.for %scan3A_294 = %scan3A_287 to %scan3A_289 step %scan3A_290 iter_args(%scan3A_295 = %scan3A_286) -> (i32)  : i32 {
          %add3A_296 = arith.addi %mul3A_284, %scan3A_294 : i32
          %ge3A = arith.cmpi sge, %add3A_296, %squeeze3A : i32
          %lt3A_297 = arith.cmpi slt, %add3A_296, %add3A_12 : i32
          %and3A_298 = arith.andi %ge3A, %lt3A_297 : i1
          %convert_element_type3A_299 = arith.extui %and3A_298 : i1 to i32
          %cond3A_300 = arith.constant 0 : i32
          %cond3A_301 = arith.constant 0 : i32
          %cond3A_302 = arith.cmpi ne, %convert_element_type3A_299, %cond3A_301 : i32
          %cond3A_303 = scf.if %cond3A_302 -> (i32) {
            %get3A_305 = arith.index_cast %add3A_296 : i32 to index
            %get3A_306 = tpu.vector_load %arg12[%get3A_305] {strides = array<i32>} : memref<16400xi32, #tpu.memory_space<vmem>>, vector<16xi32>,
            %slice3A_307 = vector.extract_strided_slice %get3A_306 {offsets = [0], sizes = [1], strides = [1]} : vector<16xi32> to vector<1xi32>
            %squeeze3A_308 = vector.extract %slice3A_307[0] : i32 from vector<1xi32>
            %sub3A_309 = arith.subi %squeeze3A_308, %mul3A_2 : i32
            %get3A_310 = arith.index_cast %add3A_296 : i32 to index
            %get3A_311 = tpu.vector_load %arg15[%get3A_310] {strides = array<i32>} : memref<16400xf32, #tpu.memory_space<vmem>>, vector<16xf32>,
            %slice3A_312 = vector.extract_strided_slice %get3A_311 {offsets = [0], sizes = [1], strides = [1]} : vector<16xf32> to vector<1xf32>
            %squeeze3A_313 = vector.extract %slice3A_312[0] : f32 from vector<1xf32>
            %get3A_314 = arith.index_cast %sub3A_309 : i32 to index
            %get3A_315 = arith.constant 0 : index
            %get3A_316 = tpu.vector_load %arg24[%get3A_314, %get3A_315] {strides = array<i32>} : memref<64x128xf32, #tpu.memory_space<vmem>>, vector<16xf32>,
            %get3A_317 = arith.constant 0 : i32
            %get3A_318 = arith.constant 0 : i32
            %get3A_319 = tpu.memref_slice %arg23[%scan3A_285, %get3A_317, %get3A_318] : memref<2x64x128xf32, #tpu.memory_space<vmem>> -> memref<1x64x128xf32, #tpu.memory_space<vmem>>
            %get3A_320 = tpu.memref_squeeze %get3A_319 : memref<1x64x128xf32, #tpu.memory_space<vmem>> -> memref<64x128xf32, #tpu.memory_space<vmem>>
            %get3A_321 = arith.index_cast %scan3A_294 : i32 to index
            %get3A_322 = arith.constant 0 : index
            %get3A_323 = tpu.vector_load %get3A_320[%get3A_321, %get3A_322] {strides = array<i32>} : memref<64x128xf32, #tpu.memory_space<vmem>>, vector<16xf32>,
            %mul3A_324 = vector.broadcast %squeeze3A_313 : f32 to vector<16xf32>
            %mul3A_325 = arith.mulf %mul3A_324, %get3A_323 : vector<16xf32>
            %add3A_326 = arith.addf %get3A_316, %mul3A_325 : vector<16xf32>
            %swap3A = arith.index_cast %sub3A_309 : i32 to index
            %swap3A_327 = arith.constant 0 : index
            %swap3A_328 = tpu.vector_load %arg24[%swap3A, %swap3A_327] {strides = array<i32>} : memref<64x128xf32, #tpu.memory_space<vmem>>, vector<16xf32>,
            tpu.vector_store %arg24[%swap3A, %swap3A_327], %add3A_326 {strides = array<i32>} : memref<64x128xf32, #tpu.memory_space<vmem>>, vector<16xf32>,
            %get3A_329 = arith.index_cast %sub3A_309 : i32 to index
            %get3A_330 = arith.constant 16 : index
            %get3A_331 = tpu.vector_load %arg24[%get3A_329, %get3A_330] {strides = array<i32>} : memref<64x128xf32, #tpu.memory_space<vmem>>, vector<16xf32>,
            %get3A_332 = arith.constant 0 : i32
            %get3A_333 = arith.constant 0 : i32
            %get3A_334 = tpu.memref_slice %arg23[%scan3A_285, %get3A_332, %get3A_333] : memref<2x64x128xf32, #tpu.memory_space<vmem>> -> memref<1x64x128xf32, #tpu.memory_space<vmem>>
            %get3A_335 = tpu.memref_squeeze %get3A_334 : memref<1x64x128xf32, #tpu.memory_space<vmem>> -> memref<64x128xf32, #tpu.memory_space<vmem>>
            %get3A_336 = arith.index_cast %scan3A_294 : i32 to index
            %get3A_337 = arith.constant 16 : index
            %get3A_338 = tpu.vector_load %get3A_335[%get3A_336, %get3A_337] {strides = array<i32>} : memref<64x128xf32, #tpu.memory_space<vmem>>, vector<16xf32>,
            %mul3A_339 = vector.broadcast %squeeze3A_313 : f32 to vector<16xf32>
            %mul3A_340 = arith.mulf %mul3A_339, %get3A_338 : vector<16xf32>
            %add3A_341 = arith.addf %get3A_331, %mul3A_340 : vector<16xf32>
            %swap3A_342 = arith.index_cast %sub3A_309 : i32 to index
            %swap3A_343 = arith.constant 16 : index
            %swap3A_344 = tpu.vector_load %arg24[%swap3A_342, %swap3A_343] {strides = array<i32>} : memref<64x128xf32, #tpu.memory_space<vmem>>, vector<16xf32>,
            tpu.vector_store %arg24[%swap3A_342, %swap3A_343], %add3A_341 {strides = array<i32>} : memref<64x128xf32, #tpu.memory_space<vmem>>, vector<16xf32>,
            %get3A_345 = arith.index_cast %sub3A_309 : i32 to index
            %get3A_346 = arith.constant 32 : index
            %get3A_347 = tpu.vector_load %arg24[%get3A_345, %get3A_346] {strides = array<i32>} : memref<64x128xf32, #tpu.memory_space<vmem>>, vector<16xf32>,
            %get3A_348 = arith.constant 0 : i32
            %get3A_349 = arith.constant 0 : i32
            %get3A_350 = tpu.memref_slice %arg23[%scan3A_285, %get3A_348, %get3A_349] : memref<2x64x128xf32, #tpu.memory_space<vmem>> -> memref<1x64x128xf32, #tpu.memory_space<vmem>>
            %get3A_351 = tpu.memref_squeeze %get3A_350 : memref<1x64x128xf32, #tpu.memory_space<vmem>> -> memref<64x128xf32, #tpu.memory_space<vmem>>
            %get3A_352 = arith.index_cast %scan3A_294 : i32 to index
            %get3A_353 = arith.constant 32 : index
            %get3A_354 = tpu.vector_load %get3A_351[%get3A_352, %get3A_353] {strides = array<i32>} : memref<64x128xf32, #tpu.memory_space<vmem>>, vector<16xf32>,
            %mul3A_355 = vector.broadcast %squeeze3A_313 : f32 to vector<16xf32>
            %mul3A_356 = arith.mulf %mul3A_355, %get3A_354 : vector<16xf32>
            %add3A_357 = arith.addf %get3A_347, %mul3A_356 : vector<16xf32>
            %swap3A_358 = arith.index_cast %sub3A_309 : i32 to index
            %swap3A_359 = arith.constant 32 : index
            %swap3A_360 = tpu.vector_load %arg24[%swap3A_358, %swap3A_359] {strides = array<i32>} : memref<64x128xf32, #tpu.memory_space<vmem>>, vector<16xf32>,
            tpu.vector_store %arg24[%swap3A_358, %swap3A_359], %add3A_357 {strides = array<i32>} : memref<64x128xf32, #tpu.memory_space<vmem>>, vector<16xf32>,
            %get3A_361 = arith.index_cast %sub3A_309 : i32 to index
            %get3A_362 = arith.constant 48 : index
            %get3A_363 = tpu.vector_load %arg24[%get3A_361, %get3A_362] {strides = array<i32>} : memref<64x128xf32, #tpu.memory_space<vmem>>, vector<16xf32>,
            %get3A_364 = arith.constant 0 : i32
            %get3A_365 = arith.constant 0 : i32
            %get3A_366 = tpu.memref_slice %arg23[%scan3A_285, %get3A_364, %get3A_365] : memref<2x64x128xf32, #tpu.memory_space<vmem>> -> memref<1x64x128xf32, #tpu.memory_space<vmem>>
            %get3A_367 = tpu.memref_squeeze %get3A_366 : memref<1x64x128xf32, #tpu.memory_space<vmem>> -> memref<64x128xf32, #tpu.memory_space<vmem>>
            %get3A_368 = arith.index_cast %scan3A_294 : i32 to index
            %get3A_369 = arith.constant 48 : index
            %get3A_370 = tpu.vector_load %get3A_367[%get3A_368, %get3A_369] {strides = array<i32>} : memref<64x128xf32, #tpu.memory_space<vmem>>, vector<16xf32>,
            %mul3A_371 = vector.broadcast %squeeze3A_313 : f32 to vector<16xf32>
            %mul3A_372 = arith.mulf %mul3A_371, %get3A_370 : vector<16xf32>
            %add3A_373 = arith.addf %get3A_363, %mul3A_372 : vector<16xf32>
            %swap3A_374 = arith.index_cast %sub3A_309 : i32 to index
            %swap3A_375 = arith.constant 48 : index
            %swap3A_376 = tpu.vector_load %arg24[%swap3A_374, %swap3A_375] {strides = array<i32>} : memref<64x128xf32, #tpu.memory_space<vmem>>, vector<16xf32>,
            tpu.vector_store %arg24[%swap3A_374, %swap3A_375], %add3A_373 {strides = array<i32>} : memref<64x128xf32, #tpu.memory_space<vmem>>, vector<16xf32>,
            %get3A_377 = arith.index_cast %sub3A_309 : i32 to index
            %get3A_378 = arith.constant 64 : index
            %get3A_379 = tpu.vector_load %arg24[%get3A_377, %get3A_378] {strides = array<i32>} : memref<64x128xf32, #tpu.memory_space<vmem>>, vector<16xf32>,
            %get3A_380 = arith.constant 0 : i32
            %get3A_381 = arith.constant 0 : i32
            %get3A_382 = tpu.memref_slice %arg23[%scan3A_285, %get3A_380, %get3A_381] : memref<2x64x128xf32, #tpu.memory_space<vmem>> -> memref<1x64x128xf32, #tpu.memory_space<vmem>>
            %get3A_383 = tpu.memref_squeeze %get3A_382 : memref<1x64x128xf32, #tpu.memory_space<vmem>> -> memref<64x128xf32, #tpu.memory_space<vmem>>
            %get3A_384 = arith.index_cast %scan3A_294 : i32 to index
            %get3A_385 = arith.constant 64 : index
            %get3A_386 = tpu.vector_load %get3A_383[%get3A_384, %get3A_385] {strides = array<i32>} : memref<64x128xf32, #tpu.memory_space<vmem>>, vector<16xf32>,
            %mul3A_387 = vector.broadcast %squeeze3A_313 : f32 to vector<16xf32>
            %mul3A_388 = arith.mulf %mul3A_387, %get3A_386 : vector<16xf32>
            %add3A_389 = arith.addf %get3A_379, %mul3A_388 : vector<16xf32>
            %swap3A_390 = arith.index_cast %sub3A_309 : i32 to index
            %swap3A_391 = arith.constant 64 : index
            %swap3A_392 = tpu.vector_load %arg24[%swap3A_390, %swap3A_391] {strides = array<i32>} : memref<64x128xf32, #tpu.memory_space<vmem>>, vector<16xf32>,
            tpu.vector_store %arg24[%swap3A_390, %swap3A_391], %add3A_389 {strides = array<i32>} : memref<64x128xf32, #tpu.memory_space<vmem>>, vector<16xf32>,
            %get3A_393 = arith.index_cast %sub3A_309 : i32 to index
            %get3A_394 = arith.constant 80 : index
            %get3A_395 = tpu.vector_load %arg24[%get3A_393, %get3A_394] {strides = array<i32>} : memref<64x128xf32, #tpu.memory_space<vmem>>, vector<16xf32>,
            %get3A_396 = arith.constant 0 : i32
            %get3A_397 = arith.constant 0 : i32
            %get3A_398 = tpu.memref_slice %arg23[%scan3A_285, %get3A_396, %get3A_397] : memref<2x64x128xf32, #tpu.memory_space<vmem>> -> memref<1x64x128xf32, #tpu.memory_space<vmem>>
            %get3A_399 = tpu.memref_squeeze %get3A_398 : memref<1x64x128xf32, #tpu.memory_space<vmem>> -> memref<64x128xf32, #tpu.memory_space<vmem>>
            %get3A_400 = arith.index_cast %scan3A_294 : i32 to index
            %get3A_401 = arith.constant 80 : index
            %get3A_402 = tpu.vector_load %get3A_399[%get3A_400, %get3A_401] {strides = array<i32>} : memref<64x128xf32, #tpu.memory_space<vmem>>, vector<16xf32>,
            %mul3A_403 = vector.broadcast %squeeze3A_313 : f32 to vector<16xf32>
            %mul3A_404 = arith.mulf %mul3A_403, %get3A_402 : vector<16xf32>
            %add3A_405 = arith.addf %get3A_395, %mul3A_404 : vector<16xf32>
            %swap3A_406 = arith.index_cast %sub3A_309 : i32 to index
            %swap3A_407 = arith.constant 80 : index
            %swap3A_408 = tpu.vector_load %arg24[%swap3A_406, %swap3A_407] {strides = array<i32>} : memref<64x128xf32, #tpu.memory_space<vmem>>, vector<16xf32>,
            tpu.vector_store %arg24[%swap3A_406, %swap3A_407], %add3A_405 {strides = array<i32>} : memref<64x128xf32, #tpu.memory_space<vmem>>, vector<16xf32>,
            %get3A_409 = arith.index_cast %sub3A_309 : i32 to index
            %get3A_410 = arith.constant 96 : index
            %get3A_411 = tpu.vector_load %arg24[%get3A_409, %get3A_410] {strides = array<i32>} : memref<64x128xf32, #tpu.memory_space<vmem>>, vector<16xf32>,
            %get3A_412 = arith.constant 0 : i32
            %get3A_413 = arith.constant 0 : i32
            %get3A_414 = tpu.memref_slice %arg23[%scan3A_285, %get3A_412, %get3A_413] : memref<2x64x128xf32, #tpu.memory_space<vmem>> -> memref<1x64x128xf32, #tpu.memory_space<vmem>>
            %get3A_415 = tpu.memref_squeeze %get3A_414 : memref<1x64x128xf32, #tpu.memory_space<vmem>> -> memref<64x128xf32, #tpu.memory_space<vmem>>
            %get3A_416 = arith.index_cast %scan3A_294 : i32 to index
            %get3A_417 = arith.constant 96 : index
            %get3A_418 = tpu.vector_load %get3A_415[%get3A_416, %get3A_417] {strides = array<i32>} : memref<64x128xf32, #tpu.memory_space<vmem>>, vector<16xf32>,
            %mul3A_419 = vector.broadcast %squeeze3A_313 : f32 to vector<16xf32>
            %mul3A_420 = arith.mulf %mul3A_419, %get3A_418 : vector<16xf32>
            %add3A_421 = arith.addf %get3A_411, %mul3A_420 : vector<16xf32>
            %swap3A_422 = arith.index_cast %sub3A_309 : i32 to index
            %swap3A_423 = arith.constant 96 : index
            %swap3A_424 = tpu.vector_load %arg24[%swap3A_422, %swap3A_423] {strides = array<i32>} : memref<64x128xf32, #tpu.memory_space<vmem>>, vector<16xf32>,
            tpu.vector_store %arg24[%swap3A_422, %swap3A_423], %add3A_421 {strides = array<i32>} : memref<64x128xf32, #tpu.memory_space<vmem>>, vector<16xf32>,
            %get3A_425 = arith.index_cast %sub3A_309 : i32 to index
            %get3A_426 = arith.constant 112 : index
            %get3A_427 = tpu.vector_load %arg24[%get3A_425, %get3A_426] {strides = array<i32>} : memref<64x128xf32, #tpu.memory_space<vmem>>, vector<16xf32>,
            %get3A_428 = arith.constant 0 : i32
            %get3A_429 = arith.constant 0 : i32
            %get3A_430 = tpu.memref_slice %arg23[%scan3A_285, %get3A_428, %get3A_429] : memref<2x64x128xf32, #tpu.memory_space<vmem>> -> memref<1x64x128xf32, #tpu.memory_space<vmem>>
            %get3A_431 = tpu.memref_squeeze %get3A_430 : memref<1x64x128xf32, #tpu.memory_space<vmem>> -> memref<64x128xf32, #tpu.memory_space<vmem>>
            %get3A_432 = arith.index_cast %scan3A_294 : i32 to index
            %get3A_433 = arith.constant 112 : index
            %get3A_434 = tpu.vector_load %get3A_431[%get3A_432, %get3A_433] {strides = array<i32>} : memref<64x128xf32, #tpu.memory_space<vmem>>, vector<16xf32>,
            %mul3A_435 = vector.broadcast %squeeze3A_313 : f32 to vector<16xf32>
            %mul3A_436 = arith.mulf %mul3A_435, %get3A_434 : vector<16xf32>
            %add3A_437 = arith.addf %get3A_427, %mul3A_436 : vector<16xf32>
            %swap3A_438 = arith.index_cast %sub3A_309 : i32 to index
            %swap3A_439 = arith.constant 112 : index
            %swap3A_440 = tpu.vector_load %arg24[%swap3A_438, %swap3A_439] {strides = array<i32>} : memref<64x128xf32, #tpu.memory_space<vmem>>, vector<16xf32>,
            tpu.vector_store %arg24[%swap3A_438, %swap3A_439], %add3A_437 {strides = array<i32>} : memref<64x128xf32, #tpu.memory_space<vmem>>, vector<16xf32>,
            %cond3A_441 = arith.constant 0 : i32
            scf.yield %cond3A_441 : i32
          } else {
            %cond3A_305 = arith.constant 0 : i32
            scf.yield %cond3A_305 : i32
          }
          %scan3A_304 = arith.constant 0 : i32
          scf.yield %scan3A_304 : i32
        }
        %scan3A_292 = arith.constant 64 : i32
        %cond3A_293 = arith.constant 0 : i32
        scf.yield %cond3A_293 : i32
      }
      %while3A_271 = arith.constant 0 : i32
      scf.yield %while3A_271 : i32
    }
    %while3A_221 = arith.constant 1 : i32
    %while3A_222 = scf.for %while3A_238 = %while3A_218 to %while3A_214 step %while3A_221 iter_args(%while3A_239 = %while3A_220) -> (i32)  : i32 {
      %add3A_240 = arith.addi %select_n3A_178, %while3A_238 : i32
      %jit3A_241 = arith.constant 2 : i32
      %eq3A = arith.constant 0 : i32
      %eq3A_242 = arith.cmpi eq, %jit3A_241, %eq3A : i32
      %jit3A_243 = arith.constant 1 : i32
      %select_n3A_244 = arith.select %eq3A_242, %jit3A_243, %jit3A_241 : i32
      %rem3A_245 = arith.remsi %while3A_238, %select_n3A_244 : i32
      %ne3A_246 = arith.constant 0 : i32
      %ne3A_247 = arith.cmpi ne, %rem3A_245, %ne3A_246 : i32
      %lt3A_248 = arith.constant 0 : i32
      %lt3A_249 = arith.cmpi slt, %rem3A_245, %lt3A_248 : i32
      %lt3A_250 = arith.constant 0 : i32
      %lt3A_251 = arith.cmpi slt, %select_n3A_244, %lt3A_250 : i32
      %ne3A_252 = arith.xori %lt3A_249, %lt3A_251 : i1
      %and3A_253 = arith.andi %ne3A_252, %ne3A_247 : i1
      %add3A_254 = arith.addi %rem3A_245, %select_n3A_244 : i32
      %select_n3A_255 = arith.select %and3A_253, %add3A_254, %rem3A_245 : i32
      %add3A_256 = arith.constant 1 : i32
      %add3A_257 = arith.addi %add3A_240, %add3A_256 : i32
      %lt3A_258 = arith.cmpi slt, %add3A_257, %select_n3A_206 : i32
      %convert_element_type3A_259 = arith.extui %lt3A_258 : i1 to i32
      %cond3A_260 = arith.constant 0 : i32
      %cond3A_261 = arith.constant 0 : i32
      %cond3A_262 = arith.cmpi ne, %convert_element_type3A_259, %cond3A_261 : i32
      %cond3A_263 = scf.if %cond3A_262 -> (i32) {
        %add3A_272 = arith.constant 1 : i32
        %add3A_273 = arith.addi %add3A_240, %add3A_272 : i32
        %sub3A_274 = arith.constant 1 : i32
        %sub3A_275 = arith.subi %sub3A_274, %select_n3A_255 : i32
        %eq3A_276 = arith.constant 0 : i32
        %eq3A_277 = arith.cmpi eq, %sub3A_275, %eq3A_276 : i32
        %convert_element_type3A_278 = arith.extui %eq3A_277 : i1 to i32
        %cond3A_279 = arith.constant 0 : i32
        %cond3A_280 = arith.constant 0 : i32
        %cond3A_281 = arith.cmpi ne, %convert_element_type3A_278, %cond3A_280 : i32
        %cond3A_282 = scf.if %cond3A_281 -> (i32) {
          %mul3A_284 = arith.constant 64 : i32
          %mul3A_285 = arith.muli %add3A_273, %mul3A_284 : i32
          %dma_start3A_286 = arith.constant 0 : i32
          %dma_start3A_287 = arith.constant 0 : i32
          %dma_start3A_288 = arith.constant 0 : i32
          %dma_start3A_289 = tpu.memref_slice %arg23[%dma_start3A_286, %dma_start3A_287, %dma_start3A_288] : memref<2x64x128xf32, #tpu.memory_space<vmem>> -> memref<1x64x128xf32, #tpu.memory_space<vmem>>
          %dma_start3A_290 = tpu.memref_squeeze %dma_start3A_289 : memref<1x64x128xf32, #tpu.memory_space<vmem>> -> memref<64x128xf32, #tpu.memory_space<vmem>>
          %dma_start3A_291 = tpu.memref_slice %arg13[%mul3A_285] : memref<16400xi32, #tpu.memory_space<vmem>> -> memref<64xi32, #tpu.memory_space<vmem>>
          %dma_start3A_292 = arith.constant 0 : i32
          %dma_start3A_293 = arith.constant 0 : i32
          %dma_start3A_294 = tpu.memref_slice %arg2[%dma_start3A_292, %dma_start3A_293] : memref<2048x128xf32, #tpu.memory_space<hbm>> -> memref<2048x128xf32, #tpu.memory_space<hbm>>
          tpu.enqueue_indirect_dma source(%dma_start3A_294 : memref<2048x128xf32, #tpu.memory_space<hbm>>) target(%dma_start3A_290 : memref<64x128xf32, #tpu.memory_space<vmem>>) offsets(%dma_start3A_291 : memref<64xi32, #tpu.memory_space<vmem>>) semaphore(%arg27 : memref<!tpu.dma_semaphore, #tpu.memory_space<semaphore_mem>>)
          %cond3A_295 = arith.constant 0 : i32
          scf.yield %cond3A_295 : i32
        } else {
          %mul3A_284 = arith.constant 64 : i32
          %mul3A_285 = arith.muli %add3A_273, %mul3A_284 : i32
          %dma_start3A_286 = arith.constant 1 : i32
          %dma_start3A_287 = arith.constant 0 : i32
          %dma_start3A_288 = arith.constant 0 : i32
          %dma_start3A_289 = tpu.memref_slice %arg23[%dma_start3A_286, %dma_start3A_287, %dma_start3A_288] : memref<2x64x128xf32, #tpu.memory_space<vmem>> -> memref<1x64x128xf32, #tpu.memory_space<vmem>>
          %dma_start3A_290 = tpu.memref_squeeze %dma_start3A_289 : memref<1x64x128xf32, #tpu.memory_space<vmem>> -> memref<64x128xf32, #tpu.memory_space<vmem>>
          %dma_start3A_291 = tpu.memref_slice %arg13[%mul3A_285] : memref<16400xi32, #tpu.memory_space<vmem>> -> memref<64xi32, #tpu.memory_space<vmem>>
          %dma_start3A_292 = arith.constant 0 : i32
          %dma_start3A_293 = arith.constant 0 : i32
          %dma_start3A_294 = tpu.memref_slice %arg2[%dma_start3A_292, %dma_start3A_293] : memref<2048x128xf32, #tpu.memory_space<hbm>> -> memref<2048x128xf32, #tpu.memory_space<hbm>>
          tpu.enqueue_indirect_dma source(%dma_start3A_294 : memref<2048x128xf32, #tpu.memory_space<hbm>>) target(%dma_start3A_290 : memref<64x128xf32, #tpu.memory_space<vmem>>) offsets(%dma_start3A_291 : memref<64xi32, #tpu.memory_space<vmem>>) semaphore(%arg28 : memref<!tpu.dma_semaphore, #tpu.memory_space<semaphore_mem>>)
          %cond3A_295 = arith.constant 0 : i32
          scf.yield %cond3A_295 : i32
        }
        %cond3A_283 = arith.constant 0 : i32
        scf.yield %cond3A_283 : i32
      } else {
        %cond3A_272 = arith.constant 0 : i32
        scf.yield %cond3A_272 : i32
      }
      %eq3A_264 = arith.constant 0 : i32
      %eq3A_265 = arith.cmpi eq, %select_n3A_255, %eq3A_264 : i32
      %convert_element_type3A_266 = arith.extui %eq3A_265 : i1 to i32
      %cond3A_267 = arith.constant 0 : i32
      %cond3A_268 = arith.constant 0 : i32
      %cond3A_269 = arith.cmpi ne, %convert_element_type3A_266, %cond3A_268 : i32
      %cond3A_270 = scf.if %cond3A_269 -> (i32) {
        %mul3A_272 = arith.constant 64 : i32
        %mul3A_273 = arith.muli %add3A_240, %mul3A_272 : i32
        %dma_wait3A_274 = arith.constant 0 : i32
        %dma_wait3A_275 = arith.constant 0 : i32
        %dma_wait3A_276 = arith.constant 0 : i32
        %dma_wait3A_277 = tpu.memref_slice %arg23[%dma_wait3A_274, %dma_wait3A_275, %dma_wait3A_276] : memref<2x64x128xf32, #tpu.memory_space<vmem>> -> memref<1x64x128xf32, #tpu.memory_space<vmem>>
        %dma_wait3A_278 = tpu.memref_squeeze %dma_wait3A_277 : memref<1x64x128xf32, #tpu.memory_space<vmem>> -> memref<64x128xf32, #tpu.memory_space<vmem>>
        %dma_wait3A_279 = tpu.memref_slice %arg13[%mul3A_273] : memref<16400xi32, #tpu.memory_space<vmem>> -> memref<64xi32, #tpu.memory_space<vmem>>
        %dma_wait3A_280 = arith.constant 0 : i32
        %dma_wait3A_281 = arith.constant 0 : i32
        %dma_wait3A_282 = tpu.memref_slice %arg2[%dma_wait3A_280, %dma_wait3A_281] : memref<2048x128xf32, #tpu.memory_space<hbm>> -> memref<2048x128xf32, #tpu.memory_space<hbm>>
        tpu.wait_indirect_dma semaphore(%arg27 : memref<!tpu.dma_semaphore, #tpu.memory_space<semaphore_mem>>) src(%dma_wait3A_282 : memref<2048x128xf32, #tpu.memory_space<hbm>>) dst(%dma_wait3A_278 : memref<64x128xf32, #tpu.memory_space<vmem>>)
        %mul3A_283 = arith.constant 64 : i32
        %mul3A_284 = arith.muli %add3A_240, %mul3A_283 : i32
        %scan3A_285 = arith.constant 0 : i32
        %scan3A_286 = arith.constant 0 : i32
        %scan3A_287 = arith.constant 0 : i32
        %scan3A_288 = arith.constant 64 : i32
        %scan3A_289 = arith.addi %scan3A_287, %scan3A_288 : i32
        %scan3A_290 = arith.constant 1 : i32
        %scan3A_291 = scf.for %scan3A_294 = %scan3A_287 to %scan3A_289 step %scan3A_290 iter_args(%scan3A_295 = %scan3A_286) -> (i32)  : i32 {
          %add3A_296 = arith.addi %mul3A_284, %scan3A_294 : i32
          %ge3A = arith.cmpi sge, %add3A_296, %squeeze3A : i32
          %lt3A_297 = arith.cmpi slt, %add3A_296, %add3A_12 : i32
          %and3A_298 = arith.andi %ge3A, %lt3A_297 : i1
          %convert_element_type3A_299 = arith.extui %and3A_298 : i1 to i32
          %cond3A_300 = arith.constant 0 : i32
          %cond3A_301 = arith.constant 0 : i32
          %cond3A_302 = arith.cmpi ne, %convert_element_type3A_299, %cond3A_301 : i32
          %cond3A_303 = scf.if %cond3A_302 -> (i32) {
            %get3A_305 = arith.index_cast %add3A_296 : i32 to index
            %get3A_306 = tpu.vector_load %arg12[%get3A_305] {strides = array<i32>} : memref<16400xi32, #tpu.memory_space<vmem>>, vector<16xi32>,
            %slice3A_307 = vector.extract_strided_slice %get3A_306 {offsets = [0], sizes = [1], strides = [1]} : vector<16xi32> to vector<1xi32>
            %squeeze3A_308 = vector.extract %slice3A_307[0] : i32 from vector<1xi32>
            %sub3A_309 = arith.subi %squeeze3A_308, %mul3A_2 : i32
            %get3A_310 = arith.index_cast %add3A_296 : i32 to index
            %get3A_311 = tpu.vector_load %arg15[%get3A_310] {strides = array<i32>} : memref<16400xf32, #tpu.memory_space<vmem>>, vector<16xf32>,
            %slice3A_312 = vector.extract_strided_slice %get3A_311 {offsets = [0], sizes = [1], strides = [1]} : vector<16xf32> to vector<1xf32>
            %squeeze3A_313 = vector.extract %slice3A_312[0] : f32 from vector<1xf32>
            %get3A_314 = arith.index_cast %sub3A_309 : i32 to index
            %get3A_315 = arith.constant 0 : index
            %get3A_316 = tpu.vector_load %arg24[%get3A_314, %get3A_315] {strides = array<i32>} : memref<64x128xf32, #tpu.memory_space<vmem>>, vector<16xf32>,
            %get3A_317 = arith.constant 0 : i32
            %get3A_318 = arith.constant 0 : i32
            %get3A_319 = tpu.memref_slice %arg23[%scan3A_285, %get3A_317, %get3A_318] : memref<2x64x128xf32, #tpu.memory_space<vmem>> -> memref<1x64x128xf32, #tpu.memory_space<vmem>>
            %get3A_320 = tpu.memref_squeeze %get3A_319 : memref<1x64x128xf32, #tpu.memory_space<vmem>> -> memref<64x128xf32, #tpu.memory_space<vmem>>
            %get3A_321 = arith.index_cast %scan3A_294 : i32 to index
            %get3A_322 = arith.constant 0 : index
            %get3A_323 = tpu.vector_load %get3A_320[%get3A_321, %get3A_322] {strides = array<i32>} : memref<64x128xf32, #tpu.memory_space<vmem>>, vector<16xf32>,
            %mul3A_324 = vector.broadcast %squeeze3A_313 : f32 to vector<16xf32>
            %mul3A_325 = arith.mulf %mul3A_324, %get3A_323 : vector<16xf32>
            %add3A_326 = arith.addf %get3A_316, %mul3A_325 : vector<16xf32>
            %swap3A = arith.index_cast %sub3A_309 : i32 to index
            %swap3A_327 = arith.constant 0 : index
            %swap3A_328 = tpu.vector_load %arg24[%swap3A, %swap3A_327] {strides = array<i32>} : memref<64x128xf32, #tpu.memory_space<vmem>>, vector<16xf32>,
            tpu.vector_store %arg24[%swap3A, %swap3A_327], %add3A_326 {strides = array<i32>} : memref<64x128xf32, #tpu.memory_space<vmem>>, vector<16xf32>,
            %get3A_329 = arith.index_cast %sub3A_309 : i32 to index
            %get3A_330 = arith.constant 16 : index
            %get3A_331 = tpu.vector_load %arg24[%get3A_329, %get3A_330] {strides = array<i32>} : memref<64x128xf32, #tpu.memory_space<vmem>>, vector<16xf32>,
            %get3A_332 = arith.constant 0 : i32
            %get3A_333 = arith.constant 0 : i32
            %get3A_334 = tpu.memref_slice %arg23[%scan3A_285, %get3A_332, %get3A_333] : memref<2x64x128xf32, #tpu.memory_space<vmem>> -> memref<1x64x128xf32, #tpu.memory_space<vmem>>
            %get3A_335 = tpu.memref_squeeze %get3A_334 : memref<1x64x128xf32, #tpu.memory_space<vmem>> -> memref<64x128xf32, #tpu.memory_space<vmem>>
            %get3A_336 = arith.index_cast %scan3A_294 : i32 to index
            %get3A_337 = arith.constant 16 : index
            %get3A_338 = tpu.vector_load %get3A_335[%get3A_336, %get3A_337] {strides = array<i32>} : memref<64x128xf32, #tpu.memory_space<vmem>>, vector<16xf32>,
            %mul3A_339 = vector.broadcast %squeeze3A_313 : f32 to vector<16xf32>
            %mul3A_340 = arith.mulf %mul3A_339, %get3A_338 : vector<16xf32>
            %add3A_341 = arith.addf %get3A_331, %mul3A_340 : vector<16xf32>
            %swap3A_342 = arith.index_cast %sub3A_309 : i32 to index
            %swap3A_343 = arith.constant 16 : index
            %swap3A_344 = tpu.vector_load %arg24[%swap3A_342, %swap3A_343] {strides = array<i32>} : memref<64x128xf32, #tpu.memory_space<vmem>>, vector<16xf32>,
            tpu.vector_store %arg24[%swap3A_342, %swap3A_343], %add3A_341 {strides = array<i32>} : memref<64x128xf32, #tpu.memory_space<vmem>>, vector<16xf32>,
            %get3A_345 = arith.index_cast %sub3A_309 : i32 to index
            %get3A_346 = arith.constant 32 : index
            %get3A_347 = tpu.vector_load %arg24[%get3A_345, %get3A_346] {strides = array<i32>} : memref<64x128xf32, #tpu.memory_space<vmem>>, vector<16xf32>,
            %get3A_348 = arith.constant 0 : i32
            %get3A_349 = arith.constant 0 : i32
            %get3A_350 = tpu.memref_slice %arg23[%scan3A_285, %get3A_348, %get3A_349] : memref<2x64x128xf32, #tpu.memory_space<vmem>> -> memref<1x64x128xf32, #tpu.memory_space<vmem>>
            %get3A_351 = tpu.memref_squeeze %get3A_350 : memref<1x64x128xf32, #tpu.memory_space<vmem>> -> memref<64x128xf32, #tpu.memory_space<vmem>>
            %get3A_352 = arith.index_cast %scan3A_294 : i32 to index
            %get3A_353 = arith.constant 32 : index
            %get3A_354 = tpu.vector_load %get3A_351[%get3A_352, %get3A_353] {strides = array<i32>} : memref<64x128xf32, #tpu.memory_space<vmem>>, vector<16xf32>,
            %mul3A_355 = vector.broadcast %squeeze3A_313 : f32 to vector<16xf32>
            %mul3A_356 = arith.mulf %mul3A_355, %get3A_354 : vector<16xf32>
            %add3A_357 = arith.addf %get3A_347, %mul3A_356 : vector<16xf32>
            %swap3A_358 = arith.index_cast %sub3A_309 : i32 to index
            %swap3A_359 = arith.constant 32 : index
            %swap3A_360 = tpu.vector_load %arg24[%swap3A_358, %swap3A_359] {strides = array<i32>} : memref<64x128xf32, #tpu.memory_space<vmem>>, vector<16xf32>,
            tpu.vector_store %arg24[%swap3A_358, %swap3A_359], %add3A_357 {strides = array<i32>} : memref<64x128xf32, #tpu.memory_space<vmem>>, vector<16xf32>,
            %get3A_361 = arith.index_cast %sub3A_309 : i32 to index
            %get3A_362 = arith.constant 48 : index
            %get3A_363 = tpu.vector_load %arg24[%get3A_361, %get3A_362] {strides = array<i32>} : memref<64x128xf32, #tpu.memory_space<vmem>>, vector<16xf32>,
            %get3A_364 = arith.constant 0 : i32
            %get3A_365 = arith.constant 0 : i32
            %get3A_366 = tpu.memref_slice %arg23[%scan3A_285, %get3A_364, %get3A_365] : memref<2x64x128xf32, #tpu.memory_space<vmem>> -> memref<1x64x128xf32, #tpu.memory_space<vmem>>
            %get3A_367 = tpu.memref_squeeze %get3A_366 : memref<1x64x128xf32, #tpu.memory_space<vmem>> -> memref<64x128xf32, #tpu.memory_space<vmem>>
            %get3A_368 = arith.index_cast %scan3A_294 : i32 to index
            %get3A_369 = arith.constant 48 : index
            %get3A_370 = tpu.vector_load %get3A_367[%get3A_368, %get3A_369] {strides = array<i32>} : memref<64x128xf32, #tpu.memory_space<vmem>>, vector<16xf32>,
            %mul3A_371 = vector.broadcast %squeeze3A_313 : f32 to vector<16xf32>
            %mul3A_372 = arith.mulf %mul3A_371, %get3A_370 : vector<16xf32>
            %add3A_373 = arith.addf %get3A_363, %mul3A_372 : vector<16xf32>
            %swap3A_374 = arith.index_cast %sub3A_309 : i32 to index
            %swap3A_375 = arith.constant 48 : index
            %swap3A_376 = tpu.vector_load %arg24[%swap3A_374, %swap3A_375] {strides = array<i32>} : memref<64x128xf32, #tpu.memory_space<vmem>>, vector<16xf32>,
            tpu.vector_store %arg24[%swap3A_374, %swap3A_375], %add3A_373 {strides = array<i32>} : memref<64x128xf32, #tpu.memory_space<vmem>>, vector<16xf32>,
            %get3A_377 = arith.index_cast %sub3A_309 : i32 to index
            %get3A_378 = arith.constant 64 : index
            %get3A_379 = tpu.vector_load %arg24[%get3A_377, %get3A_378] {strides = array<i32>} : memref<64x128xf32, #tpu.memory_space<vmem>>, vector<16xf32>,
            %get3A_380 = arith.constant 0 : i32
            %get3A_381 = arith.constant 0 : i32
            %get3A_382 = tpu.memref_slice %arg23[%scan3A_285, %get3A_380, %get3A_381] : memref<2x64x128xf32, #tpu.memory_space<vmem>> -> memref<1x64x128xf32, #tpu.memory_space<vmem>>
            %get3A_383 = tpu.memref_squeeze %get3A_382 : memref<1x64x128xf32, #tpu.memory_space<vmem>> -> memref<64x128xf32, #tpu.memory_space<vmem>>
            %get3A_384 = arith.index_cast %scan3A_294 : i32 to index
            %get3A_385 = arith.constant 64 : index
            %get3A_386 = tpu.vector_load %get3A_383[%get3A_384, %get3A_385] {strides = array<i32>} : memref<64x128xf32, #tpu.memory_space<vmem>>, vector<16xf32>,
            %mul3A_387 = vector.broadcast %squeeze3A_313 : f32 to vector<16xf32>
            %mul3A_388 = arith.mulf %mul3A_387, %get3A_386 : vector<16xf32>
            %add3A_389 = arith.addf %get3A_379, %mul3A_388 : vector<16xf32>
            %swap3A_390 = arith.index_cast %sub3A_309 : i32 to index
            %swap3A_391 = arith.constant 64 : index
            %swap3A_392 = tpu.vector_load %arg24[%swap3A_390, %swap3A_391] {strides = array<i32>} : memref<64x128xf32, #tpu.memory_space<vmem>>, vector<16xf32>,
            tpu.vector_store %arg24[%swap3A_390, %swap3A_391], %add3A_389 {strides = array<i32>} : memref<64x128xf32, #tpu.memory_space<vmem>>, vector<16xf32>,
            %get3A_393 = arith.index_cast %sub3A_309 : i32 to index
            %get3A_394 = arith.constant 80 : index
            %get3A_395 = tpu.vector_load %arg24[%get3A_393, %get3A_394] {strides = array<i32>} : memref<64x128xf32, #tpu.memory_space<vmem>>, vector<16xf32>,
            %get3A_396 = arith.constant 0 : i32
            %get3A_397 = arith.constant 0 : i32
            %get3A_398 = tpu.memref_slice %arg23[%scan3A_285, %get3A_396, %get3A_397] : memref<2x64x128xf32, #tpu.memory_space<vmem>> -> memref<1x64x128xf32, #tpu.memory_space<vmem>>
            %get3A_399 = tpu.memref_squeeze %get3A_398 : memref<1x64x128xf32, #tpu.memory_space<vmem>> -> memref<64x128xf32, #tpu.memory_space<vmem>>
            %get3A_400 = arith.index_cast %scan3A_294 : i32 to index
            %get3A_401 = arith.constant 80 : index
            %get3A_402 = tpu.vector_load %get3A_399[%get3A_400, %get3A_401] {strides = array<i32>} : memref<64x128xf32, #tpu.memory_space<vmem>>, vector<16xf32>,
            %mul3A_403 = vector.broadcast %squeeze3A_313 : f32 to vector<16xf32>
            %mul3A_404 = arith.mulf %mul3A_403, %get3A_402 : vector<16xf32>
            %add3A_405 = arith.addf %get3A_395, %mul3A_404 : vector<16xf32>
            %swap3A_406 = arith.index_cast %sub3A_309 : i32 to index
            %swap3A_407 = arith.constant 80 : index
            %swap3A_408 = tpu.vector_load %arg24[%swap3A_406, %swap3A_407] {strides = array<i32>} : memref<64x128xf32, #tpu.memory_space<vmem>>, vector<16xf32>,
            tpu.vector_store %arg24[%swap3A_406, %swap3A_407], %add3A_405 {strides = array<i32>} : memref<64x128xf32, #tpu.memory_space<vmem>>, vector<16xf32>,
            %get3A_409 = arith.index_cast %sub3A_309 : i32 to index
            %get3A_410 = arith.constant 96 : index
            %get3A_411 = tpu.vector_load %arg24[%get3A_409, %get3A_410] {strides = array<i32>} : memref<64x128xf32, #tpu.memory_space<vmem>>, vector<16xf32>,
            %get3A_412 = arith.constant 0 : i32
            %get3A_413 = arith.constant 0 : i32
            %get3A_414 = tpu.memref_slice %arg23[%scan3A_285, %get3A_412, %get3A_413] : memref<2x64x128xf32, #tpu.memory_space<vmem>> -> memref<1x64x128xf32, #tpu.memory_space<vmem>>
            %get3A_415 = tpu.memref_squeeze %get3A_414 : memref<1x64x128xf32, #tpu.memory_space<vmem>> -> memref<64x128xf32, #tpu.memory_space<vmem>>
            %get3A_416 = arith.index_cast %scan3A_294 : i32 to index
            %get3A_417 = arith.constant 96 : index
            %get3A_418 = tpu.vector_load %get3A_415[%get3A_416, %get3A_417] {strides = array<i32>} : memref<64x128xf32, #tpu.memory_space<vmem>>, vector<16xf32>,
            %mul3A_419 = vector.broadcast %squeeze3A_313 : f32 to vector<16xf32>
            %mul3A_420 = arith.mulf %mul3A_419, %get3A_418 : vector<16xf32>
            %add3A_421 = arith.addf %get3A_411, %mul3A_420 : vector<16xf32>
            %swap3A_422 = arith.index_cast %sub3A_309 : i32 to index
            %swap3A_423 = arith.constant 96 : index
            %swap3A_424 = tpu.vector_load %arg24[%swap3A_422, %swap3A_423] {strides = array<i32>} : memref<64x128xf32, #tpu.memory_space<vmem>>, vector<16xf32>,
            tpu.vector_store %arg24[%swap3A_422, %swap3A_423], %add3A_421 {strides = array<i32>} : memref<64x128xf32, #tpu.memory_space<vmem>>, vector<16xf32>,
            %get3A_425 = arith.index_cast %sub3A_309 : i32 to index
            %get3A_426 = arith.constant 112 : index
            %get3A_427 = tpu.vector_load %arg24[%get3A_425, %get3A_426] {strides = array<i32>} : memref<64x128xf32, #tpu.memory_space<vmem>>, vector<16xf32>,
            %get3A_428 = arith.constant 0 : i32
            %get3A_429 = arith.constant 0 : i32
            %get3A_430 = tpu.memref_slice %arg23[%scan3A_285, %get3A_428, %get3A_429] : memref<2x64x128xf32, #tpu.memory_space<vmem>> -> memref<1x64x128xf32, #tpu.memory_space<vmem>>
            %get3A_431 = tpu.memref_squeeze %get3A_430 : memref<1x64x128xf32, #tpu.memory_space<vmem>> -> memref<64x128xf32, #tpu.memory_space<vmem>>
            %get3A_432 = arith.index_cast %scan3A_294 : i32 to index
            %get3A_433 = arith.constant 112 : index
            %get3A_434 = tpu.vector_load %get3A_431[%get3A_432, %get3A_433] {strides = array<i32>} : memref<64x128xf32, #tpu.memory_space<vmem>>, vector<16xf32>,
            %mul3A_435 = vector.broadcast %squeeze3A_313 : f32 to vector<16xf32>
            %mul3A_436 = arith.mulf %mul3A_435, %get3A_434 : vector<16xf32>
            %add3A_437 = arith.addf %get3A_427, %mul3A_436 : vector<16xf32>
            %swap3A_438 = arith.index_cast %sub3A_309 : i32 to index
            %swap3A_439 = arith.constant 112 : index
            %swap3A_440 = tpu.vector_load %arg24[%swap3A_438, %swap3A_439] {strides = array<i32>} : memref<64x128xf32, #tpu.memory_space<vmem>>, vector<16xf32>,
            tpu.vector_store %arg24[%swap3A_438, %swap3A_439], %add3A_437 {strides = array<i32>} : memref<64x128xf32, #tpu.memory_space<vmem>>, vector<16xf32>,
            %cond3A_441 = arith.constant 0 : i32
            scf.yield %cond3A_441 : i32
          } else {
            %cond3A_305 = arith.constant 0 : i32
            scf.yield %cond3A_305 : i32
          }
          %scan3A_304 = arith.constant 0 : i32
          scf.yield %scan3A_304 : i32
        }
        %scan3A_292 = arith.constant 64 : i32
        %cond3A_293 = arith.constant 0 : i32
        scf.yield %cond3A_293 : i32
      } else {
        %mul3A_272 = arith.constant 64 : i32
        %mul3A_273 = arith.muli %add3A_240, %mul3A_272 : i32
        %dma_wait3A_274 = arith.constant 1 : i32
        %dma_wait3A_275 = arith.constant 0 : i32
        %dma_wait3A_276 = arith.constant 0 : i32
        %dma_wait3A_277 = tpu.memref_slice %arg23[%dma_wait3A_274, %dma_wait3A_275, %dma_wait3A_276] : memref<2x64x128xf32, #tpu.memory_space<vmem>> -> memref<1x64x128xf32, #tpu.memory_space<vmem>>
        %dma_wait3A_278 = tpu.memref_squeeze %dma_wait3A_277 : memref<1x64x128xf32, #tpu.memory_space<vmem>> -> memref<64x128xf32, #tpu.memory_space<vmem>>
        %dma_wait3A_279 = tpu.memref_slice %arg13[%mul3A_273] : memref<16400xi32, #tpu.memory_space<vmem>> -> memref<64xi32, #tpu.memory_space<vmem>>
        %dma_wait3A_280 = arith.constant 0 : i32
        %dma_wait3A_281 = arith.constant 0 : i32
        %dma_wait3A_282 = tpu.memref_slice %arg2[%dma_wait3A_280, %dma_wait3A_281] : memref<2048x128xf32, #tpu.memory_space<hbm>> -> memref<2048x128xf32, #tpu.memory_space<hbm>>
        tpu.wait_indirect_dma semaphore(%arg28 : memref<!tpu.dma_semaphore, #tpu.memory_space<semaphore_mem>>) src(%dma_wait3A_282 : memref<2048x128xf32, #tpu.memory_space<hbm>>) dst(%dma_wait3A_278 : memref<64x128xf32, #tpu.memory_space<vmem>>)
        %mul3A_283 = arith.constant 64 : i32
        %mul3A_284 = arith.muli %add3A_240, %mul3A_283 : i32
        %scan3A_285 = arith.constant 1 : i32
        %scan3A_286 = arith.constant 0 : i32
        %scan3A_287 = arith.constant 0 : i32
        %scan3A_288 = arith.constant 64 : i32
        %scan3A_289 = arith.addi %scan3A_287, %scan3A_288 : i32
        %scan3A_290 = arith.constant 1 : i32
        %scan3A_291 = scf.for %scan3A_294 = %scan3A_287 to %scan3A_289 step %scan3A_290 iter_args(%scan3A_295 = %scan3A_286) -> (i32)  : i32 {
          %add3A_296 = arith.addi %mul3A_284, %scan3A_294 : i32
          %ge3A = arith.cmpi sge, %add3A_296, %squeeze3A : i32
          %lt3A_297 = arith.cmpi slt, %add3A_296, %add3A_12 : i32
          %and3A_298 = arith.andi %ge3A, %lt3A_297 : i1
          %convert_element_type3A_299 = arith.extui %and3A_298 : i1 to i32
          %cond3A_300 = arith.constant 0 : i32
          %cond3A_301 = arith.constant 0 : i32
          %cond3A_302 = arith.cmpi ne, %convert_element_type3A_299, %cond3A_301 : i32
          %cond3A_303 = scf.if %cond3A_302 -> (i32) {
            %get3A_305 = arith.index_cast %add3A_296 : i32 to index
            %get3A_306 = tpu.vector_load %arg12[%get3A_305] {strides = array<i32>} : memref<16400xi32, #tpu.memory_space<vmem>>, vector<16xi32>,
            %slice3A_307 = vector.extract_strided_slice %get3A_306 {offsets = [0], sizes = [1], strides = [1]} : vector<16xi32> to vector<1xi32>
            %squeeze3A_308 = vector.extract %slice3A_307[0] : i32 from vector<1xi32>
            %sub3A_309 = arith.subi %squeeze3A_308, %mul3A_2 : i32
            %get3A_310 = arith.index_cast %add3A_296 : i32 to index
            %get3A_311 = tpu.vector_load %arg15[%get3A_310] {strides = array<i32>} : memref<16400xf32, #tpu.memory_space<vmem>>, vector<16xf32>,
            %slice3A_312 = vector.extract_strided_slice %get3A_311 {offsets = [0], sizes = [1], strides = [1]} : vector<16xf32> to vector<1xf32>
            %squeeze3A_313 = vector.extract %slice3A_312[0] : f32 from vector<1xf32>
            %get3A_314 = arith.index_cast %sub3A_309 : i32 to index
            %get3A_315 = arith.constant 0 : index
            %get3A_316 = tpu.vector_load %arg24[%get3A_314, %get3A_315] {strides = array<i32>} : memref<64x128xf32, #tpu.memory_space<vmem>>, vector<16xf32>,
            %get3A_317 = arith.constant 0 : i32
            %get3A_318 = arith.constant 0 : i32
            %get3A_319 = tpu.memref_slice %arg23[%scan3A_285, %get3A_317, %get3A_318] : memref<2x64x128xf32, #tpu.memory_space<vmem>> -> memref<1x64x128xf32, #tpu.memory_space<vmem>>
            %get3A_320 = tpu.memref_squeeze %get3A_319 : memref<1x64x128xf32, #tpu.memory_space<vmem>> -> memref<64x128xf32, #tpu.memory_space<vmem>>
            %get3A_321 = arith.index_cast %scan3A_294 : i32 to index
            %get3A_322 = arith.constant 0 : index
            %get3A_323 = tpu.vector_load %get3A_320[%get3A_321, %get3A_322] {strides = array<i32>} : memref<64x128xf32, #tpu.memory_space<vmem>>, vector<16xf32>,
            %mul3A_324 = vector.broadcast %squeeze3A_313 : f32 to vector<16xf32>
            %mul3A_325 = arith.mulf %mul3A_324, %get3A_323 : vector<16xf32>
            %add3A_326 = arith.addf %get3A_316, %mul3A_325 : vector<16xf32>
            %swap3A = arith.index_cast %sub3A_309 : i32 to index
            %swap3A_327 = arith.constant 0 : index
            %swap3A_328 = tpu.vector_load %arg24[%swap3A, %swap3A_327] {strides = array<i32>} : memref<64x128xf32, #tpu.memory_space<vmem>>, vector<16xf32>,
            tpu.vector_store %arg24[%swap3A, %swap3A_327], %add3A_326 {strides = array<i32>} : memref<64x128xf32, #tpu.memory_space<vmem>>, vector<16xf32>,
            %get3A_329 = arith.index_cast %sub3A_309 : i32 to index
            %get3A_330 = arith.constant 16 : index
            %get3A_331 = tpu.vector_load %arg24[%get3A_329, %get3A_330] {strides = array<i32>} : memref<64x128xf32, #tpu.memory_space<vmem>>, vector<16xf32>,
            %get3A_332 = arith.constant 0 : i32
            %get3A_333 = arith.constant 0 : i32
            %get3A_334 = tpu.memref_slice %arg23[%scan3A_285, %get3A_332, %get3A_333] : memref<2x64x128xf32, #tpu.memory_space<vmem>> -> memref<1x64x128xf32, #tpu.memory_space<vmem>>
            %get3A_335 = tpu.memref_squeeze %get3A_334 : memref<1x64x128xf32, #tpu.memory_space<vmem>> -> memref<64x128xf32, #tpu.memory_space<vmem>>
            %get3A_336 = arith.index_cast %scan3A_294 : i32 to index
            %get3A_337 = arith.constant 16 : index
            %get3A_338 = tpu.vector_load %get3A_335[%get3A_336, %get3A_337] {strides = array<i32>} : memref<64x128xf32, #tpu.memory_space<vmem>>, vector<16xf32>,
            %mul3A_339 = vector.broadcast %squeeze3A_313 : f32 to vector<16xf32>
            %mul3A_340 = arith.mulf %mul3A_339, %get3A_338 : vector<16xf32>
            %add3A_341 = arith.addf %get3A_331, %mul3A_340 : vector<16xf32>
            %swap3A_342 = arith.index_cast %sub3A_309 : i32 to index
            %swap3A_343 = arith.constant 16 : index
            %swap3A_344 = tpu.vector_load %arg24[%swap3A_342, %swap3A_343] {strides = array<i32>} : memref<64x128xf32, #tpu.memory_space<vmem>>, vector<16xf32>,
            tpu.vector_store %arg24[%swap3A_342, %swap3A_343], %add3A_341 {strides = array<i32>} : memref<64x128xf32, #tpu.memory_space<vmem>>, vector<16xf32>,
            %get3A_345 = arith.index_cast %sub3A_309 : i32 to index
            %get3A_346 = arith.constant 32 : index
            %get3A_347 = tpu.vector_load %arg24[%get3A_345, %get3A_346] {strides = array<i32>} : memref<64x128xf32, #tpu.memory_space<vmem>>, vector<16xf32>,
            %get3A_348 = arith.constant 0 : i32
            %get3A_349 = arith.constant 0 : i32
            %get3A_350 = tpu.memref_slice %arg23[%scan3A_285, %get3A_348, %get3A_349] : memref<2x64x128xf32, #tpu.memory_space<vmem>> -> memref<1x64x128xf32, #tpu.memory_space<vmem>>
            %get3A_351 = tpu.memref_squeeze %get3A_350 : memref<1x64x128xf32, #tpu.memory_space<vmem>> -> memref<64x128xf32, #tpu.memory_space<vmem>>
            %get3A_352 = arith.index_cast %scan3A_294 : i32 to index
            %get3A_353 = arith.constant 32 : index
            %get3A_354 = tpu.vector_load %get3A_351[%get3A_352, %get3A_353] {strides = array<i32>} : memref<64x128xf32, #tpu.memory_space<vmem>>, vector<16xf32>,
            %mul3A_355 = vector.broadcast %squeeze3A_313 : f32 to vector<16xf32>
            %mul3A_356 = arith.mulf %mul3A_355, %get3A_354 : vector<16xf32>
            %add3A_357 = arith.addf %get3A_347, %mul3A_356 : vector<16xf32>
            %swap3A_358 = arith.index_cast %sub3A_309 : i32 to index
            %swap3A_359 = arith.constant 32 : index
            %swap3A_360 = tpu.vector_load %arg24[%swap3A_358, %swap3A_359] {strides = array<i32>} : memref<64x128xf32, #tpu.memory_space<vmem>>, vector<16xf32>,
            tpu.vector_store %arg24[%swap3A_358, %swap3A_359], %add3A_357 {strides = array<i32>} : memref<64x128xf32, #tpu.memory_space<vmem>>, vector<16xf32>,
            %get3A_361 = arith.index_cast %sub3A_309 : i32 to index
            %get3A_362 = arith.constant 48 : index
            %get3A_363 = tpu.vector_load %arg24[%get3A_361, %get3A_362] {strides = array<i32>} : memref<64x128xf32, #tpu.memory_space<vmem>>, vector<16xf32>,
            %get3A_364 = arith.constant 0 : i32
            %get3A_365 = arith.constant 0 : i32
            %get3A_366 = tpu.memref_slice %arg23[%scan3A_285, %get3A_364, %get3A_365] : memref<2x64x128xf32, #tpu.memory_space<vmem>> -> memref<1x64x128xf32, #tpu.memory_space<vmem>>
            %get3A_367 = tpu.memref_squeeze %get3A_366 : memref<1x64x128xf32, #tpu.memory_space<vmem>> -> memref<64x128xf32, #tpu.memory_space<vmem>>
            %get3A_368 = arith.index_cast %scan3A_294 : i32 to index
            %get3A_369 = arith.constant 48 : index
            %get3A_370 = tpu.vector_load %get3A_367[%get3A_368, %get3A_369] {strides = array<i32>} : memref<64x128xf32, #tpu.memory_space<vmem>>, vector<16xf32>,
            %mul3A_371 = vector.broadcast %squeeze3A_313 : f32 to vector<16xf32>
            %mul3A_372 = arith.mulf %mul3A_371, %get3A_370 : vector<16xf32>
            %add3A_373 = arith.addf %get3A_363, %mul3A_372 : vector<16xf32>
            %swap3A_374 = arith.index_cast %sub3A_309 : i32 to index
            %swap3A_375 = arith.constant 48 : index
            %swap3A_376 = tpu.vector_load %arg24[%swap3A_374, %swap3A_375] {strides = array<i32>} : memref<64x128xf32, #tpu.memory_space<vmem>>, vector<16xf32>,
            tpu.vector_store %arg24[%swap3A_374, %swap3A_375], %add3A_373 {strides = array<i32>} : memref<64x128xf32, #tpu.memory_space<vmem>>, vector<16xf32>,
            %get3A_377 = arith.index_cast %sub3A_309 : i32 to index
            %get3A_378 = arith.constant 64 : index
            %get3A_379 = tpu.vector_load %arg24[%get3A_377, %get3A_378] {strides = array<i32>} : memref<64x128xf32, #tpu.memory_space<vmem>>, vector<16xf32>,
            %get3A_380 = arith.constant 0 : i32
            %get3A_381 = arith.constant 0 : i32
            %get3A_382 = tpu.memref_slice %arg23[%scan3A_285, %get3A_380, %get3A_381] : memref<2x64x128xf32, #tpu.memory_space<vmem>> -> memref<1x64x128xf32, #tpu.memory_space<vmem>>
            %get3A_383 = tpu.memref_squeeze %get3A_382 : memref<1x64x128xf32, #tpu.memory_space<vmem>> -> memref<64x128xf32, #tpu.memory_space<vmem>>
            %get3A_384 = arith.index_cast %scan3A_294 : i32 to index
            %get3A_385 = arith.constant 64 : index
            %get3A_386 = tpu.vector_load %get3A_383[%get3A_384, %get3A_385] {strides = array<i32>} : memref<64x128xf32, #tpu.memory_space<vmem>>, vector<16xf32>,
            %mul3A_387 = vector.broadcast %squeeze3A_313 : f32 to vector<16xf32>
            %mul3A_388 = arith.mulf %mul3A_387, %get3A_386 : vector<16xf32>
            %add3A_389 = arith.addf %get3A_379, %mul3A_388 : vector<16xf32>
            %swap3A_390 = arith.index_cast %sub3A_309 : i32 to index
            %swap3A_391 = arith.constant 64 : index
            %swap3A_392 = tpu.vector_load %arg24[%swap3A_390, %swap3A_391] {strides = array<i32>} : memref<64x128xf32, #tpu.memory_space<vmem>>, vector<16xf32>,
            tpu.vector_store %arg24[%swap3A_390, %swap3A_391], %add3A_389 {strides = array<i32>} : memref<64x128xf32, #tpu.memory_space<vmem>>, vector<16xf32>,
            %get3A_393 = arith.index_cast %sub3A_309 : i32 to index
            %get3A_394 = arith.constant 80 : index
            %get3A_395 = tpu.vector_load %arg24[%get3A_393, %get3A_394] {strides = array<i32>} : memref<64x128xf32, #tpu.memory_space<vmem>>, vector<16xf32>,
            %get3A_396 = arith.constant 0 : i32
            %get3A_397 = arith.constant 0 : i32
            %get3A_398 = tpu.memref_slice %arg23[%scan3A_285, %get3A_396, %get3A_397] : memref<2x64x128xf32, #tpu.memory_space<vmem>> -> memref<1x64x128xf32, #tpu.memory_space<vmem>>
            %get3A_399 = tpu.memref_squeeze %get3A_398 : memref<1x64x128xf32, #tpu.memory_space<vmem>> -> memref<64x128xf32, #tpu.memory_space<vmem>>
            %get3A_400 = arith.index_cast %scan3A_294 : i32 to index
            %get3A_401 = arith.constant 80 : index
            %get3A_402 = tpu.vector_load %get3A_399[%get3A_400, %get3A_401] {strides = array<i32>} : memref<64x128xf32, #tpu.memory_space<vmem>>, vector<16xf32>,
            %mul3A_403 = vector.broadcast %squeeze3A_313 : f32 to vector<16xf32>
            %mul3A_404 = arith.mulf %mul3A_403, %get3A_402 : vector<16xf32>
            %add3A_405 = arith.addf %get3A_395, %mul3A_404 : vector<16xf32>
            %swap3A_406 = arith.index_cast %sub3A_309 : i32 to index
            %swap3A_407 = arith.constant 80 : index
            %swap3A_408 = tpu.vector_load %arg24[%swap3A_406, %swap3A_407] {strides = array<i32>} : memref<64x128xf32, #tpu.memory_space<vmem>>, vector<16xf32>,
            tpu.vector_store %arg24[%swap3A_406, %swap3A_407], %add3A_405 {strides = array<i32>} : memref<64x128xf32, #tpu.memory_space<vmem>>, vector<16xf32>,
            %get3A_409 = arith.index_cast %sub3A_309 : i32 to index
            %get3A_410 = arith.constant 96 : index
            %get3A_411 = tpu.vector_load %arg24[%get3A_409, %get3A_410] {strides = array<i32>} : memref<64x128xf32, #tpu.memory_space<vmem>>, vector<16xf32>,
            %get3A_412 = arith.constant 0 : i32
            %get3A_413 = arith.constant 0 : i32
            %get3A_414 = tpu.memref_slice %arg23[%scan3A_285, %get3A_412, %get3A_413] : memref<2x64x128xf32, #tpu.memory_space<vmem>> -> memref<1x64x128xf32, #tpu.memory_space<vmem>>
            %get3A_415 = tpu.memref_squeeze %get3A_414 : memref<1x64x128xf32, #tpu.memory_space<vmem>> -> memref<64x128xf32, #tpu.memory_space<vmem>>
            %get3A_416 = arith.index_cast %scan3A_294 : i32 to index
            %get3A_417 = arith.constant 96 : index
            %get3A_418 = tpu.vector_load %get3A_415[%get3A_416, %get3A_417] {strides = array<i32>} : memref<64x128xf32, #tpu.memory_space<vmem>>, vector<16xf32>,
            %mul3A_419 = vector.broadcast %squeeze3A_313 : f32 to vector<16xf32>
            %mul3A_420 = arith.mulf %mul3A_419, %get3A_418 : vector<16xf32>
            %add3A_421 = arith.addf %get3A_411, %mul3A_420 : vector<16xf32>
            %swap3A_422 = arith.index_cast %sub3A_309 : i32 to index
            %swap3A_423 = arith.constant 96 : index
            %swap3A_424 = tpu.vector_load %arg24[%swap3A_422, %swap3A_423] {strides = array<i32>} : memref<64x128xf32, #tpu.memory_space<vmem>>, vector<16xf32>,
            tpu.vector_store %arg24[%swap3A_422, %swap3A_423], %add3A_421 {strides = array<i32>} : memref<64x128xf32, #tpu.memory_space<vmem>>, vector<16xf32>,
            %get3A_425 = arith.index_cast %sub3A_309 : i32 to index
            %get3A_426 = arith.constant 112 : index
            %get3A_427 = tpu.vector_load %arg24[%get3A_425, %get3A_426] {strides = array<i32>} : memref<64x128xf32, #tpu.memory_space<vmem>>, vector<16xf32>,
            %get3A_428 = arith.constant 0 : i32
            %get3A_429 = arith.constant 0 : i32
            %get3A_430 = tpu.memref_slice %arg23[%scan3A_285, %get3A_428, %get3A_429] : memref<2x64x128xf32, #tpu.memory_space<vmem>> -> memref<1x64x128xf32, #tpu.memory_space<vmem>>
            %get3A_431 = tpu.memref_squeeze %get3A_430 : memref<1x64x128xf32, #tpu.memory_space<vmem>> -> memref<64x128xf32, #tpu.memory_space<vmem>>
            %get3A_432 = arith.index_cast %scan3A_294 : i32 to index
            %get3A_433 = arith.constant 112 : index
            %get3A_434 = tpu.vector_load %get3A_431[%get3A_432, %get3A_433] {strides = array<i32>} : memref<64x128xf32, #tpu.memory_space<vmem>>, vector<16xf32>,
            %mul3A_435 = vector.broadcast %squeeze3A_313 : f32 to vector<16xf32>
            %mul3A_436 = arith.mulf %mul3A_435, %get3A_434 : vector<16xf32>
            %add3A_437 = arith.addf %get3A_427, %mul3A_436 : vector<16xf32>
            %swap3A_438 = arith.index_cast %sub3A_309 : i32 to index
            %swap3A_439 = arith.constant 112 : index
            %swap3A_440 = tpu.vector_load %arg24[%swap3A_438, %swap3A_439] {strides = array<i32>} : memref<64x128xf32, #tpu.memory_space<vmem>>, vector<16xf32>,
            tpu.vector_store %arg24[%swap3A_438, %swap3A_439], %add3A_437 {strides = array<i32>} : memref<64x128xf32, #tpu.memory_space<vmem>>, vector<16xf32>,
            %cond3A_441 = arith.constant 0 : i32
            scf.yield %cond3A_441 : i32
          } else {
            %cond3A_305 = arith.constant 0 : i32
            scf.yield %cond3A_305 : i32
          }
          %scan3A_304 = arith.constant 0 : i32
          scf.yield %scan3A_304 : i32
        }
        %scan3A_292 = arith.constant 64 : i32
        %cond3A_293 = arith.constant 0 : i32
        scf.yield %cond3A_293 : i32
      }
      %while3A_271 = arith.constant 0 : i32
      scf.yield %while3A_271 : i32
    }
    %dma_wait3A = arith.constant 0 : i32
    %dma_wait3A_223 = arith.constant 0 : i32
    %dma_wait3A_224 = tpu.memref_slice %arg2[%dma_wait3A, %dma_wait3A_223] : memref<2048x128xf32, #tpu.memory_space<hbm>> -> memref<2048x128xf32, #tpu.memory_space<hbm>>
    tpu.wait_indirect_dma semaphore(%arg29 : memref<!tpu.dma_semaphore, #tpu.memory_space<semaphore_mem>>) src(%dma_wait3A_224 : memref<2048x128xf32, #tpu.memory_space<hbm>>) dst(%arg25 : memref<64x128xf32, #tpu.memory_space<vmem>>)
    %scan3A_225 = arith.constant 0 : i32
    %scan3A_226 = arith.constant 0 : i32
    %scan3A_227 = arith.constant 64 : i32
    %scan3A_228 = arith.addi %scan3A_226, %scan3A_227 : i32
    %scan3A_229 = arith.constant 1 : i32
    %scan3A_230 = scf.for %scan3A_238 = %scan3A_226 to %scan3A_228 step %scan3A_229 iter_args(%scan3A_239 = %scan3A_225) -> (i32)  : i32 {
      %get3A_240 = arith.index_cast %scan3A_238 : i32 to index
      %get3A_241 = arith.constant 0 : index
      %get3A_242 = tpu.vector_load %arg24[%get3A_240, %get3A_241] {strides = array<i32>} : memref<64x128xf32, #tpu.memory_space<vmem>>, vector<16xf32>,
      %get3A_243 = arith.index_cast %scan3A_238 : i32 to index
      %get3A_244 = arith.constant 0 : index
      %get3A_245 = tpu.vector_load %arg25[%get3A_243, %get3A_244] {strides = array<i32>} : memref<64x128xf32, #tpu.memory_space<vmem>>, vector<16xf32>,
      %add3A_246 = arith.addf %get3A_242, %get3A_245 : vector<16xf32>
      %ge3A = arith.constant 0.000000e+00 : f32
      %ge3A_247 = vector.broadcast %ge3A : f32 to vector<16xf32>
      %ge3A_248 = arith.cmpf oge, %add3A_246, %ge3A_247 : vector<16xf32>
      %mul3A_249 = arith.constant 2.000000e-01 : f32
      %mul3A_250 = vector.broadcast %mul3A_249 : f32 to vector<16xf32>
      %mul3A_251 = arith.mulf %mul3A_250, %add3A_246 : vector<16xf32>
      %select_n3A_252 = arith.select %ge3A_248, %add3A_246, %mul3A_251 : vector<16xi1>, vector<16xf32>
      %swap3A = arith.index_cast %scan3A_238 : i32 to index
      %swap3A_253 = arith.constant 0 : index
      %swap3A_254 = tpu.vector_load %arg25[%swap3A, %swap3A_253] {strides = array<i32>} : memref<64x128xf32, #tpu.memory_space<vmem>>, vector<16xf32>,
      tpu.vector_store %arg25[%swap3A, %swap3A_253], %select_n3A_252 {strides = array<i32>} : memref<64x128xf32, #tpu.memory_space<vmem>>, vector<16xf32>,
      %get3A_255 = arith.index_cast %scan3A_238 : i32 to index
      %get3A_256 = arith.constant 16 : index
      %get3A_257 = tpu.vector_load %arg24[%get3A_255, %get3A_256] {strides = array<i32>} : memref<64x128xf32, #tpu.memory_space<vmem>>, vector<16xf32>,
      %get3A_258 = arith.index_cast %scan3A_238 : i32 to index
      %get3A_259 = arith.constant 16 : index
      %get3A_260 = tpu.vector_load %arg25[%get3A_258, %get3A_259] {strides = array<i32>} : memref<64x128xf32, #tpu.memory_space<vmem>>, vector<16xf32>,
      %add3A_261 = arith.addf %get3A_257, %get3A_260 : vector<16xf32>
      %ge3A_262 = arith.constant 0.000000e+00 : f32
      %ge3A_263 = vector.broadcast %ge3A_262 : f32 to vector<16xf32>
      %ge3A_264 = arith.cmpf oge, %add3A_261, %ge3A_263 : vector<16xf32>
      %mul3A_265 = arith.constant 2.000000e-01 : f32
      %mul3A_266 = vector.broadcast %mul3A_265 : f32 to vector<16xf32>
      %mul3A_267 = arith.mulf %mul3A_266, %add3A_261 : vector<16xf32>
      %select_n3A_268 = arith.select %ge3A_264, %add3A_261, %mul3A_267 : vector<16xi1>, vector<16xf32>
      %swap3A_269 = arith.index_cast %scan3A_238 : i32 to index
      %swap3A_270 = arith.constant 16 : index
      %swap3A_271 = tpu.vector_load %arg25[%swap3A_269, %swap3A_270] {strides = array<i32>} : memref<64x128xf32, #tpu.memory_space<vmem>>, vector<16xf32>,
      tpu.vector_store %arg25[%swap3A_269, %swap3A_270], %select_n3A_268 {strides = array<i32>} : memref<64x128xf32, #tpu.memory_space<vmem>>, vector<16xf32>,
      %get3A_272 = arith.index_cast %scan3A_238 : i32 to index
      %get3A_273 = arith.constant 32 : index
      %get3A_274 = tpu.vector_load %arg24[%get3A_272, %get3A_273] {strides = array<i32>} : memref<64x128xf32, #tpu.memory_space<vmem>>, vector<16xf32>,
      %get3A_275 = arith.index_cast %scan3A_238 : i32 to index
      %get3A_276 = arith.constant 32 : index
      %get3A_277 = tpu.vector_load %arg25[%get3A_275, %get3A_276] {strides = array<i32>} : memref<64x128xf32, #tpu.memory_space<vmem>>, vector<16xf32>,
      %add3A_278 = arith.addf %get3A_274, %get3A_277 : vector<16xf32>
      %ge3A_279 = arith.constant 0.000000e+00 : f32
      %ge3A_280 = vector.broadcast %ge3A_279 : f32 to vector<16xf32>
      %ge3A_281 = arith.cmpf oge, %add3A_278, %ge3A_280 : vector<16xf32>
      %mul3A_282 = arith.constant 2.000000e-01 : f32
      %mul3A_283 = vector.broadcast %mul3A_282 : f32 to vector<16xf32>
      %mul3A_284 = arith.mulf %mul3A_283, %add3A_278 : vector<16xf32>
      %select_n3A_285 = arith.select %ge3A_281, %add3A_278, %mul3A_284 : vector<16xi1>, vector<16xf32>
      %swap3A_286 = arith.index_cast %scan3A_238 : i32 to index
      %swap3A_287 = arith.constant 32 : index
      %swap3A_288 = tpu.vector_load %arg25[%swap3A_286, %swap3A_287] {strides = array<i32>} : memref<64x128xf32, #tpu.memory_space<vmem>>, vector<16xf32>,
      tpu.vector_store %arg25[%swap3A_286, %swap3A_287], %select_n3A_285 {strides = array<i32>} : memref<64x128xf32, #tpu.memory_space<vmem>>, vector<16xf32>,
      %get3A_289 = arith.index_cast %scan3A_238 : i32 to index
      %get3A_290 = arith.constant 48 : index
      %get3A_291 = tpu.vector_load %arg24[%get3A_289, %get3A_290] {strides = array<i32>} : memref<64x128xf32, #tpu.memory_space<vmem>>, vector<16xf32>,
      %get3A_292 = arith.index_cast %scan3A_238 : i32 to index
      %get3A_293 = arith.constant 48 : index
      %get3A_294 = tpu.vector_load %arg25[%get3A_292, %get3A_293] {strides = array<i32>} : memref<64x128xf32, #tpu.memory_space<vmem>>, vector<16xf32>,
      %add3A_295 = arith.addf %get3A_291, %get3A_294 : vector<16xf32>
      %ge3A_296 = arith.constant 0.000000e+00 : f32
      %ge3A_297 = vector.broadcast %ge3A_296 : f32 to vector<16xf32>
      %ge3A_298 = arith.cmpf oge, %add3A_295, %ge3A_297 : vector<16xf32>
      %mul3A_299 = arith.constant 2.000000e-01 : f32
      %mul3A_300 = vector.broadcast %mul3A_299 : f32 to vector<16xf32>
      %mul3A_301 = arith.mulf %mul3A_300, %add3A_295 : vector<16xf32>
      %select_n3A_302 = arith.select %ge3A_298, %add3A_295, %mul3A_301 : vector<16xi1>, vector<16xf32>
      %swap3A_303 = arith.index_cast %scan3A_238 : i32 to index
      %swap3A_304 = arith.constant 48 : index
      %swap3A_305 = tpu.vector_load %arg25[%swap3A_303, %swap3A_304] {strides = array<i32>} : memref<64x128xf32, #tpu.memory_space<vmem>>, vector<16xf32>,
      tpu.vector_store %arg25[%swap3A_303, %swap3A_304], %select_n3A_302 {strides = array<i32>} : memref<64x128xf32, #tpu.memory_space<vmem>>, vector<16xf32>,
      %get3A_306 = arith.index_cast %scan3A_238 : i32 to index
      %get3A_307 = arith.constant 64 : index
      %get3A_308 = tpu.vector_load %arg24[%get3A_306, %get3A_307] {strides = array<i32>} : memref<64x128xf32, #tpu.memory_space<vmem>>, vector<16xf32>,
      %get3A_309 = arith.index_cast %scan3A_238 : i32 to index
      %get3A_310 = arith.constant 64 : index
      %get3A_311 = tpu.vector_load %arg25[%get3A_309, %get3A_310] {strides = array<i32>} : memref<64x128xf32, #tpu.memory_space<vmem>>, vector<16xf32>,
      %add3A_312 = arith.addf %get3A_308, %get3A_311 : vector<16xf32>
      %ge3A_313 = arith.constant 0.000000e+00 : f32
      %ge3A_314 = vector.broadcast %ge3A_313 : f32 to vector<16xf32>
      %ge3A_315 = arith.cmpf oge, %add3A_312, %ge3A_314 : vector<16xf32>
      %mul3A_316 = arith.constant 2.000000e-01 : f32
      %mul3A_317 = vector.broadcast %mul3A_316 : f32 to vector<16xf32>
      %mul3A_318 = arith.mulf %mul3A_317, %add3A_312 : vector<16xf32>
      %select_n3A_319 = arith.select %ge3A_315, %add3A_312, %mul3A_318 : vector<16xi1>, vector<16xf32>
      %swap3A_320 = arith.index_cast %scan3A_238 : i32 to index
      %swap3A_321 = arith.constant 64 : index
      %swap3A_322 = tpu.vector_load %arg25[%swap3A_320, %swap3A_321] {strides = array<i32>} : memref<64x128xf32, #tpu.memory_space<vmem>>, vector<16xf32>,
      tpu.vector_store %arg25[%swap3A_320, %swap3A_321], %select_n3A_319 {strides = array<i32>} : memref<64x128xf32, #tpu.memory_space<vmem>>, vector<16xf32>,
      %get3A_323 = arith.index_cast %scan3A_238 : i32 to index
      %get3A_324 = arith.constant 80 : index
      %get3A_325 = tpu.vector_load %arg24[%get3A_323, %get3A_324] {strides = array<i32>} : memref<64x128xf32, #tpu.memory_space<vmem>>, vector<16xf32>,
      %get3A_326 = arith.index_cast %scan3A_238 : i32 to index
      %get3A_327 = arith.constant 80 : index
      %get3A_328 = tpu.vector_load %arg25[%get3A_326, %get3A_327] {strides = array<i32>} : memref<64x128xf32, #tpu.memory_space<vmem>>, vector<16xf32>,
      %add3A_329 = arith.addf %get3A_325, %get3A_328 : vector<16xf32>
      %ge3A_330 = arith.constant 0.000000e+00 : f32
      %ge3A_331 = vector.broadcast %ge3A_330 : f32 to vector<16xf32>
      %ge3A_332 = arith.cmpf oge, %add3A_329, %ge3A_331 : vector<16xf32>
      %mul3A_333 = arith.constant 2.000000e-01 : f32
      %mul3A_334 = vector.broadcast %mul3A_333 : f32 to vector<16xf32>
      %mul3A_335 = arith.mulf %mul3A_334, %add3A_329 : vector<16xf32>
      %select_n3A_336 = arith.select %ge3A_332, %add3A_329, %mul3A_335 : vector<16xi1>, vector<16xf32>
      %swap3A_337 = arith.index_cast %scan3A_238 : i32 to index
      %swap3A_338 = arith.constant 80 : index
      %swap3A_339 = tpu.vector_load %arg25[%swap3A_337, %swap3A_338] {strides = array<i32>} : memref<64x128xf32, #tpu.memory_space<vmem>>, vector<16xf32>,
      tpu.vector_store %arg25[%swap3A_337, %swap3A_338], %select_n3A_336 {strides = array<i32>} : memref<64x128xf32, #tpu.memory_space<vmem>>, vector<16xf32>,
      %get3A_340 = arith.index_cast %scan3A_238 : i32 to index
      %get3A_341 = arith.constant 96 : index
      %get3A_342 = tpu.vector_load %arg24[%get3A_340, %get3A_341] {strides = array<i32>} : memref<64x128xf32, #tpu.memory_space<vmem>>, vector<16xf32>,
      %get3A_343 = arith.index_cast %scan3A_238 : i32 to index
      %get3A_344 = arith.constant 96 : index
      %get3A_345 = tpu.vector_load %arg25[%get3A_343, %get3A_344] {strides = array<i32>} : memref<64x128xf32, #tpu.memory_space<vmem>>, vector<16xf32>,
      %add3A_346 = arith.addf %get3A_342, %get3A_345 : vector<16xf32>
      %ge3A_347 = arith.constant 0.000000e+00 : f32
      %ge3A_348 = vector.broadcast %ge3A_347 : f32 to vector<16xf32>
      %ge3A_349 = arith.cmpf oge, %add3A_346, %ge3A_348 : vector<16xf32>
      %mul3A_350 = arith.constant 2.000000e-01 : f32
      %mul3A_351 = vector.broadcast %mul3A_350 : f32 to vector<16xf32>
      %mul3A_352 = arith.mulf %mul3A_351, %add3A_346 : vector<16xf32>
      %select_n3A_353 = arith.select %ge3A_349, %add3A_346, %mul3A_352 : vector<16xi1>, vector<16xf32>
      %swap3A_354 = arith.index_cast %scan3A_238 : i32 to index
      %swap3A_355 = arith.constant 96 : index
      %swap3A_356 = tpu.vector_load %arg25[%swap3A_354, %swap3A_355] {strides = array<i32>} : memref<64x128xf32, #tpu.memory_space<vmem>>, vector<16xf32>,
      tpu.vector_store %arg25[%swap3A_354, %swap3A_355], %select_n3A_353 {strides = array<i32>} : memref<64x128xf32, #tpu.memory_space<vmem>>, vector<16xf32>,
      %get3A_357 = arith.index_cast %scan3A_238 : i32 to index
      %get3A_358 = arith.constant 112 : index
      %get3A_359 = tpu.vector_load %arg24[%get3A_357, %get3A_358] {strides = array<i32>} : memref<64x128xf32, #tpu.memory_space<vmem>>, vector<16xf32>,
      %get3A_360 = arith.index_cast %scan3A_238 : i32 to index
      %get3A_361 = arith.constant 112 : index
      %get3A_362 = tpu.vector_load %arg25[%get3A_360, %get3A_361] {strides = array<i32>} : memref<64x128xf32, #tpu.memory_space<vmem>>, vector<16xf32>,
      %add3A_363 = arith.addf %get3A_359, %get3A_362 : vector<16xf32>
      %ge3A_364 = arith.constant 0.000000e+00 : f32
      %ge3A_365 = vector.broadcast %ge3A_364 : f32 to vector<16xf32>
      %ge3A_366 = arith.cmpf oge, %add3A_363, %ge3A_365 : vector<16xf32>
      %mul3A_367 = arith.constant 2.000000e-01 : f32
      %mul3A_368 = vector.broadcast %mul3A_367 : f32 to vector<16xf32>
      %mul3A_369 = arith.mulf %mul3A_368, %add3A_363 : vector<16xf32>
      %select_n3A_370 = arith.select %ge3A_366, %add3A_363, %mul3A_369 : vector<16xi1>, vector<16xf32>
      %swap3A_371 = arith.index_cast %scan3A_238 : i32 to index
      %swap3A_372 = arith.constant 112 : index
      %swap3A_373 = tpu.vector_load %arg25[%swap3A_371, %swap3A_372] {strides = array<i32>} : memref<64x128xf32, #tpu.memory_space<vmem>>, vector<16xf32>,
      tpu.vector_store %arg25[%swap3A_371, %swap3A_372], %select_n3A_370 {strides = array<i32>} : memref<64x128xf32, #tpu.memory_space<vmem>>, vector<16xf32>,
      %scan3A_374 = arith.constant 0 : i32
      scf.yield %scan3A_374 : i32
    }
    %scan3A_231 = arith.constant 64 : i32
    %dma_start3A_232 = arith.constant 0 : i32
    %dma_start3A_233 = arith.constant 0 : i32
    %dma_start3A_234 = tpu.memref_slice %arg10[%dma_start3A_232, %dma_start3A_233] : memref<2048x128xf32, #tpu.memory_space<hbm>> -> memref<2048x128xf32, #tpu.memory_space<hbm>>
    tpu.enqueue_indirect_dma source(%arg25 : memref<64x128xf32, #tpu.memory_space<vmem>>) target(%dma_start3A_234 : memref<2048x128xf32, #tpu.memory_space<hbm>>) offsets(%arg22 : memref<64xi32, #tpu.memory_space<vmem>>) semaphore(%arg26 : memref<!tpu.dma_semaphore, #tpu.memory_space<semaphore_mem>>)
    %dma_wait3A_235 = arith.constant 0 : i32
    %dma_wait3A_236 = arith.constant 0 : i32
    %dma_wait3A_237 = tpu.memref_slice %arg10[%dma_wait3A_235, %dma_wait3A_236] : memref<2048x128xf32, #tpu.memory_space<hbm>> -> memref<2048x128xf32, #tpu.memory_space<hbm>>
    tpu.wait_indirect_dma semaphore(%arg26 : memref<!tpu.dma_semaphore, #tpu.memory_space<semaphore_mem>>) src(%arg25 : memref<64x128xf32, #tpu.memory_space<vmem>>) dst(%dma_wait3A_237 : memref<2048x128xf32, #tpu.memory_space<hbm>>)
    return
  }
}

module attributes {stable_mosaic.version = 14 : i64} {
  func.func @_tc_mm(%arg0: memref<2048x128xf32, #tpu.memory_space<vmem>>, %arg1: memref<128x128xf32, #tpu.memory_space<vmem>>, %arg2: memref<2x128xf32, #tpu.memory_space<vmem>>, %arg3: memref<2048x128xf32, #tpu.memory_space<vmem>>, %arg4: memref<2048x2xf32, #tpu.memory_space<vmem>>) attributes {dimension_semantics = [], scalar_prefetch = 0 : i64, scratch_operands = 0 : i64, tpu.core_type = #tpu.core_type<tc>} {
    %get3A = arith.constant 0 : index
    %get3A_0 = arith.constant 0 : index
    %get3A_1 = vector.load %arg0[%get3A, %get3A_0] : memref<2048x128xf32, #tpu.memory_space<vmem>>, vector<2048x128xf32>
    %get3A_2 = arith.constant 0 : index
    %get3A_3 = arith.constant 0 : index
    %get3A_4 = vector.load %arg1[%get3A_2, %get3A_3] : memref<128x128xf32, #tpu.memory_space<vmem>>, vector<128x128xf32>
    %dot_general3A = arith.constant dense<0.000000e+00> : vector<2048x128xf32>
    %dot_general3A_5 = tpu.matmul %get3A_1, %get3A_4, %dot_general3A {dimension_numbers = #tpu.dot_dimension_numbers<[1], [1], [0], [0], [0, 0, 1, 0], [], []>, transpose_lhs_hint = false} : vector<2048x128xf32>, vector<128x128xf32>, vector<2048x128xf32> -> vector<2048x128xf32>
    %swap3A = arith.constant 0 : index
    %swap3A_6 = arith.constant 0 : index
    %swap3A_7 = vector.load %arg3[%swap3A, %swap3A_6] : memref<2048x128xf32, #tpu.memory_space<vmem>>, vector<2048x128xf32>
    tpu.vector_store %arg3[%swap3A, %swap3A_6], %dot_general3A_5 {strides = array<i32>} : memref<2048x128xf32, #tpu.memory_space<vmem>>, vector<2048x128xf32>,
    %get3A_8 = arith.constant 0 : index
    %get3A_9 = arith.constant 0 : index
    %get3A_10 = vector.load %arg2[%get3A_8, %get3A_9] : memref<2x128xf32, #tpu.memory_space<vmem>>, vector<2x128xf32>
    %dot_general3A_11 = arith.constant dense<0.000000e+00> : vector<2048x2xf32>
    %dot_general3A_12 = tpu.matmul %dot_general3A_5, %get3A_10, %dot_general3A_11 {dimension_numbers = #tpu.dot_dimension_numbers<[1], [1], [0], [0], [0, 0, 1, 0], [], []>, transpose_lhs_hint = false} : vector<2048x128xf32>, vector<2x128xf32>, vector<2048x2xf32> -> vector<2048x2xf32>
    %swap3A_13 = arith.constant 0 : index
    %swap3A_14 = arith.constant 0 : index
    %swap3A_15 = vector.load %arg4[%swap3A_13, %swap3A_14] : memref<2048x2xf32, #tpu.memory_space<vmem>>, vector<2048x2xf32>
    tpu.vector_store %arg4[%swap3A_13, %swap3A_14], %dot_general3A_12 {strides = array<i32>} : memref<2048x2xf32, #tpu.memory_space<vmem>>, vector<2048x2xf32>,
    return
  }
}

</mosaic_0001>

<sc_bundles>
// kernel: kernel.12.cloned.1.call-start
scs
__scs_entry_jumppad:
0x0: {  	(pc) =	sbr.rel $0x88, $3  }
0x1: {  	(tag) =	ssettag $0x0;
	lr =	simm.s32 $0x1  }
0x2: {  	[smem:$0x3F9D] =	sst lr;
	_ =	strace $0xD0000000  }
0x3: {  	_ = 	snop  }
0x4: {  	_ = 	snop  }
0x5: {  	_ = 	snop  }
0x6: {  	_ = 	snop  }
0x7: {  	_ = 	snop  }
__scs_overlays_trampoline_lowered:
0x8: {  	[smem:$0x3FAC] =	sst s0  }
0x9: {  	[smem:$0x3FAD] =	sst s1  }
0xa: {  	[smem:$0x3FAE] =	sst s2  }
0xb: {  	[smem:$0x3FAF] =	sst s3  }
0xc: {  	[smem:$0x3FB0] =	sst s4  }
0xd: {  	[smem:$0x3FB1] =	sst s5  }
0xe: {  	[smem:$0x3FB2] =	sst s6  }
0xf: {  	[smem:$0x3FB3] =	sst s7  }
0x10: {  	[smem:$0x3FB4] =	sst s8  }
0x11: {  	[smem:$0x3FB5] =	sst s9;
	s0 =	simm.s32 @!p0 $0x0  }
0x12: {  	s1 =	sld [smem:$0x3F9B];
	s0 =	simm.s32 @p0 $0x1  }
0x13: {  	[smem:$0x3FB6] =	sst s0;
	s0 =	simm.s32 @!p1 $0x0  }
0x14: {  	s2 =	sld [smem:$0x3F9A];
	s0 =	simm.s32 @p1 $0x1  }
0x15: {  	[smem:$0x3FB7] =	sst s0;
	s0 =	simm.s32 @!p2 $0x0  }
0x16: {  	s3 =	sld [smem:$0x3FDB];
	s0 =	simm.s32 @p2 $0x1  }
0x17: {  	s4 =	simm.s32 $0x1BF5;
	[smem:$0x3FB9] =	sst s0  }
0x18: {  	s0 =	sld [smem:$0x3F9C];
	_ =	swait.ge [sflag:s4], $0x0  }
0x19: {  	s7 =	sld [smem:$0x3F9D]  }
0x1a: {  	s8 =	sadd.s32 $0xFFFFE003, lr  }
0x1b: {  	s9 =	sadd.s32 $0xFFFFFEF7, lr;
	s5 =	simm.s32 $0xFFFFFFFF;
	p2 =	slt.u32 s8, $0xFFFFF086  }
0x1c: {  	p1 =	slt.u32 s9, $0xF7A;
	s5 =	simm.s32 @!p2 $0x0  }
0x1d: {  	s5 =	simm.s32 @p1 $0x1;
	p0 =	seq.s32 s7, s2  }
0x1e: {  	s7 =	smul.u32 @!p0 $0xF7A, s2;
	p2 =	seq.s32 @!p0 s5, $0x0  }
0x1f: {  	s9 =	smul.u32 $0xF7A, s1;
	s8 =	simm.s32 @!p0 $0x1BF5;
	p2 =	por !p2, p0  }
0x20: {  	[sflag:s8] =	ssyncset.s32 @!p0 $0xFFFFF086;
	s6 =	sadd.s32 @!p0 s3, s7;
	s7 =	simm.s32 @!p0 $0x108  }
0x21: {  	s3 =	sadd.s32 s3, s9;
	s6 =	sadd.s32 @!p0 $0x88, s6;
	s7 =	simm.s32 @p2 $0x1082  }
0x22: {  	[simem:s7], [sflag:s8] =	dma.local @!p0 [hbm:s6], $0xF7A  }
0x23: {  	s9 =	sor.u32 $0xD0000000, s2;
	s6 =	simm.s32 $0x108;
	_ =	swait.ge @!p0 [sflag:s8], $0x0  }
0x24: {  	s3 =	sadd.s32 $0x88, s3;
	s6 =	simm.s32 @!p1 $0x1082;
	[sflag:s4] =	ssyncset.s32 $0xFFFFF086  }
0x25: {  	[simem:s6], [sflag:s4] =	dma.local [hbm:s3], $0xF7A  }
0x26: {  	[smem:$0x3F9D] =	sst s1;
	(tag) =	ssettag s2;
	_ =	strace s9  }
0x27: {  	s1 =	sld [smem:$0x3FAD]  }
0x28: {  	s2 =	sld [smem:$0x3FAE]  }
0x29: {  	s4 =	sld [smem:$0x3FB0]  }
0x2a: {  	p0 =	seq.s32 s5, $0x0;
	s5 =	sld [smem:$0x3FB1]  }
0x2b: {  	s6 =	sld [smem:$0x3FB2]  }
0x2c: {  	s7 =	sld [smem:$0x3FB3]  }
0x2d: {  	s3 =	simm.s32 $0x108;
	s8 =	sld [smem:$0x3FB4]  }
0x2e: {  	s3 =	simm.s32 @!p0 $0x1082;
	s9 =	sld [smem:$0x3FB5]  }
0x2f: {  	lr =	sadd.s32 s0, s3;
	s0 =	sld [smem:$0x3FAC]  }
0x30: {  	s3 =	sld [smem:$0x3FAF]  }
0x31: {  	[smem:$0x3FB8] =	sst s10  }
0x32: {  	s10 =	sld [smem:$0x3FB6];
	_ =	sdelay $0x3  }
0x33: {  	p0 =	seq.s32 s10, $0x1;
	s10 =	sld [smem:$0x3FB8];
	_ =	sdelay $0x3  }
0x34: {  	[smem:$0x3FB8] =	sst s10  }
0x35: {  	s10 =	sld [smem:$0x3FB7];
	_ =	sdelay $0x3  }
0x36: {  	p1 =	seq.s32 s10, $0x1;
	s10 =	sld [smem:$0x3FB8];
	_ =	sdelay $0x3  }
0x37: {  	[smem:$0x3FB8] =	sst s10  }
0x38: {  	s10 =	sld [smem:$0x3FB9]  }
0x39: {  	_ = 	snop;
	(pc) =	sbr.ind lr, $3  }
0x3a: {  	_ = 	snop  }
0x3b: {  	_ = 	snop  }
0x3c: {  	p2 =	seq.s32 s10, $0x1;
	s10 =	sld [smem:$0x3FB8]  }
0x3d: {  	_ =	shalt  }
0x3e: {  	_ =	shalt  }
0x3f: {  	_ =	shalt  }
0x40: {  	_ =	shalt  }
0x41: {  	_ =	shalt  }
0x42: {  	_ =	shalt  }
0x43: {  	_ =	shalt  }
0x44: {  	_ =	shalt  }
0x45: {  	_ =	shalt  }
0x46: {  	_ =	shalt  }
0x47: {  	_ =	shalt  }
0x48: {  	_ =	shalt  }
0x49: {  	_ =	shalt  }
0x4a: {  	_ =	shalt  }
0x4b: {  	_ =	shalt  }
0x4c: {  	_ =	shalt  }
0x4d: {  	_ =	shalt  }
0x4e: {  	_ =	shalt  }
0x4f: {  	_ =	shalt  }
0x50: {  	_ =	shalt  }
0x51: {  	_ =	shalt  }
0x52: {  	_ =	shalt  }
0x53: {  	_ =	shalt  }
0x54: {  	_ =	shalt  }
0x55: {  	_ =	shalt  }
0x56: {  	_ =	shalt  }
0x57: {  	_ =	shalt  }
0x58: {  	_ =	shalt  }
0x59: {  	_ =	shalt  }
0x5a: {  	_ =	shalt  }
0x5b: {  	_ =	shalt  }
0x5c: {  	_ =	shalt  }
0x5d: {  	_ =	shalt  }
0x5e: {  	_ =	shalt  }
0x5f: {  	_ =	shalt  }
0x60: {  	_ =	shalt  }
0x61: {  	_ =	shalt  }
0x62: {  	_ =	shalt  }
0x63: {  	_ =	shalt  }
0x64: {  	_ =	shalt  }
0x65: {  	_ =	shalt  }
0x66: {  	_ =	shalt  }
0x67: {  	_ =	shalt  }
0x68: {  	_ =	shalt  }
0x69: {  	_ =	shalt  }
0x6a: {  	_ =	shalt  }
0x6b: {  	_ =	shalt  }
0x6c: {  	_ =	shalt  }
0x6d: {  	_ =	shalt  }
0x6e: {  	_ =	shalt  }
0x6f: {  	_ =	shalt  }
0x70: {  	_ =	shalt  }
0x71: {  	_ =	shalt  }
0x72: {  	_ =	shalt  }
0x73: {  	_ =	shalt  }
0x74: {  	_ =	shalt  }
0x75: {  	_ =	shalt  }
0x76: {  	_ =	shalt  }
0x77: {  	_ =	shalt  }
0x78: {  	_ =	shalt  }
0x79: {  	_ =	shalt  }
0x7a: {  	_ =	shalt  }
0x7b: {  	_ =	shalt  }
0x7c: {  	_ =	shalt  }
0x7d: {  	_ =	shalt  }
0x7e: {  	_ =	shalt  }
0x7f: {  	_ =	shalt  }
0x80: {  	_ =	shalt  }
0x81: {  	_ =	shalt  }
0x82: {  	_ =	shalt  }
0x83: {  	_ =	shalt  }
0x84: {  	_ =	shalt  }
0x85: {  	_ =	shalt  }
0x86: {  	_ =	shalt  }
0x87: {  	_ =	shalt  }
.Lfunc_end0:
.L_simem_size_0:
called_computation.2_lowered:
.L_overlay_start_0:
0x88: {  	s2 =	sld [smem:$0x3FD9]  }
0x89: {  	s3 =	sld [smem:$0x3FFE];
	_ =	sdelay $0x1  }
0x8a: {  	s1 =	srdreg.scid  }
0x8b: {  	s0 =	sand.u32 $0x1, s1  }
0x8c: {  	s17 =	sshll.u32 s0, $0xA;
	s2 =	sadd.s32 s3, s2  }
0x8d: {  	s2 =	sadd.s32 s2, s17  }
0x8e: {  	[smem:$0x3FC4] =	sst s2  }
0x8f: {  	_ = 	snop  }
0x90: {  	s2 =	sld [smem:$0x3FD0];
	(tm) =	ssettm $0x1  }
0x91: {  	s18 =	sld [smem:$0x3FFB];
	_ =	sdelay $0x3  }
0x92: {  	_ =	strace s18  }
0x93: {  	s3 =	sld [smem:$0x3FFC];
	_ =	sdelay $0x3  }
0x94: {  	_ =	strace s3  }
0x95: {  	s3 =	sld [smem:$0x3FFD];
	_ =	sdelay $0x3  }
0x96: {  	_ =	strace s3  }
0x97: {  	_ =	strace $0x8FFFFFFF  }
0x98: {  	s19 =	sld [smem:$0x3FDB];
	_ =	sdelay $0x1  }
0x99: {  	s4 =	simm.s32 $_scs_section_size  }
0x9a: {  	s5 =	simm.s32 $_size__tile_overlayer_lowered;
	s6 =	simm.s32 $_tile_overlayer_lowered  }
0x9b: {  	s22 =	simm.s32 $0x1BFF;
	s21 =	sshll.u32 s6, $0x1;
	s3 =	sadd.s32 s4, s19  }
0x9c: {  	s7 =	simm.s32 $0x0;
	s20 =	sshll.u32 s5, $0x1;
	s5 =	sadd.s32 s21, s3  }
0x9d: {  	[timem:s7], [sflag:s22] =	dma.local [hbm:s5], s20  }
0x9e: {  	_ =	swait.ge [sflag:s22], s20  }
0x9f: {  	s4 =	ssub.s32 $0x0, s20;
	[sflag:s22] =	ssyncset.done $0x0  }
0xa0: {  	[sflag:s22] =	ssyncadd.s32 s4;
	_ =	sdelay $0x1  }
0xa1: {  	s23 =	simm.s32 $0x1B8B  }
0xa2: {  	_ =	swait.ge [sflag:s23], $0x1  }
0xa3: {  	[sflag:s23] =	ssyncset.done $0x0  }
0xa4: {  	s25 =	simm.s32 $0x1B8E;
	s24 =	sld [smem:$0x3FFE];
	[sflag:s23] =	ssyncadd.s32 $0xFFFFFFFF  }
0xa5: {  	s26 =	simm.s32 $execute0_lowered;
	[smem:$0x3FD2] =	sst s25  }
0xa6: {  	s5 =	sshll.u32 s26, $0x1;
	_ =	strace $0x8000004C;
	[dreg:$0x1] =	wrdreg $0xFFFFFFFF  }
0xa7: {  	s28 =	simm.s32 $_size_execute0_lowered;
	s3 =	sadd.s32 s3, s5;
	[dreg:$0x0] =	wrdreg $0x0  }
0xa8: {  	s5 =	sshll.u32 s28, $0x1;
	[dreg:$0x2] =	wrdreg s3  }
0xa9: {  	[dreg:$0x3] =	wrdreg s5  }
0xaa: {  	[dreg:$0x4] =	wrdreg $0xC0  }
0xab: {  	_ =	task [dreg:s7], $0x5FFFF  }
0xac: {  	[dreg:$0x1] =	wrdreg $0xFFFFFFFF  }
0xad: {  	[dreg:$0x0] =	wrdreg $0x60  }
0xae: {  	[dreg:$0x2] =	wrdreg s24  }
0xaf: {  	[dreg:$0x3] =	wrdreg s2  }
0xb0: {  	[dreg:$0x4] =	wrdreg $0x9  }
0xb1: {  	_ =	task.clear_ibuf [dreg:s7], $0x5FFFF;
	_ =	strace $0x9000004C  }
0xb2: {  	s29 =	simm.s32 $0x9;
	_ =	strace $0x8000004E  }
0xb3: {  	_ =	swait.ge [sflag:s29], $0x1  }
0xb4: {  	[sflag:s29] =	ssyncadd.s32 $0xFFFFFFFF  }
0xb5: {  	_ =	strace $0x9000004E  }
0xb6: {  	_ =	sfence  }
0xb7: {  	s30 =	sld [smem:$0x0];
	_ =	sdelay $0x2  }
0xb8: {  	s31 =	sshll.u32 s1, $0xD;
	s1 =	sshrl.u32 s1, $0x2  }
0xb9: {  	s3 =	sand.u32 $0x4000, s31;
	s1 =	sadd.s32 s1, s30  }
0xba: {  	s0 =	sor.u32 s3, s0;
	s1 =	sshll.u32 s1, $0x11  }
0xbb: {  	s0 =	sor.u32 s1, s0  }
0xbc: {  	s0 =	sadd.s32 $0x8F2B, s0  }
0xbd: {  	[sflag:s0] =	ssyncadd.remote.s32 $0x1  }
0xbe: {  	_ =	sfence.sel $0xFFFF  }
0xbf: {  	[dreg:$0x0] =	wrdreg $0xFFFFFFFF;
	(pc) =	sbr.abs _section_cstart, $3  }
0xc0: {  	[dreg:$0x1] =	wrdreg $0xFFFFFFFF  }
0xc1: {  	_ =	task.clear_ibuf [dreg:s7], $0x2FFFF;
	_ =	strace $0x9FFFFFFF  }
0xc2: {  	(tm) =	ssettm $0x7FFFFFFF  }
0xc3: {  	_ =	shalt  }
tec
execute0_lowered:
.L_overlay_start_1:
0x0: {  	(tag) =	ssettag $0x1  }
0x1: {  	s0 =	rddreg [dreg:$0x0]  }
0x2: {  	s1 =	srdreg.scid;
	s2 =	stileid.u32  }
0x3: {  	s3 =	simm.s32 $0x0;
	s16 =	simm.s32 $0x5;
	s9 =	simm.s32 $0x15D00  }
0x4: {  	s20 =	simm.s32 $0x15400;
	s10 =	simm.s32 $0x1BE00;
	s1 =	sand.u32 $0x1, s1  }
0x5: {  	s2 =	sshll.u32 s2, $0x7;
	[smem:$0x7FF] =	sst s3;
	s21 =	sadd.s32 $0x5800, s0  }
0x6: {  	s6 =	sadd.s32 $0x2000, s0;
	s7 =	sadd.s32 $0x1600, s0;
	s4 =	sshll.u32 s1, $0x6  }
0x7: {  	_ =	strace $0x8000004D;
	s1 =	ssub.s32 $0x2, s1;
	[dreg:$0x4] =	wrdreg s6  }
0x8: {  	[dreg:$0x3] =	wrdreg s21;
	s4 =	sor.u32 s4, s2;
	s5 =	sshrl.u32 s1, $0x1  }
0x9: {  	s2 =	sshrl.u32 s4, $0x3;
	s22 =	ssub.s32 s1, s5;
	s28 =	sadd.s32 $0x14C00, s4  }
0xa: {  	s2 =	sadd.s32 s2, s0;
	[dreg:$0x9] =	wrdreg s28;
	s0 =	smax.u32 s22, $0x1  }
0xb: {  	s29 =	simm.s32 $0x2;
	s23 =	sadd.s32 $0x1400, s2;
	[dreg:$0xb] =	wrdreg s0  }
0xc: {  	s30 =	simm.s32 $0x3;
	s24 =	sadd.s32 $0x1000, s2;
	[dreg:$0x5] =	wrdreg s23  }
0xd: {  	s5 =	simm.s32 $0x0;
	s25 =	sadd.s32 $0x1200, s2;
	[dreg:$0x6] =	wrdreg s24  }
0xe: {  	s22 =	simm.s32 $0x40;
	s26 =	sadd.s32 $0x2400, s2;
	[dreg:$0x7] =	wrdreg s25  }
0xf: {  	s31 =	sadd.s32 $0x2200, s2;
	s2 =	simm.s32 $0x15D80;
	[dreg:$0x8] =	wrdreg s26  }
0x10: {  	v0 =	vlaneseq.u32;
	v1 =	vimm.f32 $0.0e+00;
	[dreg:$0xa] =	wrdreg s31;
	s24 =	simm.s32 $0x14C00;
	s25 =	simm.s32 $0x14400  }
.LBB2_1:
0x11: {  	[dreg:$0xc] =	wrdreg s5  }
0x12: {  	s0 =	rddreg [dreg:$0x5];
	s1 =	simm.s32 $0x15C00  }
0x13: {  	[tilespmem:s1], [sflag:$0x5] =	stream.linear.gather [hbm4b:s0+s3], $0x40, $0x38;
	[tilespmem:$0x1DE00] =	vst v63  }
0x14: {  	_ =	swait.ge [sflag:s16], $0x40  }
0x15: {  	[sflag:s16] =	ssyncset.done $0x0  }
0x16: {  	s6 =	simm.s32 $0x15C80;
	s5 =	rddreg [dreg:$0x6];
	[sflag:s16] =	ssyncadd.s32 $0xFFFFFFC0  }
0x17: {  	[tilespmem:s6], [sflag:$0x5] =	stream.linear.gather [hbm4b:s5+s3], $0x40, $0x38;
	[tilespmem:$0x1DE00] =	vst v63  }
0x18: {  	_ =	swait.ge [sflag:s16], $0x40  }
0x19: {  	[sflag:s16] =	ssyncset.done $0x0  }
0x1a: {  	s8 =	rddreg [dreg:$0x7];
	[sflag:s16] =	ssyncadd.s32 $0xFFFFFFC0  }
0x1b: {  	[tilespmem:s9], [sflag:$0x5] =	stream.linear.gather [hbm4b:s8+s3], $0x40, $0x38;
	[tilespmem:$0x1DE00] =	vst v63  }
0x1c: {  	_ =	swait.ge [sflag:s16], $0x40  }
0x1d: {  	[sflag:s16] =	ssyncset.done $0x0  }
0x1e: {  	s11 =	rddreg [dreg:$0x8];
	[sflag:s16] =	ssyncadd.s32 $0xFFFFFFC0  }
0x1f: {  	[tilespmem:s2], [sflag:$0x5] =	stream.linear.gather [hbm4b:s11+s3], $0x40, $0x38;
	[tilespmem:$0x1DE00] =	vst v63  }
0x20: {  	_ =	swait.ge [sflag:s16], $0x40  }
0x21: {  	[sflag:s16] =	ssyncset.done $0x0;
	s12 =	rddreg [dreg:$0x9]  }
0x22: {  	s13 =	rddreg [dreg:$0xa];
	[sflag:s16] =	ssyncadd.s32 $0xFFFFFFC0  }
0x23: {  	[tilespmem:s12], [sflag:$0x5] =	stream.linear.gather [hbm4b:s13+s3], $0x40, $0x38;
	[tilespmem:$0x1DE00] =	vst v63  }
0x24: {  	_ =	swait.ge [sflag:s16], $0x40  }
0x25: {  	[sflag:s16] =	ssyncset.done $0x0  }
0x26: {  	s14 =	rddreg [dreg:$0x4];
	[sflag:s16] =	ssyncadd.s32 $0xFFFFFFC0  }
0x27: {  	[tilespmem:s20], [sflag:$0x5] =	stream.linear.gather [hbm4b:s14+s3], $0x800, $0x38;
	[tilespmem:$0x1DE00] =	vst v63  }
0x28: {  	_ =	swait.ge [sflag:s16], $0x800  }
0x29: {  	[sflag:s16] =	ssyncset.done $0x0  }
0x2a: {  	[sflag:s16] =	ssyncadd.s32 $0xFFFFF800  }
0x2b: {  	v2 =	vld [tilespmem:$0x15C00];
	_ =	sdelay $0x4  }
0x2c: {  	(v2sf) =	vpush v2, $0x0;
	v2 =	vld [tilespmem:$0x15C3F]  }
0x2d: {  	v3 =	vld [tilespmem:$0x15CBF];
	_ =	sdelay $0x3  }
0x2e: {  	(v2sf) =	vpush v2, $0x0  }
0x2f: {  	(v2sf) =	vpush v3, $0x0;
	_ =	sdelay $0x8  }
0x30: {  	s1 =	spop (v2sf)  }
0x31: {  	s15 =	sand.u32 $0x3F, s1  }
0x32: {  	s17 =	sshra.s32 s1, $0x1F;
	p0 =	slt.s32 s1, $0x1;
	p1 =	sne.s32 s15, $0x0  }
0x33: {  	s18 =	sshrl.u32 s17, $0x1A;
	p0 =	por !p0, !p1  }
0x34: {  	s2 =	simm.s32 $0x1;
	s0 =	sadd.s32 s18, s1;
	p0 =	por !p0, !p0  }
0x35: {  	s0 =	sshra.s32 s0, $0x6;
	s19 =	spop (v2sf);
	s2 =	simm.s32 @!p0 $0x0  }
0x36: {  	s6 =	spop (v2sf);
	s2 =	ssub.s32 s0, s2  }
0x37: {  	s15 =	sadd.s32 s19, s6;
	s17 =	sshll.u32 s2, $0x6  }
0x38: {  	s23 =	ssub.s32 s15, s17  }
0x39: {  	s0 =	sadd.s32 $0x1FF, s23  }
0x3a: {  	s26 =	sand.u32 $0x1FF, s0  }
0x3b: {  	s28 =	sshra.s32 s0, $0x1F;
	p5 =	slt.s32 s0, $0x1;
	p6 =	sne.s32 s26, $0x0  }
0x3c: {  	s31 =	sshrl.u32 s28, $0x17;
	p0 =	por !p5, !p6  }
0x3d: {  	s5 =	simm.s32 $0x1;
	s0 =	sadd.s32 s31, s0;
	p0 =	por !p0, !p0  }
0x3e: {  	s0 =	sshra.s32 s0, $0x9;
	s5 =	simm.s32 @!p0 $0x0  }
0x3f: {  	s5 =	ssub.s32 s0, s5  }
0x40: {  	p0 =	slt.s32 s5, $0x1  }
.Ltmp0:
0x41: {  	_ = 	snop;
	(pc) =	sbr.rel @p0 .LBB2_5-.Ltmp0, $3  }
0x42: {  	_ =	sdelay $0x1  }
0x43: {  	s0 =	sshll.u32 s2, $0x8  }
0x44: {  	s11 =	sshra.s32 s0, $0x2  }
0x45: {  	p0 =	sne.s32 s5, $0x1  }
.Ltmp1:
0x46: {  	_ = 	snop;
	(pc) =	sbr.rel @!p0 .LBB2_4-.Ltmp1, $4  }
0x47: {  	s6 =	sshrl.u32 s17, $0x3  }
0x48: {  	s0 =	sshra.s32 s0, $0x2;
	s6 =	sadd.s32 s7, s6  }
0x49: {  	[tilespmem:s0], [sflag:$0x5] =	stream.linear.gather [hbm4b:s6+s3], $0x200, $0x38;
	[tilespmem:$0x1DE00] =	vst v63  }
0x4a: {  	s5 =	sadd.s32 $0xFFFFFFFF, s5;
	s6 =	sadd.s32 $0x200, s17;
	_ =	swait.ge [sflag:s16], $0x200  }
.LBB2_3:
0x4b: {  	s8 =	sshrl.u32 s6, $0x3  }
0x4c: {  	[sflag:s16] =	ssyncset.done $0x0;
	s0 =	sadd.s32 $0x200, s0;
	p0 =	sne.s32 s5, $0x1  }
.Ltmp2:
0x4d: {  	s8 =	sadd.s32 s7, s8;
	[sflag:s16] =	ssyncadd.s32 $0xFFFFFE00;
	(pc) =	sbr.rel @p0 .LBB2_3-.Ltmp2, $3  }
0x4e: {  	[tilespmem:s0], [sflag:$0x5] =	stream.linear.gather [hbm4b:s8+s3], $0x200, $0x38;
	[tilespmem:$0x1DE00] =	vst v63  }
0x4f: {  	s5 =	sadd.s32 $0xFFFFFFFF, s5;
	_ =	sdelay $0x1  }
0x50: {  	s6 =	sadd.s32 $0x200, s6;
	_ =	swait.ge [sflag:s16], $0x200  }
.LBB2_4:
0x51: {  	[sflag:s16] =	ssyncset.done $0x0  }
0x52: {  	[sflag:s16] =	ssyncadd.s32 $0xFFFFFE00  }
.LBB2_5:
0x53: {  	s0 =	sadd.s32 $0x3F, s15  }
0x54: {  	s5 =	sand.u32 $0x3F, s0  }
0x55: {  	s6 =	sshra.s32 s0, $0x1F;
	p0 =	slt.s32 s0, $0x1;
	p1 =	sne.s32 s5, $0x0  }
0x56: {  	s28 =	sshrl.u32 s6, $0x1A;
	p0 =	por !p0, !p1  }
0x57: {  	s5 =	simm.s32 $0x1;
	s0 =	sadd.s32 s28, s0;
	p0 =	por !p0, !p0  }
0x58: {  	s0 =	sshra.s32 s0, $0x6;
	s5 =	simm.s32 @!p0 $0x0  }
0x59: {  	s18 =	ssub.s32 s0, s5  }
0x5a: {  	s19 =	ssub.s32 s18, s2  }
0x5b: {  	s31 =	sshll.u32 s19, $0x6  }
0x5c: {  	s5 =	sshra.s32 s31, $0x4  }
0x5d: {  	p0 =	slt.s32 s5, $0x1  }
.Ltmp3:
0x5e: {  	_ = 	snop;
	(pc) =	sbr.rel @p0 .LBB2_9-.Ltmp3, $2  }
0x5f: {  	_ =	sdelay $0x2  }
0x60: {  	[tilespmem:s10], [sflag:$0x4] =	stream.indirect.gather [hbm4b:s21+s22], $0x80, s9, s22, $0xb8;
	[tilespmem:$0x1DE00] =	vst v63  }
0x61: {  	v2 =	vld [tilespmem:s11+$0x0];
	_ =	sdelay $0x4  }
0x62: {  	v3 =	vshrl.u32 v2, $0xB;
	v2 =	vand.u32 $0x7FF, v2  }
0x63: {  	v3 =	vand.u32 $0x7FF, v3  }
0x64: {  	s0 =	sadd.s32 $0x4200, s11  }
0x65: {  	s6 =	sadd.s32 $0x8280, s11;
	[tilespmem:s0+$0x0] =	vst v3  }
0x66: {  	[tilespmem:s6+$0x0] =	vst v2  }
0x67: {  	s5 =	ssub.s32 $0x0, s5;
	v2 =	vld.idx.msk [tilespmem:v2+s20+$0x0], $0xffff  }
0x68: {  	s5 =	sadd.s32 $0x1, s5;
	v3 =	vld.idx.msk [tilespmem:v3+s24+$0x0], $0xffff  }
0x69: {  	p0 =	seq.s32 s5, $0x0  }
.Ltmp4:
0x6a: {  	_ = 	snop;
	(pc) =	sbr.rel @p0 .LBB2_8-.Ltmp4, $3  }
0x6b: {  	_ =	sdelay $0x1  }
0x6c: {  	s9 =	sadd.s32 $0x10380, s11;
	v2 =	vadd.f32 v2, v3  }
0x6d: {  	s10 =	smov.u32 s11;
	s8 =	sadd.s32 $0x10, s9;
	s6 =	sadd.s32 $0x10, s6  }
.LBB2_7:
0x6e: {  	s5 =	sadd.s32 $0x1, s5;
	[tilespmem:s9+$0x0] =	vst v2;
	s10 =	sadd.s32 $0x10, s10;
	s0 =	sadd.s32 $0x10, s0  }
0x6f: {  	s9 =	smov.u32 s8;
	v2 =	vld [tilespmem:s10+$0x0];
	p0 =	seq.s32 s5, $0x0;
	_ =	sdelay $0x4  }
0x70: {  	v3 =	vshrl.u32 v2, $0xB;
	v2 =	vand.u32 $0x7FF, v2  }
0x71: {  	v3 =	vand.u32 $0x7FF, v3;
	_ =	sdelay $0x1  }
0x72: {  	[tilespmem:s0+$0x0] =	vst v3  }
0x73: {  	[tilespmem:s6+$0x0] =	vst v2  }
0x74: {  	v2 =	vld.idx.msk [tilespmem:v2+s20+$0x0], $0xffff  }
0x75: {  	v3 =	vld.idx.msk [tilespmem:v3+s24+$0x0], $0xffff;
	_ =	sdelay $0x2  }
.Ltmp5:
0x76: {  	(pc) =	sbr.rel @!p0 .LBB2_7-.Ltmp5, $3  }
0x77: {  	_ =	sdelay $0x1  }
0x78: {  	v2 =	vadd.f32 v2, v3  }
0x79: {  	s8 =	sadd.s32 $0x10, s8;
	s6 =	sadd.s32 $0x10, s6  }
.LBB2_8:
0x7a: {  	[tilespmem:s9+$0x0] =	vst v2  }
.LBB2_9:
.Ltmp6:
0x7b: {  	(pc) =	sbr.rel .LBB2_10-.Ltmp6, $2  }
0x7c: {  	_ =	sdelay $0x2  }
0x7d: {  	[dreg:$0xd] =	wrdreg s11;
	s6 =	simm.s32 $0x0  }
.LBB2_58:
0x7e: {  	s0 =	smov.u32 s28  }
.LBB2_62:
0x7f: {  	s0 =	sadd.s32 @p0 $0x10, s0  }
0x80: {  	s28 =	smov.u32 @p0 s0  }
0x81: {  	v5 =	vor.u32 s28, v0  }
0x82: {  	vm0 =	vge.s32 v5, v2;
	vm1 =	vlt.s32 v5, v3  }
0x83: {  	vm0 =	vmand vm0, vm1  }
0x84: {  	v2 =	vsel vm0, $0x3A000000, v4  }
0x85: {  	[tilespmem:s9+$0x0] =	vst v2  }
.LBB2_63:
0x86: {  	s6 =	sadd.s32 $0x1, s6  }
0x87: {  	p0 =	sne.s32 s6, $0x40  }
.Ltmp7:
0x88: {  	_ = 	snop;
	(pc) =	sbr.rel @!p0 .LBB2_64-.Ltmp7, $1  }
0x89: {  	_ =	sdelay $0x3  }
.LBB2_10:
0x8a: {  	v2 =	vld [tilespmem:s6+$0x15C00];
	_ =	sdelay $0x4  }
0x8b: {  	(v2sf) =	vpush v2, $0x0  }
0x8c: {  	v3 =	vld [tilespmem:s6+$0x15C80];
	_ =	sdelay $0x4  }
0x8d: {  	(v2sf) =	vpush v3, $0x0;
	_ =	sdelay $0x8  }
0x8e: {  	s14 =	spop (v2sf)  }
0x8f: {  	s0 =	sand.u32 $0xF, s14  }
0x90: {  	s5 =	sshra.s32 s14, $0x1F;
	p0 =	slt.s32 s14, $0x1;
	p1 =	sne.s32 s0, $0x0  }
0x91: {  	s23 =	sshrl.u32 s5, $0x1C;
	p0 =	por !p0, !p1  }
0x92: {  	s5 =	simm.s32 $0x1;
	s0 =	sadd.s32 s23, s14;
	p0 =	por !p0, !p0  }
0x93: {  	s0 =	sshra.s32 s0, $0x4;
	s5 =	simm.s32 @!p0 $0x0  }
0x94: {  	s10 =	spop (v2sf);
	s0 =	ssub.s32 s0, s5  }
0x95: {  	s8 =	sadd.s32 s14, s10;
	s28 =	sshll.u32 s0, $0x4  }
0x96: {  	s26 =	ssub.s32 s8, s28  }
0x97: {  	s5 =	sadd.s32 $0xF, s26  }
0x98: {  	s9 =	sand.u32 $0xF, s5  }
0x99: {  	s31 =	sshra.s32 s5, $0x1F;
	p6 =	slt.s32 s5, $0x1;
	p5 =	sne.s32 s9, $0x0  }
0x9a: {  	s9 =	sshrl.u32 s31, $0x1C;
	p0 =	por !p6, !p5  }
0x9b: {  	s5 =	sadd.s32 s9, s5;
	s9 =	simm.s32 $0x1;
	p0 =	por !p0, !p0  }
0x9c: {  	s5 =	sshra.s32 s5, $0x4;
	s9 =	simm.s32 @!p0 $0x0  }
0x9d: {  	p0 =	slt.s32 s10, $0x1;
	s11 =	ssub.s32 s5, s9  }
0x9e: {  	p1 =	slt.s32 @!p0 s11, $0x1  }
0x9f: {  	p0 =	por p0, p1  }
.Ltmp8:
0xa0: {  	_ = 	snop;
	(pc) =	sbr.rel @p0 .LBB2_63-.Ltmp8, $1  }
0xa1: {  	_ =	sdelay $0x3  }
0xa2: {  	s0 =	sshll.u32 s0, $0x6  }
0xa3: {  	s21 =	sshra.s32 s0, $0x2  }
0xa4: {  	s9 =	sadd.s32 $0x10380, s21  }
0xa5: {  	p4 =	sne.s32 s11, $0x1;
	v5 =	vld [tilespmem:s9+$0x0]  }
.Ltmp9:
0xa6: {  	_ = 	snop;
	(pc) =	sbr.rel @!p4 .LBB2_12-.Ltmp9, $4  }
0xa7: {  	v2 =	vbroadcast v2, $0x0;
	s22 =	simm.f32 $-3.000000010e+38  }
0xa8: {  	v3 =	vmov s8;
	v4 =	vor.u32 s28, v0;
	s12 =	sadd.s32 $0xFFFFFFFF, s11;
	p0 =	por $0x0, $0x0;
	s0 =	simm.s32 @!p4 $0x0  }
0xa9: {  	p1 =	por $0x0, $0x0;
	p2 =	por $0x0, $0x0;
	vm1 =	vlt.s32 v4, v3;
	vm0 =	vge.s32 v4, v2;
	s0 =	simm.s32 @p4 $0x1  }
0xaa: {  	p3 =	por $0x0, $0x0;
	s13 =	sadd.s32 $0x10, s9;
	vm2 =	vmand vm0, vm1;
	[smem:$0x7FD] =	sst s0;
	vm3 =	vgt.f32 v5, $0.0e+00  }
0xab: {  	v6 =	vld [tilespmem:s13+$0x0];
	p4 =	sne.s32 s12, $0x1  }
.Ltmp10:
0xac: {  	_ = 	snop;
	(pc) =	sbr.rel @!p4 .LBB2_14-.Ltmp10, $4  }
0xad: {  	s23 =	sadd.s32 $0x10, s28  }
0xae: {  	vm2 =	vmand vm2, vm3;
	v7 =	vor.u32 s23, v0  }
0xaf: {  	v5 =	vnsel vm2, $0xFF61B1E6, v5;
	vm2 =	vge.s32 v7, v2;
	vm3 =	vlt.s32 v7, v3  }
0xb0: {  	s0 =	sadd.s32 $0xFFFFFFFF, s12;
	s5 =	sadd.s32 $0x10, s13;
	p0 =	por $0x1, $0x1;
	(xrf0) =	vmax.scan.msk.f32 $0xffff, v5;
	vm2 =	vmand vm2, vm3;
	vm3 =	vgt.f32 v6, $0.0e+00  }
0xb1: {  	_ = 	snop  }
0xb2: {  	s23 =	sadd.s32 $0x10, s23  }
0xb3: {  	v7 =	vor.u32 s23, v0;
	_ =	sdelay $0x1  }
0xb4: {  	vm2 =	vmand vm2, vm3  }
0xb5: {  	v6 =	vnsel vm2, $0xFF61B1E6, v6;
	vm2 =	vge.s32 v7, v2;
	vm3 =	vlt.s32 v7, v3;
	v7, _, _ =	vpop (xrf0)  }
0xb6: {  	(v2sf) =	vpush v7, $0xF;
	_ =	sdelay $0x8  }
0xb7: {  	v5 =	vld [tilespmem:s5+$0x0];
	p4 =	sne.s32 s0, $0x1  }
.Ltmp11:
0xb8: {  	_ = 	snop;
	(pc) =	sbr.rel @!p4 .LBB2_16-.Ltmp11, $2  }
0xb9: {  	_ =	sdelay $0x2  }
0xba: {  	s0 =	sadd.s32 $0xFFFFFFFF, s0;
	s5 =	sadd.s32 $0x10, s5;
	p1 =	por $0x1, $0x1;
	vm2 =	vmand vm2, vm3;
	(xrf0) =	vmax.scan.msk.f32 $0xffff, v6;
	vm3 =	vgt.f32 v5, $0.0e+00  }
0xbb: {  	_ = 	snop  }
0xbc: {  	s23 =	sadd.s32 $0x10, s23  }
0xbd: {  	v7 =	vor.u32 s23, v0;
	_ =	sdelay $0x1  }
0xbe: {  	vm2 =	vmand vm2, vm3  }
0xbf: {  	v5 =	vnsel vm2, $0xFF61B1E6, v5;
	vm2 =	vge.s32 v7, v2;
	vm3 =	vlt.s32 v7, v3;
	v7, _, _ =	vpop (xrf0)  }
0xc0: {  	(v2sf) =	vpush v7, $0xF;
	_ =	sdelay $0x3  }
0xc1: {  	v6 =	vld [tilespmem:s5+$0x0];
	p4 =	sne.s32 s0, $0x1  }
.Ltmp12:
0xc2: {  	_ = 	snop;
	(pc) =	sbr.rel @!p4 .LBB2_18-.Ltmp12, $2  }
0xc3: {  	_ =	sdelay $0x2  }
0xc4: {  	s26 =	sadd.s32 $0xFFFFFFFF, s0;
	s0 =	sadd.s32 $0x10, s5;
	p2 =	por $0x1, $0x1;
	vm2 =	vmand vm2, vm3;
	(xrf0) =	vmax.scan.msk.f32 $0xffff, v5;
	vm3 =	vgt.f32 v6, $0.0e+00  }
0xc5: {  	_ = 	snop  }
0xc6: {  	s5 =	sadd.s32 $0x10, s23  }
0xc7: {  	v7 =	vor.u32 s5, v0;
	_ =	sdelay $0x1  }
0xc8: {  	vm2 =	vmand vm2, vm3  }
0xc9: {  	v6 =	vnsel vm2, $0xFF61B1E6, v6;
	vm2 =	vge.s32 v7, v2;
	vm3 =	vlt.s32 v7, v3;
	v7, _, _ =	vpop (xrf0)  }
0xca: {  	(v2sf) =	vpush v7, $0xF;
	_ =	sdelay $0x3  }
0xcb: {  	v5 =	vld [tilespmem:s0+$0x0];
	p4 =	sne.s32 s26, $0x1  }
.Ltmp13:
0xcc: {  	_ = 	snop;
	(pc) =	sbr.rel @!p4 .LBB2_20-.Ltmp13, $3  }
0xcd: {  	(xrf0) =	vmax.scan.msk.f32 $0xffff, v6;
	_ =	sdelay $0x1  }
0xce: {  	s23 =	sadd.s32 $0xFFFFFFFF, s26  }
0xcf: {  	s26 =	sadd.s32 $0x10, s0;
	p3 =	por $0x1, $0x1;
	s0 =	simm.f32 $-3.000000010e+38;
	vm2 =	vmand vm2, vm3;
	vm3 =	vgt.f32 v5, $0.0e+00  }
.LBB2_21:
0xd0: {  	v6 =	vld [tilespmem:s26+$0x0];
	p4 =	sne.s32 s23, $0x1;
	s23 =	sadd.s32 $0xFFFFFFFF, s23;
	vm2 =	vmand vm2, vm3;
	s31 =	spop (v2sf)  }
.Ltmp14:
0xd1: {  	v7 =	vnsel vm2, $0xFF61B1E6, v5;
	s0 =	smax.f32 s0, s31;
	(pc) =	sbr.rel @p4 .LBB2_21-.Ltmp14, $4  }
0xd2: {  	s5 =	sadd.s32 $0x10, s5;
	(xrf0) =	vmax.scan.msk.f32 $0xffff, v7;
	v5, _, _ =	vpop (xrf0)  }
0xd3: {  	v7 =	vor.u32 s5, v0;
	(v2sf) =	vpush v5, $0xF  }
0xd4: {  	vm2 =	vge.s32 v7, v2;
	vm3 =	vlt.s32 v7, v3  }
0xd5: {  	s26 =	sadd.s32 $0x10, s26;
	vm2 =	vmand vm2, vm3;
	vm3 =	vgt.f32 v6, $0.0e+00;
	v5 =	vmov v6  }
.LBB2_22:
0xd6: {  	vm2 =	vmand vm2, vm3  }
0xd7: {  	v5 =	vnsel vm2, $0xFF61B1E6, v5  }
0xd8: {  	(xrf0) =	vmax.scan.msk.f32 $0xffff, v5;
	_ =	sdelay $0x3  }
0xd9: {  	v5, _, _ =	vpop @p0 (xrf0)  }
0xda: {  	(v2sf) =	vpush @p0 v5, $0xF  }
0xdb: {  	v5, _, _ =	vpop (xrf0)  }
0xdc: {  	(v2sf) =	vpush v5, $0xF;
	_ =	sdelay $0x6  }
0xdd: {  	s5 =	spop @p3 (v2sf)  }
0xde: {  	s0 =	smax.f32 @p3 s0, s5;
	s5 =	simm.f32 $-3.000000010e+38  }
0xdf: {  	s5 =	smov.u32 @p3 s0;
	s0 =	spop @p2 (v2sf)  }
0xe0: {  	s0 =	smax.f32 @p2 s5, s0;
	s5 =	simm.f32 $-3.000000010e+38  }
0xe1: {  	s5 =	smov.u32 @p2 s0;
	s0 =	spop @p1 (v2sf)  }
0xe2: {  	s0 =	smax.f32 @p1 s5, s0;
	s5 =	simm.f32 $-3.000000010e+38  }
0xe3: {  	s5 =	smov.u32 @p1 s0;
	s0 =	spop @p0 (v2sf)  }
0xe4: {  	s0 =	smax.f32 @p0 s5, s0  }
0xe5: {  	s22 =	smov.u32 @p0 s0;
	s31 =	spop (v2sf)  }
0xe6: {  	s22 =	smax.f32 s22, s31  }
0xe7: {  	p0 =	sgt.f32 s22, $-3.000000010e+38  }
.Ltmp15:
0xe8: {  	_ = 	snop;
	(pc) =	sbr.rel @!p0 .LBB2_57-.Ltmp15, $1  }
0xe9: {  	_ =	sdelay $0x3  }
0xea: {  	p0 =	sge.s32 s14, s8  }
.Ltmp16:
0xeb: {  	_ = 	snop;
	(pc) =	sbr.rel @p0 .LBB2_30-.Ltmp16, $1  }
0xec: {  	_ =	sdelay $0x3  }
0xed: {  	p1 =	seq.s32 s10, $0x1  }
.Ltmp17:
0xee: {  	_ = 	snop;
	(pc) =	sbr.rel @p1 .LBB2_25-.Ltmp17, $4  }
0xef: {  	s0 =	sshll.u32 s14, $0x2  }
0xf0: {  	s0 =	sshra.s32 s0, $0x2  }
0xf1: {  	s0 =	sadd.s32 $0x8280, s0  }
0xf2: {  	s5 =	sadd.s32 $0xFFFFFFFF, s10;
	p0 =	por $0x0, $0x0;
	v5 =	vld [tilespmem:s0+$0x0]  }
0xf3: {  	_ =	sdelay $0x3  }
0xf4: {  	(v2sf) =	vpush v5, $0x0;
	_ =	sdelay $0xe  }
0xf5: {  	s8 =	spop (v2sf)  }
0xf6: {  	s23 =	sand.u32 $0xF, s8  }
0xf7: {  	s26 =	sshra.s32 s8, $0x1F;
	p0 =	slt.s32 s8, $0x1;
	p1 =	sne.s32 s23, $0x0  }
0xf8: {  	s31 =	sshrl.u32 s26, $0x1C;
	p0 =	por !p0, !p1  }
0xf9: {  	s26 =	simm.s32 $0x1;
	s23 =	sadd.s32 s31, s8;
	p0 =	por !p0, !p0  }
0xfa: {  	s23 =	sshrl.u32 s23, $0x4;
	s26 =	simm.s32 @!p0 $0x0  }
0xfb: {  	s23 =	ssub.s32 s23, s26  }
0xfc: {  	s23 =	sshll.u32 s23, $0x4  }
0xfd: {  	v5 =	vld [tilespmem:s23+$0x14400];
	_ =	sdelay $0x1  }
0xfe: {  	p1 =	seq.s32 s5, $0x1;
	s8 =	ssub.s32 s8, s23  }
.Ltmp18:
0xff: {  	v6 =	vmov s8;
	(pc) =	sbr.rel @p1 .LBB2_27-.Ltmp18, $4  }
0x100: {  	vm2 =	veq.s32 v6, v0  }
0x101: {  	v5 =	vsel vm2, s14, v5  }
0x102: {  	s8 =	sadd.s32 $0x1, s0;
	[tilespmem:s23+$0x14400] =	vst v5  }
0x103: {  	p0 =	por $0x1, $0x1;
	s26 =	sadd.s32 $0xFFFFFFFF, s5;
	s0 =	smov.u32 s14;
	v5 =	vld [tilespmem:s8+$0x0]  }
.LBB2_28:
0x104: {  	p1 =	seq.s32 s26, $0x1;
	_ =	sdelay $0x3  }
0x105: {  	(v2sf) =	vpush v5, $0x0;
	_ =	sdelay $0xe  }
0x106: {  	s5 =	spop (v2sf)  }
0x107: {  	s23 =	sand.u32 $0xF, s5  }
0x108: {  	s31 =	sshra.s32 s5, $0x1F;
	p2 =	slt.s32 s5, $0x1;
	p3 =	sne.s32 s23, $0x0  }
0x109: {  	s23 =	sshrl.u32 s31, $0x1C;
	p2 =	por !p2, !p3  }
0x10a: {  	s31 =	simm.s32 $0x1;
	s23 =	sadd.s32 s23, s5;
	p2 =	por !p2, !p2  }
0x10b: {  	s23 =	sshrl.u32 s23, $0x4;
	s31 =	simm.s32 @!p2 $0x0  }
0x10c: {  	s23 =	ssub.s32 s23, s31  }
0x10d: {  	s23 =	sshll.u32 s23, $0x4  }
0x10e: {  	v5 =	vld [tilespmem:s23+$0x14400];
	_ =	sdelay $0x1  }
0x10f: {  	s5 =	ssub.s32 s5, s23  }
.Ltmp19:
0x110: {  	v6 =	vmov s5;
	(pc) =	sbr.rel @!p1 .LBB2_28-.Ltmp19, $4  }
0x111: {  	s0 =	sadd.s32 $0x1, s0;
	vm2 =	veq.s32 v6, v0  }
0x112: {  	v5 =	vsel vm2, s0, v5  }
0x113: {  	s8 =	sadd.s32 $0x1, s8;
	[tilespmem:s23+$0x14400] =	vst v5  }
0x114: {  	s26 =	sadd.s32 $0xFFFFFFFF, s26;
	v5 =	vld [tilespmem:s8+$0x0]  }
.LBB2_29:
0x115: {  	_ =	sdelay $0x3  }
0x116: {  	(v2sf) =	vpush v5, $0x0;
	_ =	sdelay $0xe  }
0x117: {  	s5 =	spop (v2sf)  }
0x118: {  	s8 =	sand.u32 $0xF, s5  }
0x119: {  	s23 =	sshra.s32 s5, $0x1F;
	p1 =	slt.s32 s5, $0x1;
	p2 =	sne.s32 s8, $0x0  }
0x11a: {  	s31 =	sshrl.u32 s23, $0x1C;
	p1 =	por !p1, !p2  }
0x11b: {  	s23 =	simm.s32 $0x1;
	s8 =	sadd.s32 s31, s5;
	p1 =	por !p1, !p1  }
0x11c: {  	s8 =	sshrl.u32 s8, $0x4;
	s23 =	simm.s32 @!p1 $0x0  }
0x11d: {  	s8 =	ssub.s32 s8, s23  }
0x11e: {  	s8 =	sshll.u32 s8, $0x4  }
0x11f: {  	v5 =	vld [tilespmem:s8+$0x14400];
	_ =	sdelay $0x1  }
0x120: {  	s5 =	ssub.s32 s5, s8  }
0x121: {  	s0 =	sadd.s32 @p0 $0x1, s0;
	v6 =	vmov s5  }
0x122: {  	s14 =	smov.u32 @p0 s0;
	vm2 =	veq.s32 v6, v0  }
0x123: {  	v5 =	vsel vm2, s14, v5  }
0x124: {  	[tilespmem:s8+$0x14400] =	vst v5  }
.LBB2_30:
0x125: {  	s26 =	sadd.s32 $0xC300, s21  }
0x126: {  	s0 =	sadd.s32 $0x8280, s21;
	s8 =	smov.u32 s11;
	s5 =	smov.u32 s26  }
.LBB2_31:
0x127: {  	v5 =	vld [tilespmem:s0+$0x0];
	_ =	sdelay $0x7  }
0x128: {  	p0 =	sne.s32 s8, $0x1;
	v5 =	vld.idx.msk [tilespmem:v5+s25+$0x0], $0xffff  }
.Ltmp20:
0x129: {  	_ = 	snop;
	(pc) =	sbr.rel @p0 .LBB2_31-.Ltmp20, $2  }
0x12a: {  	_ =	sdelay $0x2  }
0x12b: {  	s0 =	sadd.s32 $0x10, s0;
	s8 =	sadd.s32 $0xFFFFFFFF, s8;
	[tilespmem:s5+$0x0] =	vst v5;
	s5 =	sadd.s32 $0x10, s5  }
0x12c: {  	s21 =	simm.s32 $0x0  }
.LBB2_33:
0x12d: {  	v10 =	vld [tilespmem:s9+$0x0];
	p0 =	seq.s32 s11, $0x1;
	p5 =	por $0x0, $0x0  }
.Ltmp21:
0x12e: {  	s0 =	simm.s32 @!p5 $0x0;
	(pc) =	sbr.rel @p0 .LBB2_34-.Ltmp21, $4  }
0x12f: {  	s31 =	simm.f32 $0.0e+00;
	s0 =	simm.s32 @p5 $0x1;
	p5 =	por $0x0, $0x0  }
0x130: {  	p1 =	por $0x0, $0x0;
	[smem:$0x7FB] =	sst s0;
	s0 =	simm.s32 @!p5 $0x0  }
0x131: {  	v5 =	vmov s22;
	p2 =	por $0x0, $0x0;
	p3 =	por $0x0, $0x0;
	s0 =	simm.s32 @p5 $0x1  }
0x132: {  	p4 =	por $0x0, $0x0;
	p6 =	por $0x0, $0x0;
	v7 =	vsub.f32 v10, v5;
	[smem:$0x7FC] =	sst s0  }
0x133: {  	v12 =	vld [tilespmem:s13+$0x0];
	p0 =	seq.s32 s12, $0x1  }
.Ltmp22:
0x134: {  	_ = 	snop;
	(pc) =	sbr.rel @p0 .LBB2_36-.Ltmp22, $3  }
0x135: {  	_ = 	snop  }
0x136: {  	v6 =	vmul.f32 $1.442695020e+00, v7;
	_ =	sdelay $0x1  }
0x137: {  	s0 =	sadd.s32 $0xFFFFFFFF, s12;
	s8 =	sadd.s32 $0x10, s13;
	p1 =	por $0x1, $0x1;
	(erf) = vpow2.f32 v6;
	v7 =	vsub.f32 v12, v5  }
0x138: {  	v6 =	vld [tilespmem:s8+$0x0];
	p0 =	seq.s32 s0, $0x1  }
.Ltmp23:
0x139: {  	_ = 	snop;
	(pc) =	sbr.rel @p0 .LBB2_38-.Ltmp23, $4  }
0x13a: {  	_ = 	snop  }
0x13b: {  	v7 =	vmul.f32 $1.442695020e+00, v7  }
0x13c: {  	vm2 =	vmand vm0, vm1  }
0x13d: {  	s5 =	sadd.s32 $0xFFFFFFFF, s0;
	v9 =	vld [tilespmem:s26+$0x0];
	s0 =	sadd.s32 $0x10, s8;
	vm3 =	vgt.f32 v10, $0.0e+00;
	p2 =	por $0x1, $0x1;
	(erf) = vpow2.f32 v7;
	v7 =	vsub.f32 v6, v5  }
0x13e: {  	_ =	sdelay $0x2  }
0x13f: {  	v11 =	vld [tilespmem:s0+$0x0];
	p0 =	seq.s32 s5, $0x1  }
.Ltmp24:
0x140: {  	vm2 =	vmand vm2, vm3;
	vm3 =	veq.s32 v9, v4;
	(pc) =	sbr.rel @p0 .LBB2_40-.Ltmp24, $4  }
0x141: {  	s8 =	sadd.s32 $0x10, s28;
	v7 =	vmul.f32 $1.442695020e+00, v7;
	v8 =	vpop (erf);
	vm2 =	vmand vm2, vm3  }
0x142: {  	v10 =	vnsel vm2, $0x0, v8;
	v8 =	vor.u32 s8, v0  }
0x143: {  	s14 =	sadd.s32 $0x10, s26;
	(erf) = vpow2.f32 v7;
	vm2 =	vge.s32 v8, v2;
	vm3 =	vlt.s32 v8, v3  }
0x144: {  	s5 =	sadd.s32 $0xFFFFFFFF, s5;
	s22 =	sadd.s32 $0x10, s0;
	p3 =	por $0x1, $0x1;
	v9 =	vld [tilespmem:s14+$0x0];
	v7 =	vsub.f32 v11, v5;
	(xrf2) =	vadd.scan.msk.f32 $0xffff, v10;
	vm2 =	vmand vm2, vm3;
	vm3 =	vgt.f32 v12, $0.0e+00  }
0x145: {  	_ =	sdelay $0x2  }
0x146: {  	v14 =	vld [tilespmem:s22+$0x0];
	p0 =	seq.s32 s5, $0x1  }
.Ltmp25:
0x147: {  	vm2 =	vmand vm2, vm3;
	vm3 =	veq.s32 v9, v8;
	(pc) =	sbr.rel @p0 .LBB2_42-.Ltmp25, $4  }
0x148: {  	s8 =	sadd.s32 $0x10, s8;
	v7 =	vmul.f32 $1.442695020e+00, v7;
	v8 =	vpop (erf);
	vm2 =	vmand vm2, vm3  }
0x149: {  	v10 =	vnsel vm2, $0x0, v8;
	v8 =	vor.u32 s8, v0  }
0x14a: {  	s14 =	sadd.s32 $0x10, s14;
	(erf) = vpow2.f32 v7;
	vm2 =	vge.s32 v8, v2;
	vm3 =	vlt.s32 v8, v3  }
0x14b: {  	s0 =	sadd.s32 $0xFFFFFFFF, s5;
	s5 =	sadd.s32 $0x10, s22;
	p4 =	por $0x1, $0x1;
	v9 =	vld [tilespmem:s14+$0x0];
	v7 =	vsub.f32 v14, v5;
	(xrf2) =	vadd.scan.msk.f32 $0xffff, v10;
	vm2 =	vmand vm2, vm3;
	vm3 =	vgt.f32 v6, $0.0e+00  }
0x14c: {  	_ =	sdelay $0x2  }
0x14d: {  	v6 =	vld [tilespmem:s5+$0x0];
	p0 =	seq.s32 s0, $0x1  }
.Ltmp26:
0x14e: {  	vm2 =	vmand vm2, vm3;
	v7 =	vmul.f32 $1.442695020e+00, v7;
	vm3 =	veq.s32 v9, v8;
	(pc) =	sbr.rel @p0 .LBB2_44-.Ltmp26, $4  }
0x14f: {  	s8 =	sadd.s32 $0x10, s8;
	p5 =	por $0x1, $0x1;
	v8 =	vpop (erf);
	vm2 =	vmand vm2, vm3  }
0x150: {  	s22 =	simm.s32 @!p5 $0x0;
	v9, _, _ =	vpop (xrf2);
	(erf) = vpow2.f32 v7;
	v10 =	vnsel vm2, $0x0, v8;
	v8 =	vor.u32 s8, v0  }
0x151: {  	s14 =	sadd.s32 $0x10, s14;
	s22 =	simm.s32 @p5 $0x1;
	(v2sf) =	vpush v9, $0xF;
	vm2 =	vge.s32 v8, v2;
	vm3 =	vlt.s32 v8, v3  }
0x152: {  	s0 =	sadd.s32 $0xFFFFFFFF, s0;
	s5 =	sadd.s32 $0x10, s5;
	[smem:$0x7FB] =	sst s22;
	v9 =	vld [tilespmem:s14+$0x0];
	v7 =	vsub.f32 v6, v5;
	(xrf2) =	vadd.scan.msk.f32 $0xffff, v10;
	vm2 =	vmand vm2, vm3;
	vm3 =	vgt.f32 v11, $0.0e+00  }
0x153: {  	_ =	sdelay $0x3  }
0x154: {  	vm2 =	vmand vm2, vm3;
	vm3 =	veq.s32 v9, v8;
	v8 =	vpop (erf)  }
0x155: {  	v7 =	vmul.f32 $1.442695020e+00, v7;
	v9, _, _ =	vpop (xrf2);
	vm2 =	vmand vm2, vm3  }
0x156: {  	(v2sf) =	vpush v9, $0xF;
	v8 =	vnsel vm2, $0x0, v8  }
0x157: {  	(erf) = vpow2.f32 v7;
	(xrf2) =	vadd.scan.msk.f32 $0xffff, v8;
	_ =	sdelay $0x2  }
0x158: {  	v13 =	vld [tilespmem:s5+$0x0];
	p0 =	seq.s32 s0, $0x1  }
.Ltmp27:
0x159: {  	_ = 	snop;
	(pc) =	sbr.rel @p0 .LBB2_46-.Ltmp27, $4  }
0x15a: {  	s8 =	sadd.s32 $0x10, s8  }
0x15b: {  	v11 =	vor.u32 s8, v0  }
0x15c: {  	s14 =	sadd.s32 $0x10, s14;
	vm3 =	vlt.s32 v11, v3;
	vm2 =	vge.s32 v11, v2  }
0x15d: {  	s0 =	sadd.s32 $0xFFFFFFFF, s0;
	s5 =	sadd.s32 $0x10, s5;
	vm5 =	vgt.f32 v14, $0.0e+00;
	p6 =	por $0x1, $0x1;
	v12 =	vld [tilespmem:s14+$0x0];
	v7 =	vsub.f32 v13, v5;
	vm4 =	vmand vm2, vm3  }
0x15e: {  	_ = 	snop  }
0x15f: {  	v9, _, _ =	vpop (xrf2)  }
0x160: {  	(v2sf) =	vpush v9, $0xF;
	_ =	sdelay $0x1  }
0x161: {  	vm2 =	vmand vm4, vm5;
	vm3 =	veq.s32 v12, v11  }
0x162: {  	v8 =	vpop (erf);
	vm2 =	vmand vm2, vm3  }
0x163: {  	v14 =	vld [tilespmem:s5+$0x0];
	s14 =	sadd.s32 $0x10, s14;
	p0 =	seq.s32 s0, $0x1;
	v7 =	vmul.f32 $1.442695020e+00, v7;
	v10 =	vnsel vm2, $0x0, v8  }
.Ltmp28:
0x164: {  	v9 =	vld [tilespmem:s14+$0x0];
	(xrf2) =	vadd.scan.msk.f32 $0xffff, v10;
	(pc) =	sbr.rel @p0 .LBB2_48-.Ltmp28, $4  }
0x165: {  	s8 =	sadd.s32 $0x10, s8;
	p5 =	por $0x1, $0x1;
	(erf) = vpow2.f32 v7  }
0x166: {  	s22 =	simm.s32 @!p5 $0x0;
	v8 =	vor.u32 s8, v0  }
0x167: {  	s23 =	sadd.s32 $0xFFFFFFFF, s0;
	s5 =	sadd.s32 $0x10, s5;
	s22 =	simm.s32 @p5 $0x1;
	vm2 =	vge.s32 v8, v2;
	vm3 =	vlt.s32 v8, v3  }
0x168: {  	s0 =	spop (v2sf);
	[smem:$0x7FC] =	sst s22;
	s22 =	simm.f32 $0.0e+00;
	v7 =	vsub.f32 v14, v5;
	vm2 =	vmand vm2, vm3;
	vm3 =	vgt.f32 v6, $0.0e+00  }
.LBB2_49:
0x169: {  	v6 =	vld [tilespmem:s5+$0x0];
	vm2 =	vmand vm2, vm3;
	vm3 =	veq.s32 v9, v8;
	s14 =	sadd.s32 $0x10, s14;
	v8 =	vpop (erf);
	s22 =	sadd.f32 s0, s22;
	p0 =	seq.s32 s23, $0x1  }
.Ltmp29:
0x16a: {  	s23 =	sadd.s32 $0xFFFFFFFF, s23;
	v7 =	vmul.f32 $1.442695020e+00, v7;
	v9 =	vld [tilespmem:s14+$0x0];
	vm2 =	vmand vm2, vm3;
	v10, _, _ =	vpop (xrf2);
	(pc) =	sbr.rel @!p0 .LBB2_49-.Ltmp29, $4  }
0x16b: {  	s8 =	sadd.s32 $0x10, s8;
	v15 =	vnsel vm2, $0x0, v8;
	(v2sf) =	vpush v10, $0xF  }
0x16c: {  	v8 =	vor.u32 s8, v0;
	(erf) = vpow2.f32 v7;
	(xrf2) =	vadd.scan.msk.f32 $0xffff, v15  }
0x16d: {  	vm2 =	vge.s32 v8, v2;
	vm3 =	vlt.s32 v8, v3  }
0x16e: {  	s5 =	sadd.s32 $0x10, s5;
	vm2 =	vmand vm2, vm3;
	vm3 =	vgt.f32 v13, $0.0e+00;
	v13 =	vmovc v14;
	v7 =	vsub.f32 v6, v5;
	s0 =	spop (v2sf);
	v14 =	vmovc v6  }
0x16f: {  	v10 =	vmov v13;
	v6 =	vmov v14  }
.LBB2_51:
0x170: {  	s5 =	sadd.s32 @p2 $0x10, s14;
	s14 =	smov.u32 s26  }
0x171: {  	v7 =	vmul.f32 $1.442695020e+00, v7;
	s14 =	smov.u32 @p2 s5  }
0x172: {  	s5 =	sadd.s32 @p2 $0x10, s8;
	s8 =	smov.u32 s28;
	v13 =	vld @p1 [tilespmem:s14+$0x0]  }
0x173: {  	vm2 =	vmand @p2 vm2, vm3;
	vm3 =	veq.s32 @p2 v9, v8;
	s8 =	smov.u32 @p2 s5  }
0x174: {  	vm2 =	vmand @p2 vm2, vm3;
	(erf) = vpow2.f32 v7;
	v8 =	vor.u32 @p1 s8, v0  }
0x175: {  	s5 =	sadd.s32 @p1 $0x10, s14;
	s14 =	smov.u32 s26;
	vm6 =	vge.s32 @p1 v8, v2;
	vm7 =	vlt.s32 @p1 v8, v3;
	v7 =	vpop @p2 (erf);
	v8 =	vpsel p1, v8, v11  }
0x176: {  	s14 =	smov.u32 @p1 s5;
	vm3 =	vmand @p1 vm6, vm7;
	v7 =	vnsel @p2 vm2, $0x0, v7;
	vm2 =	vgt.f32 @p1 v10, $0.0e+00  }
0x177: {  	s5 =	sadd.s32 @p1 $0x10, s8;
	s8 =	smov.u32 s28;
	v63 =	vld [tilespmem:s14+$0x0];
	vm4 =	vmmov @p1 vm3;
	vm5 =	vmmov @p1 vm2;
	v9 =	vpsel p1, v13, v12  }
0x178: {  	s8 =	smov.u32 @p1 s5;
	(xrf2) =	vadd.scan.msk.f32 @p2 $0xffff, v7;
	vm2 =	vmand @p1 vm4, vm5;
	vm3 =	veq.s32 @p1 v9, v8  }
0x179: {  	v7 =	vpop @p1 (erf);
	v8 =	vor.u32 s8, v0;
	vm2 =	vmand @p1 vm2, vm3  }
0x17a: {  	vm3 =	vlt.s32 v8, v3;
	v7 =	vnsel @p1 vm2, $0x0, v7;
	vm2 =	vge.s32 v8, v2  }
0x17b: {  	(xrf2) =	vadd.scan.msk.f32 @p1 $0xffff, v7;
	vm2 =	vmand vm2, vm3;
	vm3 =	vgt.f32 v6, $0.0e+00  }
0x17c: {  	v6, _, _ =	vpop @p4 (xrf2);
	vm2 =	vmand vm2, vm3;
	vm3 =	veq.s32 v63, v8  }
0x17d: {  	(v2sf) =	vpush @p4 v6, $0xF;
	v6 =	vpop (erf);
	vm2 =	vmand vm2, vm3  }
0x17e: {  	v6 =	vnsel vm2, $0x0, v6  }
0x17f: {  	v7, _, _ =	vpop @p3 (xrf2);
	(xrf2) =	vadd.scan.msk.f32 $0xffff, v6  }
0x180: {  	s14 =	sld [smem:$0x7FC];
	(v2sf) =	vpush @p3 v7, $0xF;
	_ =	sdelay $0x1  }
0x181: {  	v6, _, _ =	vpop @p2 (xrf2)  }
0x182: {  	p0 =	seq.s32 s14, $0x1;
	(v2sf) =	vpush @p2 v6, $0xF  }
0x183: {  	s0 =	sadd.f32 @p0 s0, s22  }
0x184: {  	s22 =	sld [smem:$0x7FB];
	v6, _, _ =	vpop @p1 (xrf2)  }
0x185: {  	s5 =	spop @p6 (v2sf);
	s8 =	simm.f32 $0.0e+00;
	(v2sf) =	vpush @p1 v6, $0xF  }
0x186: {  	s8 =	smov.u32 @p0 s0;
	s0 =	smov.u32 @p6 s5  }
0x187: {  	s0 =	sadd.f32 @p6 s0, s8;
	p0 =	seq.s32 s22, $0x1  }
0x188: {  	s8 =	simm.f32 $0.0e+00;
	s5 =	spop @p0 (v2sf);
	v6, _, _ =	vpop (xrf2)  }
0x189: {  	s8 =	smov.u32 @p6 s0;
	s0 =	smov.u32 @p0 s5;
	(v2sf) =	vpush v6, $0xF  }
0x18a: {  	s0 =	sadd.f32 @p0 s0, s8  }
0x18b: {  	s8 =	simm.f32 $0.0e+00;
	s5 =	spop @p4 (v2sf)  }
0x18c: {  	s8 =	smov.u32 @p0 s0;
	s0 =	smov.u32 @p4 s5  }
0x18d: {  	s0 =	sadd.f32 @p4 s0, s8  }
0x18e: {  	s5 =	spop @p3 (v2sf);
	s8 =	simm.f32 $0.0e+00  }
0x18f: {  	s8 =	smov.u32 @p4 s0;
	s0 =	smov.u32 @p3 s5  }
0x190: {  	s0 =	sadd.f32 @p3 s0, s8  }
0x191: {  	s8 =	simm.f32 $0.0e+00;
	s5 =	spop @p2 (v2sf)  }
0x192: {  	s8 =	smov.u32 @p3 s0;
	s0 =	smov.u32 @p2 s5  }
0x193: {  	s0 =	sadd.f32 @p2 s0, s8  }
0x194: {  	s8 =	simm.f32 $0.0e+00;
	s5 =	spop @p1 (v2sf)  }
0x195: {  	s8 =	smov.u32 @p2 s0;
	s0 =	smov.u32 @p1 s5  }
0x196: {  	s0 =	sadd.f32 @p1 s0, s8;
	_ =	sdelay $0x1  }
0x197: {  	s23 =	spop (v2sf);
	s31 =	smov.u32 @p1 s0  }
0x198: {  	s0 =	sadd.f32 s23, s31;
	_ =	sdelay $0x1  }
0x199: {  	v6 =	vmov s0  }
0x19a: {  	(erf) = vrcp.f32 v6  }
0x19b: {  	s31 =	sld [smem:$0x7FD];
	_ =	sdelay $0x2  }
0x19c: {  	p1 =	seq.s32 s31, $0x1  }
.Ltmp30:
0x19d: {  	_ = 	snop;
	(pc) =	sbr.rel @!p1 .LBB2_52-.Ltmp30, $2  }
0x19e: {  	_ =	sdelay $0x2  }
0x19f: {  	v7 =	vld [tilespmem:s9+$0x0];
	p0 =	por $0x0, $0x0;
	v6 =	vpop (erf)  }
0x1a0: {  	_ =	sdelay $0x3  }
0x1a1: {  	v8 =	vsub.f32 v7, v5;
	_ =	sdelay $0x1  }
0x1a2: {  	v8 =	vmul.f32 $1.442695020e+00, v8;
	_ =	sdelay $0x1  }
0x1a3: {  	(erf) = vpow2.f32 v8;
	_ =	sdelay $0x8  }
0x1a4: {  	v8 =	vpop (erf)  }
0x1a5: {  	p1 =	sne.s32 s12, $0x1;
	v8 =	vmul.f32 v8, v6  }
.Ltmp31:
0x1a6: {  	vm2 =	vgt.f32 v7, $0.0e+00;
	(pc) =	sbr.rel @!p1 .LBB2_54-.Ltmp31, $4  }
0x1a7: {  	vm3 =	vmand vm0, vm1;
	v8 =	vnsel vm2, $0x0, v8  }
0x1a8: {  	v7 =	vsel vm3, v8, v7  }
0x1a9: {  	s5 =	sadd.s32 $0xFFFFFFFF, s12;
	[tilespmem:s9+$0x0] =	vst v7  }
0x1aa: {  	p0 =	por $0x1, $0x1;
	s8 =	smov.u32 s28;
	s0 =	smov.u32 s13;
	v7 =	vld [tilespmem:s13+$0x0]  }
.LBB2_55:
0x1ab: {  	p1 =	sne.s32 s5, $0x1;
	_ =	sdelay $0x3  }
0x1ac: {  	v8 =	vsub.f32 v7, v5;
	_ =	sdelay $0x1  }
0x1ad: {  	v8 =	vmul.f32 $1.442695020e+00, v8;
	_ =	sdelay $0x1  }
0x1ae: {  	(erf) = vpow2.f32 v8;
	_ =	sdelay $0x8  }
0x1af: {  	s8 =	sadd.s32 $0x10, s8;
	v8 =	vpop (erf)  }
0x1b0: {  	v9 =	vor.u32 s8, v0;
	v8 =	vmul.f32 v8, v6  }
.Ltmp32:
0x1b1: {  	vm2 =	vge.s32 v9, v2;
	vm3 =	vlt.s32 v9, v3;
	vm4 =	vgt.f32 v7, $0.0e+00;
	(pc) =	sbr.rel @p1 .LBB2_55-.Ltmp32, $4  }
0x1b2: {  	vm2 =	vmand vm2, vm3;
	v8 =	vnsel vm4, $0x0, v8  }
0x1b3: {  	v7 =	vsel vm2, v8, v7  }
0x1b4: {  	[tilespmem:s0+$0x0] =	vst v7;
	s0 =	sadd.s32 $0x10, s0  }
0x1b5: {  	s5 =	sadd.s32 $0xFFFFFFFF, s5;
	v7 =	vld [tilespmem:s0+$0x0]  }
.LBB2_56:
0x1b6: {  	_ =	sdelay $0x3  }
0x1b7: {  	v5 =	vsub.f32 v7, v5;
	_ =	sdelay $0x1  }
0x1b8: {  	v5 =	vmul.f32 $1.442695020e+00, v5  }
0x1b9: {  	(v2sf) =	vpush v6, $0x0  }
0x1ba: {  	(erf) = vpow2.f32 v5;
	_ =	sdelay $0x7  }
0x1bb: {  	s5 =	sadd.s32 @p0 $0x10, s8;
	s8 =	smov.u32 s28;
	s21 =	sadd.s32 $0x1, s21  }
0x1bc: {  	s8 =	smov.u32 @p0 s5;
	p0 =	seq.s32 s21, s10;
	v5 =	vpop (erf)  }
.Ltmp33:
0x1bd: {  	v8 =	vor.u32 s8, v0;
	v5 =	vmul.f32 v5, v6;
	(pc) =	sbr.rel @!p0 .LBB2_33-.Ltmp33, $4  }
.Ltmp34:
0x1be: {  	vm2 =	vge.s32 v8, v2;
	vm3 =	vlt.s32 v8, v3;
	vm4 =	vgt.f32 v7, $0.0e+00;
	(pc) =	sbr.rel @p0 .LBB2_63-.Ltmp34, $4  }
0x1bf: {  	vm2 =	vmand vm2, vm3;
	v5 =	vnsel vm4, $0x0, v5  }
0x1c0: {  	v5 =	vsel vm2, v5, v7  }
0x1c1: {  	s22 =	spop (v2sf);
	[tilespmem:s0+$0x0] =	vst v5  }
0x1c2: {  	_ = 	snop  }
.LBB2_34:
.Ltmp35:
0x1c3: {  	(pc) =	sbr.rel .LBB2_51-.Ltmp35, $2  }
0x1c4: {  	_ =	sdelay $0x2  }
0x1c5: {  	s14 =	smov.u32 s26;
	s22 =	simm.f32 $0.0e+00;
	s8 =	smov.u32 s28;
	v6 =	vmov v10  }
.LBB2_52:
.Ltmp36:
0x1c6: {  	(pc) =	sbr.rel .LBB2_56-.Ltmp36, $2  }
0x1c7: {  	_ =	sdelay $0x2  }
0x1c8: {  	s8 =	smov.u32 s28;
	s0 =	smov.u32 s9  }
.LBB2_36:
.Ltmp37:
0x1c9: {  	(pc) =	sbr.rel .LBB2_51-.Ltmp37, $2  }
0x1ca: {  	_ =	sdelay $0x2  }
0x1cb: {  	s14 =	smov.u32 s26;
	s22 =	simm.f32 $0.0e+00;
	s8 =	smov.u32 s28;
	v6 =	vmov v12  }
.LBB2_54:
.Ltmp38:
0x1cc: {  	(pc) =	sbr.rel .LBB2_56-.Ltmp38, $2  }
0x1cd: {  	_ =	sdelay $0x2  }
0x1ce: {  	s8 =	smov.u32 s28;
	s0 =	smov.u32 s13  }
.LBB2_38:
.Ltmp39:
0x1cf: {  	(pc) =	sbr.rel .LBB2_51-.Ltmp39, $2  }
0x1d0: {  	_ =	sdelay $0x2  }
0x1d1: {  	v8 =	vmov v4;
	s14 =	smov.u32 s26;
	s22 =	simm.f32 $0.0e+00;
	s8 =	smov.u32 s28;
	v10 =	vmov v12  }
.LBB2_40:
.Ltmp40:
0x1d2: {  	(pc) =	sbr.rel .LBB2_51-.Ltmp40, $2  }
0x1d3: {  	_ =	sdelay $0x2  }
0x1d4: {  	v10 =	vmov v6;
	s22 =	simm.f32 $0.0e+00;
	v6 =	vmov v11  }
.LBB2_42:
.Ltmp41:
0x1d5: {  	(pc) =	sbr.rel .LBB2_51-.Ltmp41, $2  }
0x1d6: {  	_ =	sdelay $0x2  }
0x1d7: {  	s22 =	simm.f32 $0.0e+00;
	v10 =	vmov v11;
	v6 =	vmov v14  }
.LBB2_44:
.Ltmp42:
0x1d8: {  	(pc) =	sbr.rel .LBB2_51-.Ltmp42, $2  }
0x1d9: {  	_ =	sdelay $0x2  }
0x1da: {  	s22 =	simm.f32 $0.0e+00;
	v10 =	vmov v14  }
.LBB2_46:
.Ltmp43:
0x1db: {  	_ = 	snop;
	(pc) =	sbr.rel .LBB2_51-.Ltmp43, $3  }
0x1dc: {  	_ =	sdelay $0x1  }
0x1dd: {  	v10 =	vmov v6  }
0x1de: {  	vm2 =	vmmov vm4;
	vm3 =	vmmov vm5;
	v8 =	vmovc v11;
	s22 =	simm.f32 $0.0e+00;
	v6 =	vmovc v13;
	v9 =	vmov v12  }
.LBB2_48:
.Ltmp44:
0x1df: {  	(pc) =	sbr.rel .LBB2_51-.Ltmp44, $2  }
0x1e0: {  	_ =	sdelay $0x2  }
0x1e1: {  	s22 =	simm.f32 $0.0e+00;
	v10 =	vmov v13;
	v6 =	vmov v14  }
.LBB2_57:
0x1e2: {  	p1 =	sne.s32 s11, $0x1  }
.Ltmp45:
0x1e3: {  	_ = 	snop;
	(pc) =	sbr.rel @!p1 .LBB2_58-.Ltmp45, $2  }
0x1e4: {  	_ =	sdelay $0x2  }
0x1e5: {  	v4 =	vld [tilespmem:s9+$0x0];
	s0 =	sadd.s32 $0xFFFFFFFF, s11;
	p0 =	por $0x0, $0x0  }
0x1e6: {  	_ = 	snop  }
0x1e7: {  	v5 =	vor.u32 s28, v0;
	p1 =	sne.s32 s0, $0x1  }
.Ltmp46:
0x1e8: {  	vm0 =	vge.s32 v5, v2;
	vm1 =	vlt.s32 v5, v3;
	(pc) =	sbr.rel @!p1 .LBB2_60-.Ltmp46, $4  }
0x1e9: {  	vm0 =	vmand vm0, vm1  }
0x1ea: {  	v4 =	vsel vm0, $0x3A000000, v4  }
0x1eb: {  	[tilespmem:s9+$0x0] =	vst v4;
	s9 =	sadd.s32 $0x10, s9  }
0x1ec: {  	s5 =	sadd.s32 $0xFFFFFFFF, s0;
	p0 =	por $0x1, $0x1;
	s0 =	smov.u32 s28;
	v4 =	vld [tilespmem:s9+$0x0]  }
.LBB2_61:
0x1ed: {  	p1 =	sne.s32 s5, $0x1;
	s0 =	sadd.s32 $0x10, s0  }
0x1ee: {  	v5 =	vor.u32 s0, v0  }
.Ltmp47:
0x1ef: {  	vm0 =	vge.s32 v5, v2;
	vm1 =	vlt.s32 v5, v3;
	(pc) =	sbr.rel @p1 .LBB2_61-.Ltmp47, $4  }
0x1f0: {  	vm0 =	vmand vm0, vm1  }
0x1f1: {  	v4 =	vsel vm0, $0x3A000000, v4  }
0x1f2: {  	[tilespmem:s9+$0x0] =	vst v4;
	s9 =	sadd.s32 $0x10, s9  }
0x1f3: {  	s5 =	sadd.s32 $0xFFFFFFFF, s5;
	v4 =	vld [tilespmem:s9+$0x0]  }
.Ltmp48:
0x1f4: {  	_ = 	snop;
	(pc) =	sbr.rel .LBB2_62-.Ltmp48, $1  }
0x1f5: {  	_ =	sdelay $0x3  }
.LBB2_12:
.Ltmp49:
0x1f6: {  	(pc) =	sbr.rel .LBB2_22-.Ltmp49, $2  }
0x1f7: {  	_ =	sdelay $0x2  }
0x1f8: {  	s0 =	simm.f32 $-3.000000010e+38  }
.LBB2_14:
.Ltmp50:
0x1f9: {  	(pc) =	sbr.rel .LBB2_22-.Ltmp50, $2  }
0x1fa: {  	_ =	sdelay $0x2  }
0x1fb: {  	v5 =	vmov v6;
	s0 =	simm.f32 $-3.000000010e+38  }
.LBB2_16:
.Ltmp51:
0x1fc: {  	(pc) =	sbr.rel .LBB2_22-.Ltmp51, $2  }
0x1fd: {  	_ =	sdelay $0x2  }
0x1fe: {  	s0 =	simm.f32 $-3.000000010e+38  }
.LBB2_18:
.Ltmp52:
0x1ff: {  	(pc) =	sbr.rel .LBB2_22-.Ltmp52, $2  }
0x200: {  	_ =	sdelay $0x3  }
0x201: {  	v5 =	vmov v6;
	s0 =	simm.f32 $-3.000000010e+38  }
.LBB2_20:
.Ltmp53:
0x202: {  	(pc) =	sbr.rel .LBB2_22-.Ltmp53, $2  }
0x203: {  	_ =	sdelay $0x2  }
0x204: {  	s0 =	simm.f32 $-3.000000010e+38  }
.LBB2_60:
.Ltmp54:
0x205: {  	(pc) =	sbr.rel .LBB2_62-.Ltmp54, $2  }
0x206: {  	_ =	sdelay $0x2  }
0x207: {  	s0 =	smov.u32 s28  }
.LBB2_25:
.Ltmp55:
0x208: {  	(pc) =	sbr.rel .LBB2_29-.Ltmp55, $2  }
0x209: {  	_ =	sdelay $0x2  }
0x20a: {  	s0 =	smov.u32 s14  }
.LBB2_27:
.Ltmp56:
0x20b: {  	(pc) =	sbr.rel .LBB2_29-.Ltmp56, $2  }
0x20c: {  	_ =	sdelay $0x2  }
0x20d: {  	s0 =	smov.u32 s14  }
.LBB2_64:
0x20e: {  	s0 =	simm.s32 $0x0;
	s5 =	simm.s32 $0x200  }
.LBB2_65:
0x20f: {  	p0 =	sne.s32 s5, $0x7E00;
	[tilespmem:s0+$0x19E70] =	vst v1  }
0x210: {  	[tilespmem:s0+$0x19E00] =	vst v1  }
0x211: {  	[tilespmem:s0+$0x19E10] =	vst v1  }
.Ltmp57:
0x212: {  	[tilespmem:s0+$0x19E20] =	vst v1;
	(pc) =	sbr.rel @p0 .LBB2_65-.Ltmp57, $4  }
0x213: {  	[tilespmem:s0+$0x19E30] =	vst v1  }
0x214: {  	[tilespmem:s0+$0x19E40] =	vst v1  }
0x215: {  	[tilespmem:s0+$0x19E50] =	vst v1  }
0x216: {  	[tilespmem:s0+$0x19E60] =	vst v1;
	s0 =	sshra.s32 s5, $0x2;
	s5 =	sadd.s32 $0x200, s5  }
0x217: {  	[tilespmem:s0+$0x19E70] =	vst v1  }
0x218: {  	[tilespmem:s0+$0x19E00] =	vst v1  }
0x219: {  	[tilespmem:s0+$0x19E10] =	vst v1  }
0x21a: {  	[tilespmem:s0+$0x19E20] =	vst v1  }
0x21b: {  	[tilespmem:s0+$0x19E30] =	vst v1  }
0x21c: {  	[tilespmem:s0+$0x19E40] =	vst v1  }
0x21d: {  	[tilespmem:s0+$0x19E50] =	vst v1;
	p0 =	sle.s32 s18, s2;
	s21 =	rddreg [dreg:$0x3]  }
0x21e: {  	[tilespmem:s0+$0x19E60] =	vst v1;
	s0 =	sadd.s32 @!p0 $0x8280, s17;
	s5 =	simm.s32 @!p0 $0x40;
	s6 =	simm.s32 @!p0 $0x15E00  }
0x21f: {  	[tilespmem:s6], [sflag:$0x2] =	stream.indirect.gather @!p0 [hbm4b:s21+s5], $0x80, s0, s5, $0xb8;
	[tilespmem:$0x1DE00] =	vst v63  }
0x220: {  	p0 =	slt.s32 s19, $0x1  }
.Ltmp58:
0x221: {  	_ = 	snop;
	(pc) =	sbr.rel @p0 .LBB2_80-.Ltmp58, $2  }
0x222: {  	_ =	sdelay $0x2  }
0x223: {  	s22 =	simm.s32 $0x40;
	s23 =	simm.s32 $0x17E00;
	s26 =	simm.s32 $0x15E00  }
.Ltmp59:
0x224: {  	(pc) =	sbr.rel .LBB2_68-.Ltmp59, $3  }
0x225: {  	_ =	sdelay $0x1  }
0x226: {  	s0 =	rddreg [dreg:$0xd]  }
0x227: {  	s9 =	simm.s32 $0x0;
	s6 =	sadd.s32 $0x10380, s0;
	s8 =	sadd.s32 $0x4200, s0  }
.LBB2_79:
0x228: {  	s9 =	sadd.s32 $0x1, s9  }
0x229: {  	p0 =	sne.s32 s9, s19  }
.Ltmp60:
0x22a: {  	_ = 	snop;
	(pc) =	sbr.rel @!p0 .LBB2_80-.Ltmp60, $2  }
0x22b: {  	_ =	sdelay $0x2  }
0x22c: {  	s17 =	sadd.s32 $0x40, s17;
	s6 =	sadd.s32 $0x40, s6;
	s8 =	sadd.s32 $0x40, s8  }
.LBB2_68:
0x22d: {  	s0 =	sadd.s32 s2, s9  }
0x22e: {  	s5 =	sadd.s32 $0x1, s0  }
0x22f: {  	p0 =	sge.s32 s5, s18  }
.Ltmp61:
0x230: {  	_ = 	snop;
	(pc) =	sbr.rel @p0 .LBB2_75-.Ltmp61, $2  }
0x231: {  	_ =	sdelay $0x2  }
0x232: {  	s0 =	sand.u32 $0x1, s9  }
0x233: {  	p0 =	seq.s32 s0, $0x0  }
.Ltmp62:
0x234: {  	_ = 	snop;
	(pc) =	sbr.rel @!p0 .LBB2_70-.Ltmp62, $4  }
0x235: {  	_ = 	snop  }
0x236: {  	s5 =	sshll.u32 s5, $0x8  }
0x237: {  	s31 =	sshra.s32 s5, $0x2  }
0x238: {  	s0 =	sadd.s32 $0x8280, s31  }
.Ltmp63:
0x239: {  	(pc) =	sbr.rel .LBB2_76-.Ltmp63, $2  }
0x23a: {  	_ =	sdelay $0x2  }
0x23b: {  	[tilespmem:s23], [sflag:$0x3] =	stream.indirect.gather [hbm4b:s21+s22], $0x80, s0, s22, $0xb8;
	[tilespmem:$0x1DE00] =	vst v63  }
.LBB2_75:
0x23c: {  	p0 =	sne.s32 s0, $0x0  }
.Ltmp64:
0x23d: {  	_ = 	snop;
	(pc) =	sbr.rel @p0 .LBB2_71-.Ltmp64, $1  }
0x23e: {  	_ =	sdelay $0x3  }
.LBB2_76:
0x23f: {  	v2 =	vmov s8  }
0x240: {  	p0 =	slt.s32 s17, s1  }
0x241: {  	_ =	swait.ge [sflag:s29], $0x2000;
	p1 =	sge.s32 @!p0 s17, s15  }
0x242: {  	[sflag:s29] =	ssyncset.done $0x0;
	p1 =	por p1, p0  }
0x243: {  	[sflag:s29] =	ssyncadd.s32 $0xFFFFE000;
	s0 =	simm.s32 @!p1 $0x0;
	p0 =	por p1, p1  }
0x244: {  	v3 =	vld.idx.msk @!p0 [tilespmem:v2+s0+$0x0 ss:$0x1], $0xffff;
	_ =	sdelay $0x4  }
0x245: {  	(v2sf) =	vpush @!p0 v3, $0x0;
	_ =	sdelay $0xe  }
0x246: {  	s10 =	simm.s32 $0x15E40;
	s5 =	spop @!p1 (v2sf)  }
0x247: {  	v4 =	vld @!p0 [tilespmem:s10+$0xFFFFFFC0];
	s0 =	sadd.s32 @!p0 $0x0, s6;
	s5 =	ssub.s32 @!p0 s5, s4  }
0x248: {  	v3 =	vld.msk @!p0 [tilespmem:s0+$0x0 ss:$0x0], $0xffff;
	s0 =	sshll.u32 @!p0 s5, $0x9  }
0x249: {  	s11 =	sshra.s32 @!p0 s0, $0x2  }
0x24a: {  	v5 =	vld @!p0 [tilespmem:s11+$0x19E00];
	_ =	sdelay $0x2  }
0x24b: {  	v4 =	vmul.f32 @!p0 v4, v3;
	_ =	sdelay $0x1  }
0x24c: {  	v4 =	vadd.f32 @!p0 v4, v5;
	_ =	sdelay $0x1  }
0x24d: {  	[tilespmem:s11+$0x19E00] =	vst @!p0 v4  }
0x24e: {  	v4 =	vld @!p0 [tilespmem:s10+$0xFFFFFFD0];
	_ =	sdelay $0x1  }
0x24f: {  	v5 =	vld @!p0 [tilespmem:s11+$0x19E10];
	_ =	sdelay $0x2  }
0x250: {  	v4 =	vmul.f32 @!p0 v4, v3;
	_ =	sdelay $0x1  }
0x251: {  	v4 =	vadd.f32 @!p0 v4, v5;
	_ =	sdelay $0x1  }
0x252: {  	[tilespmem:s11+$0x19E10] =	vst @!p0 v4  }
0x253: {  	v4 =	vld @!p0 [tilespmem:s10+$0xFFFFFFE0];
	_ =	sdelay $0x1  }
0x254: {  	v5 =	vld @!p0 [tilespmem:s11+$0x19E20];
	_ =	sdelay $0x2  }
0x255: {  	v4 =	vmul.f32 @!p0 v4, v3;
	_ =	sdelay $0x1  }
0x256: {  	v4 =	vadd.f32 @!p0 v4, v5;
	_ =	sdelay $0x1  }
0x257: {  	[tilespmem:s11+$0x19E20] =	vst @!p0 v4  }
0x258: {  	v4 =	vld @!p0 [tilespmem:s10+$0xFFFFFFF0];
	_ =	sdelay $0x1  }
0x259: {  	v5 =	vld @!p0 [tilespmem:s11+$0x19E30];
	_ =	sdelay $0x2  }
0x25a: {  	v4 =	vmul.f32 @!p0 v4, v3;
	_ =	sdelay $0x1  }
0x25b: {  	v4 =	vadd.f32 @!p0 v4, v5;
	_ =	sdelay $0x1  }
0x25c: {  	[tilespmem:s11+$0x19E30] =	vst @!p0 v4  }
0x25d: {  	v4 =	vld @!p0 [tilespmem:s10+$0x0];
	_ =	sdelay $0x1  }
0x25e: {  	v5 =	vld @!p0 [tilespmem:s11+$0x19E40];
	_ =	sdelay $0x2  }
0x25f: {  	v4 =	vmul.f32 @!p0 v4, v3;
	_ =	sdelay $0x1  }
0x260: {  	v4 =	vadd.f32 @!p0 v4, v5;
	_ =	sdelay $0x1  }
0x261: {  	[tilespmem:s11+$0x19E40] =	vst @!p0 v4  }
0x262: {  	v4 =	vld @!p0 [tilespmem:s10+$0x10];
	_ =	sdelay $0x1  }
0x263: {  	v5 =	vld @!p0 [tilespmem:s11+$0x19E50];
	_ =	sdelay $0x2  }
0x264: {  	v4 =	vmul.f32 @!p0 v4, v3;
	_ =	sdelay $0x1  }
0x265: {  	v4 =	vadd.f32 @!p0 v4, v5;
	_ =	sdelay $0x1  }
0x266: {  	[tilespmem:s11+$0x19E50] =	vst @!p0 v4  }
0x267: {  	v4 =	vld @!p0 [tilespmem:s10+$0x20];
	_ =	sdelay $0x1  }
0x268: {  	v5 =	vld @!p0 [tilespmem:s11+$0x19E60];
	_ =	sdelay $0x2  }
0x269: {  	v4 =	vmul.f32 @!p0 v4, v3;
	_ =	sdelay $0x1  }
0x26a: {  	v4 =	vadd.f32 @!p0 v4, v5;
	_ =	sdelay $0x1  }
0x26b: {  	[tilespmem:s11+$0x19E60] =	vst @!p0 v4  }
0x26c: {  	v4 =	vld @!p0 [tilespmem:s10+$0x30];
	_ =	sdelay $0x1  }
0x26d: {  	v5 =	vld @!p0 [tilespmem:s11+$0x19E70];
	_ =	sdelay $0x1  }
0x26e: {  	s12 =	sadd.s32 $0x1, s17  }
0x26f: {  	p1 =	slt.s32 s12, s1;
	v3 =	vmul.f32 @!p0 v4, v3  }
0x270: {  	p2 =	sge.s32 @!p1 s12, s15  }
0x271: {  	s14 =	simm.s32 $0x4;
	s13 =	simm.s32 $0x8;
	p2 =	por p2, p1;
	v3 =	vadd.f32 @!p0 v3, v5  }
.LBB2_77:
0x272: {  	s0 =	sshra.s32 @!p2 s14, $0x2;
	s10 =	sadd.s32 $0x80, s10  }
0x273: {  	[tilespmem:s11+$0x19E70] =	vst @!p0 v3;
	s14 =	smov.u32 s13;
	s13 =	sadd.s32 $0x4, s13;
	p0 =	por p2, p2  }
0x274: {  	p1 =	seq.s32 s13, $0x100;
	v3 =	vld.idx.msk @!p0 [tilespmem:v2+s0+$0x0 ss:$0x1], $0xffff;
	s0 =	sadd.s32 @!p0 s0, s6;
	_ =	sdelay $0x5  }
0x275: {  	(v2sf) =	vpush @!p0 v3, $0x0;
	_ =	sdelay $0xe  }
0x276: {  	s5 =	spop @!p2 (v2sf)  }
0x277: {  	s5 =	ssub.s32 @!p0 s5, s4;
	v3 =	vld.msk @!p0 [tilespmem:s0+$0x0 ss:$0x0], $0xffff  }
0x278: {  	s0 =	sshll.u32 @!p0 s5, $0x9;
	v4 =	vld @!p0 [tilespmem:s10+$0xFFFFFFC0]  }
0x279: {  	s11 =	sshra.s32 @!p0 s0, $0x2  }
0x27a: {  	v5 =	vld @!p0 [tilespmem:s11+$0x19E00];
	_ =	sdelay $0x2  }
0x27b: {  	v4 =	vmul.f32 @!p0 v4, v3;
	_ =	sdelay $0x1  }
0x27c: {  	v4 =	vadd.f32 @!p0 v4, v5;
	_ =	sdelay $0x1  }
0x27d: {  	[tilespmem:s11+$0x19E00] =	vst @!p0 v4  }
0x27e: {  	v4 =	vld @!p0 [tilespmem:s10+$0xFFFFFFD0];
	_ =	sdelay $0x1  }
0x27f: {  	v5 =	vld @!p0 [tilespmem:s11+$0x19E10];
	_ =	sdelay $0x2  }
0x280: {  	v4 =	vmul.f32 @!p0 v4, v3;
	_ =	sdelay $0x1  }
0x281: {  	v4 =	vadd.f32 @!p0 v4, v5;
	_ =	sdelay $0x1  }
0x282: {  	[tilespmem:s11+$0x19E10] =	vst @!p0 v4  }
0x283: {  	v4 =	vld @!p0 [tilespmem:s10+$0xFFFFFFE0];
	_ =	sdelay $0x1  }
0x284: {  	v5 =	vld @!p0 [tilespmem:s11+$0x19E20];
	_ =	sdelay $0x2  }
0x285: {  	v4 =	vmul.f32 @!p0 v4, v3;
	_ =	sdelay $0x1  }
0x286: {  	v4 =	vadd.f32 @!p0 v4, v5;
	_ =	sdelay $0x1  }
0x287: {  	[tilespmem:s11+$0x19E20] =	vst @!p0 v4  }
0x288: {  	v4 =	vld @!p0 [tilespmem:s10+$0xFFFFFFF0];
	_ =	sdelay $0x1  }
0x289: {  	v5 =	vld @!p0 [tilespmem:s11+$0x19E30];
	_ =	sdelay $0x2  }
0x28a: {  	v4 =	vmul.f32 @!p0 v4, v3;
	_ =	sdelay $0x1  }
0x28b: {  	v4 =	vadd.f32 @!p0 v4, v5;
	_ =	sdelay $0x1  }
0x28c: {  	[tilespmem:s11+$0x19E30] =	vst @!p0 v4  }
0x28d: {  	v4 =	vld @!p0 [tilespmem:s10+$0x0];
	_ =	sdelay $0x1  }
0x28e: {  	v5 =	vld @!p0 [tilespmem:s11+$0x19E40];
	_ =	sdelay $0x2  }
0x28f: {  	v4 =	vmul.f32 @!p0 v4, v3;
	_ =	sdelay $0x1  }
0x290: {  	v4 =	vadd.f32 @!p0 v4, v5;
	_ =	sdelay $0x1  }
0x291: {  	[tilespmem:s11+$0x19E40] =	vst @!p0 v4  }
0x292: {  	v4 =	vld @!p0 [tilespmem:s10+$0x10];
	_ =	sdelay $0x1  }
0x293: {  	v5 =	vld @!p0 [tilespmem:s11+$0x19E50];
	_ =	sdelay $0x2  }
0x294: {  	v4 =	vmul.f32 @!p0 v4, v3;
	_ =	sdelay $0x1  }
0x295: {  	v4 =	vadd.f32 @!p0 v4, v5;
	_ =	sdelay $0x1  }
0x296: {  	[tilespmem:s11+$0x19E50] =	vst @!p0 v4  }
0x297: {  	v4 =	vld @!p0 [tilespmem:s10+$0x20];
	_ =	sdelay $0x1  }
0x298: {  	v5 =	vld @!p0 [tilespmem:s11+$0x19E60];
	_ =	sdelay $0x2  }
0x299: {  	v4 =	vmul.f32 @!p0 v4, v3;
	_ =	sdelay $0x1  }
0x29a: {  	v4 =	vadd.f32 @!p0 v4, v5;
	_ =	sdelay $0x1  }
0x29b: {  	[tilespmem:s11+$0x19E60] =	vst @!p0 v4  }
0x29c: {  	v4 =	vld @!p0 [tilespmem:s10+$0x30];
	_ =	sdelay $0x1  }
0x29d: {  	v5 =	vld @!p0 [tilespmem:s11+$0x19E70];
	_ =	sdelay $0x1  }
.Ltmp65:
0x29e: {  	(pc) =	sbr.rel @!p1 .LBB2_77-.Ltmp65, $4  }
0x29f: {  	s12 =	sadd.s32 $0x1, s12;
	v3 =	vmul.f32 @!p0 v4, v3  }
0x2a0: {  	p2 =	slt.s32 s12, s1  }
0x2a1: {  	p3 =	sge.s32 @!p2 s12, s15;
	v3 =	vadd.f32 @!p0 v3, v5  }
0x2a2: {  	p2 =	por p3, p2  }
0x2a3: {  	_ =	sdelay $0x2  }
0x2a4: {  	s0 =	sshra.s32 @!p2 s14, $0x2;
	[tilespmem:s11+$0x19E70] =	vst @!p0 v3;
	p0 =	por p2, p2  }
0x2a5: {  	v2 =	vld.idx.msk @!p0 [tilespmem:v2+s0+$0x0 ss:$0x1], $0xffff;
	_ =	sdelay $0x4  }
0x2a6: {  	(v2sf) =	vpush @!p0 v2, $0x0;
	_ =	sdelay $0xe  }
0x2a7: {  	s10 =	sadd.s32 $0x80, s10;
	s5 =	spop @!p2 (v2sf)  }
0x2a8: {  	s0 =	sadd.s32 @!p0 s0, s6;
	v3 =	vld @!p0 [tilespmem:s10+$0xFFFFFFC0];
	s5 =	ssub.s32 @!p0 s5, s4  }
0x2a9: {  	v2 =	vld.msk @!p0 [tilespmem:s0+$0x0 ss:$0x0], $0xffff;
	s0 =	sshll.u32 @!p0 s5, $0x9  }
0x2aa: {  	s0 =	sshra.s32 @!p0 s0, $0x2  }
0x2ab: {  	v4 =	vld @!p0 [tilespmem:s0+$0x19E00];
	_ =	sdelay $0x2  }
0x2ac: {  	v3 =	vmul.f32 @!p0 v3, v2;
	_ =	sdelay $0x1  }
0x2ad: {  	v3 =	vadd.f32 @!p0 v3, v4;
	_ =	sdelay $0x1  }
0x2ae: {  	[tilespmem:s0+$0x19E00] =	vst @!p0 v3  }
0x2af: {  	v3 =	vld @!p0 [tilespmem:s10+$0xFFFFFFD0];
	_ =	sdelay $0x1  }
0x2b0: {  	v4 =	vld @!p0 [tilespmem:s0+$0x19E10];
	_ =	sdelay $0x2  }
0x2b1: {  	v3 =	vmul.f32 @!p0 v3, v2;
	_ =	sdelay $0x1  }
0x2b2: {  	v3 =	vadd.f32 @!p0 v3, v4;
	_ =	sdelay $0x1  }
0x2b3: {  	[tilespmem:s0+$0x19E10] =	vst @!p0 v3  }
0x2b4: {  	v3 =	vld @!p0 [tilespmem:s10+$0xFFFFFFE0];
	_ =	sdelay $0x1  }
0x2b5: {  	v4 =	vld @!p0 [tilespmem:s0+$0x19E20];
	_ =	sdelay $0x2  }
0x2b6: {  	v3 =	vmul.f32 @!p0 v3, v2;
	_ =	sdelay $0x1  }
0x2b7: {  	v3 =	vadd.f32 @!p0 v3, v4;
	_ =	sdelay $0x1  }
0x2b8: {  	[tilespmem:s0+$0x19E20] =	vst @!p0 v3  }
0x2b9: {  	v3 =	vld @!p0 [tilespmem:s10+$0xFFFFFFF0];
	_ =	sdelay $0x1  }
0x2ba: {  	v4 =	vld @!p0 [tilespmem:s0+$0x19E30];
	_ =	sdelay $0x2  }
0x2bb: {  	v3 =	vmul.f32 @!p0 v3, v2;
	_ =	sdelay $0x1  }
0x2bc: {  	v3 =	vadd.f32 @!p0 v3, v4;
	_ =	sdelay $0x1  }
0x2bd: {  	[tilespmem:s0+$0x19E30] =	vst @!p0 v3  }
0x2be: {  	v3 =	vld @!p0 [tilespmem:s10+$0x0];
	_ =	sdelay $0x1  }
0x2bf: {  	v4 =	vld @!p0 [tilespmem:s0+$0x19E40];
	_ =	sdelay $0x2  }
0x2c0: {  	v3 =	vmul.f32 @!p0 v3, v2;
	_ =	sdelay $0x1  }
0x2c1: {  	v3 =	vadd.f32 @!p0 v3, v4;
	_ =	sdelay $0x1  }
0x2c2: {  	[tilespmem:s0+$0x19E40] =	vst @!p0 v3  }
0x2c3: {  	v3 =	vld @!p0 [tilespmem:s10+$0x10];
	_ =	sdelay $0x1  }
0x2c4: {  	v4 =	vld @!p0 [tilespmem:s0+$0x19E50];
	_ =	sdelay $0x2  }
0x2c5: {  	v3 =	vmul.f32 @!p0 v3, v2;
	_ =	sdelay $0x1  }
0x2c6: {  	v3 =	vadd.f32 @!p0 v3, v4;
	_ =	sdelay $0x1  }
0x2c7: {  	[tilespmem:s0+$0x19E50] =	vst @!p0 v3  }
0x2c8: {  	v3 =	vld @!p0 [tilespmem:s10+$0x20];
	_ =	sdelay $0x1  }
0x2c9: {  	v4 =	vld @!p0 [tilespmem:s0+$0x19E60];
	_ =	sdelay $0x2  }
0x2ca: {  	v3 =	vmul.f32 @!p0 v3, v2;
	_ =	sdelay $0x1  }
0x2cb: {  	v3 =	vadd.f32 @!p0 v3, v4;
	_ =	sdelay $0x1  }
0x2cc: {  	[tilespmem:s0+$0x19E60] =	vst @!p0 v3  }
0x2cd: {  	v3 =	vld @!p0 [tilespmem:s10+$0x30];
	_ =	sdelay $0x1  }
0x2ce: {  	v4 =	vld @!p0 [tilespmem:s0+$0x19E70];
	_ =	sdelay $0x2  }
.Ltmp66:
0x2cf: {  	v2 =	vmul.f32 @!p0 v3, v2;
	(pc) =	sbr.rel .LBB2_79-.Ltmp66, $3  }
0x2d0: {  	_ = 	snop  }
0x2d1: {  	v2 =	vadd.f32 @!p0 v2, v4;
	_ =	sdelay $0x1  }
0x2d2: {  	[tilespmem:s0+$0x19E70] =	vst @!p0 v2  }
.LBB2_70:
0x2d3: {  	[tilespmem:s26], [sflag:$0x2] =	stream.indirect.gather [hbm4b:s21+s22], $0x80, s0, s22, $0xb8;
	[tilespmem:$0x1DE00] =	vst v63  }
.LBB2_71:
0x2d4: {  	v2 =	vmov s8  }
0x2d5: {  	p0 =	slt.s32 s17, s1  }
0x2d6: {  	_ =	swait.ge [sflag:s30], $0x2000;
	p1 =	sge.s32 @!p0 s17, s15  }
0x2d7: {  	[sflag:s30] =	ssyncset.done $0x0;
	p1 =	por p1, p0  }
0x2d8: {  	[sflag:s30] =	ssyncadd.s32 $0xFFFFE000;
	s0 =	simm.s32 @!p1 $0x0;
	p0 =	por p1, p1  }
0x2d9: {  	v3 =	vld.idx.msk @!p0 [tilespmem:v2+s0+$0x0 ss:$0x1], $0xffff;
	_ =	sdelay $0x4  }
0x2da: {  	(v2sf) =	vpush @!p0 v3, $0x0;
	_ =	sdelay $0xe  }
0x2db: {  	s10 =	simm.s32 $0x17E70;
	s5 =	spop @!p1 (v2sf)  }
0x2dc: {  	v4 =	vld @!p0 [tilespmem:s10+$0xFFFFFF90];
	s0 =	sadd.s32 @!p0 $0x0, s6;
	s5 =	ssub.s32 @!p0 s5, s4  }
0x2dd: {  	v3 =	vld.msk @!p0 [tilespmem:s0+$0x0 ss:$0x0], $0xffff;
	s0 =	sshll.u32 @!p0 s5, $0x9  }
0x2de: {  	s11 =	sshra.s32 @!p0 s0, $0x2  }
0x2df: {  	v5 =	vld @!p0 [tilespmem:s11+$0x19E00];
	_ =	sdelay $0x2  }
0x2e0: {  	v4 =	vmul.f32 @!p0 v4, v3;
	_ =	sdelay $0x1  }
0x2e1: {  	v4 =	vadd.f32 @!p0 v4, v5;
	_ =	sdelay $0x1  }
0x2e2: {  	[tilespmem:s11+$0x19E00] =	vst @!p0 v4  }
0x2e3: {  	v4 =	vld @!p0 [tilespmem:s10+$0xFFFFFFA0];
	_ =	sdelay $0x1  }
0x2e4: {  	v5 =	vld @!p0 [tilespmem:s11+$0x19E10];
	_ =	sdelay $0x2  }
0x2e5: {  	v4 =	vmul.f32 @!p0 v4, v3;
	_ =	sdelay $0x1  }
0x2e6: {  	v4 =	vadd.f32 @!p0 v4, v5;
	_ =	sdelay $0x1  }
0x2e7: {  	[tilespmem:s11+$0x19E10] =	vst @!p0 v4  }
0x2e8: {  	v4 =	vld @!p0 [tilespmem:s10+$0xFFFFFFB0];
	_ =	sdelay $0x1  }
0x2e9: {  	v5 =	vld @!p0 [tilespmem:s11+$0x19E20];
	_ =	sdelay $0x2  }
0x2ea: {  	v4 =	vmul.f32 @!p0 v4, v3;
	_ =	sdelay $0x1  }
0x2eb: {  	v4 =	vadd.f32 @!p0 v4, v5;
	_ =	sdelay $0x1  }
0x2ec: {  	[tilespmem:s11+$0x19E20] =	vst @!p0 v4  }
0x2ed: {  	v4 =	vld @!p0 [tilespmem:s10+$0xFFFFFFC0];
	_ =	sdelay $0x1  }
0x2ee: {  	v5 =	vld @!p0 [tilespmem:s11+$0x19E30];
	_ =	sdelay $0x2  }
0x2ef: {  	v4 =	vmul.f32 @!p0 v4, v3;
	_ =	sdelay $0x1  }
0x2f0: {  	v4 =	vadd.f32 @!p0 v4, v5;
	_ =	sdelay $0x1  }
0x2f1: {  	[tilespmem:s11+$0x19E30] =	vst @!p0 v4  }
0x2f2: {  	v4 =	vld @!p0 [tilespmem:s10+$0xFFFFFFD0];
	_ =	sdelay $0x1  }
0x2f3: {  	v5 =	vld @!p0 [tilespmem:s11+$0x19E40];
	_ =	sdelay $0x2  }
0x2f4: {  	v4 =	vmul.f32 @!p0 v4, v3;
	_ =	sdelay $0x1  }
0x2f5: {  	v4 =	vadd.f32 @!p0 v4, v5;
	_ =	sdelay $0x1  }
0x2f6: {  	[tilespmem:s11+$0x19E40] =	vst @!p0 v4  }
0x2f7: {  	v4 =	vld @!p0 [tilespmem:s10+$0xFFFFFFE0];
	_ =	sdelay $0x1  }
0x2f8: {  	v5 =	vld @!p0 [tilespmem:s11+$0x19E50];
	_ =	sdelay $0x2  }
0x2f9: {  	v4 =	vmul.f32 @!p0 v4, v3;
	_ =	sdelay $0x1  }
0x2fa: {  	v4 =	vadd.f32 @!p0 v4, v5;
	_ =	sdelay $0x1  }
0x2fb: {  	[tilespmem:s11+$0x19E50] =	vst @!p0 v4  }
0x2fc: {  	v4 =	vld @!p0 [tilespmem:s10+$0xFFFFFFF0];
	_ =	sdelay $0x1  }
0x2fd: {  	v5 =	vld @!p0 [tilespmem:s11+$0x19E60];
	_ =	sdelay $0x2  }
0x2fe: {  	v4 =	vmul.f32 @!p0 v4, v3;
	_ =	sdelay $0x1  }
0x2ff: {  	v4 =	vadd.f32 @!p0 v4, v5;
	_ =	sdelay $0x1  }
0x300: {  	[tilespmem:s11+$0x19E60] =	vst @!p0 v4  }
0x301: {  	v4 =	vld @!p0 [tilespmem:s10+$0x0];
	_ =	sdelay $0x1  }
0x302: {  	v5 =	vld @!p0 [tilespmem:s11+$0x19E70];
	_ =	sdelay $0x1  }
0x303: {  	s12 =	sadd.s32 $0x1, s17  }
0x304: {  	p1 =	slt.s32 s12, s1;
	v3 =	vmul.f32 @!p0 v4, v3  }
0x305: {  	p2 =	sge.s32 @!p1 s12, s15  }
0x306: {  	s14 =	simm.s32 $0x4;
	s13 =	simm.s32 $0x8;
	p2 =	por p2, p1;
	v3 =	vadd.f32 @!p0 v3, v5  }
.LBB2_72:
0x307: {  	s0 =	sshra.s32 @!p2 s14, $0x2;
	s10 =	sadd.s32 $0x80, s10  }
0x308: {  	[tilespmem:s11+$0x19E70] =	vst @!p0 v3;
	s14 =	smov.u32 s13;
	s13 =	sadd.s32 $0x4, s13;
	p0 =	por p2, p2  }
0x309: {  	p1 =	sne.s32 s13, $0x100;
	v3 =	vld.idx.msk @!p0 [tilespmem:v2+s0+$0x0 ss:$0x1], $0xffff;
	s0 =	sadd.s32 @!p0 s0, s6;
	_ =	sdelay $0x5  }
0x30a: {  	(v2sf) =	vpush @!p0 v3, $0x0;
	_ =	sdelay $0xe  }
0x30b: {  	s5 =	spop @!p2 (v2sf)  }
0x30c: {  	s5 =	ssub.s32 @!p0 s5, s4;
	v3 =	vld.msk @!p0 [tilespmem:s0+$0x0 ss:$0x0], $0xffff  }
0x30d: {  	s0 =	sshll.u32 @!p0 s5, $0x9;
	v4 =	vld @!p0 [tilespmem:s10+$0xFFFFFF90]  }
0x30e: {  	s11 =	sshra.s32 @!p0 s0, $0x2  }
0x30f: {  	v5 =	vld @!p0 [tilespmem:s11+$0x19E00];
	_ =	sdelay $0x2  }
0x310: {  	v4 =	vmul.f32 @!p0 v4, v3;
	_ =	sdelay $0x1  }
0x311: {  	v4 =	vadd.f32 @!p0 v4, v5;
	_ =	sdelay $0x1  }
0x312: {  	[tilespmem:s11+$0x19E00] =	vst @!p0 v4  }
0x313: {  	v4 =	vld @!p0 [tilespmem:s10+$0xFFFFFFA0];
	_ =	sdelay $0x1  }
0x314: {  	v5 =	vld @!p0 [tilespmem:s11+$0x19E10];
	_ =	sdelay $0x2  }
0x315: {  	v4 =	vmul.f32 @!p0 v4, v3;
	_ =	sdelay $0x1  }
0x316: {  	v4 =	vadd.f32 @!p0 v4, v5;
	_ =	sdelay $0x1  }
0x317: {  	[tilespmem:s11+$0x19E10] =	vst @!p0 v4  }
0x318: {  	v4 =	vld @!p0 [tilespmem:s10+$0xFFFFFFB0];
	_ =	sdelay $0x1  }
0x319: {  	v5 =	vld @!p0 [tilespmem:s11+$0x19E20];
	_ =	sdelay $0x2  }
0x31a: {  	v4 =	vmul.f32 @!p0 v4, v3;
	_ =	sdelay $0x1  }
0x31b: {  	v4 =	vadd.f32 @!p0 v4, v5;
	_ =	sdelay $0x1  }
0x31c: {  	[tilespmem:s11+$0x19E20] =	vst @!p0 v4  }
0x31d: {  	v4 =	vld @!p0 [tilespmem:s10+$0xFFFFFFC0];
	_ =	sdelay $0x1  }
0x31e: {  	v5 =	vld @!p0 [tilespmem:s11+$0x19E30];
	_ =	sdelay $0x2  }
0x31f: {  	v4 =	vmul.f32 @!p0 v4, v3;
	_ =	sdelay $0x1  }
0x320: {  	v4 =	vadd.f32 @!p0 v4, v5;
	_ =	sdelay $0x1  }
0x321: {  	[tilespmem:s11+$0x19E30] =	vst @!p0 v4  }
0x322: {  	v4 =	vld @!p0 [tilespmem:s10+$0xFFFFFFD0];
	_ =	sdelay $0x1  }
0x323: {  	v5 =	vld @!p0 [tilespmem:s11+$0x19E40];
	_ =	sdelay $0x2  }
0x324: {  	v4 =	vmul.f32 @!p0 v4, v3;
	_ =	sdelay $0x1  }
0x325: {  	v4 =	vadd.f32 @!p0 v4, v5;
	_ =	sdelay $0x1  }
0x326: {  	[tilespmem:s11+$0x19E40] =	vst @!p0 v4  }
0x327: {  	v4 =	vld @!p0 [tilespmem:s10+$0xFFFFFFE0];
	_ =	sdelay $0x1  }
0x328: {  	v5 =	vld @!p0 [tilespmem:s11+$0x19E50];
	_ =	sdelay $0x2  }
0x329: {  	v4 =	vmul.f32 @!p0 v4, v3;
	_ =	sdelay $0x1  }
0x32a: {  	v4 =	vadd.f32 @!p0 v4, v5;
	_ =	sdelay $0x1  }
0x32b: {  	[tilespmem:s11+$0x19E50] =	vst @!p0 v4  }
0x32c: {  	v4 =	vld @!p0 [tilespmem:s10+$0xFFFFFFF0];
	_ =	sdelay $0x1  }
0x32d: {  	v5 =	vld @!p0 [tilespmem:s11+$0x19E60];
	_ =	sdelay $0x2  }
0x32e: {  	v4 =	vmul.f32 @!p0 v4, v3;
	_ =	sdelay $0x1  }
0x32f: {  	v4 =	vadd.f32 @!p0 v4, v5;
	_ =	sdelay $0x1  }
0x330: {  	[tilespmem:s11+$0x19E60] =	vst @!p0 v4  }
0x331: {  	v4 =	vld @!p0 [tilespmem:s10+$0x0];
	_ =	sdelay $0x1  }
0x332: {  	v5 =	vld @!p0 [tilespmem:s11+$0x19E70];
	_ =	sdelay $0x1  }
.Ltmp67:
0x333: {  	(pc) =	sbr.rel @p1 .LBB2_72-.Ltmp67, $4  }
0x334: {  	s12 =	sadd.s32 $0x1, s12;
	v3 =	vmul.f32 @!p0 v4, v3  }
0x335: {  	p2 =	slt.s32 s12, s1  }
0x336: {  	p3 =	sge.s32 @!p2 s12, s15;
	v3 =	vadd.f32 @!p0 v3, v5  }
0x337: {  	p2 =	por p3, p2  }
0x338: {  	_ =	sdelay $0x2  }
0x339: {  	s0 =	sshra.s32 @!p2 s14, $0x2;
	[tilespmem:s11+$0x19E70] =	vst @!p0 v3;
	p0 =	por p2, p2  }
0x33a: {  	v2 =	vld.idx.msk @!p0 [tilespmem:v2+s0+$0x0 ss:$0x1], $0xffff;
	_ =	sdelay $0x4  }
0x33b: {  	(v2sf) =	vpush @!p0 v2, $0x0;
	_ =	sdelay $0xe  }
0x33c: {  	s10 =	sadd.s32 $0x80, s10;
	s5 =	spop @!p2 (v2sf)  }
0x33d: {  	s0 =	sadd.s32 @!p0 s0, s6;
	v3 =	vld @!p0 [tilespmem:s10+$0xFFFFFF90];
	s5 =	ssub.s32 @!p0 s5, s4  }
0x33e: {  	v2 =	vld.msk @!p0 [tilespmem:s0+$0x0 ss:$0x0], $0xffff;
	s0 =	sshll.u32 @!p0 s5, $0x9  }
0x33f: {  	s0 =	sshra.s32 @!p0 s0, $0x2  }
0x340: {  	v4 =	vld @!p0 [tilespmem:s0+$0x19E00];
	_ =	sdelay $0x2  }
0x341: {  	v3 =	vmul.f32 @!p0 v3, v2;
	_ =	sdelay $0x1  }
0x342: {  	v3 =	vadd.f32 @!p0 v3, v4;
	_ =	sdelay $0x1  }
0x343: {  	[tilespmem:s0+$0x19E00] =	vst @!p0 v3  }
0x344: {  	v3 =	vld @!p0 [tilespmem:s10+$0xFFFFFFA0];
	_ =	sdelay $0x1  }
0x345: {  	v4 =	vld @!p0 [tilespmem:s0+$0x19E10];
	_ =	sdelay $0x2  }
0x346: {  	v3 =	vmul.f32 @!p0 v3, v2;
	_ =	sdelay $0x1  }
0x347: {  	v3 =	vadd.f32 @!p0 v3, v4;
	_ =	sdelay $0x1  }
0x348: {  	[tilespmem:s0+$0x19E10] =	vst @!p0 v3  }
0x349: {  	v3 =	vld @!p0 [tilespmem:s10+$0xFFFFFFB0];
	_ =	sdelay $0x1  }
0x34a: {  	v4 =	vld @!p0 [tilespmem:s0+$0x19E20];
	_ =	sdelay $0x2  }
0x34b: {  	v3 =	vmul.f32 @!p0 v3, v2;
	_ =	sdelay $0x1  }
0x34c: {  	v3 =	vadd.f32 @!p0 v3, v4;
	_ =	sdelay $0x1  }
0x34d: {  	[tilespmem:s0+$0x19E20] =	vst @!p0 v3  }
0x34e: {  	v3 =	vld @!p0 [tilespmem:s10+$0xFFFFFFC0];
	_ =	sdelay $0x1  }
0x34f: {  	v4 =	vld @!p0 [tilespmem:s0+$0x19E30];
	_ =	sdelay $0x2  }
0x350: {  	v3 =	vmul.f32 @!p0 v3, v2;
	_ =	sdelay $0x1  }
0x351: {  	v3 =	vadd.f32 @!p0 v3, v4;
	_ =	sdelay $0x1  }
0x352: {  	[tilespmem:s0+$0x19E30] =	vst @!p0 v3  }
0x353: {  	v3 =	vld @!p0 [tilespmem:s10+$0xFFFFFFD0];
	_ =	sdelay $0x1  }
0x354: {  	v4 =	vld @!p0 [tilespmem:s0+$0x19E40];
	_ =	sdelay $0x2  }
0x355: {  	v3 =	vmul.f32 @!p0 v3, v2;
	_ =	sdelay $0x1  }
0x356: {  	v3 =	vadd.f32 @!p0 v3, v4;
	_ =	sdelay $0x1  }
0x357: {  	[tilespmem:s0+$0x19E40] =	vst @!p0 v3  }
0x358: {  	v3 =	vld @!p0 [tilespmem:s10+$0xFFFFFFE0];
	_ =	sdelay $0x1  }
0x359: {  	v4 =	vld @!p0 [tilespmem:s0+$0x19E50];
	_ =	sdelay $0x2  }
0x35a: {  	v3 =	vmul.f32 @!p0 v3, v2;
	_ =	sdelay $0x1  }
0x35b: {  	v3 =	vadd.f32 @!p0 v3, v4;
	_ =	sdelay $0x1  }
0x35c: {  	[tilespmem:s0+$0x19E50] =	vst @!p0 v3  }
0x35d: {  	v3 =	vld @!p0 [tilespmem:s10+$0xFFFFFFF0];
	_ =	sdelay $0x1  }
0x35e: {  	v4 =	vld @!p0 [tilespmem:s0+$0x19E60];
	_ =	sdelay $0x2  }
0x35f: {  	v3 =	vmul.f32 @!p0 v3, v2;
	_ =	sdelay $0x1  }
0x360: {  	v3 =	vadd.f32 @!p0 v3, v4;
	_ =	sdelay $0x1  }
0x361: {  	[tilespmem:s0+$0x19E60] =	vst @!p0 v3  }
0x362: {  	v3 =	vld @!p0 [tilespmem:s10+$0x0];
	_ =	sdelay $0x1  }
0x363: {  	v4 =	vld @!p0 [tilespmem:s0+$0x19E70];
	_ =	sdelay $0x2  }
.Ltmp68:
0x364: {  	v2 =	vmul.f32 @!p0 v3, v2;
	(pc) =	sbr.rel .LBB2_79-.Ltmp68, $3  }
0x365: {  	_ = 	snop  }
0x366: {  	v2 =	vadd.f32 @!p0 v2, v4;
	_ =	sdelay $0x1  }
0x367: {  	[tilespmem:s0+$0x19E70] =	vst @!p0 v2  }
.LBB2_80:
0x368: {  	s0 =	simm.s32 $0x4  }
0x369: {  	_ =	swait.ge [sflag:s0], $0x2000  }
0x36a: {  	[sflag:s0] =	ssyncset.done $0x0  }
0x36b: {  	[sflag:s0] =	ssyncadd.s32 $0xFFFFE000;
	s0 =	simm.s32 $0x0  }
0x36c: {  	v7 =	vld [tilespmem:s0+$0x19E00]  }
0x36d: {  	v8 =	vld [tilespmem:s0+$0x19E10]  }
0x36e: {  	v10 =	vld [tilespmem:s0+$0x19E20]  }
0x36f: {  	v6 =	vld [tilespmem:s0+$0x19E30]  }
0x370: {  	v3 =	vld [tilespmem:s0+$0x19E40]  }
0x371: {  	v2 =	vld [tilespmem:s0+$0x19E50]  }
0x372: {  	v9 =	vld [tilespmem:s0+$0x1BE00]  }
0x373: {  	v12 =	vld [tilespmem:s0+$0x1BE10]  }
0x374: {  	v4 =	vld [tilespmem:s0+$0x19E60]  }
0x375: {  	v16 =	vld [tilespmem:s0+$0x1BE20]  }
0x376: {  	v13 =	vld [tilespmem:s0+$0x1BE30]  }
0x377: {  	v5 =	vld [tilespmem:s0+$0x19E70]  }
0x378: {  	v11 =	vadd.f32 v9, v7;
	v12 =	vadd.f32 v12, v8;
	v9 =	vld [tilespmem:s0+$0x1BE40]  }
0x379: {  	v8 =	vld [tilespmem:s0+$0x1BE50]  }
0x37a: {  	s1 =	simm.s32 $0x200;
	s5 =	rddreg [dreg:$0xc];
	v10 =	vadd.f32 v16, v10;
	v7 =	vld [tilespmem:s0+$0x1BE60];
	v14 =	vmul.f32 $2.000000030e-01, v11;
	v15 =	vmul.f32 $2.000000030e-01, v12  }
.LBB2_81:
0x37b: {  	s2 =	sshra.s32 s1, $0x2;
	p0 =	sne.s32 s1, $0x7E00;
	vm0 =	vge.f32 v11, $0.0e+00;
	vm1 =	vge.f32 v12, $0.0e+00;
	v13 =	vadd.f32 v13, v6;
	v16 =	vld [tilespmem:s0+$0x1BE70]  }
0x37c: {  	v17 =	vld [tilespmem:s2+$0x19E00];
	v6 =	vsel vm0, v11, v14;
	v11 =	vsel vm1, v12, v15;
	v12 =	vmul.f32 $2.000000030e-01, v10  }
0x37d: {  	vm0 =	vge.f32 v10, $0.0e+00;
	v14 =	vld [tilespmem:s2+$0x19E10];
	v15 =	vmul.f32 $2.000000030e-01, v13;
	v9 =	vadd.f32 v9, v3  }
0x37e: {  	v18 =	vld [tilespmem:s2+$0x19E20];
	[tilespmem:s0+$0x1BE00] =	vst v6;
	v10 =	vsel vm0, v10, v12;
	vm0 =	vge.f32 v13, $0.0e+00;
	v8 =	vadd.f32 v8, v2  }
0x37f: {  	v6 =	vld [tilespmem:s2+$0x19E30];
	[tilespmem:s0+$0x1BE10] =	vst v11;
	v11 =	vsel vm0, v13, v15;
	v12 =	vmul.f32 $2.000000030e-01, v9;
	v4 =	vadd.f32 v7, v4  }
0x380: {  	vm0 =	vge.f32 v9, $0.0e+00;
	v3 =	vld [tilespmem:s2+$0x19E40];
	[tilespmem:s0+$0x1BE20] =	vst v10;
	v7 =	vmul.f32 $2.000000030e-01, v8;
	v5 =	vadd.f32 v16, v5  }
0x381: {  	v2 =	vld [tilespmem:s2+$0x19E50];
	[tilespmem:s0+$0x1BE30] =	vst v11;
	v9 =	vsel vm0, v9, v12;
	vm0 =	vge.f32 v8, $0.0e+00;
	v10 =	vmul.f32 $2.000000030e-01, v4  }
0x382: {  	v11 =	vld [tilespmem:s2+$0x1BE00];
	[tilespmem:s0+$0x1BE40] =	vst v9;
	v7 =	vsel vm0, v8, v7;
	vm0 =	vge.f32 v4, $0.0e+00;
	v8 =	vmul.f32 $2.000000030e-01, v5  }
0x383: {  	v9 =	vld [tilespmem:s2+$0x1BE10];
	[tilespmem:s0+$0x1BE50] =	vst v7;
	v7 =	vsel vm0, v4, v10;
	vm0 =	vge.f32 v5, $0.0e+00  }
0x384: {  	v4 =	vld [tilespmem:s2+$0x19E60];
	[tilespmem:s0+$0x1BE60] =	vst v7;
	v5 =	vsel vm0, v5, v8  }
0x385: {  	v7 =	vld [tilespmem:s2+$0x1BE20];
	[tilespmem:s0+$0x1BE70] =	vst v5;
	s0 =	smov.u32 s2  }
.Ltmp69:
0x386: {  	v13 =	vld [tilespmem:s0+$0x1BE30];
	(pc) =	sbr.rel @p0 .LBB2_81-.Ltmp69, $4  }
0x387: {  	v5 =	vld [tilespmem:s0+$0x19E70]  }
0x388: {  	v11 =	vadd.f32 v11, v17;
	v12 =	vadd.f32 v9, v14;
	v9 =	vld [tilespmem:s0+$0x1BE40]  }
0x389: {  	v8 =	vld [tilespmem:s0+$0x1BE50]  }
0x38a: {  	s1 =	sadd.s32 $0x200, s1;
	v14 =	vmul.f32 $2.000000030e-01, v11;
	v15 =	vmul.f32 $2.000000030e-01, v12;
	v10 =	vadd.f32 v7, v18;
	v7 =	vld [tilespmem:s0+$0x1BE60]  }
0x38b: {  	vm0 =	vge.f32 v11, $0.0e+00;
	vm1 =	vge.f32 v12, $0.0e+00;
	v6 =	vadd.f32 v13, v6;
	v57 =	vld [tilespmem:s0+$0x1BE70]  }
0x38c: {  	v11 =	vsel vm0, v11, v14;
	v12 =	vsel vm1, v12, v15;
	v58 =	vmul.f32 $2.000000030e-01, v10  }
0x38d: {  	vm10 =	vge.f32 v10, $0.0e+00;
	v59 =	vmul.f32 $2.000000030e-01, v6;
	v3 =	vadd.f32 v9, v3  }
0x38e: {  	[tilespmem:s0+$0x1BE00] =	vst v11;
	vm11 =	vge.f32 v6, $0.0e+00;
	v60 =	vsel vm10, v10, v58;
	v2 =	vadd.f32 v8, v2  }
0x38f: {  	[tilespmem:s0+$0x1BE10] =	vst v12;
	v6 =	vsel vm11, v6, v59;
	v61 =	vmul.f32 $2.000000030e-01, v3;
	v4 =	vadd.f32 v7, v4  }
0x390: {  	[tilespmem:s0+$0x1BE20] =	vst v60;
	vm12 =	vge.f32 v3, $0.0e+00;
	v62 =	vmul.f32 $2.000000030e-01, v2;
	v5 =	vadd.f32 v57, v5  }
0x391: {  	[tilespmem:s0+$0x1BE30] =	vst v6;
	vm13 =	vge.f32 v2, $0.0e+00;
	v3 =	vsel vm12, v3, v61;
	v63 =	vmul.f32 $2.000000030e-01, v4  }
0x392: {  	vm14 =	vge.f32 v4, $0.0e+00;
	[tilespmem:s0+$0x1BE40] =	vst v3;
	v2 =	vsel vm13, v2, v62;
	v3 =	vmul.f32 $2.000000030e-01, v5  }
0x393: {  	vm15 =	vge.f32 v5, $0.0e+00;
	[tilespmem:s0+$0x1BE50] =	vst v2;
	v2 =	vsel vm14, v4, v63  }
0x394: {  	s28 =	rddreg [dreg:$0x1];
	[tilespmem:s0+$0x1BE60] =	vst v2;
	v2 =	vsel vm15, v5, v3  }
0x395: {  	s2 =	simm.s32 $0x15D80;
	s10 =	simm.s32 $0x1BE00;
	s1 =	simm.s32 $0x1;
	[tilespmem:s0+$0x1BE70] =	vst v2  }
0x396: {  	[hbm4b:s28+s22] =	stream.indirect.scatter [tilespmem:s10], [sflag:$0x1], $0x80, s2, s22, $0xb8;
	[tilespmem:$0x1DE00] =	vst v63  }
0x397: {  	_ =	swait.ge [sflag:s1], $0x2000  }
0x398: {  	s5 =	sadd.s32 $0x1, s5;
	s31 =	rddreg [dreg:$0xb]  }
0x399: {  	p0 =	sne.s32 s5, s31  }
.Ltmp70:
0x39a: {  	_ = 	snop;
	(pc) =	sbr.rel @p0 .LBB2_1-.Ltmp70, $3  }
0x39b: {  	_ =	sdelay $0x1  }
0x39c: {  	[sflag:s1] =	ssyncset.done $0x0  }
0x39d: {  	s9 =	simm.s32 $0x15D00;
	[sflag:s1] =	ssyncadd.s32 $0xFFFFE000  }
0x39e: {  	_ =	sfence.sel $0x180000  }
0x39f: {  	[bflag:$0x0] =	sbarrier.arrive $0xFFFF  }
0x3a0: {  	_ =	strace $0x9000004D  }
0x3a1: {  	s0 =	stileid.u32;
	[bflag:$0x2] =	sbarrier.arrive $0xFFFF  }
0x3a2: {  	p0 =	sne.s32 s0, $0x0;
	s0 =	rddreg [dreg:$0x2]  }
0x3a3: {  	s0 =	sadd.s32 @!p0 $0x100000, s0  }
0x3a4: {  	[sflag:s0] =	ssyncadd.tile.s32 @!p0 $0x1;
	_ =	shalt  }
.Lfunc_end2:
_tile_overlayer_lowered:
.L_overlay_start_2:
0x3a5: {  	(tag) =	ssettag $0x2  }
0x3a6: {  	s0 =	rddreg [dreg:$0x0];
	s2 =	stileid.u32  }
0x3a7: {  	s1 =	rddreg [dreg:$0x1];
	p0 =	sne.s32 s2, $0x0  }
0x3a8: {  	s3 =	rddreg [dreg:$0x2];
	[bflag:$0x3] =	sbarrier.arrive $0xFFFF;
	s2 =	simm.s32 @!p0 $0x1C05  }
0x3a9: {  	[timem:s3], [sflag:s2] =	dma.local @!p0 [hbm:s0], s1  }
0x3aa: {  	s0 =	simm.s32 @!p0 $0x5  }
0x3ab: {  	_ =	swait.ge @!p0 [sflag:s0], s1  }
0x3ac: {  	s1 =	ssub.s32 @!p0 $0x0, s1;
	[sflag:s0] =	ssyncset.done @!p0 $0x0  }
0x3ad: {  	[sflag:s0] =	ssyncadd.s32 @!p0 s1  }
0x3ae: {  	[bflag:$0x3] =	sbarrier.arrive $0xFFFF  }
0x3af: {  	_ =	shalt  }

// kernel: kernel.6.cloned.1.call-start
scs
__scs_entry_jumppad:
0x0: {  	(pc) =	sbr.rel $0x88, $3  }
0x1: {  	(tag) =	ssettag $0x0;
	lr =	simm.s32 $0x1  }
0x2: {  	[smem:$0x3F9D] =	sst lr;
	_ =	strace $0xD0000000  }
0x3: {  	_ = 	snop  }
0x4: {  	_ = 	snop  }
0x5: {  	_ = 	snop  }
0x6: {  	_ = 	snop  }
0x7: {  	_ = 	snop  }
__scs_overlays_trampoline_lowered:
0x8: {  	[smem:$0x3FAC] =	sst s0  }
0x9: {  	[smem:$0x3FAD] =	sst s1  }
0xa: {  	[smem:$0x3FAE] =	sst s2  }
0xb: {  	[smem:$0x3FAF] =	sst s3  }
0xc: {  	[smem:$0x3FB0] =	sst s4  }
0xd: {  	[smem:$0x3FB1] =	sst s5  }
0xe: {  	[smem:$0x3FB2] =	sst s6  }
0xf: {  	[smem:$0x3FB3] =	sst s7  }
0x10: {  	[smem:$0x3FB4] =	sst s8  }
0x11: {  	[smem:$0x3FB5] =	sst s9;
	s0 =	simm.s32 @!p0 $0x0  }
0x12: {  	s1 =	sld [smem:$0x3F9B];
	s0 =	simm.s32 @p0 $0x1  }
0x13: {  	[smem:$0x3FB6] =	sst s0;
	s0 =	simm.s32 @!p1 $0x0  }
0x14: {  	s2 =	sld [smem:$0x3F9A];
	s0 =	simm.s32 @p1 $0x1  }
0x15: {  	[smem:$0x3FB7] =	sst s0;
	s0 =	simm.s32 @!p2 $0x0  }
0x16: {  	s3 =	sld [smem:$0x3FDB];
	s0 =	simm.s32 @p2 $0x1  }
0x17: {  	s4 =	simm.s32 $0x1BF5;
	[smem:$0x3FB9] =	sst s0  }
0x18: {  	s0 =	sld [smem:$0x3F9C];
	_ =	swait.ge [sflag:s4], $0x0  }
0x19: {  	s7 =	sld [smem:$0x3F9D]  }
0x1a: {  	s8 =	sadd.s32 $0xFFFFE003, lr  }
0x1b: {  	s9 =	sadd.s32 $0xFFFFFEF7, lr;
	s5 =	simm.s32 $0xFFFFFFFF;
	p2 =	slt.u32 s8, $0xFFFFF086  }
0x1c: {  	p1 =	slt.u32 s9, $0xF7A;
	s5 =	simm.s32 @!p2 $0x0  }
0x1d: {  	s5 =	simm.s32 @p1 $0x1;
	p0 =	seq.s32 s7, s2  }
0x1e: {  	s7 =	smul.u32 @!p0 $0xF7A, s2;
	p2 =	seq.s32 @!p0 s5, $0x0  }
0x1f: {  	s9 =	smul.u32 $0xF7A, s1;
	s8 =	simm.s32 @!p0 $0x1BF5;
	p2 =	por !p2, p0  }
0x20: {  	[sflag:s8] =	ssyncset.s32 @!p0 $0xFFFFF086;
	s6 =	sadd.s32 @!p0 s3, s7;
	s7 =	simm.s32 @!p0 $0x108  }
0x21: {  	s3 =	sadd.s32 s3, s9;
	s6 =	sadd.s32 @!p0 $0x88, s6;
	s7 =	simm.s32 @p2 $0x1082  }
0x22: {  	[simem:s7], [sflag:s8] =	dma.local @!p0 [hbm:s6], $0xF7A  }
0x23: {  	s9 =	sor.u32 $0xD0000000, s2;
	s6 =	simm.s32 $0x108;
	_ =	swait.ge @!p0 [sflag:s8], $0x0  }
0x24: {  	s3 =	sadd.s32 $0x88, s3;
	s6 =	simm.s32 @!p1 $0x1082;
	[sflag:s4] =	ssyncset.s32 $0xFFFFF086  }
0x25: {  	[simem:s6], [sflag:s4] =	dma.local [hbm:s3], $0xF7A  }
0x26: {  	[smem:$0x3F9D] =	sst s1;
	(tag) =	ssettag s2;
	_ =	strace s9  }
0x27: {  	s1 =	sld [smem:$0x3FAD]  }
0x28: {  	s2 =	sld [smem:$0x3FAE]  }
0x29: {  	s4 =	sld [smem:$0x3FB0]  }
0x2a: {  	p0 =	seq.s32 s5, $0x0;
	s5 =	sld [smem:$0x3FB1]  }
0x2b: {  	s6 =	sld [smem:$0x3FB2]  }
0x2c: {  	s7 =	sld [smem:$0x3FB3]  }
0x2d: {  	s3 =	simm.s32 $0x108;
	s8 =	sld [smem:$0x3FB4]  }
0x2e: {  	s3 =	simm.s32 @!p0 $0x1082;
	s9 =	sld [smem:$0x3FB5]  }
0x2f: {  	lr =	sadd.s32 s0, s3;
	s0 =	sld [smem:$0x3FAC]  }
0x30: {  	s3 =	sld [smem:$0x3FAF]  }
0x31: {  	[smem:$0x3FB8] =	sst s10  }
0x32: {  	s10 =	sld [smem:$0x3FB6];
	_ =	sdelay $0x3  }
0x33: {  	p0 =	seq.s32 s10, $0x1;
	s10 =	sld [smem:$0x3FB8];
	_ =	sdelay $0x3  }
0x34: {  	[smem:$0x3FB8] =	sst s10  }
0x35: {  	s10 =	sld [smem:$0x3FB7];
	_ =	sdelay $0x3  }
0x36: {  	p1 =	seq.s32 s10, $0x1;
	s10 =	sld [smem:$0x3FB8];
	_ =	sdelay $0x3  }
0x37: {  	[smem:$0x3FB8] =	sst s10  }
0x38: {  	s10 =	sld [smem:$0x3FB9]  }
0x39: {  	_ = 	snop;
	(pc) =	sbr.ind lr, $3  }
0x3a: {  	_ = 	snop  }
0x3b: {  	_ = 	snop  }
0x3c: {  	p2 =	seq.s32 s10, $0x1;
	s10 =	sld [smem:$0x3FB8]  }
0x3d: {  	_ =	shalt  }
0x3e: {  	_ =	shalt  }
0x3f: {  	_ =	shalt  }
0x40: {  	_ =	shalt  }
0x41: {  	_ =	shalt  }
0x42: {  	_ =	shalt  }
0x43: {  	_ =	shalt  }
0x44: {  	_ =	shalt  }
0x45: {  	_ =	shalt  }
0x46: {  	_ =	shalt  }
0x47: {  	_ =	shalt  }
0x48: {  	_ =	shalt  }
0x49: {  	_ =	shalt  }
0x4a: {  	_ =	shalt  }
0x4b: {  	_ =	shalt  }
0x4c: {  	_ =	shalt  }
0x4d: {  	_ =	shalt  }
0x4e: {  	_ =	shalt  }
0x4f: {  	_ =	shalt  }
0x50: {  	_ =	shalt  }
0x51: {  	_ =	shalt  }
0x52: {  	_ =	shalt  }
0x53: {  	_ =	shalt  }
0x54: {  	_ =	shalt  }
0x55: {  	_ =	shalt  }
0x56: {  	_ =	shalt  }
0x57: {  	_ =	shalt  }
0x58: {  	_ =	shalt  }
0x59: {  	_ =	shalt  }
0x5a: {  	_ =	shalt  }
0x5b: {  	_ =	shalt  }
0x5c: {  	_ =	shalt  }
0x5d: {  	_ =	shalt  }
0x5e: {  	_ =	shalt  }
0x5f: {  	_ =	shalt  }
0x60: {  	_ =	shalt  }
0x61: {  	_ =	shalt  }
0x62: {  	_ =	shalt  }
0x63: {  	_ =	shalt  }
0x64: {  	_ =	shalt  }
0x65: {  	_ =	shalt  }
0x66: {  	_ =	shalt  }
0x67: {  	_ =	shalt  }
0x68: {  	_ =	shalt  }
0x69: {  	_ =	shalt  }
0x6a: {  	_ =	shalt  }
0x6b: {  	_ =	shalt  }
0x6c: {  	_ =	shalt  }
0x6d: {  	_ =	shalt  }
0x6e: {  	_ =	shalt  }
0x6f: {  	_ =	shalt  }
0x70: {  	_ =	shalt  }
0x71: {  	_ =	shalt  }
0x72: {  	_ =	shalt  }
0x73: {  	_ =	shalt  }
0x74: {  	_ =	shalt  }
0x75: {  	_ =	shalt  }
0x76: {  	_ =	shalt  }
0x77: {  	_ =	shalt  }
0x78: {  	_ =	shalt  }
0x79: {  	_ =	shalt  }
0x7a: {  	_ =	shalt  }
0x7b: {  	_ =	shalt  }
0x7c: {  	_ =	shalt  }
0x7d: {  	_ =	shalt  }
0x7e: {  	_ =	shalt  }
0x7f: {  	_ =	shalt  }
0x80: {  	_ =	shalt  }
0x81: {  	_ =	shalt  }
0x82: {  	_ =	shalt  }
0x83: {  	_ =	shalt  }
0x84: {  	_ =	shalt  }
0x85: {  	_ =	shalt  }
0x86: {  	_ =	shalt  }
0x87: {  	_ =	shalt  }
.Lfunc_end0:
.L_simem_size_0:
called_computation_lowered:
.L_overlay_start_0:
0x88: {  	s2 =	sld [smem:$0x3FD9]  }
0x89: {  	s3 =	sld [smem:$0x3FFE];
	_ =	sdelay $0x1  }
0x8a: {  	s1 =	srdreg.scid  }
0x8b: {  	s0 =	sand.u32 $0x1, s1  }
0x8c: {  	s17 =	sshll.u32 s0, $0xA;
	s2 =	sadd.s32 s3, s2  }
0x8d: {  	s2 =	sadd.s32 s2, s17  }
0x8e: {  	[smem:$0x3FC4] =	sst s2  }
0x8f: {  	_ = 	snop  }
0x90: {  	s2 =	sld [smem:$0x3FD0];
	(tm) =	ssettm $0x1  }
0x91: {  	s18 =	sld [smem:$0x3FFB];
	_ =	sdelay $0x3  }
0x92: {  	_ =	strace s18  }
0x93: {  	s3 =	sld [smem:$0x3FFC];
	_ =	sdelay $0x3  }
0x94: {  	_ =	strace s3  }
0x95: {  	s3 =	sld [smem:$0x3FFD];
	_ =	sdelay $0x3  }
0x96: {  	_ =	strace s3  }
0x97: {  	_ =	strace $0x8FFFFFFF  }
0x98: {  	s19 =	sld [smem:$0x3FDB];
	_ =	sdelay $0x1  }
0x99: {  	s4 =	simm.s32 $_scs_section_size  }
0x9a: {  	s5 =	simm.s32 $_size__tile_overlayer_lowered;
	s6 =	simm.s32 $_tile_overlayer_lowered  }
0x9b: {  	s22 =	simm.s32 $0x1BFF;
	s21 =	sshll.u32 s6, $0x1;
	s3 =	sadd.s32 s4, s19  }
0x9c: {  	s7 =	simm.s32 $0x0;
	s20 =	sshll.u32 s5, $0x1;
	s5 =	sadd.s32 s21, s3  }
0x9d: {  	[timem:s7], [sflag:s22] =	dma.local [hbm:s5], s20  }
0x9e: {  	_ =	swait.ge [sflag:s22], s20  }
0x9f: {  	s4 =	ssub.s32 $0x0, s20;
	[sflag:s22] =	ssyncset.done $0x0  }
0xa0: {  	[sflag:s22] =	ssyncadd.s32 s4;
	_ =	sdelay $0x1  }
0xa1: {  	s23 =	simm.s32 $0x1B8B  }
0xa2: {  	_ =	swait.ge [sflag:s23], $0x1  }
0xa3: {  	[sflag:s23] =	ssyncset.done $0x0  }
0xa4: {  	s25 =	simm.s32 $0x1B8E;
	s24 =	sld [smem:$0x3FFE];
	[sflag:s23] =	ssyncadd.s32 $0xFFFFFFFF  }
0xa5: {  	s26 =	simm.s32 $execute0_lowered;
	[smem:$0x3FD2] =	sst s25  }
0xa6: {  	s5 =	sshll.u32 s26, $0x1;
	_ =	strace $0x80000046;
	[dreg:$0x1] =	wrdreg $0xFFFFFFFF  }
0xa7: {  	s28 =	simm.s32 $_size_execute0_lowered;
	s3 =	sadd.s32 s3, s5;
	[dreg:$0x0] =	wrdreg $0x0  }
0xa8: {  	s5 =	sshll.u32 s28, $0x1;
	[dreg:$0x2] =	wrdreg s3  }
0xa9: {  	[dreg:$0x3] =	wrdreg s5  }
0xaa: {  	[dreg:$0x4] =	wrdreg $0xC0  }
0xab: {  	_ =	task [dreg:s7], $0x5FFFF  }
0xac: {  	[dreg:$0x1] =	wrdreg $0xFFFFFFFF  }
0xad: {  	[dreg:$0x0] =	wrdreg $0x60  }
0xae: {  	[dreg:$0x2] =	wrdreg s24  }
0xaf: {  	[dreg:$0x3] =	wrdreg s2  }
0xb0: {  	[dreg:$0x4] =	wrdreg $0x9  }
0xb1: {  	_ =	task.clear_ibuf [dreg:s7], $0x5FFFF;
	_ =	strace $0x90000046  }
0xb2: {  	s29 =	simm.s32 $0x9;
	_ =	strace $0x80000048  }
0xb3: {  	_ =	swait.ge [sflag:s29], $0x1  }
0xb4: {  	[sflag:s29] =	ssyncadd.s32 $0xFFFFFFFF  }
0xb5: {  	_ =	strace $0x90000048  }
0xb6: {  	_ =	sfence  }
0xb7: {  	s30 =	sld [smem:$0x0];
	_ =	sdelay $0x2  }
0xb8: {  	s31 =	sshll.u32 s1, $0xD;
	s1 =	sshrl.u32 s1, $0x2  }
0xb9: {  	s3 =	sand.u32 $0x4000, s31;
	s1 =	sadd.s32 s1, s30  }
0xba: {  	s0 =	sor.u32 s3, s0;
	s1 =	sshll.u32 s1, $0x11  }
0xbb: {  	s0 =	sor.u32 s1, s0  }
0xbc: {  	s0 =	sadd.s32 $0x8F2B, s0  }
0xbd: {  	[sflag:s0] =	ssyncadd.remote.s32 $0x1  }
0xbe: {  	_ =	sfence.sel $0xFFFF  }
0xbf: {  	[dreg:$0x0] =	wrdreg $0xFFFFFFFF;
	(pc) =	sbr.abs _section_cstart, $3  }
0xc0: {  	[dreg:$0x1] =	wrdreg $0xFFFFFFFF  }
0xc1: {  	_ =	task.clear_ibuf [dreg:s7], $0x2FFFF;
	_ =	strace $0x9FFFFFFF  }
0xc2: {  	(tm) =	ssettm $0x7FFFFFFF  }
0xc3: {  	_ =	shalt  }
tec
execute0_lowered:
.L_overlay_start_1:
0x0: {  	(tag) =	ssettag $0x1  }
0x1: {  	s3 =	rddreg [dreg:$0x0]  }
0x2: {  	s1 =	srdreg.scid;
	s0 =	stileid.u32  }
0x3: {  	s5 =	rddreg [dreg:$0x1];
	s2 =	simm.s32 $0x0;
	s15 =	simm.s32 $0x80  }
0x4: {  	s16 =	simm.s32 $0x400;
	s18 =	simm.s32 $0xD00;
	s19 =	simm.s32 $0x1500  }
0x5: {  	s20 =	simm.s32 $0x1D00;
	s21 =	simm.s32 $0x4;
	s22 =	simm.s32 $0x3  }
0x6: {  	s23 =	simm.s32 $0x0;
	s9 =	sand.u32 $0x1, s1;
	s4 =	sshll.u32 s0, $0x1  }
0x7: {  	[smem:$0x7FF] =	sst s2;
	s6 =	sshll.u32 s0, $0x9;
	s31 =	sshll.u32 s0, $0x15  }
0x8: {  	s13 =	sshll.u32 s0, $0xA;
	s4 =	sor.u32 s9, s4;
	_ =	strace $0x80000047  }
0x9: {  	s30 =	ssub.s32 $0x2, s9;
	s12 =	sshll.u32 s9, $0x14;
	s7 =	sshll.u32 s4, $0x4  }
0xa: {  	s14 =	sshll.u32 s9, $0x9;
	s8 =	sshrl.u32 s30, $0x1;
	s6 =	sor.u32 s6, s7  }
0xb: {  	s4 =	sshll.u32 s4, $0x6;
	s11 =	ssub.s32 s30, s8;
	s6 =	sand.u32 $0x1870, s6  }
0xc: {  	s9 =	smax.u32 s11, $0x1;
	s11 =	sor.u32 s14, s13;
	s13 =	simm.s32 $0x1  }
0xd: {  	s14 =	simm.s32 $0x2;
	s10 =	sadd.s32 s6, s3;
	s3 =	sadd.s32 s3, s4  }
0xe: {  	v0 =	vimm.s32 $0xFFFFFFFF;
	s5 =	sadd.s32 s5, s6;
	s4 =	sadd.s32 $0x800, s3;
	s6 =	sadd.s32 $0x3000, s10  }
0xf: {  	v1 =	vimm.s32 $0x4000;
	v2 =	vimm.s32 $0x0;
	v3 =	vlaneseq.u32;
	s7 =	sadd.s32 $0x1000, s10;
	s8 =	sadd.s32 $0x5000, s3;
	s10 =	sor.u32 s12, s31  }
.LBB2_1:
0x10: {  	[tilespmem:s2], [sflag:$0x1] =	stream.linear.gather [hbm4b:s4+s2], $0x200, $0x38;
	[tilespmem:$0x1F00] =	vst v63  }
0x11: {  	s0 =	simm.s32 $0x280;
	s24 =	simm.s32 $0x40;
	s25 =	simm.s32 $0x0  }
0x12: {  	[tilespmem:s0], [sflag:$0x2] =	stream.linear.gather [hbm4b:s3+s2], $0x200, $0x38;
	[tilespmem:$0x1F00] =	vst v63  }
.LBB2_2:
0x13: {  	p0 =	sne.s32 s24, $0x1FC0;
	[tilespmem:s25+$0x1500] =	vst v2;
	s26 =	smov.u32 s24;
	s24 =	sadd.s32 $0x40, s24  }
.Ltmp0:
0x14: {  	[tilespmem:s25+$0x500] =	vst v0;
	(pc) =	sbr.rel @p0 .LBB2_2-.Ltmp0, $2  }
0x15: {  	[tilespmem:s25+$0xD00] =	vst v1;
	_ =	sdelay $0x2  }
0x16: {  	s25 =	sshra.s32 s26, $0x2  }
0x17: {  	[tilespmem:s25+$0x1500] =	vst v2  }
0x18: {  	[tilespmem:s25+$0x500] =	vst v0  }
0x19: {  	[tilespmem:s25+$0xD00] =	vst v1  }
0x1a: {  	_ =	swait.ge [sflag:s13], $0x200  }
0x1b: {  	[sflag:s13] =	ssyncset.done $0x0  }
0x1c: {  	[sflag:s13] =	ssyncadd.s32 $0xFFFFFE00  }
0x1d: {  	_ =	swait.ge [sflag:s14], $0x200  }
0x1e: {  	[sflag:s14] =	ssyncset.done $0x0  }
0x1f: {  	s24 =	simm.s32 $0x0;
	[sflag:s14] =	ssyncadd.s32 $0xFFFFFE00  }
0x20: {  	v4 =	vld [tilespmem:s24+$0x0];
	_ =	sdelay $0x4  }
0x21: {  	(v2sf) =	vpush v4, $0x0;
	_ =	sdelay $0x2  }
0x22: {  	s25 =	simm.s32 $0x280  }
0x23: {  	v4 =	vld [tilespmem:s25+$0x0];
	_ =	sdelay $0x4  }
0x24: {  	(v2sf) =	vpush v4, $0x0;
	_ =	sdelay $0x5  }
0x25: {  	s26 =	spop (v2sf)  }
0x26: {  	s28 =	sand.u32 $0xF, s26  }
0x27: {  	s29 =	sshra.s32 s26, $0x1F;
	p0 =	slt.s32 s26, $0x1;
	p1 =	sne.s32 s28, $0x0  }
0x28: {  	s28 =	sshrl.u32 s29, $0x1C;
	p0 =	por !p0, !p1  }
0x29: {  	s29 =	simm.s32 $0x1;
	s28 =	sadd.s32 s28, s26;
	p0 =	por !p0, !p0  }
0x2a: {  	s28 =	sshrl.u32 s28, $0x4;
	s29 =	simm.s32 @!p0 $0x0  }
0x2b: {  	s28 =	ssub.s32 s28, s29  }
0x2c: {  	s28 =	sshll.u32 s28, $0x4  }
0x2d: {  	v4 =	vld [tilespmem:s28+$0xD00]  }
0x2e: {  	s29 =	spop (v2sf);
	v5 =	vld [tilespmem:s28+$0x500]  }
0x2f: {  	s17 =	sadd.s32 $0x0, s11;
	s30 =	sshra.s32 s29, $0x1F;
	s31 =	sand.u32 $0xF, s29  }
0x30: {  	p5 =	slt.s32 s29, $0x1;
	p6 =	sne.s32 s31, $0x0;
	s26 =	ssub.s32 s26, s28  }
0x31: {  	s1 =	sadd.s32 s10, s29;
	s30 =	sshrl.u32 s30, $0x1C;
	p0 =	por !p5, !p6;
	v6 =	vmov s26  }
0x32: {  	s31 =	simm.s32 $0x1;
	s30 =	sadd.s32 s30, s29;
	p0 =	por !p0, !p0;
	vm0 =	veq.s32 v6, v3;
	vm1 =	vlt.s32 v4, s17  }
0x33: {  	s30 =	sshrl.u32 s30, $0x4;
	s31 =	simm.s32 @!p0 $0x0;
	v5 =	vsel vm0, s1, v5;
	v6 =	vnsel vm1, s17, v4  }
0x34: {  	s0 =	ssub.s32 s30, s31;
	[tilespmem:s28+$0x500] =	vst v5;
	v4 =	vsel vm0, v6, v4  }
0x35: {  	s1 =	sshll.u32 s0, $0x4;
	[tilespmem:s28+$0xD00] =	vst v4  }
0x36: {  	v4 =	vld [tilespmem:s1+$0x1500];
	_ =	sdelay $0x2  }
0x37: {  	s12 =	ssub.s32 s29, s1  }
0x38: {  	v5 =	vmov s12  }
0x39: {  	vm0 =	veq.s32 v5, v3;
	v5 =	vxor.u32 $0x80000000, v4  }
0x3a: {  	v5 =	vnsel vm0, $0x80000000, v5  }
0x3b: {  	(xrf0) =	vmax.scan.msk.u32 $0xffff, v5;
	_ =	sdelay $0x5  }
0x3c: {  	v5, _, _ =	vpop (xrf0)  }
0x3d: {  	(v2sf) =	vpush v5, $0xF;
	_ =	sdelay $0x8  }
0x3e: {  	v5 =	vsel vm0, $0x1, v2  }
0x3f: {  	v4 =	vadd.s32 v5, v4  }
0x40: {  	s30 =	sand.u32 $0x1F0, s24;
	[tilespmem:s1+$0x1500] =	vst v4  }
0x41: {  	v4 =	vld [tilespmem:s30+$0x1D00];
	_ =	sdelay $0x1  }
0x42: {  	s17 =	sand.u32 $0xF, s24  }
0x43: {  	v5 =	vmov s17;
	s31 =	spop (v2sf)  }
0x44: {  	s26 =	simm.s32 $0x1;
	s28 =	smov.u32 s10;
	vm0 =	veq.s32 v5, v3;
	s29 =	sxor.u32 $0x80000000, s31  }
.LBB2_4:
0x45: {  	v4 =	vsel vm0, s29, v4;
	s25 =	sadd.s32 $0x1, s25;
	s24 =	sadd.s32 $0x1, s24;
	s28 =	sadd.s32 $0x800, s28  }
0x46: {  	p0 =	sne.s32 s26, $0x1FF;
	s29 =	smov.u32 s26;
	s26 =	sadd.s32 $0x1, s26;
	[tilespmem:s30+$0x1D00] =	vst v4  }
0x47: {  	v4 =	vld [tilespmem:s24+$0x0];
	_ =	sdelay $0x1  }
0x48: {  	v5 =	vld [tilespmem:s25+$0x0];
	_ =	sdelay $0x2  }
0x49: {  	(v2sf) =	vpush v4, $0x0;
	_ =	sdelay $0x1  }
0x4a: {  	(v2sf) =	vpush v5, $0x0;
	_ =	sdelay $0xc  }
0x4b: {  	s1 =	spop (v2sf)  }
0x4c: {  	s12 =	simm.s32 $0x1;
	s31 =	sand.u32 $0xF, s1  }
0x4d: {  	s30 =	sshra.s32 s1, $0x1F;
	p1 =	slt.s32 s1, $0x1;
	p2 =	sne.s32 s31, $0x0  }
0x4e: {  	s30 =	sshrl.u32 s30, $0x1C;
	s31 =	spop (v2sf);
	p1 =	por !p1, !p2  }
0x4f: {  	s30 =	sadd.s32 s30, s1;
	s0 =	sshra.s32 s31, $0x1F;
	p1 =	por !p1, !p1  }
0x50: {  	s30 =	sshrl.u32 s30, $0x4;
	s0 =	sshrl.u32 s0, $0x1C;
	s12 =	simm.s32 @!p1 $0x0  }
0x51: {  	s17 =	sand.u32 $0xF, s31;
	p1 =	slt.s32 s31, $0x1;
	s12 =	ssub.s32 s30, s12  }
0x52: {  	p2 =	sne.s32 s17, $0x0;
	s0 =	sadd.s32 s0, s31;
	s12 =	sshll.u32 s12, $0x4  }
0x53: {  	p1 =	por !p1, !p2;
	s1 =	ssub.s32 s1, s12  }
0x54: {  	s0 =	sshrl.u32 s0, $0x4;
	p1 =	por !p1, !p1;
	v4 =	vld [tilespmem:s12+$0xD00];
	v5 =	vmov s1;
	s1 =	simm.s32 $0x1  }
0x55: {  	v6 =	vld [tilespmem:s12+$0x500];
	s1 =	simm.s32 @!p1 $0x0  }
0x56: {  	s0 =	ssub.s32 s0, s1;
	_ =	sdelay $0x1  }
0x57: {  	s1 =	sadd.s32 s29, s11  }
0x58: {  	s17 =	sadd.s32 s28, s31;
	vm0 =	veq.s32 v5, v3;
	vm1 =	vlt.s32 v4, s1  }
0x59: {  	v5 =	vsel vm0, s17, v6;
	v6 =	vnsel vm1, s1, v4  }
0x5a: {  	v4 =	vsel vm0, v6, v4;
	[tilespmem:s12+$0x500] =	vst v5  }
0x5b: {  	s0 =	sshll.u32 s0, $0x4;
	[tilespmem:s12+$0xD00] =	vst v4  }
0x5c: {  	s1 =	ssub.s32 s31, s0;
	v4 =	vld [tilespmem:s0+$0x1500]  }
0x5d: {  	v5 =	vmov s1;
	_ =	sdelay $0x3  }
0x5e: {  	vm0 =	veq.s32 v5, v3;
	v5 =	vxor.u32 $0x80000000, v4  }
0x5f: {  	v6 =	vsel vm0, $0x1, v2;
	v5 =	vnsel vm0, $0x80000000, v5  }
0x60: {  	v4 =	vadd.s32 v6, v4;
	(xrf0) =	vmax.scan.msk.u32 $0xffff, v5  }
0x61: {  	s30 =	sand.u32 $0x1F0, s29;
	[tilespmem:s0+$0x1500] =	vst v4  }
0x62: {  	v4 =	vld [tilespmem:s30+$0x1D00];
	_ =	sdelay $0x3  }
0x63: {  	v5, _, _ =	vpop (xrf0)  }
0x64: {  	(v2sf) =	vpush v5, $0xF;
	_ =	sdelay $0xb  }
.Ltmp1:
0x65: {  	(pc) =	sbr.rel @p0 .LBB2_4-.Ltmp1, $4  }
0x66: {  	_ = 	snop  }
0x67: {  	s0 =	sand.u32 $0xF, s29  }
0x68: {  	v5 =	vmov s0;
	s0 =	spop (v2sf)  }
0x69: {  	vm0 =	veq.s32 v5, v3;
	s29 =	sxor.u32 $0x80000000, s0  }
0x6a: {  	v4 =	vsel vm0, s29, v4  }
0x6b: {  	s0 =	simm.s32 $0x500;
	[tilespmem:s30+$0x1D00] =	vst v4  }
0x6c: {  	[hbm4b:s5+s15] =	stream.strided.scatter [tilespmem:s0], [sflag:$0x1], $0x800, s16, s15, $0x38;
	[tilespmem:$0x1F00] =	vst v63  }
0x6d: {  	_ = 	snop  }
0x6e: {  	[hbm4b:s6+s15] =	stream.strided.scatter [tilespmem:s18], [sflag:$0x2], $0x800, s16, s15, $0x38;
	[tilespmem:$0x1F00] =	vst v63  }
0x6f: {  	_ = 	snop  }
0x70: {  	[hbm4b:s7+s15] =	stream.strided.scatter [tilespmem:s19], [sflag:$0x3], $0x800, s16, s15, $0x38;
	[tilespmem:$0x1F00] =	vst v63  }
0x71: {  	_ = 	snop  }
0x72: {  	[hbm4b:s8+s2] =	stream.linear.scatter [tilespmem:s20], [sflag:$0x4], $0x200, $0x38;
	[tilespmem:$0x1F00] =	vst v63  }
0x73: {  	_ =	swait.ge [sflag:s21], $0x200  }
0x74: {  	[sflag:s21] =	ssyncset.done $0x0  }
0x75: {  	[sflag:s21] =	ssyncadd.s32 $0xFFFFFE00  }
0x76: {  	_ =	swait.ge [sflag:s13], $0x800  }
0x77: {  	[sflag:s13] =	ssyncset.done $0x0  }
0x78: {  	s23 =	sadd.s32 $0x1, s23;
	[sflag:s13] =	ssyncadd.s32 $0xFFFFF800  }
0x79: {  	p0 =	sne.s32 s23, s9;
	_ =	swait.ge [sflag:s14], $0x800  }
.Ltmp2:
0x7a: {  	[sflag:s14] =	ssyncset.done $0x0;
	(pc) =	sbr.rel @p0 .LBB2_1-.Ltmp2, $4  }
0x7b: {  	[sflag:s14] =	ssyncadd.s32 $0xFFFFF800  }
0x7c: {  	_ =	swait.ge [sflag:s22], $0x800  }
0x7d: {  	[sflag:s22] =	ssyncset.done $0x0  }
0x7e: {  	[sflag:s22] =	ssyncadd.s32 $0xFFFFF800  }
0x7f: {  	_ =	sfence.sel $0x180000  }
0x80: {  	[bflag:$0x0] =	sbarrier.arrive $0xFFFF  }
0x81: {  	_ =	strace $0x90000047  }
0x82: {  	s0 =	stileid.u32;
	[bflag:$0x2] =	sbarrier.arrive $0xFFFF  }
0x83: {  	p0 =	sne.s32 s0, $0x0;
	s0 =	rddreg [dreg:$0x2]  }
0x84: {  	s0 =	sadd.s32 @!p0 $0x100000, s0  }
0x85: {  	[sflag:s0] =	ssyncadd.tile.s32 @!p0 $0x1;
	_ =	shalt  }
.Lfunc_end2:
_tile_overlayer_lowered:
.L_overlay_start_2:
0x86: {  	(tag) =	ssettag $0x2  }
0x87: {  	s0 =	rddreg [dreg:$0x0];
	s2 =	stileid.u32  }
0x88: {  	s1 =	rddreg [dreg:$0x1];
	p0 =	sne.s32 s2, $0x0  }
0x89: {  	s3 =	rddreg [dreg:$0x2];
	[bflag:$0x3] =	sbarrier.arrive $0xFFFF;
	s2 =	simm.s32 @!p0 $0x1C04  }
0x8a: {  	[timem:s3], [sflag:s2] =	dma.local @!p0 [hbm:s0], s1  }
0x8b: {  	s0 =	simm.s32 @!p0 $0x4  }
0x8c: {  	_ =	swait.ge @!p0 [sflag:s0], s1  }
0x8d: {  	s1 =	ssub.s32 @!p0 $0x0, s1;
	[sflag:s0] =	ssyncset.done @!p0 $0x0  }
0x8e: {  	[sflag:s0] =	ssyncadd.s32 @!p0 s1  }
0x8f: {  	[bflag:$0x3] =	sbarrier.arrive $0xFFFF  }
0x90: {  	_ =	shalt  }

// kernel: kernel.9.cloned.1.call-start
scs
__scs_entry_jumppad:
0x0: {  	(pc) =	sbr.rel $0x88, $3  }
0x1: {  	(tag) =	ssettag $0x0;
	lr =	simm.s32 $0x1  }
0x2: {  	[smem:$0x3F9D] =	sst lr;
	_ =	strace $0xD0000000  }
0x3: {  	_ = 	snop  }
0x4: {  	_ = 	snop  }
0x5: {  	_ = 	snop  }
0x6: {  	_ = 	snop  }
0x7: {  	_ = 	snop  }
__scs_overlays_trampoline_lowered:
0x8: {  	[smem:$0x3FAC] =	sst s0  }
0x9: {  	[smem:$0x3FAD] =	sst s1  }
0xa: {  	[smem:$0x3FAE] =	sst s2  }
0xb: {  	[smem:$0x3FAF] =	sst s3  }
0xc: {  	[smem:$0x3FB0] =	sst s4  }
0xd: {  	[smem:$0x3FB1] =	sst s5  }
0xe: {  	[smem:$0x3FB2] =	sst s6  }
0xf: {  	[smem:$0x3FB3] =	sst s7  }
0x10: {  	[smem:$0x3FB4] =	sst s8  }
0x11: {  	[smem:$0x3FB5] =	sst s9;
	s0 =	simm.s32 @!p0 $0x0  }
0x12: {  	s1 =	sld [smem:$0x3F9B];
	s0 =	simm.s32 @p0 $0x1  }
0x13: {  	[smem:$0x3FB6] =	sst s0;
	s0 =	simm.s32 @!p1 $0x0  }
0x14: {  	s2 =	sld [smem:$0x3F9A];
	s0 =	simm.s32 @p1 $0x1  }
0x15: {  	[smem:$0x3FB7] =	sst s0;
	s0 =	simm.s32 @!p2 $0x0  }
0x16: {  	s3 =	sld [smem:$0x3FDB];
	s0 =	simm.s32 @p2 $0x1  }
0x17: {  	s4 =	simm.s32 $0x1BF5;
	[smem:$0x3FB9] =	sst s0  }
0x18: {  	s0 =	sld [smem:$0x3F9C];
	_ =	swait.ge [sflag:s4], $0x0  }
0x19: {  	s7 =	sld [smem:$0x3F9D]  }
0x1a: {  	s8 =	sadd.s32 $0xFFFFE003, lr  }
0x1b: {  	s9 =	sadd.s32 $0xFFFFFEF7, lr;
	s5 =	simm.s32 $0xFFFFFFFF;
	p2 =	slt.u32 s8, $0xFFFFF086  }
0x1c: {  	p1 =	slt.u32 s9, $0xF7A;
	s5 =	simm.s32 @!p2 $0x0  }
0x1d: {  	s5 =	simm.s32 @p1 $0x1;
	p0 =	seq.s32 s7, s2  }
0x1e: {  	s7 =	smul.u32 @!p0 $0xF7A, s2;
	p2 =	seq.s32 @!p0 s5, $0x0  }
0x1f: {  	s9 =	smul.u32 $0xF7A, s1;
	s8 =	simm.s32 @!p0 $0x1BF5;
	p2 =	por !p2, p0  }
0x20: {  	[sflag:s8] =	ssyncset.s32 @!p0 $0xFFFFF086;
	s6 =	sadd.s32 @!p0 s3, s7;
	s7 =	simm.s32 @!p0 $0x108  }
0x21: {  	s3 =	sadd.s32 s3, s9;
	s6 =	sadd.s32 @!p0 $0x88, s6;
	s7 =	simm.s32 @p2 $0x1082  }
0x22: {  	[simem:s7], [sflag:s8] =	dma.local @!p0 [hbm:s6], $0xF7A  }
0x23: {  	s9 =	sor.u32 $0xD0000000, s2;
	s6 =	simm.s32 $0x108;
	_ =	swait.ge @!p0 [sflag:s8], $0x0  }
0x24: {  	s3 =	sadd.s32 $0x88, s3;
	s6 =	simm.s32 @!p1 $0x1082;
	[sflag:s4] =	ssyncset.s32 $0xFFFFF086  }
0x25: {  	[simem:s6], [sflag:s4] =	dma.local [hbm:s3], $0xF7A  }
0x26: {  	[smem:$0x3F9D] =	sst s1;
	(tag) =	ssettag s2;
	_ =	strace s9  }
0x27: {  	s1 =	sld [smem:$0x3FAD]  }
0x28: {  	s2 =	sld [smem:$0x3FAE]  }
0x29: {  	s4 =	sld [smem:$0x3FB0]  }
0x2a: {  	p0 =	seq.s32 s5, $0x0;
	s5 =	sld [smem:$0x3FB1]  }
0x2b: {  	s6 =	sld [smem:$0x3FB2]  }
0x2c: {  	s7 =	sld [smem:$0x3FB3]  }
0x2d: {  	s3 =	simm.s32 $0x108;
	s8 =	sld [smem:$0x3FB4]  }
0x2e: {  	s3 =	simm.s32 @!p0 $0x1082;
	s9 =	sld [smem:$0x3FB5]  }
0x2f: {  	lr =	sadd.s32 s0, s3;
	s0 =	sld [smem:$0x3FAC]  }
0x30: {  	s3 =	sld [smem:$0x3FAF]  }
0x31: {  	[smem:$0x3FB8] =	sst s10  }
0x32: {  	s10 =	sld [smem:$0x3FB6];
	_ =	sdelay $0x3  }
0x33: {  	p0 =	seq.s32 s10, $0x1;
	s10 =	sld [smem:$0x3FB8];
	_ =	sdelay $0x3  }
0x34: {  	[smem:$0x3FB8] =	sst s10  }
0x35: {  	s10 =	sld [smem:$0x3FB7];
	_ =	sdelay $0x3  }
0x36: {  	p1 =	seq.s32 s10, $0x1;
	s10 =	sld [smem:$0x3FB8];
	_ =	sdelay $0x3  }
0x37: {  	[smem:$0x3FB8] =	sst s10  }
0x38: {  	s10 =	sld [smem:$0x3FB9]  }
0x39: {  	_ = 	snop;
	(pc) =	sbr.ind lr, $3  }
0x3a: {  	_ = 	snop  }
0x3b: {  	_ = 	snop  }
0x3c: {  	p2 =	seq.s32 s10, $0x1;
	s10 =	sld [smem:$0x3FB8]  }
0x3d: {  	_ =	shalt  }
0x3e: {  	_ =	shalt  }
0x3f: {  	_ =	shalt  }
0x40: {  	_ =	shalt  }
0x41: {  	_ =	shalt  }
0x42: {  	_ =	shalt  }
0x43: {  	_ =	shalt  }
0x44: {  	_ =	shalt  }
0x45: {  	_ =	shalt  }
0x46: {  	_ =	shalt  }
0x47: {  	_ =	shalt  }
0x48: {  	_ =	shalt  }
0x49: {  	_ =	shalt  }
0x4a: {  	_ =	shalt  }
0x4b: {  	_ =	shalt  }
0x4c: {  	_ =	shalt  }
0x4d: {  	_ =	shalt  }
0x4e: {  	_ =	shalt  }
0x4f: {  	_ =	shalt  }
0x50: {  	_ =	shalt  }
0x51: {  	_ =	shalt  }
0x52: {  	_ =	shalt  }
0x53: {  	_ =	shalt  }
0x54: {  	_ =	shalt  }
0x55: {  	_ =	shalt  }
0x56: {  	_ =	shalt  }
0x57: {  	_ =	shalt  }
0x58: {  	_ =	shalt  }
0x59: {  	_ =	shalt  }
0x5a: {  	_ =	shalt  }
0x5b: {  	_ =	shalt  }
0x5c: {  	_ =	shalt  }
0x5d: {  	_ =	shalt  }
0x5e: {  	_ =	shalt  }
0x5f: {  	_ =	shalt  }
0x60: {  	_ =	shalt  }
0x61: {  	_ =	shalt  }
0x62: {  	_ =	shalt  }
0x63: {  	_ =	shalt  }
0x64: {  	_ =	shalt  }
0x65: {  	_ =	shalt  }
0x66: {  	_ =	shalt  }
0x67: {  	_ =	shalt  }
0x68: {  	_ =	shalt  }
0x69: {  	_ =	shalt  }
0x6a: {  	_ =	shalt  }
0x6b: {  	_ =	shalt  }
0x6c: {  	_ =	shalt  }
0x6d: {  	_ =	shalt  }
0x6e: {  	_ =	shalt  }
0x6f: {  	_ =	shalt  }
0x70: {  	_ =	shalt  }
0x71: {  	_ =	shalt  }
0x72: {  	_ =	shalt  }
0x73: {  	_ =	shalt  }
0x74: {  	_ =	shalt  }
0x75: {  	_ =	shalt  }
0x76: {  	_ =	shalt  }
0x77: {  	_ =	shalt  }
0x78: {  	_ =	shalt  }
0x79: {  	_ =	shalt  }
0x7a: {  	_ =	shalt  }
0x7b: {  	_ =	shalt  }
0x7c: {  	_ =	shalt  }
0x7d: {  	_ =	shalt  }
0x7e: {  	_ =	shalt  }
0x7f: {  	_ =	shalt  }
0x80: {  	_ =	shalt  }
0x81: {  	_ =	shalt  }
0x82: {  	_ =	shalt  }
0x83: {  	_ =	shalt  }
0x84: {  	_ =	shalt  }
0x85: {  	_ =	shalt  }
0x86: {  	_ =	shalt  }
0x87: {  	_ =	shalt  }
.Lfunc_end0:
.L_simem_size_0:
called_computation.1_lowered:
.L_overlay_start_0:
0x88: {  	s2 =	sld [smem:$0x3FD9]  }
0x89: {  	s3 =	sld [smem:$0x3FFE];
	_ =	sdelay $0x1  }
0x8a: {  	s1 =	srdreg.scid  }
0x8b: {  	s0 =	sand.u32 $0x1, s1  }
0x8c: {  	s17 =	sshll.u32 s0, $0xA;
	s2 =	sadd.s32 s3, s2  }
0x8d: {  	s2 =	sadd.s32 s2, s17  }
0x8e: {  	[smem:$0x3FC4] =	sst s2  }
0x8f: {  	_ = 	snop  }
0x90: {  	s2 =	sld [smem:$0x3FD0];
	(tm) =	ssettm $0x1  }
0x91: {  	s18 =	sld [smem:$0x3FFB];
	_ =	sdelay $0x3  }
0x92: {  	_ =	strace s18  }
0x93: {  	s3 =	sld [smem:$0x3FFC];
	_ =	sdelay $0x3  }
0x94: {  	_ =	strace s3  }
0x95: {  	s3 =	sld [smem:$0x3FFD];
	_ =	sdelay $0x3  }
0x96: {  	_ =	strace s3  }
0x97: {  	_ =	strace $0x8FFFFFFF  }
0x98: {  	s19 =	sld [smem:$0x3FDB];
	_ =	sdelay $0x1  }
0x99: {  	s4 =	simm.s32 $_scs_section_size  }
0x9a: {  	s5 =	simm.s32 $_size__tile_overlayer_lowered;
	s6 =	simm.s32 $_tile_overlayer_lowered  }
0x9b: {  	s22 =	simm.s32 $0x1BFF;
	s21 =	sshll.u32 s6, $0x1;
	s3 =	sadd.s32 s4, s19  }
0x9c: {  	s7 =	simm.s32 $0x0;
	s20 =	sshll.u32 s5, $0x1;
	s5 =	sadd.s32 s21, s3  }
0x9d: {  	[timem:s7], [sflag:s22] =	dma.local [hbm:s5], s20  }
0x9e: {  	_ =	swait.ge [sflag:s22], s20  }
0x9f: {  	s4 =	ssub.s32 $0x0, s20;
	[sflag:s22] =	ssyncset.done $0x0  }
0xa0: {  	[sflag:s22] =	ssyncadd.s32 s4;
	_ =	sdelay $0x1  }
0xa1: {  	s23 =	simm.s32 $0x1B8B  }
0xa2: {  	_ =	swait.ge [sflag:s23], $0x1  }
0xa3: {  	[sflag:s23] =	ssyncset.done $0x0  }
0xa4: {  	s25 =	simm.s32 $0x1B8E;
	s24 =	sld [smem:$0x3FFE];
	[sflag:s23] =	ssyncadd.s32 $0xFFFFFFFF  }
0xa5: {  	s26 =	simm.s32 $execute0_lowered;
	[smem:$0x3FD2] =	sst s25  }
0xa6: {  	s5 =	sshll.u32 s26, $0x1;
	_ =	strace $0x80000049;
	[dreg:$0x1] =	wrdreg $0xFFFFFFFF  }
0xa7: {  	s28 =	simm.s32 $_size_execute0_lowered;
	s3 =	sadd.s32 s3, s5;
	[dreg:$0x0] =	wrdreg $0x0  }
0xa8: {  	s5 =	sshll.u32 s28, $0x1;
	[dreg:$0x2] =	wrdreg s3  }
0xa9: {  	[dreg:$0x3] =	wrdreg s5  }
0xaa: {  	[dreg:$0x4] =	wrdreg $0xC0  }
0xab: {  	_ =	task [dreg:s7], $0x5FFFF  }
0xac: {  	[dreg:$0x1] =	wrdreg $0xFFFFFFFF  }
0xad: {  	[dreg:$0x0] =	wrdreg $0x60  }
0xae: {  	[dreg:$0x2] =	wrdreg s24  }
0xaf: {  	[dreg:$0x3] =	wrdreg s2  }
0xb0: {  	[dreg:$0x4] =	wrdreg $0x9  }
0xb1: {  	_ =	task.clear_ibuf [dreg:s7], $0x5FFFF;
	_ =	strace $0x90000049  }
0xb2: {  	s29 =	simm.s32 $0x9;
	_ =	strace $0x8000004B  }
0xb3: {  	_ =	swait.ge [sflag:s29], $0x1  }
0xb4: {  	[sflag:s29] =	ssyncadd.s32 $0xFFFFFFFF  }
0xb5: {  	_ =	strace $0x9000004B  }
0xb6: {  	_ =	sfence  }
0xb7: {  	s30 =	sld [smem:$0x0];
	_ =	sdelay $0x2  }
0xb8: {  	s31 =	sshll.u32 s1, $0xD;
	s1 =	sshrl.u32 s1, $0x2  }
0xb9: {  	s3 =	sand.u32 $0x4000, s31;
	s1 =	sadd.s32 s1, s30  }
0xba: {  	s0 =	sor.u32 s3, s0;
	s1 =	sshll.u32 s1, $0x11  }
0xbb: {  	s0 =	sor.u32 s1, s0  }
0xbc: {  	s0 =	sadd.s32 $0x8F2B, s0  }
0xbd: {  	[sflag:s0] =	ssyncadd.remote.s32 $0x1  }
0xbe: {  	_ =	sfence.sel $0xFFFF  }
0xbf: {  	[dreg:$0x0] =	wrdreg $0xFFFFFFFF;
	(pc) =	sbr.abs _section_cstart, $3  }
0xc0: {  	[dreg:$0x1] =	wrdreg $0xFFFFFFFF  }
0xc1: {  	_ =	task.clear_ibuf [dreg:s7], $0x2FFFF;
	_ =	strace $0x9FFFFFFF  }
0xc2: {  	(tm) =	ssettm $0x7FFFFFFF  }
0xc3: {  	_ =	shalt  }
tec
execute0_lowered:
.L_overlay_start_1:
0x0: {  	(tag) =	ssettag $0x1  }
0x1: {  	s4 =	rddreg [dreg:$0x0]  }
0x2: {  	s5 =	rddreg [dreg:$0x1]  }
0x3: {  	s0 =	rddreg [dreg:$0x2]  }
0x4: {  	s2 =	simm.s32 $0x0;
	s3 =	srdreg.scid;
	s1 =	stileid.u32  }
0x5: {  	s11 =	simm.s32 $0x780;
	s12 =	simm.s32 $0x500;
	s13 =	simm.s32 $0x280  }
0x6: {  	s14 =	simm.s32 $0x4;
	s15 =	simm.s32 $0x1;
	s16 =	simm.s32 $0x2  }
0x7: {  	s17 =	simm.s32 $0x3;
	s18 =	simm.s32 $0x200;
	s19 =	simm.s32 $0x1000  }
0x8: {  	s20 =	simm.s32 $0x1200;
	s21 =	simm.s32 $0x0;
	[smem:$0x7FF] =	sst s2  }
0x9: {  	s6 =	sand.u32 $0x1, s3;
	s3 =	sadd.s32 $0x1600, s4;
	s8 =	sshll.u32 s1, $0x1  }
0xa: {  	s31 =	sshll.u32 s1, $0x9;
	_ =	strace $0x8000004A;
	s7 =	ssub.s32 $0x2, s6  }
0xb: {  	s6 =	sor.u32 s6, s8;
	s8 =	sand.u32 $0x1800, s31;
	s9 =	sshrl.u32 s7, $0x1  }
0xc: {  	s10 =	sshll.u32 s6, $0x6;
	s6 =	sshll.u32 s6, $0x4;
	s8 =	sadd.s32 s5, s8  }
0xd: {  	s4 =	sadd.s32 s4, s10;
	s6 =	sand.u32 $0x70, s6;
	s9 =	ssub.s32 s7, s9  }
0xe: {  	s10 =	simm.s32 $0x400;
	s5 =	sadd.s32 $0x800, s4;
	s6 =	sadd.s32 s6, s8  }
0xf: {  	s7 =	sadd.s32 $0x5000, s4;
	s8 =	smax.u32 s9, $0x1;
	s9 =	simm.s32 $0x80  }
.LBB2_1:
0x10: {  	[tilespmem:s2], [sflag:$0x1] =	stream.linear.gather [hbm4b:s5+s2], $0x200, $0x38;
	[tilespmem:$0x1400] =	vst v63  }
0x11: {  	_ = 	snop  }
0x12: {  	[tilespmem:s11], [sflag:$0x2] =	stream.strided.gather [hbm4b:s6+s9], $0x800, s10, s9, $0x38;
	[tilespmem:$0x1400] =	vst v63  }
0x13: {  	_ = 	snop  }
0x14: {  	[tilespmem:s12], [sflag:$0x3] =	stream.linear.gather [hbm4b:s7+s2], $0x200, $0x38;
	[tilespmem:$0x1400] =	vst v63  }
0x15: {  	_ = 	snop  }
0x16: {  	[tilespmem:s13], [sflag:$0x4] =	stream.linear.gather [hbm4b:s4+s2], $0x200, $0x38;
	[tilespmem:$0x1400] =	vst v63  }
0x17: {  	_ =	swait.ge [sflag:s14], $0x200  }
0x18: {  	[sflag:s14] =	ssyncset.done $0x0  }
0x19: {  	[sflag:s14] =	ssyncadd.s32 $0xFFFFFE00  }
0x1a: {  	_ =	swait.ge [sflag:s15], $0x200  }
0x1b: {  	[sflag:s15] =	ssyncset.done $0x0  }
0x1c: {  	[sflag:s15] =	ssyncadd.s32 $0xFFFFFE00  }
0x1d: {  	_ =	swait.ge [sflag:s16], $0x800  }
0x1e: {  	[sflag:s16] =	ssyncset.done $0x0  }
0x1f: {  	[sflag:s16] =	ssyncadd.s32 $0xFFFFF800  }
0x20: {  	_ =	swait.ge [sflag:s17], $0x200  }
0x21: {  	[sflag:s17] =	ssyncset.done $0x0  }
0x22: {  	s22 =	simm.s32 $0x0;
	[sflag:s17] =	ssyncadd.s32 $0xFFFFFE00  }
0x23: {  	v1 =	vld [tilespmem:s22+$0x280]  }
0x24: {  	v0 =	vld [tilespmem:s22+$0x0];
	_ =	sdelay $0x3  }
0x25: {  	v2 =	vshll.u32 v1, $0xB  }
0x26: {  	v2 =	vadd.s32 v0, v2  }
0x27: {  	v0 =	vld [tilespmem:s22+$0x500];
	[tilespmem:s22+$0x1200] =	vst v2  }
0x28: {  	s23 =	simm.s32 $0x10;
	s24 =	simm.s32 $0x80;
	v1 =	vld.idx.msk [tilespmem:v1+s11+$0x0], $0xffff  }
.LBB2_2:
0x29: {  	p0 =	sne.s32 s24, $0x7C0;
	v2 =	vld [tilespmem:s23+$0x280]  }
0x2a: {  	v3 =	vld [tilespmem:s23+$0x0];
	_ =	sdelay $0x2  }
.Ltmp0:
0x2b: {  	(pc) =	sbr.rel @p0 .LBB2_2-.Ltmp0, $4  }
0x2c: {  	v0 =	vadd.s32 v0, v1;
	v4 =	vshll.u32 v2, $0xB  }
0x2d: {  	v1 =	vadd.s32 v3, v4;
	[tilespmem:s22+$0x1000] =	vst v0;
	s22 =	smov.u32 s23  }
0x2e: {  	v0 =	vld [tilespmem:s22+$0x500];
	[tilespmem:s22+$0x1200] =	vst v1  }
0x2f: {  	s23 =	sshra.s32 s24, $0x2;
	s24 =	sadd.s32 $0x40, s24;
	v1 =	vld.idx.msk [tilespmem:v2+s11+$0x0], $0xffff  }
0x30: {  	v2 =	vld [tilespmem:s23+$0x280]  }
0x31: {  	v3 =	vld [tilespmem:s23+$0x0];
	_ =	sdelay $0x3  }
0x32: {  	v0 =	vadd.s32 v0, v1;
	v61 =	vshll.u32 v2, $0xB  }
0x33: {  	[tilespmem:s22+$0x1000] =	vst v0;
	v62 =	vadd.s32 v3, v61  }
0x34: {  	v63 =	vld [tilespmem:s23+$0x500];
	[tilespmem:s23+$0x1200] =	vst v62  }
0x35: {  	v0 =	vld.idx.msk [tilespmem:v2+s11+$0x0], $0xffff;
	_ =	sdelay $0x3  }
0x36: {  	s21 =	sadd.s32 $0x1, s21  }
0x37: {  	p0 =	sne.s32 s21, s8;
	v0 =	vadd.s32 v63, v0  }
.Ltmp1:
0x38: {  	[tilespmem:s23+$0x1000] =	vst v0;
	(pc) =	sbr.rel @p0 .LBB2_1-.Ltmp1, $4  }
0x39: {  	[hbm4b:s3+s18] =	stream.indirect.scatter [tilespmem:s20], [sflag:$0x1], $0x1, s19, s18, $0xb8;
	[tilespmem:$0x1400] =	vst v63  }
0x3a: {  	_ =	swait.ge [sflag:s15], $0x200  }
0x3b: {  	[sflag:s15] =	ssyncset.done $0x0  }
0x3c: {  	[sflag:s15] =	ssyncadd.s32 $0xFFFFFE00  }
0x3d: {  	_ =	sfence.sel $0x180000  }
0x3e: {  	[bflag:$0x0] =	sbarrier.arrive $0xFFFF  }
0x3f: {  	p0 =	sne.s32 s1, $0x0;
	_ =	strace $0x9000004A  }
0x40: {  	s0 =	sadd.s32 @!p0 $0x100000, s0;
	[bflag:$0x2] =	sbarrier.arrive $0xFFFF  }
0x41: {  	[sflag:s0] =	ssyncadd.tile.s32 @!p0 $0x1;
	_ =	shalt  }
.Lfunc_end2:
_tile_overlayer_lowered:
.L_overlay_start_2:
0x42: {  	(tag) =	ssettag $0x2  }
0x43: {  	s0 =	rddreg [dreg:$0x0];
	s2 =	stileid.u32  }
0x44: {  	s1 =	rddreg [dreg:$0x1];
	p0 =	sne.s32 s2, $0x0  }
0x45: {  	s3 =	rddreg [dreg:$0x2];
	[bflag:$0x3] =	sbarrier.arrive $0xFFFF;
	s2 =	simm.s32 @!p0 $0x1C04  }
0x46: {  	[timem:s3], [sflag:s2] =	dma.local @!p0 [hbm:s0], s1  }
0x47: {  	s0 =	simm.s32 @!p0 $0x4  }
0x48: {  	_ =	swait.ge @!p0 [sflag:s0], s1  }
0x49: {  	s1 =	ssub.s32 @!p0 $0x0, s1;
	[sflag:s0] =	ssyncset.done @!p0 $0x0  }
0x4a: {  	[sflag:s0] =	ssyncadd.s32 @!p0 s1  }
0x4b: {  	[bflag:$0x3] =	sbarrier.arrive $0xFFFF  }
0x4c: {  	_ =	shalt  }

</sc_bundles>
